<compile_context>
chip_gen: v7x
topology: tpu7x:2x2x1
jax: 0.10.2.dev20260603
libtpu: 0.0.44.dev20260713+nightly
codegen_flags: <defaults>
</compile_context>

<pallas_src>
import jax
import jax.numpy as jnp
from jax import lax
from jax.experimental import pallas as pl
from jax.experimental.pallas import tpu as pltpu
from jax.experimental.pallas import tpu_sc as plsc

N_NODES = 10000
D_FEAT = 256
DQ = 64
N_SUBCORES = 16
N_CORES = 2
CHUNK = 125
K = 80
G = 8
NG = K // G
ROWS_PER_TILE = 640
N_PAD = N_SUBCORES * ROWS_PER_TILE
CNT_W = 8
K_SPLIT = 40
RCH = 128
NCH = ROWS_PER_TILE // RCH


def _sc_segment_sum_body(h, src3, dst3, onesz8, z64,
                         sums_out, cnts_out,
                         isrc0, isrc1, idst0, idst1, rows0, rows1, zrows,
                         ones_v, zbuf8,
                         sem_g0, sem_g1, sem_s0, sem_s1, sem_c,
                         htab, acc, cacc):
    c = lax.axis_index("core")
    s = lax.axis_index("subcore")
    base = s * ROWS_PER_TILE
    isrc = (isrc0, isrc1)
    idst = (idst0, idst1)
    rows = (rows0, rows1)
    sem_g = (sem_g0, sem_g1)
    sem_s = (sem_s0, sem_s1)

    pltpu.sync_copy(onesz8.at[0], ones_v)
    pltpu.sync_copy(onesz8.at[1], zbuf8)

    for t in range(2):
        sl = 2 * c + t

        pltpu.sync_copy(z64, zrows)
        tail = N_NODES % RCH

        @pl.loop(0, NCH)
        def _(i):
            off = base + i * RCH
            pltpu.async_copy(zrows, acc.at[pl.ds(off, RCH)], sem_c)
            if t == 0:
                pltpu.async_copy(zbuf8, cacc.at[pl.ds(off, RCH)], sem_c)

        @pl.loop(0, NCH, step=1)
        def _(i):
            off = base + i * RCH

            @pl.when(off + RCH <= N_NODES)
            def _():
                pltpu.async_copy(h.at[pl.ds(off, RCH), pl.ds(sl * DQ, DQ)],
                                 rows0, sem_g0)
                pltpu.make_async_copy(
                    h.at[pl.ds(0, RCH), pl.ds(0, DQ)], rows0,
                    sem_g0).wait()
                pltpu.sync_copy(rows0, htab.at[pl.ds(off, RCH)])

            @pl.when((off < N_NODES) & (off + RCH > N_NODES))
            def _():
                pltpu.sync_copy(h.at[pl.ds(off, tail), pl.ds(sl * DQ, DQ)],
                                rows0.at[pl.ds(0, tail)])
                pltpu.sync_copy(rows0.at[pl.ds(0, tail)],
                                htab.at[pl.ds(off, tail)])

        @pl.loop(0, NCH)
        def _(i):
            pltpu.make_async_copy(zrows, acc.at[pl.ds(base, RCH)],
                                  sem_c).wait()
            if t == 0:
                pltpu.make_async_copy(zbuf8, cacc.at[pl.ds(base, RCH)],
                                      sem_c).wait()
        plsc.subcore_barrier()

        @pl.loop(0, NG, step=2)
        def _(g2):
            for q in range(2):
                gidx = g2 + q
                counting = jnp.where(c == 0, gidx * G < K_SPLIT,
                                     gidx * G >= K_SPLIT)
                pltpu.sync_copy(src3.at[s, pl.ds(gidx * G, G)], isrc[q])
                pltpu.sync_copy(dst3.at[s, pl.ds(gidx * G, G)], idst[q])

                if t == 0:
                    @pl.when(counting)
                    def _():
                        @pl.loop(0, G)
                        def _(j):
                            pltpu.async_copy(ones_v.at[pl.ds(0, CHUNK)],
                                             cacc.at[idst[q].at[j]],
                                             sem_c, add=True)

                @pl.loop(0, G, step=2)
                def _(j0):
                    for p in range(2):
                        j = j0 + p
                        @pl.when(((g2 + q) * G + j0) > 0)
                        def _():
                            pltpu.make_async_copy(
                                rows[p].at[pl.ds(0, CHUNK)],
                                acc.at[pl.ds(base, CHUNK)],
                                sem_s[p]).wait()
                        pltpu.async_copy(htab.at[isrc[q].at[j]],
                                         rows[p].at[pl.ds(0, CHUNK)],
                                         sem_g[p])
                        pltpu.make_async_copy(htab.at[pl.ds(0, CHUNK)],
                                              rows[p].at[pl.ds(0, CHUNK)],
                                              sem_g[p]).wait()
                        pltpu.async_copy(rows[p].at[pl.ds(0, CHUNK)],
                                         acc.at[idst[q].at[j]],
                                         sem_s[p], add=True)

                if t == 0:
                    @pl.when(counting)
                    def _():
                        @pl.loop(0, G)
                        def _(j):
                            pltpu.make_async_copy(
                                ones_v.at[pl.ds(0, CHUNK)],
                                cacc.at[pl.ds(base, CHUNK)],
                                sem_c).wait()

        for p in range(2):
            pltpu.make_async_copy(rows[p].at[pl.ds(0, CHUNK)],
                                  acc.at[pl.ds(base, CHUNK)],
                                  sem_s[p]).wait()
        plsc.subcore_barrier()

        @pl.loop(0, NCH - 1, step=2)
        def _(i0):
            for p in range(2):
                i = i0 + p

                @pl.when(i0 > 0)
                def _():
                    pltpu.make_async_copy(
                        rows[p], sums_out.at[sl, pl.ds(base, RCH)],
                        sem_s[p]).wait()
                off = base + i * RCH
                pltpu.sync_copy(acc.at[pl.ds(off, RCH)], rows[p])
                pltpu.async_copy(rows[p], sums_out.at[sl, pl.ds(off, RCH)],
                                 sem_s[p])
        offl = base + (NCH - 1) * RCH
        pltpu.make_async_copy(rows0, sums_out.at[sl, pl.ds(base, RCH)],
                              sem_s0).wait()
        pltpu.sync_copy(acc.at[pl.ds(offl, RCH)], rows0)
        pltpu.async_copy(rows0, sums_out.at[sl, pl.ds(offl, RCH)], sem_s0)
        if t == 1:
            @pl.loop(0, NCH)
            def _(i):
                off = base + i * RCH
                pltpu.sync_copy(cacc.at[pl.ds(off, RCH)], zbuf8)
                pltpu.sync_copy(zbuf8, cnts_out.at[c, pl.ds(off, RCH)])
        for p in range(2):
            pltpu.make_async_copy(rows[p],
                                  sums_out.at[sl, pl.ds(base, RCH)],
                                  sem_s[p]).wait()


def _sc_segment_sum(h, src3, dst3, interpret=False):
    onesz8 = jnp.stack([jnp.ones((RCH, CNT_W), jnp.float32),
                        jnp.zeros((RCH, CNT_W), jnp.float32)])
    z64 = jnp.zeros((RCH, DQ), jnp.float32)
    fn = pl.kernel(
        _sc_segment_sum_body,
        out_type=(
            jax.ShapeDtypeStruct((4, N_PAD, DQ), jnp.float32),
            jax.ShapeDtypeStruct((N_CORES, N_PAD, CNT_W), jnp.float32),
        ),
        mesh=plsc.VectorSubcoreMesh(core_axis_name="core",
                                    subcore_axis_name="subcore",
                                    num_cores=N_CORES,
                                    num_subcores=N_SUBCORES),
        scratch_types=[
            pltpu.VMEM((G, CHUNK), jnp.int32),
            pltpu.VMEM((G, CHUNK), jnp.int32),
            pltpu.VMEM((G, CHUNK), jnp.int32),
            pltpu.VMEM((G, CHUNK), jnp.int32),
            pltpu.VMEM((RCH, DQ), jnp.float32),
            pltpu.VMEM((RCH, DQ), jnp.float32),
            pltpu.VMEM((RCH, DQ), jnp.float32),
            pltpu.VMEM((RCH, CNT_W), jnp.float32),
            pltpu.VMEM((RCH, CNT_W), jnp.float32),
            pltpu.SemaphoreType.DMA,
            pltpu.SemaphoreType.DMA,
            pltpu.SemaphoreType.DMA,
            pltpu.SemaphoreType.DMA,
            pltpu.SemaphoreType.DMA,
            pltpu.VMEM_SHARED((N_PAD, DQ), jnp.float32),
            pltpu.VMEM_SHARED((N_PAD, DQ), jnp.float32),
            pltpu.VMEM_SHARED((N_PAD, CNT_W), jnp.float32),
        ],
        compiler_params=pltpu.CompilerParams(use_tc_tiling_on_sc=False),
        interpret=interpret,
    )
    return fn(h, src3, dst3, onesz8, z64)


M_BLK = 400


def _tc_self_body(h_ref, w1_ref, b_ref, o_ref):
    o_ref[...] = jnp.dot(h_ref[...], w1_ref[...],
                         preferred_element_type=jnp.float32) + b_ref[...]


def _tc_self(h, w1t, b2, interpret=False):
    return pl.pallas_call(
        _tc_self_body,
        grid=(N_NODES // M_BLK,),
        in_specs=[
            pl.BlockSpec((M_BLK, D_FEAT), lambda i: (i, 0)),
            pl.BlockSpec((D_FEAT, D_FEAT), lambda i: (0, 0)),
            pl.BlockSpec((1, D_FEAT), lambda i: (0, 0)),
        ],
        out_specs=pl.BlockSpec((M_BLK, D_FEAT), lambda i: (i, 0)),
        out_shape=jax.ShapeDtypeStruct((N_NODES, D_FEAT), jnp.float32),
        interpret=interpret,
    )(h, w1t, b2)


def _tc_combine_body(self_ref, s0_ref, s1_ref, s2_ref, s3_ref,
                     c0_ref, c1_ref, w2_ref, o_ref):
    cnt = c0_ref[0][:, 0:1] + c1_ref[0][:, 0:1]
    recip = 1.0 / jnp.maximum(cnt, 1.0)
    agg = jnp.dot(s0_ref[0], w2_ref[pl.ds(0, DQ)],
                  preferred_element_type=jnp.float32)
    agg += jnp.dot(s1_ref[0], w2_ref[pl.ds(DQ, DQ)],
                   preferred_element_type=jnp.float32)
    agg += jnp.dot(s2_ref[0], w2_ref[pl.ds(2 * DQ, DQ)],
                   preferred_element_type=jnp.float32)
    agg += jnp.dot(s3_ref[0], w2_ref[pl.ds(3 * DQ, DQ)],
                   preferred_element_type=jnp.float32)
    o_ref[...] = self_ref[...] + agg * recip


def _tc_combine(self_part, sums, cnts, w2t, interpret=False):
    return pl.pallas_call(
        _tc_combine_body,
        grid=(N_NODES // M_BLK,),
        in_specs=[
            pl.BlockSpec((M_BLK, D_FEAT), lambda i: (i, 0)),
            pl.BlockSpec((1, M_BLK, DQ), lambda i: (0, i, 0)),
            pl.BlockSpec((1, M_BLK, DQ), lambda i: (1, i, 0)),
            pl.BlockSpec((1, M_BLK, DQ), lambda i: (2, i, 0)),
            pl.BlockSpec((1, M_BLK, DQ), lambda i: (3, i, 0)),
            pl.BlockSpec((1, M_BLK, CNT_W), lambda i: (0, i, 0)),
            pl.BlockSpec((1, M_BLK, CNT_W), lambda i: (1, i, 0)),
            pl.BlockSpec((D_FEAT, D_FEAT), lambda i: (0, 0)),
        ],
        out_specs=pl.BlockSpec((M_BLK, D_FEAT), lambda i: (i, 0)),
        out_shape=jax.ShapeDtypeStruct((N_NODES, D_FEAT), jnp.float32),
        interpret=interpret,
    )(self_part, sums, sums, sums, sums, cnts, cnts, w2t)


def kernel(h, edge_index, W, b):
    src3 = edge_index[0].astype(jnp.int32).reshape(N_SUBCORES, K, CHUNK)
    dst3 = edge_index[1].astype(jnp.int32).reshape(N_SUBCORES, K, CHUNK)

    sums, cnts = _sc_segment_sum(h, src3, dst3)

    wt = W.T
    w1t = wt[:D_FEAT]
    w2t = wt[D_FEAT:]
    b2 = b.reshape(1, D_FEAT)
    self_part = _tc_self(h, w1t, b2)
    return _tc_combine(self_part, sums, cnts, w2t)

# --- scband reference (transcript-rebuilt; emitter-appended) ---
"""Pipeline reference for scband-graph-sageblock-65661460021624 (READ-ONLY COPY).

The authoritative reference and input builder live on the scoring server;
editing this copy changes nothing except your own understanding.
"""

import jax, jax.numpy as jnp
import numpy as np

N_NODES = 10000
N_EDGES = 160000
D_FEAT = 256
IN_FEATS = 512
OUT_FEATS = 256


def setup_inputs(seed: int = 0) -> dict:
    key = jax.random.key(seed)
    k1, k2, k3, k4 = jax.random.split(key, 4)
    h = jax.random.normal(k1, (N_NODES, D_FEAT), dtype=jnp.float32)
    edge_index = jax.random.randint(k2, (2, N_EDGES), 0, N_NODES, dtype=jnp.int64)
    # Linear(in_feats=512, out_feats=256): weight [out, in], bias [out]
    bound = 1.0 / np.sqrt(IN_FEATS)
    W = jax.random.uniform(k3, (OUT_FEATS, IN_FEATS), dtype=jnp.float32, minval=-bound, maxval=bound)
    b = jax.random.uniform(k4, (OUT_FEATS,), dtype=jnp.float32, minval=-bound, maxval=bound)
    return {"h": h, "edge_index": edge_index, "W": W, "b": b}


def reference(h, edge_index, W, b):
    src = edge_index[0]
    dst = edge_index[1]
    # update_all(copy_u('h','m'), mean('m','h_neigh')): mean of incoming src features per dst node
    msgs = jnp.take(h, src, axis=0)  # gather [E, d]
    summed = jax.ops.segment_sum(msgs, dst, num_segments=N_NODES)  # scatter-add [N, d]
    counts = jax.ops.segment_sum(jnp.ones((msgs.shape[0],), dtype=h.dtype), dst, num_segments=N_NODES)
    # DGL mean over zero in-degree nodes yields 0
    h_neigh = summed / jnp.maximum(counts, 1.0)[:, None]
    h_total = jnp.concatenate([h, h_neigh], axis=1)  # [N, 2d]
    out = h_total @ W.T + b
    return out

if __name__ == "__main__":
    import jax
    _d = setup_inputs()
    print(jax.jit(kernel)(*tuple(_d.values())))

</pallas_src>

<mosaic_0001>
#map = affine_map<(d0, d1) -> (0, 0)>
#map1 = affine_map<(d0, d1) -> (0, 0, 0)>
module attributes {stable_mosaic.version = 14 : i64} {
  func.func @_sc_segment_sum_body(%arg0: i32, %arg1: i32, %arg2: memref<10000x256xf32, #tpu.memory_space<hbm>>, %arg3: memref<16x80x125xi32, #tpu.memory_space<hbm>>, %arg4: memref<16x80x125xi32, #tpu.memory_space<hbm>>, %arg5: memref<2x128x8xf32, #tpu.memory_space<hbm>>, %arg6: memref<128x64xf32, #tpu.memory_space<hbm>>, %arg7: memref<4x10240x64xf32, #tpu.memory_space<hbm>>, %arg8: memref<2x10240x8xf32, #tpu.memory_space<hbm>>, %arg9: memref<8x125xi32, #tpu.memory_space<vmem>>, %arg10: memref<8x125xi32, #tpu.memory_space<vmem>>, %arg11: memref<8x125xi32, #tpu.memory_space<vmem>>, %arg12: memref<8x125xi32, #tpu.memory_space<vmem>>, %arg13: memref<128x64xf32, #tpu.memory_space<vmem>>, %arg14: memref<128x64xf32, #tpu.memory_space<vmem>>, %arg15: memref<128x64xf32, #tpu.memory_space<vmem>>, %arg16: memref<128x8xf32, #tpu.memory_space<vmem>>, %arg17: memref<128x8xf32, #tpu.memory_space<vmem>>, %arg18: memref<!tpu.dma_semaphore, #tpu.memory_space<semaphore_mem>>, %arg19: memref<!tpu.dma_semaphore, #tpu.memory_space<semaphore_mem>>, %arg20: memref<!tpu.dma_semaphore, #tpu.memory_space<semaphore_mem>>, %arg21: memref<!tpu.dma_semaphore, #tpu.memory_space<semaphore_mem>>, %arg22: memref<!tpu.dma_semaphore, #tpu.memory_space<semaphore_mem>>, %arg23: memref<10240x64xf32, #tpu.memory_space<vmem_shared>>, %arg24: memref<10240x64xf32, #tpu.memory_space<vmem_shared>>, %arg25: memref<10240x8xf32, #tpu.memory_space<vmem_shared>>) attributes {dimension_semantics = [#tpu.dimension_semantics<core_parallel>, #tpu.dimension_semantics<subcore_parallel>], iteration_bounds = array<i64: 2, 16>, scalar_prefetch = 0 : i64, scratch_operands = 17 : i64, tpu.core_type = #tpu.core_type<sc_vector_subcore>, window_params = [{transform_indices = #map}, {transform_indices = #map1}, {transform_indices = #map1}, {transform_indices = #map1}, {transform_indices = #map}, {transform_indices = #map1}, {transform_indices = #map1}]} {
    %mul3A = arith.constant 640 : i32
    %mul3A_0 = arith.muli %arg1, %mul3A : i32
    %run_scoped3A = arith.constant 0 : i32
    "tpu.region"() ({
      %run_scoped3A_156 = tpu.sem_alloc : memref<!tpu.dma_semaphore, #tpu.memory_space<semaphore_mem>>
      %dma_start3A_157 = arith.constant 0 : i32
      %dma_start3A_158 = arith.constant 0 : i32
      %dma_start3A_159 = tpu.memref_slice %arg5[%run_scoped3A, %dma_start3A_157, %dma_start3A_158] : memref<2x128x8xf32, #tpu.memory_space<hbm>> -> memref<1x128x8xf32, #tpu.memory_space<hbm>>
      %dma_start3A_160 = tpu.memref_squeeze %dma_start3A_159 : memref<1x128x8xf32, #tpu.memory_space<hbm>> -> memref<128x8xf32, #tpu.memory_space<hbm>>
      %dma_start3A_161 = arith.constant 0 : i32
      %dma_start3A_162 = arith.constant 0 : i32
      %dma_start3A_163 = tpu.memref_slice %arg5[%run_scoped3A, %dma_start3A_161, %dma_start3A_162] : memref<2x128x8xf32, #tpu.memory_space<hbm>> -> memref<1x128x8xf32, #tpu.memory_space<hbm>>
      %dma_start3A_164 = tpu.memref_squeeze %dma_start3A_163 : memref<1x128x8xf32, #tpu.memory_space<hbm>> -> memref<128x8xf32, #tpu.memory_space<hbm>>
      tpu.enqueue_dma source(%dma_start3A_164 : memref<128x8xf32, #tpu.memory_space<hbm>>) target(%arg16 : memref<128x8xf32, #tpu.memory_space<vmem>>) target_semaphore(%run_scoped3A_156 : memref<!tpu.dma_semaphore, #tpu.memory_space<semaphore_mem>>)
      %dma_wait3A_165 = arith.constant 0 : i32
      %dma_wait3A_166 = arith.constant 0 : i32
      %dma_wait3A_167 = tpu.memref_slice %arg5[%run_scoped3A, %dma_wait3A_165, %dma_wait3A_166] : memref<2x128x8xf32, #tpu.memory_space<hbm>> -> memref<1x128x8xf32, #tpu.memory_space<hbm>>
      %dma_wait3A_168 = tpu.memref_squeeze %dma_wait3A_167 : memref<1x128x8xf32, #tpu.memory_space<hbm>> -> memref<128x8xf32, #tpu.memory_space<hbm>>
      %dma_wait3A_169 = arith.constant 0 : i32
      %dma_wait3A_170 = arith.constant 0 : i32
      %dma_wait3A_171 = tpu.memref_slice %arg5[%run_scoped3A, %dma_wait3A_169, %dma_wait3A_170] : memref<2x128x8xf32, #tpu.memory_space<hbm>> -> memref<1x128x8xf32, #tpu.memory_space<hbm>>
      %dma_wait3A_172 = tpu.memref_squeeze %dma_wait3A_171 : memref<1x128x8xf32, #tpu.memory_space<hbm>> -> memref<128x8xf32, #tpu.memory_space<hbm>>
      tpu.wait_dma2 semaphore(%run_scoped3A_156 : memref<!tpu.dma_semaphore, #tpu.memory_space<semaphore_mem>>) src(%dma_wait3A_172 : memref<128x8xf32, #tpu.memory_space<hbm>>) dst(%arg16 : memref<128x8xf32, #tpu.memory_space<vmem>>)
      tpu.yield
    }) : () -> ()
    %run_scoped3A_1 = arith.constant 1 : i32
    "tpu.region"() ({
      %run_scoped3A_156 = tpu.sem_alloc : memref<!tpu.dma_semaphore, #tpu.memory_space<semaphore_mem>>
      %dma_start3A_157 = arith.constant 0 : i32
      %dma_start3A_158 = arith.constant 0 : i32
      %dma_start3A_159 = tpu.memref_slice %arg5[%run_scoped3A_1, %dma_start3A_157, %dma_start3A_158] : memref<2x128x8xf32, #tpu.memory_space<hbm>> -> memref<1x128x8xf32, #tpu.memory_space<hbm>>
      %dma_start3A_160 = tpu.memref_squeeze %dma_start3A_159 : memref<1x128x8xf32, #tpu.memory_space<hbm>> -> memref<128x8xf32, #tpu.memory_space<hbm>>
      %dma_start3A_161 = arith.constant 0 : i32
      %dma_start3A_162 = arith.constant 0 : i32
      %dma_start3A_163 = tpu.memref_slice %arg5[%run_scoped3A_1, %dma_start3A_161, %dma_start3A_162] : memref<2x128x8xf32, #tpu.memory_space<hbm>> -> memref<1x128x8xf32, #tpu.memory_space<hbm>>
      %dma_start3A_164 = tpu.memref_squeeze %dma_start3A_163 : memref<1x128x8xf32, #tpu.memory_space<hbm>> -> memref<128x8xf32, #tpu.memory_space<hbm>>
      tpu.enqueue_dma source(%dma_start3A_164 : memref<128x8xf32, #tpu.memory_space<hbm>>) target(%arg17 : memref<128x8xf32, #tpu.memory_space<vmem>>) target_semaphore(%run_scoped3A_156 : memref<!tpu.dma_semaphore, #tpu.memory_space<semaphore_mem>>)
      %dma_wait3A_165 = arith.constant 0 : i32
      %dma_wait3A_166 = arith.constant 0 : i32
      %dma_wait3A_167 = tpu.memref_slice %arg5[%run_scoped3A_1, %dma_wait3A_165, %dma_wait3A_166] : memref<2x128x8xf32, #tpu.memory_space<hbm>> -> memref<1x128x8xf32, #tpu.memory_space<hbm>>
      %dma_wait3A_168 = tpu.memref_squeeze %dma_wait3A_167 : memref<1x128x8xf32, #tpu.memory_space<hbm>> -> memref<128x8xf32, #tpu.memory_space<hbm>>
      %dma_wait3A_169 = arith.constant 0 : i32
      %dma_wait3A_170 = arith.constant 0 : i32
      %dma_wait3A_171 = tpu.memref_slice %arg5[%run_scoped3A_1, %dma_wait3A_169, %dma_wait3A_170] : memref<2x128x8xf32, #tpu.memory_space<hbm>> -> memref<1x128x8xf32, #tpu.memory_space<hbm>>
      %dma_wait3A_172 = tpu.memref_squeeze %dma_wait3A_171 : memref<1x128x8xf32, #tpu.memory_space<hbm>> -> memref<128x8xf32, #tpu.memory_space<hbm>>
      tpu.wait_dma2 semaphore(%run_scoped3A_156 : memref<!tpu.dma_semaphore, #tpu.memory_space<semaphore_mem>>) src(%dma_wait3A_172 : memref<128x8xf32, #tpu.memory_space<hbm>>) dst(%arg17 : memref<128x8xf32, #tpu.memory_space<vmem>>)
      tpu.yield
    }) : () -> ()
    %mul3A_2 = arith.constant 2 : i32
    %mul3A_3 = arith.muli %mul3A_2, %arg0 : i32
    %add3A = arith.constant 0 : i32
    %add3A_4 = arith.addi %mul3A_3, %add3A : i32
    "tpu.region"() ({
      %run_scoped3A_156 = tpu.sem_alloc : memref<!tpu.dma_semaphore, #tpu.memory_space<semaphore_mem>>
      tpu.enqueue_dma source(%arg6 : memref<128x64xf32, #tpu.memory_space<hbm>>) target(%arg15 : memref<128x64xf32, #tpu.memory_space<vmem>>) target_semaphore(%run_scoped3A_156 : memref<!tpu.dma_semaphore, #tpu.memory_space<semaphore_mem>>)
      tpu.wait_dma2 semaphore(%run_scoped3A_156 : memref<!tpu.dma_semaphore, #tpu.memory_space<semaphore_mem>>) src(%arg6 : memref<128x64xf32, #tpu.memory_space<hbm>>) dst(%arg15 : memref<128x64xf32, #tpu.memory_space<vmem>>)
      tpu.yield
    }) : () -> ()
    %scan3A = arith.constant 0 : i32
    %scan3A_5 = arith.constant 5 : i32
    %scan3A_6 = arith.addi %scan3A, %scan3A_5 : i32
    %scan3A_7 = arith.constant 1 : i32
    scf.for %scan3A_156 = %scan3A to %scan3A_6 step %scan3A_7  : i32 {
      %mul3A_157 = arith.constant 1 : i32
      %mul3A_158 = arith.muli %scan3A_156, %mul3A_157 : i32
      %add3A_159 = arith.constant 0 : i32
      %add3A_160 = arith.addi %add3A_159, %mul3A_158 : i32
      %mul3A_161 = arith.constant 128 : i32
      %mul3A_162 = arith.muli %add3A_160, %mul3A_161 : i32
      %add3A_163 = arith.addi %mul3A_0, %mul3A_162 : i32
      %dma_start3A_164 = arith.constant 0 : i32
      %dma_start3A_165 = tpu.memref_slice %arg24[%add3A_163, %dma_start3A_164] : memref<10240x64xf32, #tpu.memory_space<vmem_shared>> -> memref<128x64xf32, #tpu.memory_space<vmem_shared>>
      %dma_start3A_166 = arith.constant 0 : i32
      %dma_start3A_167 = tpu.memref_slice %arg24[%add3A_163, %dma_start3A_166] : memref<10240x64xf32, #tpu.memory_space<vmem_shared>> -> memref<128x64xf32, #tpu.memory_space<vmem_shared>>
      tpu.enqueue_dma source(%arg15 : memref<128x64xf32, #tpu.memory_space<vmem>>) target(%dma_start3A_167 : memref<128x64xf32, #tpu.memory_space<vmem_shared>>) target_semaphore(%arg22 : memref<!tpu.dma_semaphore, #tpu.memory_space<semaphore_mem>>)
      %dma_start3A_168 = arith.constant 0 : i32
      %dma_start3A_169 = tpu.memref_slice %arg25[%add3A_163, %dma_start3A_168] : memref<10240x8xf32, #tpu.memory_space<vmem_shared>> -> memref<128x8xf32, #tpu.memory_space<vmem_shared>>
      %dma_start3A_170 = arith.constant 0 : i32
      %dma_start3A_171 = tpu.memref_slice %arg25[%add3A_163, %dma_start3A_170] : memref<10240x8xf32, #tpu.memory_space<vmem_shared>> -> memref<128x8xf32, #tpu.memory_space<vmem_shared>>
      tpu.enqueue_dma source(%arg17 : memref<128x8xf32, #tpu.memory_space<vmem>>) target(%dma_start3A_171 : memref<128x8xf32, #tpu.memory_space<vmem_shared>>) target_semaphore(%arg22 : memref<!tpu.dma_semaphore, #tpu.memory_space<semaphore_mem>>)
    }
    %scan3A_8 = arith.constant 5 : i32
    %scan3A_9 = arith.constant 0 : i32
    %scan3A_10 = arith.constant 5 : i32
    %scan3A_11 = arith.addi %scan3A_9, %scan3A_10 : i32
    %scan3A_12 = arith.constant 1 : i32
    scf.for %scan3A_156 = %scan3A_9 to %scan3A_11 step %scan3A_12  : i32 {
      %mul3A_157 = arith.constant 1 : i32
      %mul3A_158 = arith.muli %scan3A_156, %mul3A_157 : i32
      %add3A_159 = arith.constant 0 : i32
      %add3A_160 = arith.addi %add3A_159, %mul3A_158 : i32
      %mul3A_161 = arith.constant 128 : i32
      %mul3A_162 = arith.muli %add3A_160, %mul3A_161 : i32
      %add3A_163 = arith.addi %mul3A_0, %mul3A_162 : i32
      %add3A_164 = arith.constant 128 : i32
      %add3A_165 = arith.addi %add3A_163, %add3A_164 : i32
      %le3A = arith.constant 10000 : i32
      %le3A_166 = arith.cmpi sle, %add3A_165, %le3A : i32
      %convert_element_type3A = arith.extui %le3A_166 : i1 to i32
      %cond3A = arith.constant 0 : i32
      %cond3A_167 = arith.cmpi ne, %convert_element_type3A, %cond3A : i32
      scf.if %cond3A_167 {
        %mul3A_175 = arith.constant 64 : i32
        %mul3A_176 = arith.muli %add3A_4, %mul3A_175 : i32
        %dma_start3A_177 = tpu.memref_slice %arg2[%add3A_163, %mul3A_176] : memref<10000x256xf32, #tpu.memory_space<hbm>> -> memref<128x64xf32, #tpu.memory_space<hbm>>
        %dma_start3A_178 = tpu.memref_slice %arg2[%add3A_163, %mul3A_176] : memref<10000x256xf32, #tpu.memory_space<hbm>> -> memref<128x64xf32, #tpu.memory_space<hbm>>
        tpu.enqueue_dma source(%dma_start3A_178 : memref<128x64xf32, #tpu.memory_space<hbm>>) target(%arg13 : memref<128x64xf32, #tpu.memory_space<vmem>>) target_semaphore(%arg18 : memref<!tpu.dma_semaphore, #tpu.memory_space<semaphore_mem>>)
        %dma_wait3A_179 = arith.constant 0 : i32
        %dma_wait3A_180 = arith.constant 0 : i32
        %dma_wait3A_181 = tpu.memref_slice %arg2[%dma_wait3A_179, %dma_wait3A_180] : memref<10000x256xf32, #tpu.memory_space<hbm>> -> memref<128x64xf32, #tpu.memory_space<hbm>>
        %dma_wait3A_182 = arith.constant 0 : i32
        %dma_wait3A_183 = arith.constant 0 : i32
        %dma_wait3A_184 = tpu.memref_slice %arg2[%dma_wait3A_182, %dma_wait3A_183] : memref<10000x256xf32, #tpu.memory_space<hbm>> -> memref<128x64xf32, #tpu.memory_space<hbm>>
        tpu.wait_dma2 semaphore(%arg18 : memref<!tpu.dma_semaphore, #tpu.memory_space<semaphore_mem>>) src(%dma_wait3A_184 : memref<128x64xf32, #tpu.memory_space<hbm>>) dst(%arg13 : memref<128x64xf32, #tpu.memory_space<vmem>>)
        "tpu.region"() ({
          %run_scoped3A_185 = tpu.sem_alloc : memref<!tpu.dma_semaphore, #tpu.memory_space<semaphore_mem>>
          %dma_start3A_186 = arith.constant 0 : i32
          %dma_start3A_187 = tpu.memref_slice %arg23[%add3A_163, %dma_start3A_186] : memref<10240x64xf32, #tpu.memory_space<vmem_shared>> -> memref<128x64xf32, #tpu.memory_space<vmem_shared>>
          %dma_start3A_188 = arith.constant 0 : i32
          %dma_start3A_189 = tpu.memref_slice %arg23[%add3A_163, %dma_start3A_188] : memref<10240x64xf32, #tpu.memory_space<vmem_shared>> -> memref<128x64xf32, #tpu.memory_space<vmem_shared>>
          tpu.enqueue_dma source(%arg13 : memref<128x64xf32, #tpu.memory_space<vmem>>) target(%dma_start3A_189 : memref<128x64xf32, #tpu.memory_space<vmem_shared>>) target_semaphore(%run_scoped3A_185 : memref<!tpu.dma_semaphore, #tpu.memory_space<semaphore_mem>>)
          %dma_wait3A_190 = arith.constant 0 : i32
          %dma_wait3A_191 = tpu.memref_slice %arg23[%add3A_163, %dma_wait3A_190] : memref<10240x64xf32, #tpu.memory_space<vmem_shared>> -> memref<128x64xf32, #tpu.memory_space<vmem_shared>>
          %dma_wait3A_192 = arith.constant 0 : i32
          %dma_wait3A_193 = tpu.memref_slice %arg23[%add3A_163, %dma_wait3A_192] : memref<10240x64xf32, #tpu.memory_space<vmem_shared>> -> memref<128x64xf32, #tpu.memory_space<vmem_shared>>
          tpu.wait_dma2 semaphore(%run_scoped3A_185 : memref<!tpu.dma_semaphore, #tpu.memory_space<semaphore_mem>>) src(%arg13 : memref<128x64xf32, #tpu.memory_space<vmem>>) dst(%dma_wait3A_193 : memref<128x64xf32, #tpu.memory_space<vmem_shared>>)
          tpu.yield
        }) : () -> ()
      } else {
      }
      %lt3A = arith.constant 10000 : i32
      %lt3A_168 = arith.cmpi slt, %add3A_163, %lt3A : i32
      %add3A_169 = arith.constant 128 : i32
      %add3A_170 = arith.addi %add3A_163, %add3A_169 : i32
      %gt3A = arith.constant 10000 : i32
      %gt3A_171 = arith.cmpi sgt, %add3A_170, %gt3A : i32
      %and3A = arith.andi %lt3A_168, %gt3A_171 : i1
      %convert_element_type3A_172 = arith.extui %and3A : i1 to i32
      %cond3A_173 = arith.constant 0 : i32
      %cond3A_174 = arith.cmpi ne, %convert_element_type3A_172, %cond3A_173 : i32
      scf.if %cond3A_174 {
        %mul3A_175 = arith.constant 64 : i32
        %mul3A_176 = arith.muli %add3A_4, %mul3A_175 : i32
        "tpu.region"() ({
          %run_scoped3A_177 = tpu.sem_alloc : memref<!tpu.dma_semaphore, #tpu.memory_space<semaphore_mem>>
          %dma_start3A_178 = arith.constant 0 : i32
          %dma_start3A_179 = arith.constant 0 : i32
          %dma_start3A_180 = tpu.memref_slice %arg13[%dma_start3A_178, %dma_start3A_179] : memref<128x64xf32, #tpu.memory_space<vmem>> -> memref<16x64xf32, #tpu.memory_space<vmem>>
          %dma_start3A_181 = tpu.memref_slice %arg2[%add3A_163, %mul3A_176] : memref<10000x256xf32, #tpu.memory_space<hbm>> -> memref<16x64xf32, #tpu.memory_space<hbm>>
          %dma_start3A_182 = arith.constant 0 : i32
          %dma_start3A_183 = arith.constant 0 : i32
          %dma_start3A_184 = tpu.memref_slice %arg13[%dma_start3A_182, %dma_start3A_183] : memref<128x64xf32, #tpu.memory_space<vmem>> -> memref<16x64xf32, #tpu.memory_space<vmem>>
          %dma_start3A_185 = tpu.memref_slice %arg2[%add3A_163, %mul3A_176] : memref<10000x256xf32, #tpu.memory_space<hbm>> -> memref<16x64xf32, #tpu.memory_space<hbm>>
          tpu.enqueue_dma source(%dma_start3A_185 : memref<16x64xf32, #tpu.memory_space<hbm>>) target(%dma_start3A_184 : memref<16x64xf32, #tpu.memory_space<vmem>>) target_semaphore(%run_scoped3A_177 : memref<!tpu.dma_semaphore, #tpu.memory_space<semaphore_mem>>)
          %dma_wait3A_186 = arith.constant 0 : i32
          %dma_wait3A_187 = arith.constant 0 : i32
          %dma_wait3A_188 = tpu.memref_slice %arg13[%dma_wait3A_186, %dma_wait3A_187] : memref<128x64xf32, #tpu.memory_space<vmem>> -> memref<16x64xf32, #tpu.memory_space<vmem>>
          %dma_wait3A_189 = tpu.memref_slice %arg2[%add3A_163, %mul3A_176] : memref<10000x256xf32, #tpu.memory_space<hbm>> -> memref<16x64xf32, #tpu.memory_space<hbm>>
          %dma_wait3A_190 = arith.constant 0 : i32
          %dma_wait3A_191 = arith.constant 0 : i32
          %dma_wait3A_192 = tpu.memref_slice %arg13[%dma_wait3A_190, %dma_wait3A_191] : memref<128x64xf32, #tpu.memory_space<vmem>> -> memref<16x64xf32, #tpu.memory_space<vmem>>
          %dma_wait3A_193 = tpu.memref_slice %arg2[%add3A_163, %mul3A_176] : memref<10000x256xf32, #tpu.memory_space<hbm>> -> memref<16x64xf32, #tpu.memory_space<hbm>>
          tpu.wait_dma2 semaphore(%run_scoped3A_177 : memref<!tpu.dma_semaphore, #tpu.memory_space<semaphore_mem>>) src(%dma_wait3A_193 : memref<16x64xf32, #tpu.memory_space<hbm>>) dst(%dma_wait3A_192 : memref<16x64xf32, #tpu.memory_space<vmem>>)
          tpu.yield
        }) : () -> ()
        "tpu.region"() ({
          %run_scoped3A_177 = tpu.sem_alloc : memref<!tpu.dma_semaphore, #tpu.memory_space<semaphore_mem>>
          %dma_start3A_178 = arith.constant 0 : i32
          %dma_start3A_179 = arith.constant 0 : i32
          %dma_start3A_180 = tpu.memref_slice %arg13[%dma_start3A_178, %dma_start3A_179] : memref<128x64xf32, #tpu.memory_space<vmem>> -> memref<16x64xf32, #tpu.memory_space<vmem>>
          %dma_start3A_181 = arith.constant 0 : i32
          %dma_start3A_182 = tpu.memref_slice %arg23[%add3A_163, %dma_start3A_181] : memref<10240x64xf32, #tpu.memory_space<vmem_shared>> -> memref<16x64xf32, #tpu.memory_space<vmem_shared>>
          %dma_start3A_183 = arith.constant 0 : i32
          %dma_start3A_184 = tpu.memref_slice %arg23[%add3A_163, %dma_start3A_183] : memref<10240x64xf32, #tpu.memory_space<vmem_shared>> -> memref<16x64xf32, #tpu.memory_space<vmem_shared>>
          %dma_start3A_185 = arith.constant 0 : i32
          %dma_start3A_186 = arith.constant 0 : i32
          %dma_start3A_187 = tpu.memref_slice %arg13[%dma_start3A_185, %dma_start3A_186] : memref<128x64xf32, #tpu.memory_space<vmem>> -> memref<16x64xf32, #tpu.memory_space<vmem>>
          tpu.enqueue_dma source(%dma_start3A_187 : memref<16x64xf32, #tpu.memory_space<vmem>>) target(%dma_start3A_184 : memref<16x64xf32, #tpu.memory_space<vmem_shared>>) target_semaphore(%run_scoped3A_177 : memref<!tpu.dma_semaphore, #tpu.memory_space<semaphore_mem>>)
          %dma_wait3A_188 = arith.constant 0 : i32
          %dma_wait3A_189 = arith.constant 0 : i32
          %dma_wait3A_190 = tpu.memref_slice %arg13[%dma_wait3A_188, %dma_wait3A_189] : memref<128x64xf32, #tpu.memory_space<vmem>> -> memref<16x64xf32, #tpu.memory_space<vmem>>
          %dma_wait3A_191 = arith.constant 0 : i32
          %dma_wait3A_192 = tpu.memref_slice %arg23[%add3A_163, %dma_wait3A_191] : memref<10240x64xf32, #tpu.memory_space<vmem_shared>> -> memref<16x64xf32, #tpu.memory_space<vmem_shared>>
          %dma_wait3A_193 = arith.constant 0 : i32
          %dma_wait3A_194 = tpu.memref_slice %arg23[%add3A_163, %dma_wait3A_193] : memref<10240x64xf32, #tpu.memory_space<vmem_shared>> -> memref<16x64xf32, #tpu.memory_space<vmem_shared>>
          %dma_wait3A_195 = arith.constant 0 : i32
          %dma_wait3A_196 = arith.constant 0 : i32
          %dma_wait3A_197 = tpu.memref_slice %arg13[%dma_wait3A_195, %dma_wait3A_196] : memref<128x64xf32, #tpu.memory_space<vmem>> -> memref<16x64xf32, #tpu.memory_space<vmem>>
          tpu.wait_dma2 semaphore(%run_scoped3A_177 : memref<!tpu.dma_semaphore, #tpu.memory_space<semaphore_mem>>) src(%dma_wait3A_197 : memref<16x64xf32, #tpu.memory_space<vmem>>) dst(%dma_wait3A_194 : memref<16x64xf32, #tpu.memory_space<vmem_shared>>)
          tpu.yield
        }) : () -> ()
      } else {
      }
    }
    %scan3A_13 = arith.constant 5 : i32
    %scan3A_14 = arith.constant 0 : i32
    %scan3A_15 = arith.constant 5 : i32
    %scan3A_16 = arith.addi %scan3A_14, %scan3A_15 : i32
    %scan3A_17 = arith.constant 1 : i32
    scf.for %scan3A_156 = %scan3A_14 to %scan3A_16 step %scan3A_17  : i32 {
      %mul3A_157 = arith.constant 1 : i32
      %mul3A_158 = arith.muli %scan3A_156, %mul3A_157 : i32
      %add3A_159 = arith.constant 0 : i32
      %add3A_160 = arith.addi %add3A_159, %mul3A_158 : i32
      %dma_wait3A_161 = arith.constant 0 : i32
      %dma_wait3A_162 = tpu.memref_slice %arg24[%mul3A_0, %dma_wait3A_161] : memref<10240x64xf32, #tpu.memory_space<vmem_shared>> -> memref<128x64xf32, #tpu.memory_space<vmem_shared>>
      %dma_wait3A_163 = arith.constant 0 : i32
      %dma_wait3A_164 = tpu.memref_slice %arg24[%mul3A_0, %dma_wait3A_163] : memref<10240x64xf32, #tpu.memory_space<vmem_shared>> -> memref<128x64xf32, #tpu.memory_space<vmem_shared>>
      tpu.wait_dma2 semaphore(%arg22 : memref<!tpu.dma_semaphore, #tpu.memory_space<semaphore_mem>>) src(%arg15 : memref<128x64xf32, #tpu.memory_space<vmem>>) dst(%dma_wait3A_164 : memref<128x64xf32, #tpu.memory_space<vmem_shared>>)
      %dma_wait3A_165 = arith.constant 0 : i32
      %dma_wait3A_166 = tpu.memref_slice %arg25[%mul3A_0, %dma_wait3A_165] : memref<10240x8xf32, #tpu.memory_space<vmem_shared>> -> memref<128x8xf32, #tpu.memory_space<vmem_shared>>
      %dma_wait3A_167 = arith.constant 0 : i32
      %dma_wait3A_168 = tpu.memref_slice %arg25[%mul3A_0, %dma_wait3A_167] : memref<10240x8xf32, #tpu.memory_space<vmem_shared>> -> memref<128x8xf32, #tpu.memory_space<vmem_shared>>
      tpu.wait_dma2 semaphore(%arg22 : memref<!tpu.dma_semaphore, #tpu.memory_space<semaphore_mem>>) src(%arg17 : memref<128x8xf32, #tpu.memory_space<vmem>>) dst(%dma_wait3A_168 : memref<128x8xf32, #tpu.memory_space<vmem_shared>>)
    }
    %scan3A_18 = arith.constant 5 : i32
    %barrier3A = arith.constant 0 : index
    tpu.barrier barrier_id(%barrier3A)
    %scan3A_19 = arith.constant 0 : i32
    %scan3A_20 = arith.constant 5 : i32
    %scan3A_21 = arith.addi %scan3A_19, %scan3A_20 : i32
    %scan3A_22 = arith.constant 1 : i32
    scf.for %scan3A_156 = %scan3A_19 to %scan3A_21 step %scan3A_22  : i32 {
      %mul3A_157 = arith.constant 2 : i32
      %mul3A_158 = arith.muli %scan3A_156, %mul3A_157 : i32
      %add3A_159 = arith.constant 0 : i32
      %add3A_160 = arith.addi %add3A_159, %mul3A_158 : i32
      %add3A_161 = arith.constant 0 : i32
      %add3A_162 = arith.addi %add3A_160, %add3A_161 : i32
      %eq3A = arith.constant 0 : i32
      %eq3A_163 = arith.cmpi eq, %arg0, %eq3A : i32
      %mul3A_164 = arith.constant 8 : i32
      %mul3A_165 = arith.muli %add3A_162, %mul3A_164 : i32
      %lt3A = arith.constant 40 : i32
      %lt3A_166 = arith.cmpi slt, %mul3A_165, %lt3A : i32
      %mul3A_167 = arith.constant 8 : i32
      %mul3A_168 = arith.muli %add3A_162, %mul3A_167 : i32
      %ge3A = arith.constant 40 : i32
      %ge3A_169 = arith.cmpi sge, %mul3A_168, %ge3A : i32
      %select_n3A = arith.select %eq3A_163, %lt3A_166, %ge3A_169 : i1
      %mul3A_170 = arith.constant 8 : i32
      %mul3A_171 = arith.muli %add3A_162, %mul3A_170 : i32
      "tpu.region"() ({
        %run_scoped3A_211 = tpu.sem_alloc : memref<!tpu.dma_semaphore, #tpu.memory_space<semaphore_mem>>
        %dma_start3A_212 = arith.constant 0 : i32
        %dma_start3A_213 = tpu.memref_slice %arg3[%arg1, %mul3A_171, %dma_start3A_212] : memref<16x80x125xi32, #tpu.memory_space<hbm>> -> memref<1x8x125xi32, #tpu.memory_space<hbm>>
        %dma_start3A_214 = tpu.memref_squeeze %dma_start3A_213 : memref<1x8x125xi32, #tpu.memory_space<hbm>> -> memref<8x125xi32, #tpu.memory_space<hbm>>
        %dma_start3A_215 = arith.constant 0 : i32
        %dma_start3A_216 = tpu.memref_slice %arg3[%arg1, %mul3A_171, %dma_start3A_215] : memref<16x80x125xi32, #tpu.memory_space<hbm>> -> memref<1x8x125xi32, #tpu.memory_space<hbm>>
        %dma_start3A_217 = tpu.memref_squeeze %dma_start3A_216 : memref<1x8x125xi32, #tpu.memory_space<hbm>> -> memref<8x125xi32, #tpu.memory_space<hbm>>
        tpu.enqueue_dma source(%dma_start3A_217 : memref<8x125xi32, #tpu.memory_space<hbm>>) target(%arg9 : memref<8x125xi32, #tpu.memory_space<vmem>>) target_semaphore(%run_scoped3A_211 : memref<!tpu.dma_semaphore, #tpu.memory_space<semaphore_mem>>)
        %dma_wait3A_218 = arith.constant 0 : i32
        %dma_wait3A_219 = tpu.memref_slice %arg3[%arg1, %mul3A_171, %dma_wait3A_218] : memref<16x80x125xi32, #tpu.memory_space<hbm>> -> memref<1x8x125xi32, #tpu.memory_space<hbm>>
        %dma_wait3A_220 = tpu.memref_squeeze %dma_wait3A_219 : memref<1x8x125xi32, #tpu.memory_space<hbm>> -> memref<8x125xi32, #tpu.memory_space<hbm>>
        %dma_wait3A_221 = arith.constant 0 : i32
        %dma_wait3A_222 = tpu.memref_slice %arg3[%arg1, %mul3A_171, %dma_wait3A_221] : memref<16x80x125xi32, #tpu.memory_space<hbm>> -> memref<1x8x125xi32, #tpu.memory_space<hbm>>
        %dma_wait3A_223 = tpu.memref_squeeze %dma_wait3A_222 : memref<1x8x125xi32, #tpu.memory_space<hbm>> -> memref<8x125xi32, #tpu.memory_space<hbm>>
        tpu.wait_dma2 semaphore(%run_scoped3A_211 : memref<!tpu.dma_semaphore, #tpu.memory_space<semaphore_mem>>) src(%dma_wait3A_223 : memref<8x125xi32, #tpu.memory_space<hbm>>) dst(%arg9 : memref<8x125xi32, #tpu.memory_space<vmem>>)
        tpu.yield
      }) : () -> ()
      %mul3A_172 = arith.constant 8 : i32
      %mul3A_173 = arith.muli %add3A_162, %mul3A_172 : i32
      "tpu.region"() ({
        %run_scoped3A_211 = tpu.sem_alloc : memref<!tpu.dma_semaphore, #tpu.memory_space<semaphore_mem>>
        %dma_start3A_212 = arith.constant 0 : i32
        %dma_start3A_213 = tpu.memref_slice %arg4[%arg1, %mul3A_173, %dma_start3A_212] : memref<16x80x125xi32, #tpu.memory_space<hbm>> -> memref<1x8x125xi32, #tpu.memory_space<hbm>>
        %dma_start3A_214 = tpu.memref_squeeze %dma_start3A_213 : memref<1x8x125xi32, #tpu.memory_space<hbm>> -> memref<8x125xi32, #tpu.memory_space<hbm>>
        %dma_start3A_215 = arith.constant 0 : i32
        %dma_start3A_216 = tpu.memref_slice %arg4[%arg1, %mul3A_173, %dma_start3A_215] : memref<16x80x125xi32, #tpu.memory_space<hbm>> -> memref<1x8x125xi32, #tpu.memory_space<hbm>>
        %dma_start3A_217 = tpu.memref_squeeze %dma_start3A_216 : memref<1x8x125xi32, #tpu.memory_space<hbm>> -> memref<8x125xi32, #tpu.memory_space<hbm>>
        tpu.enqueue_dma source(%dma_start3A_217 : memref<8x125xi32, #tpu.memory_space<hbm>>) target(%arg11 : memref<8x125xi32, #tpu.memory_space<vmem>>) target_semaphore(%run_scoped3A_211 : memref<!tpu.dma_semaphore, #tpu.memory_space<semaphore_mem>>)
        %dma_wait3A_218 = arith.constant 0 : i32
        %dma_wait3A_219 = tpu.memref_slice %arg4[%arg1, %mul3A_173, %dma_wait3A_218] : memref<16x80x125xi32, #tpu.memory_space<hbm>> -> memref<1x8x125xi32, #tpu.memory_space<hbm>>
        %dma_wait3A_220 = tpu.memref_squeeze %dma_wait3A_219 : memref<1x8x125xi32, #tpu.memory_space<hbm>> -> memref<8x125xi32, #tpu.memory_space<hbm>>
        %dma_wait3A_221 = arith.constant 0 : i32
        %dma_wait3A_222 = tpu.memref_slice %arg4[%arg1, %mul3A_173, %dma_wait3A_221] : memref<16x80x125xi32, #tpu.memory_space<hbm>> -> memref<1x8x125xi32, #tpu.memory_space<hbm>>
        %dma_wait3A_223 = tpu.memref_squeeze %dma_wait3A_222 : memref<1x8x125xi32, #tpu.memory_space<hbm>> -> memref<8x125xi32, #tpu.memory_space<hbm>>
        tpu.wait_dma2 semaphore(%run_scoped3A_211 : memref<!tpu.dma_semaphore, #tpu.memory_space<semaphore_mem>>) src(%dma_wait3A_223 : memref<8x125xi32, #tpu.memory_space<hbm>>) dst(%arg11 : memref<8x125xi32, #tpu.memory_space<vmem>>)
        tpu.yield
      }) : () -> ()
      %convert_element_type3A = arith.extui %select_n3A : i1 to i32
      %cond3A = arith.constant 0 : i32
      %cond3A_174 = arith.cmpi ne, %convert_element_type3A, %cond3A : i32
      scf.if %cond3A_174 {
        %scan3A_211 = arith.constant 0 : i32
        %scan3A_212 = arith.constant 8 : i32
        %scan3A_213 = arith.addi %scan3A_211, %scan3A_212 : i32
        %scan3A_214 = arith.constant 1 : i32
        scf.for %scan3A_216 = %scan3A_211 to %scan3A_213 step %scan3A_214  : i32 {
          %mul3A_217 = arith.constant 1 : i32
          %mul3A_218 = arith.muli %scan3A_216, %mul3A_217 : i32
          %add3A_219 = arith.constant 0 : i32
          %add3A_220 = arith.addi %add3A_219, %mul3A_218 : i32
          %dma_start3A_221 = arith.constant 0 : i32
          %dma_start3A_222 = arith.constant 0 : i32
          %dma_start3A_223 = tpu.memref_slice %arg16[%dma_start3A_221, %dma_start3A_222] : memref<128x8xf32, #tpu.memory_space<vmem>> -> memref<125x8xf32, #tpu.memory_space<vmem>>
          %dma_start3A_224 = arith.constant 0 : i32
          %dma_start3A_225 = tpu.memref_slice %arg11[%add3A_220, %dma_start3A_224] : memref<8x125xi32, #tpu.memory_space<vmem>> -> memref<1x125xi32, #tpu.memory_space<vmem>>
          %dma_start3A_226 = tpu.memref_squeeze %dma_start3A_225 : memref<1x125xi32, #tpu.memory_space<vmem>> -> memref<125xi32, #tpu.memory_space<vmem>>
          %dma_start3A_227 = arith.constant 0 : i32
          %dma_start3A_228 = arith.constant 0 : i32
          %dma_start3A_229 = tpu.memref_slice %arg25[%dma_start3A_227, %dma_start3A_228] : memref<10240x8xf32, #tpu.memory_space<vmem_shared>> -> memref<10240x8xf32, #tpu.memory_space<vmem_shared>>
          tpu.enqueue_indirect_dma source(%dma_start3A_223 : memref<125x8xf32, #tpu.memory_space<vmem>>) target(%dma_start3A_229 : memref<10240x8xf32, #tpu.memory_space<vmem_shared>>) offsets(%dma_start3A_226 : memref<125xi32, #tpu.memory_space<vmem>>) semaphore(%arg22 : memref<!tpu.dma_semaphore, #tpu.memory_space<semaphore_mem>>) {add = true}
        }
        %scan3A_215 = arith.constant 8 : i32
      } else {
      }
      %scan3A_175 = arith.constant 0 : i32
      %scan3A_176 = arith.constant 4 : i32
      %scan3A_177 = arith.addi %scan3A_175, %scan3A_176 : i32
      %scan3A_178 = arith.constant 1 : i32
      scf.for %scan3A_211 = %scan3A_175 to %scan3A_177 step %scan3A_178  : i32 {
        %mul3A_212 = arith.constant 2 : i32
        %mul3A_213 = arith.muli %scan3A_211, %mul3A_212 : i32
        %add3A_214 = arith.constant 0 : i32
        %add3A_215 = arith.addi %add3A_214, %mul3A_213 : i32
        %add3A_216 = arith.constant 0 : i32
        %add3A_217 = arith.addi %add3A_215, %add3A_216 : i32
        %add3A_218 = arith.constant 0 : i32
        %add3A_219 = arith.addi %add3A_160, %add3A_218 : i32
        %mul3A_220 = arith.constant 8 : i32
        %mul3A_221 = arith.muli %add3A_219, %mul3A_220 : i32
        %add3A_222 = arith.addi %mul3A_221, %add3A_215 : i32
        %gt3A = arith.constant 0 : i32
        %gt3A_223 = arith.cmpi sgt, %add3A_222, %gt3A : i32
        %convert_element_type3A_224 = arith.extui %gt3A_223 : i1 to i32
        %cond3A_225 = arith.constant 0 : i32
        %cond3A_226 = arith.cmpi ne, %convert_element_type3A_224, %cond3A_225 : i32
        scf.if %cond3A_226 {
          %dma_wait3A_299 = arith.constant 0 : i32
          %dma_wait3A_300 = arith.constant 0 : i32
          %dma_wait3A_301 = tpu.memref_slice %arg13[%dma_wait3A_299, %dma_wait3A_300] : memref<128x64xf32, #tpu.memory_space<vmem>> -> memref<125x64xf32, #tpu.memory_space<vmem>>
          %dma_wait3A_302 = arith.constant 0 : i32
          %dma_wait3A_303 = tpu.memref_slice %arg24[%mul3A_0, %dma_wait3A_302] : memref<10240x64xf32, #tpu.memory_space<vmem_shared>> -> memref<125x64xf32, #tpu.memory_space<vmem_shared>>
          %dma_wait3A_304 = arith.constant 0 : i32
          %dma_wait3A_305 = tpu.memref_slice %arg24[%mul3A_0, %dma_wait3A_304] : memref<10240x64xf32, #tpu.memory_space<vmem_shared>> -> memref<125x64xf32, #tpu.memory_space<vmem_shared>>
          %dma_wait3A_306 = arith.constant 0 : i32
          %dma_wait3A_307 = arith.constant 0 : i32
          %dma_wait3A_308 = tpu.memref_slice %arg13[%dma_wait3A_306, %dma_wait3A_307] : memref<128x64xf32, #tpu.memory_space<vmem>> -> memref<125x64xf32, #tpu.memory_space<vmem>>
          tpu.wait_dma2 semaphore(%arg20 : memref<!tpu.dma_semaphore, #tpu.memory_space<semaphore_mem>>) src(%dma_wait3A_308 : memref<125x64xf32, #tpu.memory_space<vmem>>) dst(%dma_wait3A_305 : memref<125x64xf32, #tpu.memory_space<vmem_shared>>)
        } else {
        }
        %dma_start3A_227 = arith.constant 0 : i32
        %dma_start3A_228 = arith.constant 0 : i32
        %dma_start3A_229 = tpu.memref_slice %arg13[%dma_start3A_227, %dma_start3A_228] : memref<128x64xf32, #tpu.memory_space<vmem>> -> memref<125x64xf32, #tpu.memory_space<vmem>>
        %dma_start3A_230 = arith.constant 0 : i32
        %dma_start3A_231 = tpu.memref_slice %arg9[%add3A_217, %dma_start3A_230] : memref<8x125xi32, #tpu.memory_space<vmem>> -> memref<1x125xi32, #tpu.memory_space<vmem>>
        %dma_start3A_232 = tpu.memref_squeeze %dma_start3A_231 : memref<1x125xi32, #tpu.memory_space<vmem>> -> memref<125xi32, #tpu.memory_space<vmem>>
        %dma_start3A_233 = arith.constant 0 : i32
        %dma_start3A_234 = arith.constant 0 : i32
        %dma_start3A_235 = tpu.memref_slice %arg23[%dma_start3A_233, %dma_start3A_234] : memref<10240x64xf32, #tpu.memory_space<vmem_shared>> -> memref<10240x64xf32, #tpu.memory_space<vmem_shared>>
        tpu.enqueue_indirect_dma source(%dma_start3A_235 : memref<10240x64xf32, #tpu.memory_space<vmem_shared>>) target(%dma_start3A_229 : memref<125x64xf32, #tpu.memory_space<vmem>>) offsets(%dma_start3A_232 : memref<125xi32, #tpu.memory_space<vmem>>) semaphore(%arg18 : memref<!tpu.dma_semaphore, #tpu.memory_space<semaphore_mem>>)
        %dma_wait3A_236 = arith.constant 0 : i32
        %dma_wait3A_237 = arith.constant 0 : i32
        %dma_wait3A_238 = tpu.memref_slice %arg13[%dma_wait3A_236, %dma_wait3A_237] : memref<128x64xf32, #tpu.memory_space<vmem>> -> memref<125x64xf32, #tpu.memory_space<vmem>>
        %dma_wait3A_239 = arith.constant 0 : i32
        %dma_wait3A_240 = arith.constant 0 : i32
        %dma_wait3A_241 = tpu.memref_slice %arg23[%dma_wait3A_239, %dma_wait3A_240] : memref<10240x64xf32, #tpu.memory_space<vmem_shared>> -> memref<125x64xf32, #tpu.memory_space<vmem_shared>>
        %dma_wait3A_242 = arith.constant 0 : i32
        %dma_wait3A_243 = arith.constant 0 : i32
        %dma_wait3A_244 = tpu.memref_slice %arg13[%dma_wait3A_242, %dma_wait3A_243] : memref<128x64xf32, #tpu.memory_space<vmem>> -> memref<125x64xf32, #tpu.memory_space<vmem>>
        %dma_wait3A_245 = arith.constant 0 : i32
        %dma_wait3A_246 = arith.constant 0 : i32
        %dma_wait3A_247 = tpu.memref_slice %arg23[%dma_wait3A_245, %dma_wait3A_246] : memref<10240x64xf32, #tpu.memory_space<vmem_shared>> -> memref<125x64xf32, #tpu.memory_space<vmem_shared>>
        tpu.wait_dma2 semaphore(%arg18 : memref<!tpu.dma_semaphore, #tpu.memory_space<semaphore_mem>>) src(%dma_wait3A_247 : memref<125x64xf32, #tpu.memory_space<vmem_shared>>) dst(%dma_wait3A_244 : memref<125x64xf32, #tpu.memory_space<vmem>>)
        %dma_start3A_248 = arith.constant 0 : i32
        %dma_start3A_249 = arith.constant 0 : i32
        %dma_start3A_250 = tpu.memref_slice %arg13[%dma_start3A_248, %dma_start3A_249] : memref<128x64xf32, #tpu.memory_space<vmem>> -> memref<125x64xf32, #tpu.memory_space<vmem>>
        %dma_start3A_251 = arith.constant 0 : i32
        %dma_start3A_252 = tpu.memref_slice %arg11[%add3A_217, %dma_start3A_251] : memref<8x125xi32, #tpu.memory_space<vmem>> -> memref<1x125xi32, #tpu.memory_space<vmem>>
        %dma_start3A_253 = tpu.memref_squeeze %dma_start3A_252 : memref<1x125xi32, #tpu.memory_space<vmem>> -> memref<125xi32, #tpu.memory_space<vmem>>
        %dma_start3A_254 = arith.constant 0 : i32
        %dma_start3A_255 = arith.constant 0 : i32
        %dma_start3A_256 = tpu.memref_slice %arg24[%dma_start3A_254, %dma_start3A_255] : memref<10240x64xf32, #tpu.memory_space<vmem_shared>> -> memref<10240x64xf32, #tpu.memory_space<vmem_shared>>
        tpu.enqueue_indirect_dma source(%dma_start3A_250 : memref<125x64xf32, #tpu.memory_space<vmem>>) target(%dma_start3A_256 : memref<10240x64xf32, #tpu.memory_space<vmem_shared>>) offsets(%dma_start3A_253 : memref<125xi32, #tpu.memory_space<vmem>>) semaphore(%arg20 : memref<!tpu.dma_semaphore, #tpu.memory_space<semaphore_mem>>) {add = true}
        %add3A_257 = arith.constant 1 : i32
        %add3A_258 = arith.addi %add3A_215, %add3A_257 : i32
        %add3A_259 = arith.constant 0 : i32
        %add3A_260 = arith.addi %add3A_160, %add3A_259 : i32
        %mul3A_261 = arith.constant 8 : i32
        %mul3A_262 = arith.muli %add3A_260, %mul3A_261 : i32
        %add3A_263 = arith.addi %mul3A_262, %add3A_215 : i32
        %gt3A_264 = arith.constant 0 : i32
        %gt3A_265 = arith.cmpi sgt, %add3A_263, %gt3A_264 : i32
        %convert_element_type3A_266 = arith.extui %gt3A_265 : i1 to i32
        %cond3A_267 = arith.constant 0 : i32
        %cond3A_268 = arith.cmpi ne, %convert_element_type3A_266, %cond3A_267 : i32
        scf.if %cond3A_268 {
          %dma_wait3A_299 = arith.constant 0 : i32
          %dma_wait3A_300 = arith.constant 0 : i32
          %dma_wait3A_301 = tpu.memref_slice %arg14[%dma_wait3A_299, %dma_wait3A_300] : memref<128x64xf32, #tpu.memory_space<vmem>> -> memref<125x64xf32, #tpu.memory_space<vmem>>
          %dma_wait3A_302 = arith.constant 0 : i32
          %dma_wait3A_303 = tpu.memref_slice %arg24[%mul3A_0, %dma_wait3A_302] : memref<10240x64xf32, #tpu.memory_space<vmem_shared>> -> memref<125x64xf32, #tpu.memory_space<vmem_shared>>
          %dma_wait3A_304 = arith.constant 0 : i32
          %dma_wait3A_305 = tpu.memref_slice %arg24[%mul3A_0, %dma_wait3A_304] : memref<10240x64xf32, #tpu.memory_space<vmem_shared>> -> memref<125x64xf32, #tpu.memory_space<vmem_shared>>
          %dma_wait3A_306 = arith.constant 0 : i32
          %dma_wait3A_307 = arith.constant 0 : i32
          %dma_wait3A_308 = tpu.memref_slice %arg14[%dma_wait3A_306, %dma_wait3A_307] : memref<128x64xf32, #tpu.memory_space<vmem>> -> memref<125x64xf32, #tpu.memory_space<vmem>>
          tpu.wait_dma2 semaphore(%arg21 : memref<!tpu.dma_semaphore, #tpu.memory_space<semaphore_mem>>) src(%dma_wait3A_308 : memref<125x64xf32, #tpu.memory_space<vmem>>) dst(%dma_wait3A_305 : memref<125x64xf32, #tpu.memory_space<vmem_shared>>)
        } else {
        }
        %dma_start3A_269 = arith.constant 0 : i32
        %dma_start3A_270 = arith.constant 0 : i32
        %dma_start3A_271 = tpu.memref_slice %arg14[%dma_start3A_269, %dma_start3A_270] : memref<128x64xf32, #tpu.memory_space<vmem>> -> memref<125x64xf32, #tpu.memory_space<vmem>>
        %dma_start3A_272 = arith.constant 0 : i32
        %dma_start3A_273 = tpu.memref_slice %arg9[%add3A_258, %dma_start3A_272] : memref<8x125xi32, #tpu.memory_space<vmem>> -> memref<1x125xi32, #tpu.memory_space<vmem>>
        %dma_start3A_274 = tpu.memref_squeeze %dma_start3A_273 : memref<1x125xi32, #tpu.memory_space<vmem>> -> memref<125xi32, #tpu.memory_space<vmem>>
        %dma_start3A_275 = arith.constant 0 : i32
        %dma_start3A_276 = arith.constant 0 : i32
        %dma_start3A_277 = tpu.memref_slice %arg23[%dma_start3A_275, %dma_start3A_276] : memref<10240x64xf32, #tpu.memory_space<vmem_shared>> -> memref<10240x64xf32, #tpu.memory_space<vmem_shared>>
        tpu.enqueue_indirect_dma source(%dma_start3A_277 : memref<10240x64xf32, #tpu.memory_space<vmem_shared>>) target(%dma_start3A_271 : memref<125x64xf32, #tpu.memory_space<vmem>>) offsets(%dma_start3A_274 : memref<125xi32, #tpu.memory_space<vmem>>) semaphore(%arg19 : memref<!tpu.dma_semaphore, #tpu.memory_space<semaphore_mem>>)
        %dma_wait3A_278 = arith.constant 0 : i32
        %dma_wait3A_279 = arith.constant 0 : i32
        %dma_wait3A_280 = tpu.memref_slice %arg14[%dma_wait3A_278, %dma_wait3A_279] : memref<128x64xf32, #tpu.memory_space<vmem>> -> memref<125x64xf32, #tpu.memory_space<vmem>>
        %dma_wait3A_281 = arith.constant 0 : i32
        %dma_wait3A_282 = arith.constant 0 : i32
        %dma_wait3A_283 = tpu.memref_slice %arg23[%dma_wait3A_281, %dma_wait3A_282] : memref<10240x64xf32, #tpu.memory_space<vmem_shared>> -> memref<125x64xf32, #tpu.memory_space<vmem_shared>>
        %dma_wait3A_284 = arith.constant 0 : i32
        %dma_wait3A_285 = arith.constant 0 : i32
        %dma_wait3A_286 = tpu.memref_slice %arg14[%dma_wait3A_284, %dma_wait3A_285] : memref<128x64xf32, #tpu.memory_space<vmem>> -> memref<125x64xf32, #tpu.memory_space<vmem>>
        %dma_wait3A_287 = arith.constant 0 : i32
        %dma_wait3A_288 = arith.constant 0 : i32
        %dma_wait3A_289 = tpu.memref_slice %arg23[%dma_wait3A_287, %dma_wait3A_288] : memref<10240x64xf32, #tpu.memory_space<vmem_shared>> -> memref<125x64xf32, #tpu.memory_space<vmem_shared>>
        tpu.wait_dma2 semaphore(%arg19 : memref<!tpu.dma_semaphore, #tpu.memory_space<semaphore_mem>>) src(%dma_wait3A_289 : memref<125x64xf32, #tpu.memory_space<vmem_shared>>) dst(%dma_wait3A_286 : memref<125x64xf32, #tpu.memory_space<vmem>>)
        %dma_start3A_290 = arith.constant 0 : i32
        %dma_start3A_291 = arith.constant 0 : i32
        %dma_start3A_292 = tpu.memref_slice %arg14[%dma_start3A_290, %dma_start3A_291] : memref<128x64xf32, #tpu.memory_space<vmem>> -> memref<125x64xf32, #tpu.memory_space<vmem>>
        %dma_start3A_293 = arith.constant 0 : i32
        %dma_start3A_294 = tpu.memref_slice %arg11[%add3A_258, %dma_start3A_293] : memref<8x125xi32, #tpu.memory_space<vmem>> -> memref<1x125xi32, #tpu.memory_space<vmem>>
        %dma_start3A_295 = tpu.memref_squeeze %dma_start3A_294 : memref<1x125xi32, #tpu.memory_space<vmem>> -> memref<125xi32, #tpu.memory_space<vmem>>
        %dma_start3A_296 = arith.constant 0 : i32
        %dma_start3A_297 = arith.constant 0 : i32
        %dma_start3A_298 = tpu.memref_slice %arg24[%dma_start3A_296, %dma_start3A_297] : memref<10240x64xf32, #tpu.memory_space<vmem_shared>> -> memref<10240x64xf32, #tpu.memory_space<vmem_shared>>
        tpu.enqueue_indirect_dma source(%dma_start3A_292 : memref<125x64xf32, #tpu.memory_space<vmem>>) target(%dma_start3A_298 : memref<10240x64xf32, #tpu.memory_space<vmem_shared>>) offsets(%dma_start3A_295 : memref<125xi32, #tpu.memory_space<vmem>>) semaphore(%arg21 : memref<!tpu.dma_semaphore, #tpu.memory_space<semaphore_mem>>) {add = true}
      }
      %scan3A_179 = arith.constant 4 : i32
      %convert_element_type3A_180 = arith.extui %select_n3A : i1 to i32
      %cond3A_181 = arith.constant 0 : i32
      %cond3A_182 = arith.cmpi ne, %convert_element_type3A_180, %cond3A_181 : i32
      scf.if %cond3A_182 {
        %scan3A_211 = arith.constant 0 : i32
        %scan3A_212 = arith.constant 8 : i32
        %scan3A_213 = arith.addi %scan3A_211, %scan3A_212 : i32
        %scan3A_214 = arith.constant 1 : i32
        scf.for %scan3A_216 = %scan3A_211 to %scan3A_213 step %scan3A_214  : i32 {
          %mul3A_217 = arith.constant 1 : i32
          %mul3A_218 = arith.muli %scan3A_216, %mul3A_217 : i32
          %add3A_219 = arith.constant 0 : i32
          %add3A_220 = arith.addi %add3A_219, %mul3A_218 : i32
          %dma_wait3A_221 = arith.constant 0 : i32
          %dma_wait3A_222 = arith.constant 0 : i32
          %dma_wait3A_223 = tpu.memref_slice %arg16[%dma_wait3A_221, %dma_wait3A_222] : memref<128x8xf32, #tpu.memory_space<vmem>> -> memref<125x8xf32, #tpu.memory_space<vmem>>
          %dma_wait3A_224 = arith.constant 0 : i32
          %dma_wait3A_225 = tpu.memref_slice %arg25[%mul3A_0, %dma_wait3A_224] : memref<10240x8xf32, #tpu.memory_space<vmem_shared>> -> memref<125x8xf32, #tpu.memory_space<vmem_shared>>
          %dma_wait3A_226 = arith.constant 0 : i32
          %dma_wait3A_227 = tpu.memref_slice %arg25[%mul3A_0, %dma_wait3A_226] : memref<10240x8xf32, #tpu.memory_space<vmem_shared>> -> memref<125x8xf32, #tpu.memory_space<vmem_shared>>
          %dma_wait3A_228 = arith.constant 0 : i32
          %dma_wait3A_229 = arith.constant 0 : i32
          %dma_wait3A_230 = tpu.memref_slice %arg16[%dma_wait3A_228, %dma_wait3A_229] : memref<128x8xf32, #tpu.memory_space<vmem>> -> memref<125x8xf32, #tpu.memory_space<vmem>>
          tpu.wait_dma2 semaphore(%arg22 : memref<!tpu.dma_semaphore, #tpu.memory_space<semaphore_mem>>) src(%dma_wait3A_230 : memref<125x8xf32, #tpu.memory_space<vmem>>) dst(%dma_wait3A_227 : memref<125x8xf32, #tpu.memory_space<vmem_shared>>)
        }
        %scan3A_215 = arith.constant 8 : i32
      } else {
      }
      %add3A_183 = arith.constant 1 : i32
      %add3A_184 = arith.addi %add3A_160, %add3A_183 : i32
      %eq3A_185 = arith.constant 0 : i32
      %eq3A_186 = arith.cmpi eq, %arg0, %eq3A_185 : i32
      %mul3A_187 = arith.constant 8 : i32
      %mul3A_188 = arith.muli %add3A_184, %mul3A_187 : i32
      %lt3A_189 = arith.constant 40 : i32
      %lt3A_190 = arith.cmpi slt, %mul3A_188, %lt3A_189 : i32
      %mul3A_191 = arith.constant 8 : i32
      %mul3A_192 = arith.muli %add3A_184, %mul3A_191 : i32
      %ge3A_193 = arith.constant 40 : i32
      %ge3A_194 = arith.cmpi sge, %mul3A_192, %ge3A_193 : i32
      %select_n3A_195 = arith.select %eq3A_186, %lt3A_190, %ge3A_194 : i1
      %mul3A_196 = arith.constant 8 : i32
      %mul3A_197 = arith.muli %add3A_184, %mul3A_196 : i32
      "tpu.region"() ({
        %run_scoped3A_211 = tpu.sem_alloc : memref<!tpu.dma_semaphore, #tpu.memory_space<semaphore_mem>>
        %dma_start3A_212 = arith.constant 0 : i32
        %dma_start3A_213 = tpu.memref_slice %arg3[%arg1, %mul3A_197, %dma_start3A_212] : memref<16x80x125xi32, #tpu.memory_space<hbm>> -> memref<1x8x125xi32, #tpu.memory_space<hbm>>
        %dma_start3A_214 = tpu.memref_squeeze %dma_start3A_213 : memref<1x8x125xi32, #tpu.memory_space<hbm>> -> memref<8x125xi32, #tpu.memory_space<hbm>>
        %dma_start3A_215 = arith.constant 0 : i32
        %dma_start3A_216 = tpu.memref_slice %arg3[%arg1, %mul3A_197, %dma_start3A_215] : memref<16x80x125xi32, #tpu.memory_space<hbm>> -> memref<1x8x125xi32, #tpu.memory_space<hbm>>
        %dma_start3A_217 = tpu.memref_squeeze %dma_start3A_216 : memref<1x8x125xi32, #tpu.memory_space<hbm>> -> memref<8x125xi32, #tpu.memory_space<hbm>>
        tpu.enqueue_dma source(%dma_start3A_217 : memref<8x125xi32, #tpu.memory_space<hbm>>) target(%arg10 : memref<8x125xi32, #tpu.memory_space<vmem>>) target_semaphore(%run_scoped3A_211 : memref<!tpu.dma_semaphore, #tpu.memory_space<semaphore_mem>>)
        %dma_wait3A_218 = arith.constant 0 : i32
        %dma_wait3A_219 = tpu.memref_slice %arg3[%arg1, %mul3A_197, %dma_wait3A_218] : memref<16x80x125xi32, #tpu.memory_space<hbm>> -> memref<1x8x125xi32, #tpu.memory_space<hbm>>
        %dma_wait3A_220 = tpu.memref_squeeze %dma_wait3A_219 : memref<1x8x125xi32, #tpu.memory_space<hbm>> -> memref<8x125xi32, #tpu.memory_space<hbm>>
        %dma_wait3A_221 = arith.constant 0 : i32
        %dma_wait3A_222 = tpu.memref_slice %arg3[%arg1, %mul3A_197, %dma_wait3A_221] : memref<16x80x125xi32, #tpu.memory_space<hbm>> -> memref<1x8x125xi32, #tpu.memory_space<hbm>>
        %dma_wait3A_223 = tpu.memref_squeeze %dma_wait3A_222 : memref<1x8x125xi32, #tpu.memory_space<hbm>> -> memref<8x125xi32, #tpu.memory_space<hbm>>
        tpu.wait_dma2 semaphore(%run_scoped3A_211 : memref<!tpu.dma_semaphore, #tpu.memory_space<semaphore_mem>>) src(%dma_wait3A_223 : memref<8x125xi32, #tpu.memory_space<hbm>>) dst(%arg10 : memref<8x125xi32, #tpu.memory_space<vmem>>)
        tpu.yield
      }) : () -> ()
      %mul3A_198 = arith.constant 8 : i32
      %mul3A_199 = arith.muli %add3A_184, %mul3A_198 : i32
      "tpu.region"() ({
        %run_scoped3A_211 = tpu.sem_alloc : memref<!tpu.dma_semaphore, #tpu.memory_space<semaphore_mem>>
        %dma_start3A_212 = arith.constant 0 : i32
        %dma_start3A_213 = tpu.memref_slice %arg4[%arg1, %mul3A_199, %dma_start3A_212] : memref<16x80x125xi32, #tpu.memory_space<hbm>> -> memref<1x8x125xi32, #tpu.memory_space<hbm>>
        %dma_start3A_214 = tpu.memref_squeeze %dma_start3A_213 : memref<1x8x125xi32, #tpu.memory_space<hbm>> -> memref<8x125xi32, #tpu.memory_space<hbm>>
        %dma_start3A_215 = arith.constant 0 : i32
        %dma_start3A_216 = tpu.memref_slice %arg4[%arg1, %mul3A_199, %dma_start3A_215] : memref<16x80x125xi32, #tpu.memory_space<hbm>> -> memref<1x8x125xi32, #tpu.memory_space<hbm>>
        %dma_start3A_217 = tpu.memref_squeeze %dma_start3A_216 : memref<1x8x125xi32, #tpu.memory_space<hbm>> -> memref<8x125xi32, #tpu.memory_space<hbm>>
        tpu.enqueue_dma source(%dma_start3A_217 : memref<8x125xi32, #tpu.memory_space<hbm>>) target(%arg12 : memref<8x125xi32, #tpu.memory_space<vmem>>) target_semaphore(%run_scoped3A_211 : memref<!tpu.dma_semaphore, #tpu.memory_space<semaphore_mem>>)
        %dma_wait3A_218 = arith.constant 0 : i32
        %dma_wait3A_219 = tpu.memref_slice %arg4[%arg1, %mul3A_199, %dma_wait3A_218] : memref<16x80x125xi32, #tpu.memory_space<hbm>> -> memref<1x8x125xi32, #tpu.memory_space<hbm>>
        %dma_wait3A_220 = tpu.memref_squeeze %dma_wait3A_219 : memref<1x8x125xi32, #tpu.memory_space<hbm>> -> memref<8x125xi32, #tpu.memory_space<hbm>>
        %dma_wait3A_221 = arith.constant 0 : i32
        %dma_wait3A_222 = tpu.memref_slice %arg4[%arg1, %mul3A_199, %dma_wait3A_221] : memref<16x80x125xi32, #tpu.memory_space<hbm>> -> memref<1x8x125xi32, #tpu.memory_space<hbm>>
        %dma_wait3A_223 = tpu.memref_squeeze %dma_wait3A_222 : memref<1x8x125xi32, #tpu.memory_space<hbm>> -> memref<8x125xi32, #tpu.memory_space<hbm>>
        tpu.wait_dma2 semaphore(%run_scoped3A_211 : memref<!tpu.dma_semaphore, #tpu.memory_space<semaphore_mem>>) src(%dma_wait3A_223 : memref<8x125xi32, #tpu.memory_space<hbm>>) dst(%arg12 : memref<8x125xi32, #tpu.memory_space<vmem>>)
        tpu.yield
      }) : () -> ()
      %convert_element_type3A_200 = arith.extui %select_n3A_195 : i1 to i32
      %cond3A_201 = arith.constant 0 : i32
      %cond3A_202 = arith.cmpi ne, %convert_element_type3A_200, %cond3A_201 : i32
      scf.if %cond3A_202 {
        %scan3A_211 = arith.constant 0 : i32
        %scan3A_212 = arith.constant 8 : i32
        %scan3A_213 = arith.addi %scan3A_211, %scan3A_212 : i32
        %scan3A_214 = arith.constant 1 : i32
        scf.for %scan3A_216 = %scan3A_211 to %scan3A_213 step %scan3A_214  : i32 {
          %mul3A_217 = arith.constant 1 : i32
          %mul3A_218 = arith.muli %scan3A_216, %mul3A_217 : i32
          %add3A_219 = arith.constant 0 : i32
          %add3A_220 = arith.addi %add3A_219, %mul3A_218 : i32
          %dma_start3A_221 = arith.constant 0 : i32
          %dma_start3A_222 = arith.constant 0 : i32
          %dma_start3A_223 = tpu.memref_slice %arg16[%dma_start3A_221, %dma_start3A_222] : memref<128x8xf32, #tpu.memory_space<vmem>> -> memref<125x8xf32, #tpu.memory_space<vmem>>
          %dma_start3A_224 = arith.constant 0 : i32
          %dma_start3A_225 = tpu.memref_slice %arg12[%add3A_220, %dma_start3A_224] : memref<8x125xi32, #tpu.memory_space<vmem>> -> memref<1x125xi32, #tpu.memory_space<vmem>>
          %dma_start3A_226 = tpu.memref_squeeze %dma_start3A_225 : memref<1x125xi32, #tpu.memory_space<vmem>> -> memref<125xi32, #tpu.memory_space<vmem>>
          %dma_start3A_227 = arith.constant 0 : i32
          %dma_start3A_228 = arith.constant 0 : i32
          %dma_start3A_229 = tpu.memref_slice %arg25[%dma_start3A_227, %dma_start3A_228] : memref<10240x8xf32, #tpu.memory_space<vmem_shared>> -> memref<10240x8xf32, #tpu.memory_space<vmem_shared>>
          tpu.enqueue_indirect_dma source(%dma_start3A_223 : memref<125x8xf32, #tpu.memory_space<vmem>>) target(%dma_start3A_229 : memref<10240x8xf32, #tpu.memory_space<vmem_shared>>) offsets(%dma_start3A_226 : memref<125xi32, #tpu.memory_space<vmem>>) semaphore(%arg22 : memref<!tpu.dma_semaphore, #tpu.memory_space<semaphore_mem>>) {add = true}
        }
        %scan3A_215 = arith.constant 8 : i32
      } else {
      }
      %scan3A_203 = arith.constant 0 : i32
      %scan3A_204 = arith.constant 4 : i32
      %scan3A_205 = arith.addi %scan3A_203, %scan3A_204 : i32
      %scan3A_206 = arith.constant 1 : i32
      scf.for %scan3A_211 = %scan3A_203 to %scan3A_205 step %scan3A_206  : i32 {
        %mul3A_212 = arith.constant 2 : i32
        %mul3A_213 = arith.muli %scan3A_211, %mul3A_212 : i32
        %add3A_214 = arith.constant 0 : i32
        %add3A_215 = arith.addi %add3A_214, %mul3A_213 : i32
        %add3A_216 = arith.constant 0 : i32
        %add3A_217 = arith.addi %add3A_215, %add3A_216 : i32
        %add3A_218 = arith.constant 1 : i32
        %add3A_219 = arith.addi %add3A_160, %add3A_218 : i32
        %mul3A_220 = arith.constant 8 : i32
        %mul3A_221 = arith.muli %add3A_219, %mul3A_220 : i32
        %add3A_222 = arith.addi %mul3A_221, %add3A_215 : i32
        %gt3A = arith.constant 0 : i32
        %gt3A_223 = arith.cmpi sgt, %add3A_222, %gt3A : i32
        %convert_element_type3A_224 = arith.extui %gt3A_223 : i1 to i32
        %cond3A_225 = arith.constant 0 : i32
        %cond3A_226 = arith.cmpi ne, %convert_element_type3A_224, %cond3A_225 : i32
        scf.if %cond3A_226 {
          %dma_wait3A_299 = arith.constant 0 : i32
          %dma_wait3A_300 = arith.constant 0 : i32
          %dma_wait3A_301 = tpu.memref_slice %arg13[%dma_wait3A_299, %dma_wait3A_300] : memref<128x64xf32, #tpu.memory_space<vmem>> -> memref<125x64xf32, #tpu.memory_space<vmem>>
          %dma_wait3A_302 = arith.constant 0 : i32
          %dma_wait3A_303 = tpu.memref_slice %arg24[%mul3A_0, %dma_wait3A_302] : memref<10240x64xf32, #tpu.memory_space<vmem_shared>> -> memref<125x64xf32, #tpu.memory_space<vmem_shared>>
          %dma_wait3A_304 = arith.constant 0 : i32
          %dma_wait3A_305 = tpu.memref_slice %arg24[%mul3A_0, %dma_wait3A_304] : memref<10240x64xf32, #tpu.memory_space<vmem_shared>> -> memref<125x64xf32, #tpu.memory_space<vmem_shared>>
          %dma_wait3A_306 = arith.constant 0 : i32
          %dma_wait3A_307 = arith.constant 0 : i32
          %dma_wait3A_308 = tpu.memref_slice %arg13[%dma_wait3A_306, %dma_wait3A_307] : memref<128x64xf32, #tpu.memory_space<vmem>> -> memref<125x64xf32, #tpu.memory_space<vmem>>
          tpu.wait_dma2 semaphore(%arg20 : memref<!tpu.dma_semaphore, #tpu.memory_space<semaphore_mem>>) src(%dma_wait3A_308 : memref<125x64xf32, #tpu.memory_space<vmem>>) dst(%dma_wait3A_305 : memref<125x64xf32, #tpu.memory_space<vmem_shared>>)
        } else {
        }
        %dma_start3A_227 = arith.constant 0 : i32
        %dma_start3A_228 = arith.constant 0 : i32
        %dma_start3A_229 = tpu.memref_slice %arg13[%dma_start3A_227, %dma_start3A_228] : memref<128x64xf32, #tpu.memory_space<vmem>> -> memref<125x64xf32, #tpu.memory_space<vmem>>
        %dma_start3A_230 = arith.constant 0 : i32
        %dma_start3A_231 = tpu.memref_slice %arg10[%add3A_217, %dma_start3A_230] : memref<8x125xi32, #tpu.memory_space<vmem>> -> memref<1x125xi32, #tpu.memory_space<vmem>>
        %dma_start3A_232 = tpu.memref_squeeze %dma_start3A_231 : memref<1x125xi32, #tpu.memory_space<vmem>> -> memref<125xi32, #tpu.memory_space<vmem>>
        %dma_start3A_233 = arith.constant 0 : i32
        %dma_start3A_234 = arith.constant 0 : i32
        %dma_start3A_235 = tpu.memref_slice %arg23[%dma_start3A_233, %dma_start3A_234] : memref<10240x64xf32, #tpu.memory_space<vmem_shared>> -> memref<10240x64xf32, #tpu.memory_space<vmem_shared>>
        tpu.enqueue_indirect_dma source(%dma_start3A_235 : memref<10240x64xf32, #tpu.memory_space<vmem_shared>>) target(%dma_start3A_229 : memref<125x64xf32, #tpu.memory_space<vmem>>) offsets(%dma_start3A_232 : memref<125xi32, #tpu.memory_space<vmem>>) semaphore(%arg18 : memref<!tpu.dma_semaphore, #tpu.memory_space<semaphore_mem>>)
        %dma_wait3A_236 = arith.constant 0 : i32
        %dma_wait3A_237 = arith.constant 0 : i32
        %dma_wait3A_238 = tpu.memref_slice %arg13[%dma_wait3A_236, %dma_wait3A_237] : memref<128x64xf32, #tpu.memory_space<vmem>> -> memref<125x64xf32, #tpu.memory_space<vmem>>
        %dma_wait3A_239 = arith.constant 0 : i32
        %dma_wait3A_240 = arith.constant 0 : i32
        %dma_wait3A_241 = tpu.memref_slice %arg23[%dma_wait3A_239, %dma_wait3A_240] : memref<10240x64xf32, #tpu.memory_space<vmem_shared>> -> memref<125x64xf32, #tpu.memory_space<vmem_shared>>
        %dma_wait3A_242 = arith.constant 0 : i32
        %dma_wait3A_243 = arith.constant 0 : i32
        %dma_wait3A_244 = tpu.memref_slice %arg13[%dma_wait3A_242, %dma_wait3A_243] : memref<128x64xf32, #tpu.memory_space<vmem>> -> memref<125x64xf32, #tpu.memory_space<vmem>>
        %dma_wait3A_245 = arith.constant 0 : i32
        %dma_wait3A_246 = arith.constant 0 : i32
        %dma_wait3A_247 = tpu.memref_slice %arg23[%dma_wait3A_245, %dma_wait3A_246] : memref<10240x64xf32, #tpu.memory_space<vmem_shared>> -> memref<125x64xf32, #tpu.memory_space<vmem_shared>>
        tpu.wait_dma2 semaphore(%arg18 : memref<!tpu.dma_semaphore, #tpu.memory_space<semaphore_mem>>) src(%dma_wait3A_247 : memref<125x64xf32, #tpu.memory_space<vmem_shared>>) dst(%dma_wait3A_244 : memref<125x64xf32, #tpu.memory_space<vmem>>)
        %dma_start3A_248 = arith.constant 0 : i32
        %dma_start3A_249 = arith.constant 0 : i32
        %dma_start3A_250 = tpu.memref_slice %arg13[%dma_start3A_248, %dma_start3A_249] : memref<128x64xf32, #tpu.memory_space<vmem>> -> memref<125x64xf32, #tpu.memory_space<vmem>>
        %dma_start3A_251 = arith.constant 0 : i32
        %dma_start3A_252 = tpu.memref_slice %arg12[%add3A_217, %dma_start3A_251] : memref<8x125xi32, #tpu.memory_space<vmem>> -> memref<1x125xi32, #tpu.memory_space<vmem>>
        %dma_start3A_253 = tpu.memref_squeeze %dma_start3A_252 : memref<1x125xi32, #tpu.memory_space<vmem>> -> memref<125xi32, #tpu.memory_space<vmem>>
        %dma_start3A_254 = arith.constant 0 : i32
        %dma_start3A_255 = arith.constant 0 : i32
        %dma_start3A_256 = tpu.memref_slice %arg24[%dma_start3A_254, %dma_start3A_255] : memref<10240x64xf32, #tpu.memory_space<vmem_shared>> -> memref<10240x64xf32, #tpu.memory_space<vmem_shared>>
        tpu.enqueue_indirect_dma source(%dma_start3A_250 : memref<125x64xf32, #tpu.memory_space<vmem>>) target(%dma_start3A_256 : memref<10240x64xf32, #tpu.memory_space<vmem_shared>>) offsets(%dma_start3A_253 : memref<125xi32, #tpu.memory_space<vmem>>) semaphore(%arg20 : memref<!tpu.dma_semaphore, #tpu.memory_space<semaphore_mem>>) {add = true}
        %add3A_257 = arith.constant 1 : i32
        %add3A_258 = arith.addi %add3A_215, %add3A_257 : i32
        %add3A_259 = arith.constant 1 : i32
        %add3A_260 = arith.addi %add3A_160, %add3A_259 : i32
        %mul3A_261 = arith.constant 8 : i32
        %mul3A_262 = arith.muli %add3A_260, %mul3A_261 : i32
        %add3A_263 = arith.addi %mul3A_262, %add3A_215 : i32
        %gt3A_264 = arith.constant 0 : i32
        %gt3A_265 = arith.cmpi sgt, %add3A_263, %gt3A_264 : i32
        %convert_element_type3A_266 = arith.extui %gt3A_265 : i1 to i32
        %cond3A_267 = arith.constant 0 : i32
        %cond3A_268 = arith.cmpi ne, %convert_element_type3A_266, %cond3A_267 : i32
        scf.if %cond3A_268 {
          %dma_wait3A_299 = arith.constant 0 : i32
          %dma_wait3A_300 = arith.constant 0 : i32
          %dma_wait3A_301 = tpu.memref_slice %arg14[%dma_wait3A_299, %dma_wait3A_300] : memref<128x64xf32, #tpu.memory_space<vmem>> -> memref<125x64xf32, #tpu.memory_space<vmem>>
          %dma_wait3A_302 = arith.constant 0 : i32
          %dma_wait3A_303 = tpu.memref_slice %arg24[%mul3A_0, %dma_wait3A_302] : memref<10240x64xf32, #tpu.memory_space<vmem_shared>> -> memref<125x64xf32, #tpu.memory_space<vmem_shared>>
          %dma_wait3A_304 = arith.constant 0 : i32
          %dma_wait3A_305 = tpu.memref_slice %arg24[%mul3A_0, %dma_wait3A_304] : memref<10240x64xf32, #tpu.memory_space<vmem_shared>> -> memref<125x64xf32, #tpu.memory_space<vmem_shared>>
          %dma_wait3A_306 = arith.constant 0 : i32
          %dma_wait3A_307 = arith.constant 0 : i32
          %dma_wait3A_308 = tpu.memref_slice %arg14[%dma_wait3A_306, %dma_wait3A_307] : memref<128x64xf32, #tpu.memory_space<vmem>> -> memref<125x64xf32, #tpu.memory_space<vmem>>
          tpu.wait_dma2 semaphore(%arg21 : memref<!tpu.dma_semaphore, #tpu.memory_space<semaphore_mem>>) src(%dma_wait3A_308 : memref<125x64xf32, #tpu.memory_space<vmem>>) dst(%dma_wait3A_305 : memref<125x64xf32, #tpu.memory_space<vmem_shared>>)
        } else {
        }
        %dma_start3A_269 = arith.constant 0 : i32
        %dma_start3A_270 = arith.constant 0 : i32
        %dma_start3A_271 = tpu.memref_slice %arg14[%dma_start3A_269, %dma_start3A_270] : memref<128x64xf32, #tpu.memory_space<vmem>> -> memref<125x64xf32, #tpu.memory_space<vmem>>
        %dma_start3A_272 = arith.constant 0 : i32
        %dma_start3A_273 = tpu.memref_slice %arg10[%add3A_258, %dma_start3A_272] : memref<8x125xi32, #tpu.memory_space<vmem>> -> memref<1x125xi32, #tpu.memory_space<vmem>>
        %dma_start3A_274 = tpu.memref_squeeze %dma_start3A_273 : memref<1x125xi32, #tpu.memory_space<vmem>> -> memref<125xi32, #tpu.memory_space<vmem>>
        %dma_start3A_275 = arith.constant 0 : i32
        %dma_start3A_276 = arith.constant 0 : i32
        %dma_start3A_277 = tpu.memref_slice %arg23[%dma_start3A_275, %dma_start3A_276] : memref<10240x64xf32, #tpu.memory_space<vmem_shared>> -> memref<10240x64xf32, #tpu.memory_space<vmem_shared>>
        tpu.enqueue_indirect_dma source(%dma_start3A_277 : memref<10240x64xf32, #tpu.memory_space<vmem_shared>>) target(%dma_start3A_271 : memref<125x64xf32, #tpu.memory_space<vmem>>) offsets(%dma_start3A_274 : memref<125xi32, #tpu.memory_space<vmem>>) semaphore(%arg19 : memref<!tpu.dma_semaphore, #tpu.memory_space<semaphore_mem>>)
        %dma_wait3A_278 = arith.constant 0 : i32
        %dma_wait3A_279 = arith.constant 0 : i32
        %dma_wait3A_280 = tpu.memref_slice %arg14[%dma_wait3A_278, %dma_wait3A_279] : memref<128x64xf32, #tpu.memory_space<vmem>> -> memref<125x64xf32, #tpu.memory_space<vmem>>
        %dma_wait3A_281 = arith.constant 0 : i32
        %dma_wait3A_282 = arith.constant 0 : i32
        %dma_wait3A_283 = tpu.memref_slice %arg23[%dma_wait3A_281, %dma_wait3A_282] : memref<10240x64xf32, #tpu.memory_space<vmem_shared>> -> memref<125x64xf32, #tpu.memory_space<vmem_shared>>
        %dma_wait3A_284 = arith.constant 0 : i32
        %dma_wait3A_285 = arith.constant 0 : i32
        %dma_wait3A_286 = tpu.memref_slice %arg14[%dma_wait3A_284, %dma_wait3A_285] : memref<128x64xf32, #tpu.memory_space<vmem>> -> memref<125x64xf32, #tpu.memory_space<vmem>>
        %dma_wait3A_287 = arith.constant 0 : i32
        %dma_wait3A_288 = arith.constant 0 : i32
        %dma_wait3A_289 = tpu.memref_slice %arg23[%dma_wait3A_287, %dma_wait3A_288] : memref<10240x64xf32, #tpu.memory_space<vmem_shared>> -> memref<125x64xf32, #tpu.memory_space<vmem_shared>>
        tpu.wait_dma2 semaphore(%arg19 : memref<!tpu.dma_semaphore, #tpu.memory_space<semaphore_mem>>) src(%dma_wait3A_289 : memref<125x64xf32, #tpu.memory_space<vmem_shared>>) dst(%dma_wait3A_286 : memref<125x64xf32, #tpu.memory_space<vmem>>)
        %dma_start3A_290 = arith.constant 0 : i32
        %dma_start3A_291 = arith.constant 0 : i32
        %dma_start3A_292 = tpu.memref_slice %arg14[%dma_start3A_290, %dma_start3A_291] : memref<128x64xf32, #tpu.memory_space<vmem>> -> memref<125x64xf32, #tpu.memory_space<vmem>>
        %dma_start3A_293 = arith.constant 0 : i32
        %dma_start3A_294 = tpu.memref_slice %arg12[%add3A_258, %dma_start3A_293] : memref<8x125xi32, #tpu.memory_space<vmem>> -> memref<1x125xi32, #tpu.memory_space<vmem>>
        %dma_start3A_295 = tpu.memref_squeeze %dma_start3A_294 : memref<1x125xi32, #tpu.memory_space<vmem>> -> memref<125xi32, #tpu.memory_space<vmem>>
        %dma_start3A_296 = arith.constant 0 : i32
        %dma_start3A_297 = arith.constant 0 : i32
        %dma_start3A_298 = tpu.memref_slice %arg24[%dma_start3A_296, %dma_start3A_297] : memref<10240x64xf32, #tpu.memory_space<vmem_shared>> -> memref<10240x64xf32, #tpu.memory_space<vmem_shared>>
        tpu.enqueue_indirect_dma source(%dma_start3A_292 : memref<125x64xf32, #tpu.memory_space<vmem>>) target(%dma_start3A_298 : memref<10240x64xf32, #tpu.memory_space<vmem_shared>>) offsets(%dma_start3A_295 : memref<125xi32, #tpu.memory_space<vmem>>) semaphore(%arg21 : memref<!tpu.dma_semaphore, #tpu.memory_space<semaphore_mem>>) {add = true}
      }
      %scan3A_207 = arith.constant 4 : i32
      %convert_element_type3A_208 = arith.extui %select_n3A_195 : i1 to i32
      %cond3A_209 = arith.constant 0 : i32
      %cond3A_210 = arith.cmpi ne, %convert_element_type3A_208, %cond3A_209 : i32
      scf.if %cond3A_210 {
        %scan3A_211 = arith.constant 0 : i32
        %scan3A_212 = arith.constant 8 : i32
        %scan3A_213 = arith.addi %scan3A_211, %scan3A_212 : i32
        %scan3A_214 = arith.constant 1 : i32
        scf.for %scan3A_216 = %scan3A_211 to %scan3A_213 step %scan3A_214  : i32 {
          %mul3A_217 = arith.constant 1 : i32
          %mul3A_218 = arith.muli %scan3A_216, %mul3A_217 : i32
          %add3A_219 = arith.constant 0 : i32
          %add3A_220 = arith.addi %add3A_219, %mul3A_218 : i32
          %dma_wait3A_221 = arith.constant 0 : i32
          %dma_wait3A_222 = arith.constant 0 : i32
          %dma_wait3A_223 = tpu.memref_slice %arg16[%dma_wait3A_221, %dma_wait3A_222] : memref<128x8xf32, #tpu.memory_space<vmem>> -> memref<125x8xf32, #tpu.memory_space<vmem>>
          %dma_wait3A_224 = arith.constant 0 : i32
          %dma_wait3A_225 = tpu.memref_slice %arg25[%mul3A_0, %dma_wait3A_224] : memref<10240x8xf32, #tpu.memory_space<vmem_shared>> -> memref<125x8xf32, #tpu.memory_space<vmem_shared>>
          %dma_wait3A_226 = arith.constant 0 : i32
          %dma_wait3A_227 = tpu.memref_slice %arg25[%mul3A_0, %dma_wait3A_226] : memref<10240x8xf32, #tpu.memory_space<vmem_shared>> -> memref<125x8xf32, #tpu.memory_space<vmem_shared>>
          %dma_wait3A_228 = arith.constant 0 : i32
          %dma_wait3A_229 = arith.constant 0 : i32
          %dma_wait3A_230 = tpu.memref_slice %arg16[%dma_wait3A_228, %dma_wait3A_229] : memref<128x8xf32, #tpu.memory_space<vmem>> -> memref<125x8xf32, #tpu.memory_space<vmem>>
          tpu.wait_dma2 semaphore(%arg22 : memref<!tpu.dma_semaphore, #tpu.memory_space<semaphore_mem>>) src(%dma_wait3A_230 : memref<125x8xf32, #tpu.memory_space<vmem>>) dst(%dma_wait3A_227 : memref<125x8xf32, #tpu.memory_space<vmem_shared>>)
        }
        %scan3A_215 = arith.constant 8 : i32
      } else {
      }
    }
    %scan3A_23 = arith.constant 5 : i32
    %dma_wait3A = arith.constant 0 : i32
    %dma_wait3A_24 = arith.constant 0 : i32
    %dma_wait3A_25 = tpu.memref_slice %arg13[%dma_wait3A, %dma_wait3A_24] : memref<128x64xf32, #tpu.memory_space<vmem>> -> memref<125x64xf32, #tpu.memory_space<vmem>>
    %dma_wait3A_26 = arith.constant 0 : i32
    %dma_wait3A_27 = tpu.memref_slice %arg24[%mul3A_0, %dma_wait3A_26] : memref<10240x64xf32, #tpu.memory_space<vmem_shared>> -> memref<125x64xf32, #tpu.memory_space<vmem_shared>>
    %dma_wait3A_28 = arith.constant 0 : i32
    %dma_wait3A_29 = tpu.memref_slice %arg24[%mul3A_0, %dma_wait3A_28] : memref<10240x64xf32, #tpu.memory_space<vmem_shared>> -> memref<125x64xf32, #tpu.memory_space<vmem_shared>>
    %dma_wait3A_30 = arith.constant 0 : i32
    %dma_wait3A_31 = arith.constant 0 : i32
    %dma_wait3A_32 = tpu.memref_slice %arg13[%dma_wait3A_30, %dma_wait3A_31] : memref<128x64xf32, #tpu.memory_space<vmem>> -> memref<125x64xf32, #tpu.memory_space<vmem>>
    tpu.wait_dma2 semaphore(%arg20 : memref<!tpu.dma_semaphore, #tpu.memory_space<semaphore_mem>>) src(%dma_wait3A_32 : memref<125x64xf32, #tpu.memory_space<vmem>>) dst(%dma_wait3A_29 : memref<125x64xf32, #tpu.memory_space<vmem_shared>>)
    %dma_wait3A_33 = arith.constant 0 : i32
    %dma_wait3A_34 = arith.constant 0 : i32
    %dma_wait3A_35 = tpu.memref_slice %arg14[%dma_wait3A_33, %dma_wait3A_34] : memref<128x64xf32, #tpu.memory_space<vmem>> -> memref<125x64xf32, #tpu.memory_space<vmem>>
    %dma_wait3A_36 = arith.constant 0 : i32
    %dma_wait3A_37 = tpu.memref_slice %arg24[%mul3A_0, %dma_wait3A_36] : memref<10240x64xf32, #tpu.memory_space<vmem_shared>> -> memref<125x64xf32, #tpu.memory_space<vmem_shared>>
    %dma_wait3A_38 = arith.constant 0 : i32
    %dma_wait3A_39 = tpu.memref_slice %arg24[%mul3A_0, %dma_wait3A_38] : memref<10240x64xf32, #tpu.memory_space<vmem_shared>> -> memref<125x64xf32, #tpu.memory_space<vmem_shared>>
    %dma_wait3A_40 = arith.constant 0 : i32
    %dma_wait3A_41 = arith.constant 0 : i32
    %dma_wait3A_42 = tpu.memref_slice %arg14[%dma_wait3A_40, %dma_wait3A_41] : memref<128x64xf32, #tpu.memory_space<vmem>> -> memref<125x64xf32, #tpu.memory_space<vmem>>
    tpu.wait_dma2 semaphore(%arg21 : memref<!tpu.dma_semaphore, #tpu.memory_space<semaphore_mem>>) src(%dma_wait3A_42 : memref<125x64xf32, #tpu.memory_space<vmem>>) dst(%dma_wait3A_39 : memref<125x64xf32, #tpu.memory_space<vmem_shared>>)
    %barrier3A_43 = arith.constant 0 : index
    tpu.barrier barrier_id(%barrier3A_43)
    %scan3A_44 = arith.constant 0 : i32
    %scan3A_45 = arith.constant 2 : i32
    %scan3A_46 = arith.addi %scan3A_44, %scan3A_45 : i32
    %scan3A_47 = arith.constant 1 : i32
    scf.for %scan3A_156 = %scan3A_44 to %scan3A_46 step %scan3A_47  : i32 {
      %mul3A_157 = arith.constant 2 : i32
      %mul3A_158 = arith.muli %scan3A_156, %mul3A_157 : i32
      %add3A_159 = arith.constant 0 : i32
      %add3A_160 = arith.addi %add3A_159, %mul3A_158 : i32
      %add3A_161 = arith.constant 0 : i32
      %add3A_162 = arith.addi %add3A_160, %add3A_161 : i32
      %gt3A = arith.constant 0 : i32
      %gt3A_163 = arith.cmpi sgt, %add3A_160, %gt3A : i32
      %convert_element_type3A = arith.extui %gt3A_163 : i1 to i32
      %cond3A = arith.constant 0 : i32
      %cond3A_164 = arith.cmpi ne, %convert_element_type3A, %cond3A : i32
      scf.if %cond3A_164 {
        %dma_wait3A_190 = arith.constant 0 : i32
        %dma_wait3A_191 = tpu.memref_slice %arg7[%add3A_4, %mul3A_0, %dma_wait3A_190] : memref<4x10240x64xf32, #tpu.memory_space<hbm>> -> memref<1x128x64xf32, #tpu.memory_space<hbm>>
        %dma_wait3A_192 = tpu.memref_squeeze %dma_wait3A_191 : memref<1x128x64xf32, #tpu.memory_space<hbm>> -> memref<128x64xf32, #tpu.memory_space<hbm>>
        %dma_wait3A_193 = arith.constant 0 : i32
        %dma_wait3A_194 = tpu.memref_slice %arg7[%add3A_4, %mul3A_0, %dma_wait3A_193] : memref<4x10240x64xf32, #tpu.memory_space<hbm>> -> memref<1x128x64xf32, #tpu.memory_space<hbm>>
        %dma_wait3A_195 = tpu.memref_squeeze %dma_wait3A_194 : memref<1x128x64xf32, #tpu.memory_space<hbm>> -> memref<128x64xf32, #tpu.memory_space<hbm>>
        tpu.wait_dma2 semaphore(%arg20 : memref<!tpu.dma_semaphore, #tpu.memory_space<semaphore_mem>>) src(%arg13 : memref<128x64xf32, #tpu.memory_space<vmem>>) dst(%dma_wait3A_195 : memref<128x64xf32, #tpu.memory_space<hbm>>)
      } else {
      }
      %mul3A_165 = arith.constant 128 : i32
      %mul3A_166 = arith.muli %add3A_162, %mul3A_165 : i32
      %add3A_167 = arith.addi %mul3A_0, %mul3A_166 : i32
      "tpu.region"() ({
        %run_scoped3A_190 = tpu.sem_alloc : memref<!tpu.dma_semaphore, #tpu.memory_space<semaphore_mem>>
        %dma_start3A_191 = arith.constant 0 : i32
        %dma_start3A_192 = tpu.memref_slice %arg24[%add3A_167, %dma_start3A_191] : memref<10240x64xf32, #tpu.memory_space<vmem_shared>> -> memref<128x64xf32, #tpu.memory_space<vmem_shared>>
        %dma_start3A_193 = arith.constant 0 : i32
        %dma_start3A_194 = tpu.memref_slice %arg24[%add3A_167, %dma_start3A_193] : memref<10240x64xf32, #tpu.memory_space<vmem_shared>> -> memref<128x64xf32, #tpu.memory_space<vmem_shared>>
        tpu.enqueue_dma source(%dma_start3A_194 : memref<128x64xf32, #tpu.memory_space<vmem_shared>>) target(%arg13 : memref<128x64xf32, #tpu.memory_space<vmem>>) target_semaphore(%run_scoped3A_190 : memref<!tpu.dma_semaphore, #tpu.memory_space<semaphore_mem>>)
        %dma_wait3A_195 = arith.constant 0 : i32
        %dma_wait3A_196 = tpu.memref_slice %arg24[%add3A_167, %dma_wait3A_195] : memref<10240x64xf32, #tpu.memory_space<vmem_shared>> -> memref<128x64xf32, #tpu.memory_space<vmem_shared>>
        %dma_wait3A_197 = arith.constant 0 : i32
        %dma_wait3A_198 = tpu.memref_slice %arg24[%add3A_167, %dma_wait3A_197] : memref<10240x64xf32, #tpu.memory_space<vmem_shared>> -> memref<128x64xf32, #tpu.memory_space<vmem_shared>>
        tpu.wait_dma2 semaphore(%run_scoped3A_190 : memref<!tpu.dma_semaphore, #tpu.memory_space<semaphore_mem>>) src(%dma_wait3A_198 : memref<128x64xf32, #tpu.memory_space<vmem_shared>>) dst(%arg13 : memref<128x64xf32, #tpu.memory_space<vmem>>)
        tpu.yield
      }) : () -> ()
      %dma_start3A_168 = arith.constant 0 : i32
      %dma_start3A_169 = tpu.memref_slice %arg7[%add3A_4, %add3A_167, %dma_start3A_168] : memref<4x10240x64xf32, #tpu.memory_space<hbm>> -> memref<1x128x64xf32, #tpu.memory_space<hbm>>
      %dma_start3A_170 = tpu.memref_squeeze %dma_start3A_169 : memref<1x128x64xf32, #tpu.memory_space<hbm>> -> memref<128x64xf32, #tpu.memory_space<hbm>>
      %dma_start3A_171 = arith.constant 0 : i32
      %dma_start3A_172 = tpu.memref_slice %arg7[%add3A_4, %add3A_167, %dma_start3A_171] : memref<4x10240x64xf32, #tpu.memory_space<hbm>> -> memref<1x128x64xf32, #tpu.memory_space<hbm>>
      %dma_start3A_173 = tpu.memref_squeeze %dma_start3A_172 : memref<1x128x64xf32, #tpu.memory_space<hbm>> -> memref<128x64xf32, #tpu.memory_space<hbm>>
      tpu.enqueue_dma source(%arg13 : memref<128x64xf32, #tpu.memory_space<vmem>>) target(%dma_start3A_173 : memref<128x64xf32, #tpu.memory_space<hbm>>) target_semaphore(%arg20 : memref<!tpu.dma_semaphore, #tpu.memory_space<semaphore_mem>>)
      %add3A_174 = arith.constant 1 : i32
      %add3A_175 = arith.addi %add3A_160, %add3A_174 : i32
      %gt3A_176 = arith.constant 0 : i32
      %gt3A_177 = arith.cmpi sgt, %add3A_160, %gt3A_176 : i32
      %convert_element_type3A_178 = arith.extui %gt3A_177 : i1 to i32
      %cond3A_179 = arith.constant 0 : i32
      %cond3A_180 = arith.cmpi ne, %convert_element_type3A_178, %cond3A_179 : i32
      scf.if %cond3A_180 {
        %dma_wait3A_190 = arith.constant 0 : i32
        %dma_wait3A_191 = tpu.memref_slice %arg7[%add3A_4, %mul3A_0, %dma_wait3A_190] : memref<4x10240x64xf32, #tpu.memory_space<hbm>> -> memref<1x128x64xf32, #tpu.memory_space<hbm>>
        %dma_wait3A_192 = tpu.memref_squeeze %dma_wait3A_191 : memref<1x128x64xf32, #tpu.memory_space<hbm>> -> memref<128x64xf32, #tpu.memory_space<hbm>>
        %dma_wait3A_193 = arith.constant 0 : i32
        %dma_wait3A_194 = tpu.memref_slice %arg7[%add3A_4, %mul3A_0, %dma_wait3A_193] : memref<4x10240x64xf32, #tpu.memory_space<hbm>> -> memref<1x128x64xf32, #tpu.memory_space<hbm>>
        %dma_wait3A_195 = tpu.memref_squeeze %dma_wait3A_194 : memref<1x128x64xf32, #tpu.memory_space<hbm>> -> memref<128x64xf32, #tpu.memory_space<hbm>>
        tpu.wait_dma2 semaphore(%arg21 : memref<!tpu.dma_semaphore, #tpu.memory_space<semaphore_mem>>) src(%arg14 : memref<128x64xf32, #tpu.memory_space<vmem>>) dst(%dma_wait3A_195 : memref<128x64xf32, #tpu.memory_space<hbm>>)
      } else {
      }
      %mul3A_181 = arith.constant 128 : i32
      %mul3A_182 = arith.muli %add3A_175, %mul3A_181 : i32
      %add3A_183 = arith.addi %mul3A_0, %mul3A_182 : i32
      "tpu.region"() ({
        %run_scoped3A_190 = tpu.sem_alloc : memref<!tpu.dma_semaphore, #tpu.memory_space<semaphore_mem>>
        %dma_start3A_191 = arith.constant 0 : i32
        %dma_start3A_192 = tpu.memref_slice %arg24[%add3A_183, %dma_start3A_191] : memref<10240x64xf32, #tpu.memory_space<vmem_shared>> -> memref<128x64xf32, #tpu.memory_space<vmem_shared>>
        %dma_start3A_193 = arith.constant 0 : i32
        %dma_start3A_194 = tpu.memref_slice %arg24[%add3A_183, %dma_start3A_193] : memref<10240x64xf32, #tpu.memory_space<vmem_shared>> -> memref<128x64xf32, #tpu.memory_space<vmem_shared>>
        tpu.enqueue_dma source(%dma_start3A_194 : memref<128x64xf32, #tpu.memory_space<vmem_shared>>) target(%arg14 : memref<128x64xf32, #tpu.memory_space<vmem>>) target_semaphore(%run_scoped3A_190 : memref<!tpu.dma_semaphore, #tpu.memory_space<semaphore_mem>>)
        %dma_wait3A_195 = arith.constant 0 : i32
        %dma_wait3A_196 = tpu.memref_slice %arg24[%add3A_183, %dma_wait3A_195] : memref<10240x64xf32, #tpu.memory_space<vmem_shared>> -> memref<128x64xf32, #tpu.memory_space<vmem_shared>>
        %dma_wait3A_197 = arith.constant 0 : i32
        %dma_wait3A_198 = tpu.memref_slice %arg24[%add3A_183, %dma_wait3A_197] : memref<10240x64xf32, #tpu.memory_space<vmem_shared>> -> memref<128x64xf32, #tpu.memory_space<vmem_shared>>
        tpu.wait_dma2 semaphore(%run_scoped3A_190 : memref<!tpu.dma_semaphore, #tpu.memory_space<semaphore_mem>>) src(%dma_wait3A_198 : memref<128x64xf32, #tpu.memory_space<vmem_shared>>) dst(%arg14 : memref<128x64xf32, #tpu.memory_space<vmem>>)
        tpu.yield
      }) : () -> ()
      %dma_start3A_184 = arith.constant 0 : i32
      %dma_start3A_185 = tpu.memref_slice %arg7[%add3A_4, %add3A_183, %dma_start3A_184] : memref<4x10240x64xf32, #tpu.memory_space<hbm>> -> memref<1x128x64xf32, #tpu.memory_space<hbm>>
      %dma_start3A_186 = tpu.memref_squeeze %dma_start3A_185 : memref<1x128x64xf32, #tpu.memory_space<hbm>> -> memref<128x64xf32, #tpu.memory_space<hbm>>
      %dma_start3A_187 = arith.constant 0 : i32
      %dma_start3A_188 = tpu.memref_slice %arg7[%add3A_4, %add3A_183, %dma_start3A_187] : memref<4x10240x64xf32, #tpu.memory_space<hbm>> -> memref<1x128x64xf32, #tpu.memory_space<hbm>>
      %dma_start3A_189 = tpu.memref_squeeze %dma_start3A_188 : memref<1x128x64xf32, #tpu.memory_space<hbm>> -> memref<128x64xf32, #tpu.memory_space<hbm>>
      tpu.enqueue_dma source(%arg14 : memref<128x64xf32, #tpu.memory_space<vmem>>) target(%dma_start3A_189 : memref<128x64xf32, #tpu.memory_space<hbm>>) target_semaphore(%arg21 : memref<!tpu.dma_semaphore, #tpu.memory_space<semaphore_mem>>)
    }
    %scan3A_48 = arith.constant 2 : i32
    %add3A_49 = arith.constant 512 : i32
    %add3A_50 = arith.addi %mul3A_0, %add3A_49 : i32
    %dma_wait3A_51 = arith.constant 0 : i32
    %dma_wait3A_52 = tpu.memref_slice %arg7[%add3A_4, %mul3A_0, %dma_wait3A_51] : memref<4x10240x64xf32, #tpu.memory_space<hbm>> -> memref<1x128x64xf32, #tpu.memory_space<hbm>>
    %dma_wait3A_53 = tpu.memref_squeeze %dma_wait3A_52 : memref<1x128x64xf32, #tpu.memory_space<hbm>> -> memref<128x64xf32, #tpu.memory_space<hbm>>
    %dma_wait3A_54 = arith.constant 0 : i32
    %dma_wait3A_55 = tpu.memref_slice %arg7[%add3A_4, %mul3A_0, %dma_wait3A_54] : memref<4x10240x64xf32, #tpu.memory_space<hbm>> -> memref<1x128x64xf32, #tpu.memory_space<hbm>>
    %dma_wait3A_56 = tpu.memref_squeeze %dma_wait3A_55 : memref<1x128x64xf32, #tpu.memory_space<hbm>> -> memref<128x64xf32, #tpu.memory_space<hbm>>
    tpu.wait_dma2 semaphore(%arg20 : memref<!tpu.dma_semaphore, #tpu.memory_space<semaphore_mem>>) src(%arg13 : memref<128x64xf32, #tpu.memory_space<vmem>>) dst(%dma_wait3A_56 : memref<128x64xf32, #tpu.memory_space<hbm>>)
    "tpu.region"() ({
      %run_scoped3A_156 = tpu.sem_alloc : memref<!tpu.dma_semaphore, #tpu.memory_space<semaphore_mem>>
      %dma_start3A_157 = arith.constant 0 : i32
      %dma_start3A_158 = tpu.memref_slice %arg24[%add3A_50, %dma_start3A_157] : memref<10240x64xf32, #tpu.memory_space<vmem_shared>> -> memref<128x64xf32, #tpu.memory_space<vmem_shared>>
      %dma_start3A_159 = arith.constant 0 : i32
      %dma_start3A_160 = tpu.memref_slice %arg24[%add3A_50, %dma_start3A_159] : memref<10240x64xf32, #tpu.memory_space<vmem_shared>> -> memref<128x64xf32, #tpu.memory_space<vmem_shared>>
      tpu.enqueue_dma source(%dma_start3A_160 : memref<128x64xf32, #tpu.memory_space<vmem_shared>>) target(%arg13 : memref<128x64xf32, #tpu.memory_space<vmem>>) target_semaphore(%run_scoped3A_156 : memref<!tpu.dma_semaphore, #tpu.memory_space<semaphore_mem>>)
      %dma_wait3A_161 = arith.constant 0 : i32
      %dma_wait3A_162 = tpu.memref_slice %arg24[%add3A_50, %dma_wait3A_161] : memref<10240x64xf32, #tpu.memory_space<vmem_shared>> -> memref<128x64xf32, #tpu.memory_space<vmem_shared>>
      %dma_wait3A_163 = arith.constant 0 : i32
      %dma_wait3A_164 = tpu.memref_slice %arg24[%add3A_50, %dma_wait3A_163] : memref<10240x64xf32, #tpu.memory_space<vmem_shared>> -> memref<128x64xf32, #tpu.memory_space<vmem_shared>>
      tpu.wait_dma2 semaphore(%run_scoped3A_156 : memref<!tpu.dma_semaphore, #tpu.memory_space<semaphore_mem>>) src(%dma_wait3A_164 : memref<128x64xf32, #tpu.memory_space<vmem_shared>>) dst(%arg13 : memref<128x64xf32, #tpu.memory_space<vmem>>)
      tpu.yield
    }) : () -> ()
    %dma_start3A = arith.constant 0 : i32
    %dma_start3A_57 = tpu.memref_slice %arg7[%add3A_4, %add3A_50, %dma_start3A] : memref<4x10240x64xf32, #tpu.memory_space<hbm>> -> memref<1x128x64xf32, #tpu.memory_space<hbm>>
    %dma_start3A_58 = tpu.memref_squeeze %dma_start3A_57 : memref<1x128x64xf32, #tpu.memory_space<hbm>> -> memref<128x64xf32, #tpu.memory_space<hbm>>
    %dma_start3A_59 = arith.constant 0 : i32
    %dma_start3A_60 = tpu.memref_slice %arg7[%add3A_4, %add3A_50, %dma_start3A_59] : memref<4x10240x64xf32, #tpu.memory_space<hbm>> -> memref<1x128x64xf32, #tpu.memory_space<hbm>>
    %dma_start3A_61 = tpu.memref_squeeze %dma_start3A_60 : memref<1x128x64xf32, #tpu.memory_space<hbm>> -> memref<128x64xf32, #tpu.memory_space<hbm>>
    tpu.enqueue_dma source(%arg13 : memref<128x64xf32, #tpu.memory_space<vmem>>) target(%dma_start3A_61 : memref<128x64xf32, #tpu.memory_space<hbm>>) target_semaphore(%arg20 : memref<!tpu.dma_semaphore, #tpu.memory_space<semaphore_mem>>)
    %dma_wait3A_62 = arith.constant 0 : i32
    %dma_wait3A_63 = tpu.memref_slice %arg7[%add3A_4, %mul3A_0, %dma_wait3A_62] : memref<4x10240x64xf32, #tpu.memory_space<hbm>> -> memref<1x128x64xf32, #tpu.memory_space<hbm>>
    %dma_wait3A_64 = tpu.memref_squeeze %dma_wait3A_63 : memref<1x128x64xf32, #tpu.memory_space<hbm>> -> memref<128x64xf32, #tpu.memory_space<hbm>>
    %dma_wait3A_65 = arith.constant 0 : i32
    %dma_wait3A_66 = tpu.memref_slice %arg7[%add3A_4, %mul3A_0, %dma_wait3A_65] : memref<4x10240x64xf32, #tpu.memory_space<hbm>> -> memref<1x128x64xf32, #tpu.memory_space<hbm>>
    %dma_wait3A_67 = tpu.memref_squeeze %dma_wait3A_66 : memref<1x128x64xf32, #tpu.memory_space<hbm>> -> memref<128x64xf32, #tpu.memory_space<hbm>>
    tpu.wait_dma2 semaphore(%arg20 : memref<!tpu.dma_semaphore, #tpu.memory_space<semaphore_mem>>) src(%arg13 : memref<128x64xf32, #tpu.memory_space<vmem>>) dst(%dma_wait3A_67 : memref<128x64xf32, #tpu.memory_space<hbm>>)
    %dma_wait3A_68 = arith.constant 0 : i32
    %dma_wait3A_69 = tpu.memref_slice %arg7[%add3A_4, %mul3A_0, %dma_wait3A_68] : memref<4x10240x64xf32, #tpu.memory_space<hbm>> -> memref<1x128x64xf32, #tpu.memory_space<hbm>>
    %dma_wait3A_70 = tpu.memref_squeeze %dma_wait3A_69 : memref<1x128x64xf32, #tpu.memory_space<hbm>> -> memref<128x64xf32, #tpu.memory_space<hbm>>
    %dma_wait3A_71 = arith.constant 0 : i32
    %dma_wait3A_72 = tpu.memref_slice %arg7[%add3A_4, %mul3A_0, %dma_wait3A_71] : memref<4x10240x64xf32, #tpu.memory_space<hbm>> -> memref<1x128x64xf32, #tpu.memory_space<hbm>>
    %dma_wait3A_73 = tpu.memref_squeeze %dma_wait3A_72 : memref<1x128x64xf32, #tpu.memory_space<hbm>> -> memref<128x64xf32, #tpu.memory_space<hbm>>
    tpu.wait_dma2 semaphore(%arg21 : memref<!tpu.dma_semaphore, #tpu.memory_space<semaphore_mem>>) src(%arg14 : memref<128x64xf32, #tpu.memory_space<vmem>>) dst(%dma_wait3A_73 : memref<128x64xf32, #tpu.memory_space<hbm>>)
    %mul3A_74 = arith.constant 2 : i32
    %mul3A_75 = arith.muli %mul3A_74, %arg0 : i32
    %add3A_76 = arith.constant 1 : i32
    %add3A_77 = arith.addi %mul3A_75, %add3A_76 : i32
    "tpu.region"() ({
      %run_scoped3A_156 = tpu.sem_alloc : memref<!tpu.dma_semaphore, #tpu.memory_space<semaphore_mem>>
      tpu.enqueue_dma source(%arg6 : memref<128x64xf32, #tpu.memory_space<hbm>>) target(%arg15 : memref<128x64xf32, #tpu.memory_space<vmem>>) target_semaphore(%run_scoped3A_156 : memref<!tpu.dma_semaphore, #tpu.memory_space<semaphore_mem>>)
      tpu.wait_dma2 semaphore(%run_scoped3A_156 : memref<!tpu.dma_semaphore, #tpu.memory_space<semaphore_mem>>) src(%arg6 : memref<128x64xf32, #tpu.memory_space<hbm>>) dst(%arg15 : memref<128x64xf32, #tpu.memory_space<vmem>>)
      tpu.yield
    }) : () -> ()
    %scan3A_78 = arith.constant 0 : i32
    %scan3A_79 = arith.constant 5 : i32
    %scan3A_80 = arith.addi %scan3A_78, %scan3A_79 : i32
    %scan3A_81 = arith.constant 1 : i32
    scf.for %scan3A_156 = %scan3A_78 to %scan3A_80 step %scan3A_81  : i32 {
      %mul3A_157 = arith.constant 1 : i32
      %mul3A_158 = arith.muli %scan3A_156, %mul3A_157 : i32
      %add3A_159 = arith.constant 0 : i32
      %add3A_160 = arith.addi %add3A_159, %mul3A_158 : i32
      %mul3A_161 = arith.constant 128 : i32
      %mul3A_162 = arith.muli %add3A_160, %mul3A_161 : i32
      %add3A_163 = arith.addi %mul3A_0, %mul3A_162 : i32
      %dma_start3A_164 = arith.constant 0 : i32
      %dma_start3A_165 = tpu.memref_slice %arg24[%add3A_163, %dma_start3A_164] : memref<10240x64xf32, #tpu.memory_space<vmem_shared>> -> memref<128x64xf32, #tpu.memory_space<vmem_shared>>
      %dma_start3A_166 = arith.constant 0 : i32
      %dma_start3A_167 = tpu.memref_slice %arg24[%add3A_163, %dma_start3A_166] : memref<10240x64xf32, #tpu.memory_space<vmem_shared>> -> memref<128x64xf32, #tpu.memory_space<vmem_shared>>
      tpu.enqueue_dma source(%arg15 : memref<128x64xf32, #tpu.memory_space<vmem>>) target(%dma_start3A_167 : memref<128x64xf32, #tpu.memory_space<vmem_shared>>) target_semaphore(%arg22 : memref<!tpu.dma_semaphore, #tpu.memory_space<semaphore_mem>>)
    }
    %scan3A_82 = arith.constant 5 : i32
    %scan3A_83 = arith.constant 0 : i32
    %scan3A_84 = arith.constant 5 : i32
    %scan3A_85 = arith.addi %scan3A_83, %scan3A_84 : i32
    %scan3A_86 = arith.constant 1 : i32
    scf.for %scan3A_156 = %scan3A_83 to %scan3A_85 step %scan3A_86  : i32 {
      %mul3A_157 = arith.constant 1 : i32
      %mul3A_158 = arith.muli %scan3A_156, %mul3A_157 : i32
      %add3A_159 = arith.constant 0 : i32
      %add3A_160 = arith.addi %add3A_159, %mul3A_158 : i32
      %mul3A_161 = arith.constant 128 : i32
      %mul3A_162 = arith.muli %add3A_160, %mul3A_161 : i32
      %add3A_163 = arith.addi %mul3A_0, %mul3A_162 : i32
      %add3A_164 = arith.constant 128 : i32
      %add3A_165 = arith.addi %add3A_163, %add3A_164 : i32
      %le3A = arith.constant 10000 : i32
      %le3A_166 = arith.cmpi sle, %add3A_165, %le3A : i32
      %convert_element_type3A = arith.extui %le3A_166 : i1 to i32
      %cond3A = arith.constant 0 : i32
      %cond3A_167 = arith.cmpi ne, %convert_element_type3A, %cond3A : i32
      scf.if %cond3A_167 {
        %mul3A_175 = arith.constant 64 : i32
        %mul3A_176 = arith.muli %add3A_77, %mul3A_175 : i32
        %dma_start3A_177 = tpu.memref_slice %arg2[%add3A_163, %mul3A_176] : memref<10000x256xf32, #tpu.memory_space<hbm>> -> memref<128x64xf32, #tpu.memory_space<hbm>>
        %dma_start3A_178 = tpu.memref_slice %arg2[%add3A_163, %mul3A_176] : memref<10000x256xf32, #tpu.memory_space<hbm>> -> memref<128x64xf32, #tpu.memory_space<hbm>>
        tpu.enqueue_dma source(%dma_start3A_178 : memref<128x64xf32, #tpu.memory_space<hbm>>) target(%arg13 : memref<128x64xf32, #tpu.memory_space<vmem>>) target_semaphore(%arg18 : memref<!tpu.dma_semaphore, #tpu.memory_space<semaphore_mem>>)
        %dma_wait3A_179 = arith.constant 0 : i32
        %dma_wait3A_180 = arith.constant 0 : i32
        %dma_wait3A_181 = tpu.memref_slice %arg2[%dma_wait3A_179, %dma_wait3A_180] : memref<10000x256xf32, #tpu.memory_space<hbm>> -> memref<128x64xf32, #tpu.memory_space<hbm>>
        %dma_wait3A_182 = arith.constant 0 : i32
        %dma_wait3A_183 = arith.constant 0 : i32
        %dma_wait3A_184 = tpu.memref_slice %arg2[%dma_wait3A_182, %dma_wait3A_183] : memref<10000x256xf32, #tpu.memory_space<hbm>> -> memref<128x64xf32, #tpu.memory_space<hbm>>
        tpu.wait_dma2 semaphore(%arg18 : memref<!tpu.dma_semaphore, #tpu.memory_space<semaphore_mem>>) src(%dma_wait3A_184 : memref<128x64xf32, #tpu.memory_space<hbm>>) dst(%arg13 : memref<128x64xf32, #tpu.memory_space<vmem>>)
        "tpu.region"() ({
          %run_scoped3A_185 = tpu.sem_alloc : memref<!tpu.dma_semaphore, #tpu.memory_space<semaphore_mem>>
          %dma_start3A_186 = arith.constant 0 : i32
          %dma_start3A_187 = tpu.memref_slice %arg23[%add3A_163, %dma_start3A_186] : memref<10240x64xf32, #tpu.memory_space<vmem_shared>> -> memref<128x64xf32, #tpu.memory_space<vmem_shared>>
          %dma_start3A_188 = arith.constant 0 : i32
          %dma_start3A_189 = tpu.memref_slice %arg23[%add3A_163, %dma_start3A_188] : memref<10240x64xf32, #tpu.memory_space<vmem_shared>> -> memref<128x64xf32, #tpu.memory_space<vmem_shared>>
          tpu.enqueue_dma source(%arg13 : memref<128x64xf32, #tpu.memory_space<vmem>>) target(%dma_start3A_189 : memref<128x64xf32, #tpu.memory_space<vmem_shared>>) target_semaphore(%run_scoped3A_185 : memref<!tpu.dma_semaphore, #tpu.memory_space<semaphore_mem>>)
          %dma_wait3A_190 = arith.constant 0 : i32
          %dma_wait3A_191 = tpu.memref_slice %arg23[%add3A_163, %dma_wait3A_190] : memref<10240x64xf32, #tpu.memory_space<vmem_shared>> -> memref<128x64xf32, #tpu.memory_space<vmem_shared>>
          %dma_wait3A_192 = arith.constant 0 : i32
          %dma_wait3A_193 = tpu.memref_slice %arg23[%add3A_163, %dma_wait3A_192] : memref<10240x64xf32, #tpu.memory_space<vmem_shared>> -> memref<128x64xf32, #tpu.memory_space<vmem_shared>>
          tpu.wait_dma2 semaphore(%run_scoped3A_185 : memref<!tpu.dma_semaphore, #tpu.memory_space<semaphore_mem>>) src(%arg13 : memref<128x64xf32, #tpu.memory_space<vmem>>) dst(%dma_wait3A_193 : memref<128x64xf32, #tpu.memory_space<vmem_shared>>)
          tpu.yield
        }) : () -> ()
      } else {
      }
      %lt3A = arith.constant 10000 : i32
      %lt3A_168 = arith.cmpi slt, %add3A_163, %lt3A : i32
      %add3A_169 = arith.constant 128 : i32
      %add3A_170 = arith.addi %add3A_163, %add3A_169 : i32
      %gt3A = arith.constant 10000 : i32
      %gt3A_171 = arith.cmpi sgt, %add3A_170, %gt3A : i32
      %and3A = arith.andi %lt3A_168, %gt3A_171 : i1
      %convert_element_type3A_172 = arith.extui %and3A : i1 to i32
      %cond3A_173 = arith.constant 0 : i32
      %cond3A_174 = arith.cmpi ne, %convert_element_type3A_172, %cond3A_173 : i32
      scf.if %cond3A_174 {
        %mul3A_175 = arith.constant 64 : i32
        %mul3A_176 = arith.muli %add3A_77, %mul3A_175 : i32
        "tpu.region"() ({
          %run_scoped3A_177 = tpu.sem_alloc : memref<!tpu.dma_semaphore, #tpu.memory_space<semaphore_mem>>
          %dma_start3A_178 = arith.constant 0 : i32
          %dma_start3A_179 = arith.constant 0 : i32
          %dma_start3A_180 = tpu.memref_slice %arg13[%dma_start3A_178, %dma_start3A_179] : memref<128x64xf32, #tpu.memory_space<vmem>> -> memref<16x64xf32, #tpu.memory_space<vmem>>
          %dma_start3A_181 = tpu.memref_slice %arg2[%add3A_163, %mul3A_176] : memref<10000x256xf32, #tpu.memory_space<hbm>> -> memref<16x64xf32, #tpu.memory_space<hbm>>
          %dma_start3A_182 = arith.constant 0 : i32
          %dma_start3A_183 = arith.constant 0 : i32
          %dma_start3A_184 = tpu.memref_slice %arg13[%dma_start3A_182, %dma_start3A_183] : memref<128x64xf32, #tpu.memory_space<vmem>> -> memref<16x64xf32, #tpu.memory_space<vmem>>
          %dma_start3A_185 = tpu.memref_slice %arg2[%add3A_163, %mul3A_176] : memref<10000x256xf32, #tpu.memory_space<hbm>> -> memref<16x64xf32, #tpu.memory_space<hbm>>
          tpu.enqueue_dma source(%dma_start3A_185 : memref<16x64xf32, #tpu.memory_space<hbm>>) target(%dma_start3A_184 : memref<16x64xf32, #tpu.memory_space<vmem>>) target_semaphore(%run_scoped3A_177 : memref<!tpu.dma_semaphore, #tpu.memory_space<semaphore_mem>>)
          %dma_wait3A_186 = arith.constant 0 : i32
          %dma_wait3A_187 = arith.constant 0 : i32
          %dma_wait3A_188 = tpu.memref_slice %arg13[%dma_wait3A_186, %dma_wait3A_187] : memref<128x64xf32, #tpu.memory_space<vmem>> -> memref<16x64xf32, #tpu.memory_space<vmem>>
          %dma_wait3A_189 = tpu.memref_slice %arg2[%add3A_163, %mul3A_176] : memref<10000x256xf32, #tpu.memory_space<hbm>> -> memref<16x64xf32, #tpu.memory_space<hbm>>
          %dma_wait3A_190 = arith.constant 0 : i32
          %dma_wait3A_191 = arith.constant 0 : i32
          %dma_wait3A_192 = tpu.memref_slice %arg13[%dma_wait3A_190, %dma_wait3A_191] : memref<128x64xf32, #tpu.memory_space<vmem>> -> memref<16x64xf32, #tpu.memory_space<vmem>>
          %dma_wait3A_193 = tpu.memref_slice %arg2[%add3A_163, %mul3A_176] : memref<10000x256xf32, #tpu.memory_space<hbm>> -> memref<16x64xf32, #tpu.memory_space<hbm>>
          tpu.wait_dma2 semaphore(%run_scoped3A_177 : memref<!tpu.dma_semaphore, #tpu.memory_space<semaphore_mem>>) src(%dma_wait3A_193 : memref<16x64xf32, #tpu.memory_space<hbm>>) dst(%dma_wait3A_192 : memref<16x64xf32, #tpu.memory_space<vmem>>)
          tpu.yield
        }) : () -> ()
        "tpu.region"() ({
          %run_scoped3A_177 = tpu.sem_alloc : memref<!tpu.dma_semaphore, #tpu.memory_space<semaphore_mem>>
          %dma_start3A_178 = arith.constant 0 : i32
          %dma_start3A_179 = arith.constant 0 : i32
          %dma_start3A_180 = tpu.memref_slice %arg13[%dma_start3A_178, %dma_start3A_179] : memref<128x64xf32, #tpu.memory_space<vmem>> -> memref<16x64xf32, #tpu.memory_space<vmem>>
          %dma_start3A_181 = arith.constant 0 : i32
          %dma_start3A_182 = tpu.memref_slice %arg23[%add3A_163, %dma_start3A_181] : memref<10240x64xf32, #tpu.memory_space<vmem_shared>> -> memref<16x64xf32, #tpu.memory_space<vmem_shared>>
          %dma_start3A_183 = arith.constant 0 : i32
          %dma_start3A_184 = tpu.memref_slice %arg23[%add3A_163, %dma_start3A_183] : memref<10240x64xf32, #tpu.memory_space<vmem_shared>> -> memref<16x64xf32, #tpu.memory_space<vmem_shared>>
          %dma_start3A_185 = arith.constant 0 : i32
          %dma_start3A_186 = arith.constant 0 : i32
          %dma_start3A_187 = tpu.memref_slice %arg13[%dma_start3A_185, %dma_start3A_186] : memref<128x64xf32, #tpu.memory_space<vmem>> -> memref<16x64xf32, #tpu.memory_space<vmem>>
          tpu.enqueue_dma source(%dma_start3A_187 : memref<16x64xf32, #tpu.memory_space<vmem>>) target(%dma_start3A_184 : memref<16x64xf32, #tpu.memory_space<vmem_shared>>) target_semaphore(%run_scoped3A_177 : memref<!tpu.dma_semaphore, #tpu.memory_space<semaphore_mem>>)
          %dma_wait3A_188 = arith.constant 0 : i32
          %dma_wait3A_189 = arith.constant 0 : i32
          %dma_wait3A_190 = tpu.memref_slice %arg13[%dma_wait3A_188, %dma_wait3A_189] : memref<128x64xf32, #tpu.memory_space<vmem>> -> memref<16x64xf32, #tpu.memory_space<vmem>>
          %dma_wait3A_191 = arith.constant 0 : i32
          %dma_wait3A_192 = tpu.memref_slice %arg23[%add3A_163, %dma_wait3A_191] : memref<10240x64xf32, #tpu.memory_space<vmem_shared>> -> memref<16x64xf32, #tpu.memory_space<vmem_shared>>
          %dma_wait3A_193 = arith.constant 0 : i32
          %dma_wait3A_194 = tpu.memref_slice %arg23[%add3A_163, %dma_wait3A_193] : memref<10240x64xf32, #tpu.memory_space<vmem_shared>> -> memref<16x64xf32, #tpu.memory_space<vmem_shared>>
          %dma_wait3A_195 = arith.constant 0 : i32
          %dma_wait3A_196 = arith.constant 0 : i32
          %dma_wait3A_197 = tpu.memref_slice %arg13[%dma_wait3A_195, %dma_wait3A_196] : memref<128x64xf32, #tpu.memory_space<vmem>> -> memref<16x64xf32, #tpu.memory_space<vmem>>
          tpu.wait_dma2 semaphore(%run_scoped3A_177 : memref<!tpu.dma_semaphore, #tpu.memory_space<semaphore_mem>>) src(%dma_wait3A_197 : memref<16x64xf32, #tpu.memory_space<vmem>>) dst(%dma_wait3A_194 : memref<16x64xf32, #tpu.memory_space<vmem_shared>>)
          tpu.yield
        }) : () -> ()
      } else {
      }
    }
    %scan3A_87 = arith.constant 5 : i32
    %scan3A_88 = arith.constant 0 : i32
    %scan3A_89 = arith.constant 5 : i32
    %scan3A_90 = arith.addi %scan3A_88, %scan3A_89 : i32
    %scan3A_91 = arith.constant 1 : i32
    scf.for %scan3A_156 = %scan3A_88 to %scan3A_90 step %scan3A_91  : i32 {
      %mul3A_157 = arith.constant 1 : i32
      %mul3A_158 = arith.muli %scan3A_156, %mul3A_157 : i32
      %add3A_159 = arith.constant 0 : i32
      %add3A_160 = arith.addi %add3A_159, %mul3A_158 : i32
      %dma_wait3A_161 = arith.constant 0 : i32
      %dma_wait3A_162 = tpu.memref_slice %arg24[%mul3A_0, %dma_wait3A_161] : memref<10240x64xf32, #tpu.memory_space<vmem_shared>> -> memref<128x64xf32, #tpu.memory_space<vmem_shared>>
      %dma_wait3A_163 = arith.constant 0 : i32
      %dma_wait3A_164 = tpu.memref_slice %arg24[%mul3A_0, %dma_wait3A_163] : memref<10240x64xf32, #tpu.memory_space<vmem_shared>> -> memref<128x64xf32, #tpu.memory_space<vmem_shared>>
      tpu.wait_dma2 semaphore(%arg22 : memref<!tpu.dma_semaphore, #tpu.memory_space<semaphore_mem>>) src(%arg15 : memref<128x64xf32, #tpu.memory_space<vmem>>) dst(%dma_wait3A_164 : memref<128x64xf32, #tpu.memory_space<vmem_shared>>)
    }
    %scan3A_92 = arith.constant 5 : i32
    %barrier3A_93 = arith.constant 0 : index
    tpu.barrier barrier_id(%barrier3A_93)
    %scan3A_94 = arith.constant 0 : i32
    %scan3A_95 = arith.constant 5 : i32
    %scan3A_96 = arith.addi %scan3A_94, %scan3A_95 : i32
    %scan3A_97 = arith.constant 1 : i32
    scf.for %scan3A_156 = %scan3A_94 to %scan3A_96 step %scan3A_97  : i32 {
      %mul3A_157 = arith.constant 2 : i32
      %mul3A_158 = arith.muli %scan3A_156, %mul3A_157 : i32
      %add3A_159 = arith.constant 0 : i32
      %add3A_160 = arith.addi %add3A_159, %mul3A_158 : i32
      %add3A_161 = arith.constant 0 : i32
      %add3A_162 = arith.addi %add3A_160, %add3A_161 : i32
      %eq3A = arith.constant 0 : i32
      %eq3A_163 = arith.cmpi eq, %arg0, %eq3A : i32
      %mul3A_164 = arith.constant 8 : i32
      %mul3A_165 = arith.muli %add3A_162, %mul3A_164 : i32
      %lt3A = arith.constant 40 : i32
      %lt3A_166 = arith.cmpi slt, %mul3A_165, %lt3A : i32
      %mul3A_167 = arith.constant 8 : i32
      %mul3A_168 = arith.muli %add3A_162, %mul3A_167 : i32
      %ge3A = arith.constant 40 : i32
      %ge3A_169 = arith.cmpi sge, %mul3A_168, %ge3A : i32
      %select_n3A = arith.select %eq3A_163, %lt3A_166, %ge3A_169 : i1
      %mul3A_170 = arith.constant 8 : i32
      %mul3A_171 = arith.muli %add3A_162, %mul3A_170 : i32
      "tpu.region"() ({
        %run_scoped3A_201 = tpu.sem_alloc : memref<!tpu.dma_semaphore, #tpu.memory_space<semaphore_mem>>
        %dma_start3A_202 = arith.constant 0 : i32
        %dma_start3A_203 = tpu.memref_slice %arg3[%arg1, %mul3A_171, %dma_start3A_202] : memref<16x80x125xi32, #tpu.memory_space<hbm>> -> memref<1x8x125xi32, #tpu.memory_space<hbm>>
        %dma_start3A_204 = tpu.memref_squeeze %dma_start3A_203 : memref<1x8x125xi32, #tpu.memory_space<hbm>> -> memref<8x125xi32, #tpu.memory_space<hbm>>
        %dma_start3A_205 = arith.constant 0 : i32
        %dma_start3A_206 = tpu.memref_slice %arg3[%arg1, %mul3A_171, %dma_start3A_205] : memref<16x80x125xi32, #tpu.memory_space<hbm>> -> memref<1x8x125xi32, #tpu.memory_space<hbm>>
        %dma_start3A_207 = tpu.memref_squeeze %dma_start3A_206 : memref<1x8x125xi32, #tpu.memory_space<hbm>> -> memref<8x125xi32, #tpu.memory_space<hbm>>
        tpu.enqueue_dma source(%dma_start3A_207 : memref<8x125xi32, #tpu.memory_space<hbm>>) target(%arg9 : memref<8x125xi32, #tpu.memory_space<vmem>>) target_semaphore(%run_scoped3A_201 : memref<!tpu.dma_semaphore, #tpu.memory_space<semaphore_mem>>)
        %dma_wait3A_208 = arith.constant 0 : i32
        %dma_wait3A_209 = tpu.memref_slice %arg3[%arg1, %mul3A_171, %dma_wait3A_208] : memref<16x80x125xi32, #tpu.memory_space<hbm>> -> memref<1x8x125xi32, #tpu.memory_space<hbm>>
        %dma_wait3A_210 = tpu.memref_squeeze %dma_wait3A_209 : memref<1x8x125xi32, #tpu.memory_space<hbm>> -> memref<8x125xi32, #tpu.memory_space<hbm>>
        %dma_wait3A_211 = arith.constant 0 : i32
        %dma_wait3A_212 = tpu.memref_slice %arg3[%arg1, %mul3A_171, %dma_wait3A_211] : memref<16x80x125xi32, #tpu.memory_space<hbm>> -> memref<1x8x125xi32, #tpu.memory_space<hbm>>
        %dma_wait3A_213 = tpu.memref_squeeze %dma_wait3A_212 : memref<1x8x125xi32, #tpu.memory_space<hbm>> -> memref<8x125xi32, #tpu.memory_space<hbm>>
        tpu.wait_dma2 semaphore(%run_scoped3A_201 : memref<!tpu.dma_semaphore, #tpu.memory_space<semaphore_mem>>) src(%dma_wait3A_213 : memref<8x125xi32, #tpu.memory_space<hbm>>) dst(%arg9 : memref<8x125xi32, #tpu.memory_space<vmem>>)
        tpu.yield
      }) : () -> ()
      %mul3A_172 = arith.constant 8 : i32
      %mul3A_173 = arith.muli %add3A_162, %mul3A_172 : i32
      "tpu.region"() ({
        %run_scoped3A_201 = tpu.sem_alloc : memref<!tpu.dma_semaphore, #tpu.memory_space<semaphore_mem>>
        %dma_start3A_202 = arith.constant 0 : i32
        %dma_start3A_203 = tpu.memref_slice %arg4[%arg1, %mul3A_173, %dma_start3A_202] : memref<16x80x125xi32, #tpu.memory_space<hbm>> -> memref<1x8x125xi32, #tpu.memory_space<hbm>>
        %dma_start3A_204 = tpu.memref_squeeze %dma_start3A_203 : memref<1x8x125xi32, #tpu.memory_space<hbm>> -> memref<8x125xi32, #tpu.memory_space<hbm>>
        %dma_start3A_205 = arith.constant 0 : i32
        %dma_start3A_206 = tpu.memref_slice %arg4[%arg1, %mul3A_173, %dma_start3A_205] : memref<16x80x125xi32, #tpu.memory_space<hbm>> -> memref<1x8x125xi32, #tpu.memory_space<hbm>>
        %dma_start3A_207 = tpu.memref_squeeze %dma_start3A_206 : memref<1x8x125xi32, #tpu.memory_space<hbm>> -> memref<8x125xi32, #tpu.memory_space<hbm>>
        tpu.enqueue_dma source(%dma_start3A_207 : memref<8x125xi32, #tpu.memory_space<hbm>>) target(%arg11 : memref<8x125xi32, #tpu.memory_space<vmem>>) target_semaphore(%run_scoped3A_201 : memref<!tpu.dma_semaphore, #tpu.memory_space<semaphore_mem>>)
        %dma_wait3A_208 = arith.constant 0 : i32
        %dma_wait3A_209 = tpu.memref_slice %arg4[%arg1, %mul3A_173, %dma_wait3A_208] : memref<16x80x125xi32, #tpu.memory_space<hbm>> -> memref<1x8x125xi32, #tpu.memory_space<hbm>>
        %dma_wait3A_210 = tpu.memref_squeeze %dma_wait3A_209 : memref<1x8x125xi32, #tpu.memory_space<hbm>> -> memref<8x125xi32, #tpu.memory_space<hbm>>
        %dma_wait3A_211 = arith.constant 0 : i32
        %dma_wait3A_212 = tpu.memref_slice %arg4[%arg1, %mul3A_173, %dma_wait3A_211] : memref<16x80x125xi32, #tpu.memory_space<hbm>> -> memref<1x8x125xi32, #tpu.memory_space<hbm>>
        %dma_wait3A_213 = tpu.memref_squeeze %dma_wait3A_212 : memref<1x8x125xi32, #tpu.memory_space<hbm>> -> memref<8x125xi32, #tpu.memory_space<hbm>>
        tpu.wait_dma2 semaphore(%run_scoped3A_201 : memref<!tpu.dma_semaphore, #tpu.memory_space<semaphore_mem>>) src(%dma_wait3A_213 : memref<8x125xi32, #tpu.memory_space<hbm>>) dst(%arg11 : memref<8x125xi32, #tpu.memory_space<vmem>>)
        tpu.yield
      }) : () -> ()
      %scan3A_174 = arith.constant 0 : i32
      %scan3A_175 = arith.constant 4 : i32
      %scan3A_176 = arith.addi %scan3A_174, %scan3A_175 : i32
      %scan3A_177 = arith.constant 1 : i32
      scf.for %scan3A_201 = %scan3A_174 to %scan3A_176 step %scan3A_177  : i32 {
        %mul3A_202 = arith.constant 2 : i32
        %mul3A_203 = arith.muli %scan3A_201, %mul3A_202 : i32
        %add3A_204 = arith.constant 0 : i32
        %add3A_205 = arith.addi %add3A_204, %mul3A_203 : i32
        %add3A_206 = arith.constant 0 : i32
        %add3A_207 = arith.addi %add3A_205, %add3A_206 : i32
        %add3A_208 = arith.constant 0 : i32
        %add3A_209 = arith.addi %add3A_160, %add3A_208 : i32
        %mul3A_210 = arith.constant 8 : i32
        %mul3A_211 = arith.muli %add3A_209, %mul3A_210 : i32
        %add3A_212 = arith.addi %mul3A_211, %add3A_205 : i32
        %gt3A = arith.constant 0 : i32
        %gt3A_213 = arith.cmpi sgt, %add3A_212, %gt3A : i32
        %convert_element_type3A = arith.extui %gt3A_213 : i1 to i32
        %cond3A = arith.constant 0 : i32
        %cond3A_214 = arith.cmpi ne, %convert_element_type3A, %cond3A : i32
        scf.if %cond3A_214 {
          %dma_wait3A_287 = arith.constant 0 : i32
          %dma_wait3A_288 = arith.constant 0 : i32
          %dma_wait3A_289 = tpu.memref_slice %arg13[%dma_wait3A_287, %dma_wait3A_288] : memref<128x64xf32, #tpu.memory_space<vmem>> -> memref<125x64xf32, #tpu.memory_space<vmem>>
          %dma_wait3A_290 = arith.constant 0 : i32
          %dma_wait3A_291 = tpu.memref_slice %arg24[%mul3A_0, %dma_wait3A_290] : memref<10240x64xf32, #tpu.memory_space<vmem_shared>> -> memref<125x64xf32, #tpu.memory_space<vmem_shared>>
          %dma_wait3A_292 = arith.constant 0 : i32
          %dma_wait3A_293 = tpu.memref_slice %arg24[%mul3A_0, %dma_wait3A_292] : memref<10240x64xf32, #tpu.memory_space<vmem_shared>> -> memref<125x64xf32, #tpu.memory_space<vmem_shared>>
          %dma_wait3A_294 = arith.constant 0 : i32
          %dma_wait3A_295 = arith.constant 0 : i32
          %dma_wait3A_296 = tpu.memref_slice %arg13[%dma_wait3A_294, %dma_wait3A_295] : memref<128x64xf32, #tpu.memory_space<vmem>> -> memref<125x64xf32, #tpu.memory_space<vmem>>
          tpu.wait_dma2 semaphore(%arg20 : memref<!tpu.dma_semaphore, #tpu.memory_space<semaphore_mem>>) src(%dma_wait3A_296 : memref<125x64xf32, #tpu.memory_space<vmem>>) dst(%dma_wait3A_293 : memref<125x64xf32, #tpu.memory_space<vmem_shared>>)
        } else {
        }
        %dma_start3A_215 = arith.constant 0 : i32
        %dma_start3A_216 = arith.constant 0 : i32
        %dma_start3A_217 = tpu.memref_slice %arg13[%dma_start3A_215, %dma_start3A_216] : memref<128x64xf32, #tpu.memory_space<vmem>> -> memref<125x64xf32, #tpu.memory_space<vmem>>
        %dma_start3A_218 = arith.constant 0 : i32
        %dma_start3A_219 = tpu.memref_slice %arg9[%add3A_207, %dma_start3A_218] : memref<8x125xi32, #tpu.memory_space<vmem>> -> memref<1x125xi32, #tpu.memory_space<vmem>>
        %dma_start3A_220 = tpu.memref_squeeze %dma_start3A_219 : memref<1x125xi32, #tpu.memory_space<vmem>> -> memref<125xi32, #tpu.memory_space<vmem>>
        %dma_start3A_221 = arith.constant 0 : i32
        %dma_start3A_222 = arith.constant 0 : i32
        %dma_start3A_223 = tpu.memref_slice %arg23[%dma_start3A_221, %dma_start3A_222] : memref<10240x64xf32, #tpu.memory_space<vmem_shared>> -> memref<10240x64xf32, #tpu.memory_space<vmem_shared>>
        tpu.enqueue_indirect_dma source(%dma_start3A_223 : memref<10240x64xf32, #tpu.memory_space<vmem_shared>>) target(%dma_start3A_217 : memref<125x64xf32, #tpu.memory_space<vmem>>) offsets(%dma_start3A_220 : memref<125xi32, #tpu.memory_space<vmem>>) semaphore(%arg18 : memref<!tpu.dma_semaphore, #tpu.memory_space<semaphore_mem>>)
        %dma_wait3A_224 = arith.constant 0 : i32
        %dma_wait3A_225 = arith.constant 0 : i32
        %dma_wait3A_226 = tpu.memref_slice %arg13[%dma_wait3A_224, %dma_wait3A_225] : memref<128x64xf32, #tpu.memory_space<vmem>> -> memref<125x64xf32, #tpu.memory_space<vmem>>
        %dma_wait3A_227 = arith.constant 0 : i32
        %dma_wait3A_228 = arith.constant 0 : i32
        %dma_wait3A_229 = tpu.memref_slice %arg23[%dma_wait3A_227, %dma_wait3A_228] : memref<10240x64xf32, #tpu.memory_space<vmem_shared>> -> memref<125x64xf32, #tpu.memory_space<vmem_shared>>
        %dma_wait3A_230 = arith.constant 0 : i32
        %dma_wait3A_231 = arith.constant 0 : i32
        %dma_wait3A_232 = tpu.memref_slice %arg13[%dma_wait3A_230, %dma_wait3A_231] : memref<128x64xf32, #tpu.memory_space<vmem>> -> memref<125x64xf32, #tpu.memory_space<vmem>>
        %dma_wait3A_233 = arith.constant 0 : i32
        %dma_wait3A_234 = arith.constant 0 : i32
        %dma_wait3A_235 = tpu.memref_slice %arg23[%dma_wait3A_233, %dma_wait3A_234] : memref<10240x64xf32, #tpu.memory_space<vmem_shared>> -> memref<125x64xf32, #tpu.memory_space<vmem_shared>>
        tpu.wait_dma2 semaphore(%arg18 : memref<!tpu.dma_semaphore, #tpu.memory_space<semaphore_mem>>) src(%dma_wait3A_235 : memref<125x64xf32, #tpu.memory_space<vmem_shared>>) dst(%dma_wait3A_232 : memref<125x64xf32, #tpu.memory_space<vmem>>)
        %dma_start3A_236 = arith.constant 0 : i32
        %dma_start3A_237 = arith.constant 0 : i32
        %dma_start3A_238 = tpu.memref_slice %arg13[%dma_start3A_236, %dma_start3A_237] : memref<128x64xf32, #tpu.memory_space<vmem>> -> memref<125x64xf32, #tpu.memory_space<vmem>>
        %dma_start3A_239 = arith.constant 0 : i32
        %dma_start3A_240 = tpu.memref_slice %arg11[%add3A_207, %dma_start3A_239] : memref<8x125xi32, #tpu.memory_space<vmem>> -> memref<1x125xi32, #tpu.memory_space<vmem>>
        %dma_start3A_241 = tpu.memref_squeeze %dma_start3A_240 : memref<1x125xi32, #tpu.memory_space<vmem>> -> memref<125xi32, #tpu.memory_space<vmem>>
        %dma_start3A_242 = arith.constant 0 : i32
        %dma_start3A_243 = arith.constant 0 : i32
        %dma_start3A_244 = tpu.memref_slice %arg24[%dma_start3A_242, %dma_start3A_243] : memref<10240x64xf32, #tpu.memory_space<vmem_shared>> -> memref<10240x64xf32, #tpu.memory_space<vmem_shared>>
        tpu.enqueue_indirect_dma source(%dma_start3A_238 : memref<125x64xf32, #tpu.memory_space<vmem>>) target(%dma_start3A_244 : memref<10240x64xf32, #tpu.memory_space<vmem_shared>>) offsets(%dma_start3A_241 : memref<125xi32, #tpu.memory_space<vmem>>) semaphore(%arg20 : memref<!tpu.dma_semaphore, #tpu.memory_space<semaphore_mem>>) {add = true}
        %add3A_245 = arith.constant 1 : i32
        %add3A_246 = arith.addi %add3A_205, %add3A_245 : i32
        %add3A_247 = arith.constant 0 : i32
        %add3A_248 = arith.addi %add3A_160, %add3A_247 : i32
        %mul3A_249 = arith.constant 8 : i32
        %mul3A_250 = arith.muli %add3A_248, %mul3A_249 : i32
        %add3A_251 = arith.addi %mul3A_250, %add3A_205 : i32
        %gt3A_252 = arith.constant 0 : i32
        %gt3A_253 = arith.cmpi sgt, %add3A_251, %gt3A_252 : i32
        %convert_element_type3A_254 = arith.extui %gt3A_253 : i1 to i32
        %cond3A_255 = arith.constant 0 : i32
        %cond3A_256 = arith.cmpi ne, %convert_element_type3A_254, %cond3A_255 : i32
        scf.if %cond3A_256 {
          %dma_wait3A_287 = arith.constant 0 : i32
          %dma_wait3A_288 = arith.constant 0 : i32
          %dma_wait3A_289 = tpu.memref_slice %arg14[%dma_wait3A_287, %dma_wait3A_288] : memref<128x64xf32, #tpu.memory_space<vmem>> -> memref<125x64xf32, #tpu.memory_space<vmem>>
          %dma_wait3A_290 = arith.constant 0 : i32
          %dma_wait3A_291 = tpu.memref_slice %arg24[%mul3A_0, %dma_wait3A_290] : memref<10240x64xf32, #tpu.memory_space<vmem_shared>> -> memref<125x64xf32, #tpu.memory_space<vmem_shared>>
          %dma_wait3A_292 = arith.constant 0 : i32
          %dma_wait3A_293 = tpu.memref_slice %arg24[%mul3A_0, %dma_wait3A_292] : memref<10240x64xf32, #tpu.memory_space<vmem_shared>> -> memref<125x64xf32, #tpu.memory_space<vmem_shared>>
          %dma_wait3A_294 = arith.constant 0 : i32
          %dma_wait3A_295 = arith.constant 0 : i32
          %dma_wait3A_296 = tpu.memref_slice %arg14[%dma_wait3A_294, %dma_wait3A_295] : memref<128x64xf32, #tpu.memory_space<vmem>> -> memref<125x64xf32, #tpu.memory_space<vmem>>
          tpu.wait_dma2 semaphore(%arg21 : memref<!tpu.dma_semaphore, #tpu.memory_space<semaphore_mem>>) src(%dma_wait3A_296 : memref<125x64xf32, #tpu.memory_space<vmem>>) dst(%dma_wait3A_293 : memref<125x64xf32, #tpu.memory_space<vmem_shared>>)
        } else {
        }
        %dma_start3A_257 = arith.constant 0 : i32
        %dma_start3A_258 = arith.constant 0 : i32
        %dma_start3A_259 = tpu.memref_slice %arg14[%dma_start3A_257, %dma_start3A_258] : memref<128x64xf32, #tpu.memory_space<vmem>> -> memref<125x64xf32, #tpu.memory_space<vmem>>
        %dma_start3A_260 = arith.constant 0 : i32
        %dma_start3A_261 = tpu.memref_slice %arg9[%add3A_246, %dma_start3A_260] : memref<8x125xi32, #tpu.memory_space<vmem>> -> memref<1x125xi32, #tpu.memory_space<vmem>>
        %dma_start3A_262 = tpu.memref_squeeze %dma_start3A_261 : memref<1x125xi32, #tpu.memory_space<vmem>> -> memref<125xi32, #tpu.memory_space<vmem>>
        %dma_start3A_263 = arith.constant 0 : i32
        %dma_start3A_264 = arith.constant 0 : i32
        %dma_start3A_265 = tpu.memref_slice %arg23[%dma_start3A_263, %dma_start3A_264] : memref<10240x64xf32, #tpu.memory_space<vmem_shared>> -> memref<10240x64xf32, #tpu.memory_space<vmem_shared>>
        tpu.enqueue_indirect_dma source(%dma_start3A_265 : memref<10240x64xf32, #tpu.memory_space<vmem_shared>>) target(%dma_start3A_259 : memref<125x64xf32, #tpu.memory_space<vmem>>) offsets(%dma_start3A_262 : memref<125xi32, #tpu.memory_space<vmem>>) semaphore(%arg19 : memref<!tpu.dma_semaphore, #tpu.memory_space<semaphore_mem>>)
        %dma_wait3A_266 = arith.constant 0 : i32
        %dma_wait3A_267 = arith.constant 0 : i32
        %dma_wait3A_268 = tpu.memref_slice %arg14[%dma_wait3A_266, %dma_wait3A_267] : memref<128x64xf32, #tpu.memory_space<vmem>> -> memref<125x64xf32, #tpu.memory_space<vmem>>
        %dma_wait3A_269 = arith.constant 0 : i32
        %dma_wait3A_270 = arith.constant 0 : i32
        %dma_wait3A_271 = tpu.memref_slice %arg23[%dma_wait3A_269, %dma_wait3A_270] : memref<10240x64xf32, #tpu.memory_space<vmem_shared>> -> memref<125x64xf32, #tpu.memory_space<vmem_shared>>
        %dma_wait3A_272 = arith.constant 0 : i32
        %dma_wait3A_273 = arith.constant 0 : i32
        %dma_wait3A_274 = tpu.memref_slice %arg14[%dma_wait3A_272, %dma_wait3A_273] : memref<128x64xf32, #tpu.memory_space<vmem>> -> memref<125x64xf32, #tpu.memory_space<vmem>>
        %dma_wait3A_275 = arith.constant 0 : i32
        %dma_wait3A_276 = arith.constant 0 : i32
        %dma_wait3A_277 = tpu.memref_slice %arg23[%dma_wait3A_275, %dma_wait3A_276] : memref<10240x64xf32, #tpu.memory_space<vmem_shared>> -> memref<125x64xf32, #tpu.memory_space<vmem_shared>>
        tpu.wait_dma2 semaphore(%arg19 : memref<!tpu.dma_semaphore, #tpu.memory_space<semaphore_mem>>) src(%dma_wait3A_277 : memref<125x64xf32, #tpu.memory_space<vmem_shared>>) dst(%dma_wait3A_274 : memref<125x64xf32, #tpu.memory_space<vmem>>)
        %dma_start3A_278 = arith.constant 0 : i32
        %dma_start3A_279 = arith.constant 0 : i32
        %dma_start3A_280 = tpu.memref_slice %arg14[%dma_start3A_278, %dma_start3A_279] : memref<128x64xf32, #tpu.memory_space<vmem>> -> memref<125x64xf32, #tpu.memory_space<vmem>>
        %dma_start3A_281 = arith.constant 0 : i32
        %dma_start3A_282 = tpu.memref_slice %arg11[%add3A_246, %dma_start3A_281] : memref<8x125xi32, #tpu.memory_space<vmem>> -> memref<1x125xi32, #tpu.memory_space<vmem>>
        %dma_start3A_283 = tpu.memref_squeeze %dma_start3A_282 : memref<1x125xi32, #tpu.memory_space<vmem>> -> memref<125xi32, #tpu.memory_space<vmem>>
        %dma_start3A_284 = arith.constant 0 : i32
        %dma_start3A_285 = arith.constant 0 : i32
        %dma_start3A_286 = tpu.memref_slice %arg24[%dma_start3A_284, %dma_start3A_285] : memref<10240x64xf32, #tpu.memory_space<vmem_shared>> -> memref<10240x64xf32, #tpu.memory_space<vmem_shared>>
        tpu.enqueue_indirect_dma source(%dma_start3A_280 : memref<125x64xf32, #tpu.memory_space<vmem>>) target(%dma_start3A_286 : memref<10240x64xf32, #tpu.memory_space<vmem_shared>>) offsets(%dma_start3A_283 : memref<125xi32, #tpu.memory_space<vmem>>) semaphore(%arg21 : memref<!tpu.dma_semaphore, #tpu.memory_space<semaphore_mem>>) {add = true}
      }
      %scan3A_178 = arith.constant 4 : i32
      %add3A_179 = arith.constant 1 : i32
      %add3A_180 = arith.addi %add3A_160, %add3A_179 : i32
      %eq3A_181 = arith.constant 0 : i32
      %eq3A_182 = arith.cmpi eq, %arg0, %eq3A_181 : i32
      %mul3A_183 = arith.constant 8 : i32
      %mul3A_184 = arith.muli %add3A_180, %mul3A_183 : i32
      %lt3A_185 = arith.constant 40 : i32
      %lt3A_186 = arith.cmpi slt, %mul3A_184, %lt3A_185 : i32
      %mul3A_187 = arith.constant 8 : i32
      %mul3A_188 = arith.muli %add3A_180, %mul3A_187 : i32
      %ge3A_189 = arith.constant 40 : i32
      %ge3A_190 = arith.cmpi sge, %mul3A_188, %ge3A_189 : i32
      %select_n3A_191 = arith.select %eq3A_182, %lt3A_186, %ge3A_190 : i1
      %mul3A_192 = arith.constant 8 : i32
      %mul3A_193 = arith.muli %add3A_180, %mul3A_192 : i32
      "tpu.region"() ({
        %run_scoped3A_201 = tpu.sem_alloc : memref<!tpu.dma_semaphore, #tpu.memory_space<semaphore_mem>>
        %dma_start3A_202 = arith.constant 0 : i32
        %dma_start3A_203 = tpu.memref_slice %arg3[%arg1, %mul3A_193, %dma_start3A_202] : memref<16x80x125xi32, #tpu.memory_space<hbm>> -> memref<1x8x125xi32, #tpu.memory_space<hbm>>
        %dma_start3A_204 = tpu.memref_squeeze %dma_start3A_203 : memref<1x8x125xi32, #tpu.memory_space<hbm>> -> memref<8x125xi32, #tpu.memory_space<hbm>>
        %dma_start3A_205 = arith.constant 0 : i32
        %dma_start3A_206 = tpu.memref_slice %arg3[%arg1, %mul3A_193, %dma_start3A_205] : memref<16x80x125xi32, #tpu.memory_space<hbm>> -> memref<1x8x125xi32, #tpu.memory_space<hbm>>
        %dma_start3A_207 = tpu.memref_squeeze %dma_start3A_206 : memref<1x8x125xi32, #tpu.memory_space<hbm>> -> memref<8x125xi32, #tpu.memory_space<hbm>>
        tpu.enqueue_dma source(%dma_start3A_207 : memref<8x125xi32, #tpu.memory_space<hbm>>) target(%arg10 : memref<8x125xi32, #tpu.memory_space<vmem>>) target_semaphore(%run_scoped3A_201 : memref<!tpu.dma_semaphore, #tpu.memory_space<semaphore_mem>>)
        %dma_wait3A_208 = arith.constant 0 : i32
        %dma_wait3A_209 = tpu.memref_slice %arg3[%arg1, %mul3A_193, %dma_wait3A_208] : memref<16x80x125xi32, #tpu.memory_space<hbm>> -> memref<1x8x125xi32, #tpu.memory_space<hbm>>
        %dma_wait3A_210 = tpu.memref_squeeze %dma_wait3A_209 : memref<1x8x125xi32, #tpu.memory_space<hbm>> -> memref<8x125xi32, #tpu.memory_space<hbm>>
        %dma_wait3A_211 = arith.constant 0 : i32
        %dma_wait3A_212 = tpu.memref_slice %arg3[%arg1, %mul3A_193, %dma_wait3A_211] : memref<16x80x125xi32, #tpu.memory_space<hbm>> -> memref<1x8x125xi32, #tpu.memory_space<hbm>>
        %dma_wait3A_213 = tpu.memref_squeeze %dma_wait3A_212 : memref<1x8x125xi32, #tpu.memory_space<hbm>> -> memref<8x125xi32, #tpu.memory_space<hbm>>
        tpu.wait_dma2 semaphore(%run_scoped3A_201 : memref<!tpu.dma_semaphore, #tpu.memory_space<semaphore_mem>>) src(%dma_wait3A_213 : memref<8x125xi32, #tpu.memory_space<hbm>>) dst(%arg10 : memref<8x125xi32, #tpu.memory_space<vmem>>)
        tpu.yield
      }) : () -> ()
      %mul3A_194 = arith.constant 8 : i32
      %mul3A_195 = arith.muli %add3A_180, %mul3A_194 : i32
      "tpu.region"() ({
        %run_scoped3A_201 = tpu.sem_alloc : memref<!tpu.dma_semaphore, #tpu.memory_space<semaphore_mem>>
        %dma_start3A_202 = arith.constant 0 : i32
        %dma_start3A_203 = tpu.memref_slice %arg4[%arg1, %mul3A_195, %dma_start3A_202] : memref<16x80x125xi32, #tpu.memory_space<hbm>> -> memref<1x8x125xi32, #tpu.memory_space<hbm>>
        %dma_start3A_204 = tpu.memref_squeeze %dma_start3A_203 : memref<1x8x125xi32, #tpu.memory_space<hbm>> -> memref<8x125xi32, #tpu.memory_space<hbm>>
        %dma_start3A_205 = arith.constant 0 : i32
        %dma_start3A_206 = tpu.memref_slice %arg4[%arg1, %mul3A_195, %dma_start3A_205] : memref<16x80x125xi32, #tpu.memory_space<hbm>> -> memref<1x8x125xi32, #tpu.memory_space<hbm>>
        %dma_start3A_207 = tpu.memref_squeeze %dma_start3A_206 : memref<1x8x125xi32, #tpu.memory_space<hbm>> -> memref<8x125xi32, #tpu.memory_space<hbm>>
        tpu.enqueue_dma source(%dma_start3A_207 : memref<8x125xi32, #tpu.memory_space<hbm>>) target(%arg12 : memref<8x125xi32, #tpu.memory_space<vmem>>) target_semaphore(%run_scoped3A_201 : memref<!tpu.dma_semaphore, #tpu.memory_space<semaphore_mem>>)
        %dma_wait3A_208 = arith.constant 0 : i32
        %dma_wait3A_209 = tpu.memref_slice %arg4[%arg1, %mul3A_195, %dma_wait3A_208] : memref<16x80x125xi32, #tpu.memory_space<hbm>> -> memref<1x8x125xi32, #tpu.memory_space<hbm>>
        %dma_wait3A_210 = tpu.memref_squeeze %dma_wait3A_209 : memref<1x8x125xi32, #tpu.memory_space<hbm>> -> memref<8x125xi32, #tpu.memory_space<hbm>>
        %dma_wait3A_211 = arith.constant 0 : i32
        %dma_wait3A_212 = tpu.memref_slice %arg4[%arg1, %mul3A_195, %dma_wait3A_211] : memref<16x80x125xi32, #tpu.memory_space<hbm>> -> memref<1x8x125xi32, #tpu.memory_space<hbm>>
        %dma_wait3A_213 = tpu.memref_squeeze %dma_wait3A_212 : memref<1x8x125xi32, #tpu.memory_space<hbm>> -> memref<8x125xi32, #tpu.memory_space<hbm>>
        tpu.wait_dma2 semaphore(%run_scoped3A_201 : memref<!tpu.dma_semaphore, #tpu.memory_space<semaphore_mem>>) src(%dma_wait3A_213 : memref<8x125xi32, #tpu.memory_space<hbm>>) dst(%arg12 : memref<8x125xi32, #tpu.memory_space<vmem>>)
        tpu.yield
      }) : () -> ()
      %scan3A_196 = arith.constant 0 : i32
      %scan3A_197 = arith.constant 4 : i32
      %scan3A_198 = arith.addi %scan3A_196, %scan3A_197 : i32
      %scan3A_199 = arith.constant 1 : i32
      scf.for %scan3A_201 = %scan3A_196 to %scan3A_198 step %scan3A_199  : i32 {
        %mul3A_202 = arith.constant 2 : i32
        %mul3A_203 = arith.muli %scan3A_201, %mul3A_202 : i32
        %add3A_204 = arith.constant 0 : i32
        %add3A_205 = arith.addi %add3A_204, %mul3A_203 : i32
        %add3A_206 = arith.constant 0 : i32
        %add3A_207 = arith.addi %add3A_205, %add3A_206 : i32
        %add3A_208 = arith.constant 1 : i32
        %add3A_209 = arith.addi %add3A_160, %add3A_208 : i32
        %mul3A_210 = arith.constant 8 : i32
        %mul3A_211 = arith.muli %add3A_209, %mul3A_210 : i32
        %add3A_212 = arith.addi %mul3A_211, %add3A_205 : i32
        %gt3A = arith.constant 0 : i32
        %gt3A_213 = arith.cmpi sgt, %add3A_212, %gt3A : i32
        %convert_element_type3A = arith.extui %gt3A_213 : i1 to i32
        %cond3A = arith.constant 0 : i32
        %cond3A_214 = arith.cmpi ne, %convert_element_type3A, %cond3A : i32
        scf.if %cond3A_214 {
          %dma_wait3A_287 = arith.constant 0 : i32
          %dma_wait3A_288 = arith.constant 0 : i32
          %dma_wait3A_289 = tpu.memref_slice %arg13[%dma_wait3A_287, %dma_wait3A_288] : memref<128x64xf32, #tpu.memory_space<vmem>> -> memref<125x64xf32, #tpu.memory_space<vmem>>
          %dma_wait3A_290 = arith.constant 0 : i32
          %dma_wait3A_291 = tpu.memref_slice %arg24[%mul3A_0, %dma_wait3A_290] : memref<10240x64xf32, #tpu.memory_space<vmem_shared>> -> memref<125x64xf32, #tpu.memory_space<vmem_shared>>
          %dma_wait3A_292 = arith.constant 0 : i32
          %dma_wait3A_293 = tpu.memref_slice %arg24[%mul3A_0, %dma_wait3A_292] : memref<10240x64xf32, #tpu.memory_space<vmem_shared>> -> memref<125x64xf32, #tpu.memory_space<vmem_shared>>
          %dma_wait3A_294 = arith.constant 0 : i32
          %dma_wait3A_295 = arith.constant 0 : i32
          %dma_wait3A_296 = tpu.memref_slice %arg13[%dma_wait3A_294, %dma_wait3A_295] : memref<128x64xf32, #tpu.memory_space<vmem>> -> memref<125x64xf32, #tpu.memory_space<vmem>>
          tpu.wait_dma2 semaphore(%arg20 : memref<!tpu.dma_semaphore, #tpu.memory_space<semaphore_mem>>) src(%dma_wait3A_296 : memref<125x64xf32, #tpu.memory_space<vmem>>) dst(%dma_wait3A_293 : memref<125x64xf32, #tpu.memory_space<vmem_shared>>)
        } else {
        }
        %dma_start3A_215 = arith.constant 0 : i32
        %dma_start3A_216 = arith.constant 0 : i32
        %dma_start3A_217 = tpu.memref_slice %arg13[%dma_start3A_215, %dma_start3A_216] : memref<128x64xf32, #tpu.memory_space<vmem>> -> memref<125x64xf32, #tpu.memory_space<vmem>>
        %dma_start3A_218 = arith.constant 0 : i32
        %dma_start3A_219 = tpu.memref_slice %arg10[%add3A_207, %dma_start3A_218] : memref<8x125xi32, #tpu.memory_space<vmem>> -> memref<1x125xi32, #tpu.memory_space<vmem>>
        %dma_start3A_220 = tpu.memref_squeeze %dma_start3A_219 : memref<1x125xi32, #tpu.memory_space<vmem>> -> memref<125xi32, #tpu.memory_space<vmem>>
        %dma_start3A_221 = arith.constant 0 : i32
        %dma_start3A_222 = arith.constant 0 : i32
        %dma_start3A_223 = tpu.memref_slice %arg23[%dma_start3A_221, %dma_start3A_222] : memref<10240x64xf32, #tpu.memory_space<vmem_shared>> -> memref<10240x64xf32, #tpu.memory_space<vmem_shared>>
        tpu.enqueue_indirect_dma source(%dma_start3A_223 : memref<10240x64xf32, #tpu.memory_space<vmem_shared>>) target(%dma_start3A_217 : memref<125x64xf32, #tpu.memory_space<vmem>>) offsets(%dma_start3A_220 : memref<125xi32, #tpu.memory_space<vmem>>) semaphore(%arg18 : memref<!tpu.dma_semaphore, #tpu.memory_space<semaphore_mem>>)
        %dma_wait3A_224 = arith.constant 0 : i32
        %dma_wait3A_225 = arith.constant 0 : i32
        %dma_wait3A_226 = tpu.memref_slice %arg13[%dma_wait3A_224, %dma_wait3A_225] : memref<128x64xf32, #tpu.memory_space<vmem>> -> memref<125x64xf32, #tpu.memory_space<vmem>>
        %dma_wait3A_227 = arith.constant 0 : i32
        %dma_wait3A_228 = arith.constant 0 : i32
        %dma_wait3A_229 = tpu.memref_slice %arg23[%dma_wait3A_227, %dma_wait3A_228] : memref<10240x64xf32, #tpu.memory_space<vmem_shared>> -> memref<125x64xf32, #tpu.memory_space<vmem_shared>>
        %dma_wait3A_230 = arith.constant 0 : i32
        %dma_wait3A_231 = arith.constant 0 : i32
        %dma_wait3A_232 = tpu.memref_slice %arg13[%dma_wait3A_230, %dma_wait3A_231] : memref<128x64xf32, #tpu.memory_space<vmem>> -> memref<125x64xf32, #tpu.memory_space<vmem>>
        %dma_wait3A_233 = arith.constant 0 : i32
        %dma_wait3A_234 = arith.constant 0 : i32
        %dma_wait3A_235 = tpu.memref_slice %arg23[%dma_wait3A_233, %dma_wait3A_234] : memref<10240x64xf32, #tpu.memory_space<vmem_shared>> -> memref<125x64xf32, #tpu.memory_space<vmem_shared>>
        tpu.wait_dma2 semaphore(%arg18 : memref<!tpu.dma_semaphore, #tpu.memory_space<semaphore_mem>>) src(%dma_wait3A_235 : memref<125x64xf32, #tpu.memory_space<vmem_shared>>) dst(%dma_wait3A_232 : memref<125x64xf32, #tpu.memory_space<vmem>>)
        %dma_start3A_236 = arith.constant 0 : i32
        %dma_start3A_237 = arith.constant 0 : i32
        %dma_start3A_238 = tpu.memref_slice %arg13[%dma_start3A_236, %dma_start3A_237] : memref<128x64xf32, #tpu.memory_space<vmem>> -> memref<125x64xf32, #tpu.memory_space<vmem>>
        %dma_start3A_239 = arith.constant 0 : i32
        %dma_start3A_240 = tpu.memref_slice %arg12[%add3A_207, %dma_start3A_239] : memref<8x125xi32, #tpu.memory_space<vmem>> -> memref<1x125xi32, #tpu.memory_space<vmem>>
        %dma_start3A_241 = tpu.memref_squeeze %dma_start3A_240 : memref<1x125xi32, #tpu.memory_space<vmem>> -> memref<125xi32, #tpu.memory_space<vmem>>
        %dma_start3A_242 = arith.constant 0 : i32
        %dma_start3A_243 = arith.constant 0 : i32
        %dma_start3A_244 = tpu.memref_slice %arg24[%dma_start3A_242, %dma_start3A_243] : memref<10240x64xf32, #tpu.memory_space<vmem_shared>> -> memref<10240x64xf32, #tpu.memory_space<vmem_shared>>
        tpu.enqueue_indirect_dma source(%dma_start3A_238 : memref<125x64xf32, #tpu.memory_space<vmem>>) target(%dma_start3A_244 : memref<10240x64xf32, #tpu.memory_space<vmem_shared>>) offsets(%dma_start3A_241 : memref<125xi32, #tpu.memory_space<vmem>>) semaphore(%arg20 : memref<!tpu.dma_semaphore, #tpu.memory_space<semaphore_mem>>) {add = true}
        %add3A_245 = arith.constant 1 : i32
        %add3A_246 = arith.addi %add3A_205, %add3A_245 : i32
        %add3A_247 = arith.constant 1 : i32
        %add3A_248 = arith.addi %add3A_160, %add3A_247 : i32
        %mul3A_249 = arith.constant 8 : i32
        %mul3A_250 = arith.muli %add3A_248, %mul3A_249 : i32
        %add3A_251 = arith.addi %mul3A_250, %add3A_205 : i32
        %gt3A_252 = arith.constant 0 : i32
        %gt3A_253 = arith.cmpi sgt, %add3A_251, %gt3A_252 : i32
        %convert_element_type3A_254 = arith.extui %gt3A_253 : i1 to i32
        %cond3A_255 = arith.constant 0 : i32
        %cond3A_256 = arith.cmpi ne, %convert_element_type3A_254, %cond3A_255 : i32
        scf.if %cond3A_256 {
          %dma_wait3A_287 = arith.constant 0 : i32
          %dma_wait3A_288 = arith.constant 0 : i32
          %dma_wait3A_289 = tpu.memref_slice %arg14[%dma_wait3A_287, %dma_wait3A_288] : memref<128x64xf32, #tpu.memory_space<vmem>> -> memref<125x64xf32, #tpu.memory_space<vmem>>
          %dma_wait3A_290 = arith.constant 0 : i32
          %dma_wait3A_291 = tpu.memref_slice %arg24[%mul3A_0, %dma_wait3A_290] : memref<10240x64xf32, #tpu.memory_space<vmem_shared>> -> memref<125x64xf32, #tpu.memory_space<vmem_shared>>
          %dma_wait3A_292 = arith.constant 0 : i32
          %dma_wait3A_293 = tpu.memref_slice %arg24[%mul3A_0, %dma_wait3A_292] : memref<10240x64xf32, #tpu.memory_space<vmem_shared>> -> memref<125x64xf32, #tpu.memory_space<vmem_shared>>
          %dma_wait3A_294 = arith.constant 0 : i32
          %dma_wait3A_295 = arith.constant 0 : i32
          %dma_wait3A_296 = tpu.memref_slice %arg14[%dma_wait3A_294, %dma_wait3A_295] : memref<128x64xf32, #tpu.memory_space<vmem>> -> memref<125x64xf32, #tpu.memory_space<vmem>>
          tpu.wait_dma2 semaphore(%arg21 : memref<!tpu.dma_semaphore, #tpu.memory_space<semaphore_mem>>) src(%dma_wait3A_296 : memref<125x64xf32, #tpu.memory_space<vmem>>) dst(%dma_wait3A_293 : memref<125x64xf32, #tpu.memory_space<vmem_shared>>)
        } else {
        }
        %dma_start3A_257 = arith.constant 0 : i32
        %dma_start3A_258 = arith.constant 0 : i32
        %dma_start3A_259 = tpu.memref_slice %arg14[%dma_start3A_257, %dma_start3A_258] : memref<128x64xf32, #tpu.memory_space<vmem>> -> memref<125x64xf32, #tpu.memory_space<vmem>>
        %dma_start3A_260 = arith.constant 0 : i32
        %dma_start3A_261 = tpu.memref_slice %arg10[%add3A_246, %dma_start3A_260] : memref<8x125xi32, #tpu.memory_space<vmem>> -> memref<1x125xi32, #tpu.memory_space<vmem>>
        %dma_start3A_262 = tpu.memref_squeeze %dma_start3A_261 : memref<1x125xi32, #tpu.memory_space<vmem>> -> memref<125xi32, #tpu.memory_space<vmem>>
        %dma_start3A_263 = arith.constant 0 : i32
        %dma_start3A_264 = arith.constant 0 : i32
        %dma_start3A_265 = tpu.memref_slice %arg23[%dma_start3A_263, %dma_start3A_264] : memref<10240x64xf32, #tpu.memory_space<vmem_shared>> -> memref<10240x64xf32, #tpu.memory_space<vmem_shared>>
        tpu.enqueue_indirect_dma source(%dma_start3A_265 : memref<10240x64xf32, #tpu.memory_space<vmem_shared>>) target(%dma_start3A_259 : memref<125x64xf32, #tpu.memory_space<vmem>>) offsets(%dma_start3A_262 : memref<125xi32, #tpu.memory_space<vmem>>) semaphore(%arg19 : memref<!tpu.dma_semaphore, #tpu.memory_space<semaphore_mem>>)
        %dma_wait3A_266 = arith.constant 0 : i32
        %dma_wait3A_267 = arith.constant 0 : i32
        %dma_wait3A_268 = tpu.memref_slice %arg14[%dma_wait3A_266, %dma_wait3A_267] : memref<128x64xf32, #tpu.memory_space<vmem>> -> memref<125x64xf32, #tpu.memory_space<vmem>>
        %dma_wait3A_269 = arith.constant 0 : i32
        %dma_wait3A_270 = arith.constant 0 : i32
        %dma_wait3A_271 = tpu.memref_slice %arg23[%dma_wait3A_269, %dma_wait3A_270] : memref<10240x64xf32, #tpu.memory_space<vmem_shared>> -> memref<125x64xf32, #tpu.memory_space<vmem_shared>>
        %dma_wait3A_272 = arith.constant 0 : i32
        %dma_wait3A_273 = arith.constant 0 : i32
        %dma_wait3A_274 = tpu.memref_slice %arg14[%dma_wait3A_272, %dma_wait3A_273] : memref<128x64xf32, #tpu.memory_space<vmem>> -> memref<125x64xf32, #tpu.memory_space<vmem>>
        %dma_wait3A_275 = arith.constant 0 : i32
        %dma_wait3A_276 = arith.constant 0 : i32
        %dma_wait3A_277 = tpu.memref_slice %arg23[%dma_wait3A_275, %dma_wait3A_276] : memref<10240x64xf32, #tpu.memory_space<vmem_shared>> -> memref<125x64xf32, #tpu.memory_space<vmem_shared>>
        tpu.wait_dma2 semaphore(%arg19 : memref<!tpu.dma_semaphore, #tpu.memory_space<semaphore_mem>>) src(%dma_wait3A_277 : memref<125x64xf32, #tpu.memory_space<vmem_shared>>) dst(%dma_wait3A_274 : memref<125x64xf32, #tpu.memory_space<vmem>>)
        %dma_start3A_278 = arith.constant 0 : i32
        %dma_start3A_279 = arith.constant 0 : i32
        %dma_start3A_280 = tpu.memref_slice %arg14[%dma_start3A_278, %dma_start3A_279] : memref<128x64xf32, #tpu.memory_space<vmem>> -> memref<125x64xf32, #tpu.memory_space<vmem>>
        %dma_start3A_281 = arith.constant 0 : i32
        %dma_start3A_282 = tpu.memref_slice %arg12[%add3A_246, %dma_start3A_281] : memref<8x125xi32, #tpu.memory_space<vmem>> -> memref<1x125xi32, #tpu.memory_space<vmem>>
        %dma_start3A_283 = tpu.memref_squeeze %dma_start3A_282 : memref<1x125xi32, #tpu.memory_space<vmem>> -> memref<125xi32, #tpu.memory_space<vmem>>
        %dma_start3A_284 = arith.constant 0 : i32
        %dma_start3A_285 = arith.constant 0 : i32
        %dma_start3A_286 = tpu.memref_slice %arg24[%dma_start3A_284, %dma_start3A_285] : memref<10240x64xf32, #tpu.memory_space<vmem_shared>> -> memref<10240x64xf32, #tpu.memory_space<vmem_shared>>
        tpu.enqueue_indirect_dma source(%dma_start3A_280 : memref<125x64xf32, #tpu.memory_space<vmem>>) target(%dma_start3A_286 : memref<10240x64xf32, #tpu.memory_space<vmem_shared>>) offsets(%dma_start3A_283 : memref<125xi32, #tpu.memory_space<vmem>>) semaphore(%arg21 : memref<!tpu.dma_semaphore, #tpu.memory_space<semaphore_mem>>) {add = true}
      }
      %scan3A_200 = arith.constant 4 : i32
    }
    %scan3A_98 = arith.constant 5 : i32
    %dma_wait3A_99 = arith.constant 0 : i32
    %dma_wait3A_100 = arith.constant 0 : i32
    %dma_wait3A_101 = tpu.memref_slice %arg13[%dma_wait3A_99, %dma_wait3A_100] : memref<128x64xf32, #tpu.memory_space<vmem>> -> memref<125x64xf32, #tpu.memory_space<vmem>>
    %dma_wait3A_102 = arith.constant 0 : i32
    %dma_wait3A_103 = tpu.memref_slice %arg24[%mul3A_0, %dma_wait3A_102] : memref<10240x64xf32, #tpu.memory_space<vmem_shared>> -> memref<125x64xf32, #tpu.memory_space<vmem_shared>>
    %dma_wait3A_104 = arith.constant 0 : i32
    %dma_wait3A_105 = tpu.memref_slice %arg24[%mul3A_0, %dma_wait3A_104] : memref<10240x64xf32, #tpu.memory_space<vmem_shared>> -> memref<125x64xf32, #tpu.memory_space<vmem_shared>>
    %dma_wait3A_106 = arith.constant 0 : i32
    %dma_wait3A_107 = arith.constant 0 : i32
    %dma_wait3A_108 = tpu.memref_slice %arg13[%dma_wait3A_106, %dma_wait3A_107] : memref<128x64xf32, #tpu.memory_space<vmem>> -> memref<125x64xf32, #tpu.memory_space<vmem>>
    tpu.wait_dma2 semaphore(%arg20 : memref<!tpu.dma_semaphore, #tpu.memory_space<semaphore_mem>>) src(%dma_wait3A_108 : memref<125x64xf32, #tpu.memory_space<vmem>>) dst(%dma_wait3A_105 : memref<125x64xf32, #tpu.memory_space<vmem_shared>>)
    %dma_wait3A_109 = arith.constant 0 : i32
    %dma_wait3A_110 = arith.constant 0 : i32
    %dma_wait3A_111 = tpu.memref_slice %arg14[%dma_wait3A_109, %dma_wait3A_110] : memref<128x64xf32, #tpu.memory_space<vmem>> -> memref<125x64xf32, #tpu.memory_space<vmem>>
    %dma_wait3A_112 = arith.constant 0 : i32
    %dma_wait3A_113 = tpu.memref_slice %arg24[%mul3A_0, %dma_wait3A_112] : memref<10240x64xf32, #tpu.memory_space<vmem_shared>> -> memref<125x64xf32, #tpu.memory_space<vmem_shared>>
    %dma_wait3A_114 = arith.constant 0 : i32
    %dma_wait3A_115 = tpu.memref_slice %arg24[%mul3A_0, %dma_wait3A_114] : memref<10240x64xf32, #tpu.memory_space<vmem_shared>> -> memref<125x64xf32, #tpu.memory_space<vmem_shared>>
    %dma_wait3A_116 = arith.constant 0 : i32
    %dma_wait3A_117 = arith.constant 0 : i32
    %dma_wait3A_118 = tpu.memref_slice %arg14[%dma_wait3A_116, %dma_wait3A_117] : memref<128x64xf32, #tpu.memory_space<vmem>> -> memref<125x64xf32, #tpu.memory_space<vmem>>
    tpu.wait_dma2 semaphore(%arg21 : memref<!tpu.dma_semaphore, #tpu.memory_space<semaphore_mem>>) src(%dma_wait3A_118 : memref<125x64xf32, #tpu.memory_space<vmem>>) dst(%dma_wait3A_115 : memref<125x64xf32, #tpu.memory_space<vmem_shared>>)
    %barrier3A_119 = arith.constant 0 : index
    tpu.barrier barrier_id(%barrier3A_119)
    %scan3A_120 = arith.constant 0 : i32
    %scan3A_121 = arith.constant 2 : i32
    %scan3A_122 = arith.addi %scan3A_120, %scan3A_121 : i32
    %scan3A_123 = arith.constant 1 : i32
    scf.for %scan3A_156 = %scan3A_120 to %scan3A_122 step %scan3A_123  : i32 {
      %mul3A_157 = arith.constant 2 : i32
      %mul3A_158 = arith.muli %scan3A_156, %mul3A_157 : i32
      %add3A_159 = arith.constant 0 : i32
      %add3A_160 = arith.addi %add3A_159, %mul3A_158 : i32
      %add3A_161 = arith.constant 0 : i32
      %add3A_162 = arith.addi %add3A_160, %add3A_161 : i32
      %gt3A = arith.constant 0 : i32
      %gt3A_163 = arith.cmpi sgt, %add3A_160, %gt3A : i32
      %convert_element_type3A = arith.extui %gt3A_163 : i1 to i32
      %cond3A = arith.constant 0 : i32
      %cond3A_164 = arith.cmpi ne, %convert_element_type3A, %cond3A : i32
      scf.if %cond3A_164 {
        %dma_wait3A_190 = arith.constant 0 : i32
        %dma_wait3A_191 = tpu.memref_slice %arg7[%add3A_77, %mul3A_0, %dma_wait3A_190] : memref<4x10240x64xf32, #tpu.memory_space<hbm>> -> memref<1x128x64xf32, #tpu.memory_space<hbm>>
        %dma_wait3A_192 = tpu.memref_squeeze %dma_wait3A_191 : memref<1x128x64xf32, #tpu.memory_space<hbm>> -> memref<128x64xf32, #tpu.memory_space<hbm>>
        %dma_wait3A_193 = arith.constant 0 : i32
        %dma_wait3A_194 = tpu.memref_slice %arg7[%add3A_77, %mul3A_0, %dma_wait3A_193] : memref<4x10240x64xf32, #tpu.memory_space<hbm>> -> memref<1x128x64xf32, #tpu.memory_space<hbm>>
        %dma_wait3A_195 = tpu.memref_squeeze %dma_wait3A_194 : memref<1x128x64xf32, #tpu.memory_space<hbm>> -> memref<128x64xf32, #tpu.memory_space<hbm>>
        tpu.wait_dma2 semaphore(%arg20 : memref<!tpu.dma_semaphore, #tpu.memory_space<semaphore_mem>>) src(%arg13 : memref<128x64xf32, #tpu.memory_space<vmem>>) dst(%dma_wait3A_195 : memref<128x64xf32, #tpu.memory_space<hbm>>)
      } else {
      }
      %mul3A_165 = arith.constant 128 : i32
      %mul3A_166 = arith.muli %add3A_162, %mul3A_165 : i32
      %add3A_167 = arith.addi %mul3A_0, %mul3A_166 : i32
      "tpu.region"() ({
        %run_scoped3A_190 = tpu.sem_alloc : memref<!tpu.dma_semaphore, #tpu.memory_space<semaphore_mem>>
        %dma_start3A_191 = arith.constant 0 : i32
        %dma_start3A_192 = tpu.memref_slice %arg24[%add3A_167, %dma_start3A_191] : memref<10240x64xf32, #tpu.memory_space<vmem_shared>> -> memref<128x64xf32, #tpu.memory_space<vmem_shared>>
        %dma_start3A_193 = arith.constant 0 : i32
        %dma_start3A_194 = tpu.memref_slice %arg24[%add3A_167, %dma_start3A_193] : memref<10240x64xf32, #tpu.memory_space<vmem_shared>> -> memref<128x64xf32, #tpu.memory_space<vmem_shared>>
        tpu.enqueue_dma source(%dma_start3A_194 : memref<128x64xf32, #tpu.memory_space<vmem_shared>>) target(%arg13 : memref<128x64xf32, #tpu.memory_space<vmem>>) target_semaphore(%run_scoped3A_190 : memref<!tpu.dma_semaphore, #tpu.memory_space<semaphore_mem>>)
        %dma_wait3A_195 = arith.constant 0 : i32
        %dma_wait3A_196 = tpu.memref_slice %arg24[%add3A_167, %dma_wait3A_195] : memref<10240x64xf32, #tpu.memory_space<vmem_shared>> -> memref<128x64xf32, #tpu.memory_space<vmem_shared>>
        %dma_wait3A_197 = arith.constant 0 : i32
        %dma_wait3A_198 = tpu.memref_slice %arg24[%add3A_167, %dma_wait3A_197] : memref<10240x64xf32, #tpu.memory_space<vmem_shared>> -> memref<128x64xf32, #tpu.memory_space<vmem_shared>>
        tpu.wait_dma2 semaphore(%run_scoped3A_190 : memref<!tpu.dma_semaphore, #tpu.memory_space<semaphore_mem>>) src(%dma_wait3A_198 : memref<128x64xf32, #tpu.memory_space<vmem_shared>>) dst(%arg13 : memref<128x64xf32, #tpu.memory_space<vmem>>)
        tpu.yield
      }) : () -> ()
      %dma_start3A_168 = arith.constant 0 : i32
      %dma_start3A_169 = tpu.memref_slice %arg7[%add3A_77, %add3A_167, %dma_start3A_168] : memref<4x10240x64xf32, #tpu.memory_space<hbm>> -> memref<1x128x64xf32, #tpu.memory_space<hbm>>
      %dma_start3A_170 = tpu.memref_squeeze %dma_start3A_169 : memref<1x128x64xf32, #tpu.memory_space<hbm>> -> memref<128x64xf32, #tpu.memory_space<hbm>>
      %dma_start3A_171 = arith.constant 0 : i32
      %dma_start3A_172 = tpu.memref_slice %arg7[%add3A_77, %add3A_167, %dma_start3A_171] : memref<4x10240x64xf32, #tpu.memory_space<hbm>> -> memref<1x128x64xf32, #tpu.memory_space<hbm>>
      %dma_start3A_173 = tpu.memref_squeeze %dma_start3A_172 : memref<1x128x64xf32, #tpu.memory_space<hbm>> -> memref<128x64xf32, #tpu.memory_space<hbm>>
      tpu.enqueue_dma source(%arg13 : memref<128x64xf32, #tpu.memory_space<vmem>>) target(%dma_start3A_173 : memref<128x64xf32, #tpu.memory_space<hbm>>) target_semaphore(%arg20 : memref<!tpu.dma_semaphore, #tpu.memory_space<semaphore_mem>>)
      %add3A_174 = arith.constant 1 : i32
      %add3A_175 = arith.addi %add3A_160, %add3A_174 : i32
      %gt3A_176 = arith.constant 0 : i32
      %gt3A_177 = arith.cmpi sgt, %add3A_160, %gt3A_176 : i32
      %convert_element_type3A_178 = arith.extui %gt3A_177 : i1 to i32
      %cond3A_179 = arith.constant 0 : i32
      %cond3A_180 = arith.cmpi ne, %convert_element_type3A_178, %cond3A_179 : i32
      scf.if %cond3A_180 {
        %dma_wait3A_190 = arith.constant 0 : i32
        %dma_wait3A_191 = tpu.memref_slice %arg7[%add3A_77, %mul3A_0, %dma_wait3A_190] : memref<4x10240x64xf32, #tpu.memory_space<hbm>> -> memref<1x128x64xf32, #tpu.memory_space<hbm>>
        %dma_wait3A_192 = tpu.memref_squeeze %dma_wait3A_191 : memref<1x128x64xf32, #tpu.memory_space<hbm>> -> memref<128x64xf32, #tpu.memory_space<hbm>>
        %dma_wait3A_193 = arith.constant 0 : i32
        %dma_wait3A_194 = tpu.memref_slice %arg7[%add3A_77, %mul3A_0, %dma_wait3A_193] : memref<4x10240x64xf32, #tpu.memory_space<hbm>> -> memref<1x128x64xf32, #tpu.memory_space<hbm>>
        %dma_wait3A_195 = tpu.memref_squeeze %dma_wait3A_194 : memref<1x128x64xf32, #tpu.memory_space<hbm>> -> memref<128x64xf32, #tpu.memory_space<hbm>>
        tpu.wait_dma2 semaphore(%arg21 : memref<!tpu.dma_semaphore, #tpu.memory_space<semaphore_mem>>) src(%arg14 : memref<128x64xf32, #tpu.memory_space<vmem>>) dst(%dma_wait3A_195 : memref<128x64xf32, #tpu.memory_space<hbm>>)
      } else {
      }
      %mul3A_181 = arith.constant 128 : i32
      %mul3A_182 = arith.muli %add3A_175, %mul3A_181 : i32
      %add3A_183 = arith.addi %mul3A_0, %mul3A_182 : i32
      "tpu.region"() ({
        %run_scoped3A_190 = tpu.sem_alloc : memref<!tpu.dma_semaphore, #tpu.memory_space<semaphore_mem>>
        %dma_start3A_191 = arith.constant 0 : i32
        %dma_start3A_192 = tpu.memref_slice %arg24[%add3A_183, %dma_start3A_191] : memref<10240x64xf32, #tpu.memory_space<vmem_shared>> -> memref<128x64xf32, #tpu.memory_space<vmem_shared>>
        %dma_start3A_193 = arith.constant 0 : i32
        %dma_start3A_194 = tpu.memref_slice %arg24[%add3A_183, %dma_start3A_193] : memref<10240x64xf32, #tpu.memory_space<vmem_shared>> -> memref<128x64xf32, #tpu.memory_space<vmem_shared>>
        tpu.enqueue_dma source(%dma_start3A_194 : memref<128x64xf32, #tpu.memory_space<vmem_shared>>) target(%arg14 : memref<128x64xf32, #tpu.memory_space<vmem>>) target_semaphore(%run_scoped3A_190 : memref<!tpu.dma_semaphore, #tpu.memory_space<semaphore_mem>>)
        %dma_wait3A_195 = arith.constant 0 : i32
        %dma_wait3A_196 = tpu.memref_slice %arg24[%add3A_183, %dma_wait3A_195] : memref<10240x64xf32, #tpu.memory_space<vmem_shared>> -> memref<128x64xf32, #tpu.memory_space<vmem_shared>>
        %dma_wait3A_197 = arith.constant 0 : i32
        %dma_wait3A_198 = tpu.memref_slice %arg24[%add3A_183, %dma_wait3A_197] : memref<10240x64xf32, #tpu.memory_space<vmem_shared>> -> memref<128x64xf32, #tpu.memory_space<vmem_shared>>
        tpu.wait_dma2 semaphore(%run_scoped3A_190 : memref<!tpu.dma_semaphore, #tpu.memory_space<semaphore_mem>>) src(%dma_wait3A_198 : memref<128x64xf32, #tpu.memory_space<vmem_shared>>) dst(%arg14 : memref<128x64xf32, #tpu.memory_space<vmem>>)
        tpu.yield
      }) : () -> ()
      %dma_start3A_184 = arith.constant 0 : i32
      %dma_start3A_185 = tpu.memref_slice %arg7[%add3A_77, %add3A_183, %dma_start3A_184] : memref<4x10240x64xf32, #tpu.memory_space<hbm>> -> memref<1x128x64xf32, #tpu.memory_space<hbm>>
      %dma_start3A_186 = tpu.memref_squeeze %dma_start3A_185 : memref<1x128x64xf32, #tpu.memory_space<hbm>> -> memref<128x64xf32, #tpu.memory_space<hbm>>
      %dma_start3A_187 = arith.constant 0 : i32
      %dma_start3A_188 = tpu.memref_slice %arg7[%add3A_77, %add3A_183, %dma_start3A_187] : memref<4x10240x64xf32, #tpu.memory_space<hbm>> -> memref<1x128x64xf32, #tpu.memory_space<hbm>>
      %dma_start3A_189 = tpu.memref_squeeze %dma_start3A_188 : memref<1x128x64xf32, #tpu.memory_space<hbm>> -> memref<128x64xf32, #tpu.memory_space<hbm>>
      tpu.enqueue_dma source(%arg14 : memref<128x64xf32, #tpu.memory_space<vmem>>) target(%dma_start3A_189 : memref<128x64xf32, #tpu.memory_space<hbm>>) target_semaphore(%arg21 : memref<!tpu.dma_semaphore, #tpu.memory_space<semaphore_mem>>)
    }
    %scan3A_124 = arith.constant 2 : i32
    %add3A_125 = arith.constant 512 : i32
    %add3A_126 = arith.addi %mul3A_0, %add3A_125 : i32
    %dma_wait3A_127 = arith.constant 0 : i32
    %dma_wait3A_128 = tpu.memref_slice %arg7[%add3A_77, %mul3A_0, %dma_wait3A_127] : memref<4x10240x64xf32, #tpu.memory_space<hbm>> -> memref<1x128x64xf32, #tpu.memory_space<hbm>>
    %dma_wait3A_129 = tpu.memref_squeeze %dma_wait3A_128 : memref<1x128x64xf32, #tpu.memory_space<hbm>> -> memref<128x64xf32, #tpu.memory_space<hbm>>
    %dma_wait3A_130 = arith.constant 0 : i32
    %dma_wait3A_131 = tpu.memref_slice %arg7[%add3A_77, %mul3A_0, %dma_wait3A_130] : memref<4x10240x64xf32, #tpu.memory_space<hbm>> -> memref<1x128x64xf32, #tpu.memory_space<hbm>>
    %dma_wait3A_132 = tpu.memref_squeeze %dma_wait3A_131 : memref<1x128x64xf32, #tpu.memory_space<hbm>> -> memref<128x64xf32, #tpu.memory_space<hbm>>
    tpu.wait_dma2 semaphore(%arg20 : memref<!tpu.dma_semaphore, #tpu.memory_space<semaphore_mem>>) src(%arg13 : memref<128x64xf32, #tpu.memory_space<vmem>>) dst(%dma_wait3A_132 : memref<128x64xf32, #tpu.memory_space<hbm>>)
    "tpu.region"() ({
      %run_scoped3A_156 = tpu.sem_alloc : memref<!tpu.dma_semaphore, #tpu.memory_space<semaphore_mem>>
      %dma_start3A_157 = arith.constant 0 : i32
      %dma_start3A_158 = tpu.memref_slice %arg24[%add3A_126, %dma_start3A_157] : memref<10240x64xf32, #tpu.memory_space<vmem_shared>> -> memref<128x64xf32, #tpu.memory_space<vmem_shared>>
      %dma_start3A_159 = arith.constant 0 : i32
      %dma_start3A_160 = tpu.memref_slice %arg24[%add3A_126, %dma_start3A_159] : memref<10240x64xf32, #tpu.memory_space<vmem_shared>> -> memref<128x64xf32, #tpu.memory_space<vmem_shared>>
      tpu.enqueue_dma source(%dma_start3A_160 : memref<128x64xf32, #tpu.memory_space<vmem_shared>>) target(%arg13 : memref<128x64xf32, #tpu.memory_space<vmem>>) target_semaphore(%run_scoped3A_156 : memref<!tpu.dma_semaphore, #tpu.memory_space<semaphore_mem>>)
      %dma_wait3A_161 = arith.constant 0 : i32
      %dma_wait3A_162 = tpu.memref_slice %arg24[%add3A_126, %dma_wait3A_161] : memref<10240x64xf32, #tpu.memory_space<vmem_shared>> -> memref<128x64xf32, #tpu.memory_space<vmem_shared>>
      %dma_wait3A_163 = arith.constant 0 : i32
      %dma_wait3A_164 = tpu.memref_slice %arg24[%add3A_126, %dma_wait3A_163] : memref<10240x64xf32, #tpu.memory_space<vmem_shared>> -> memref<128x64xf32, #tpu.memory_space<vmem_shared>>
      tpu.wait_dma2 semaphore(%run_scoped3A_156 : memref<!tpu.dma_semaphore, #tpu.memory_space<semaphore_mem>>) src(%dma_wait3A_164 : memref<128x64xf32, #tpu.memory_space<vmem_shared>>) dst(%arg13 : memref<128x64xf32, #tpu.memory_space<vmem>>)
      tpu.yield
    }) : () -> ()
    %dma_start3A_133 = arith.constant 0 : i32
    %dma_start3A_134 = tpu.memref_slice %arg7[%add3A_77, %add3A_126, %dma_start3A_133] : memref<4x10240x64xf32, #tpu.memory_space<hbm>> -> memref<1x128x64xf32, #tpu.memory_space<hbm>>
    %dma_start3A_135 = tpu.memref_squeeze %dma_start3A_134 : memref<1x128x64xf32, #tpu.memory_space<hbm>> -> memref<128x64xf32, #tpu.memory_space<hbm>>
    %dma_start3A_136 = arith.constant 0 : i32
    %dma_start3A_137 = tpu.memref_slice %arg7[%add3A_77, %add3A_126, %dma_start3A_136] : memref<4x10240x64xf32, #tpu.memory_space<hbm>> -> memref<1x128x64xf32, #tpu.memory_space<hbm>>
    %dma_start3A_138 = tpu.memref_squeeze %dma_start3A_137 : memref<1x128x64xf32, #tpu.memory_space<hbm>> -> memref<128x64xf32, #tpu.memory_space<hbm>>
    tpu.enqueue_dma source(%arg13 : memref<128x64xf32, #tpu.memory_space<vmem>>) target(%dma_start3A_138 : memref<128x64xf32, #tpu.memory_space<hbm>>) target_semaphore(%arg20 : memref<!tpu.dma_semaphore, #tpu.memory_space<semaphore_mem>>)
    %scan3A_139 = arith.constant 0 : i32
    %scan3A_140 = arith.constant 5 : i32
    %scan3A_141 = arith.addi %scan3A_139, %scan3A_140 : i32
    %scan3A_142 = arith.constant 1 : i32
    scf.for %scan3A_156 = %scan3A_139 to %scan3A_141 step %scan3A_142  : i32 {
      %mul3A_157 = arith.constant 1 : i32
      %mul3A_158 = arith.muli %scan3A_156, %mul3A_157 : i32
      %add3A_159 = arith.constant 0 : i32
      %add3A_160 = arith.addi %add3A_159, %mul3A_158 : i32
      %mul3A_161 = arith.constant 128 : i32
      %mul3A_162 = arith.muli %add3A_160, %mul3A_161 : i32
      %add3A_163 = arith.addi %mul3A_0, %mul3A_162 : i32
      "tpu.region"() ({
        %run_scoped3A_164 = tpu.sem_alloc : memref<!tpu.dma_semaphore, #tpu.memory_space<semaphore_mem>>
        %dma_start3A_165 = arith.constant 0 : i32
        %dma_start3A_166 = tpu.memref_slice %arg25[%add3A_163, %dma_start3A_165] : memref<10240x8xf32, #tpu.memory_space<vmem_shared>> -> memref<128x8xf32, #tpu.memory_space<vmem_shared>>
        %dma_start3A_167 = arith.constant 0 : i32
        %dma_start3A_168 = tpu.memref_slice %arg25[%add3A_163, %dma_start3A_167] : memref<10240x8xf32, #tpu.memory_space<vmem_shared>> -> memref<128x8xf32, #tpu.memory_space<vmem_shared>>
        tpu.enqueue_dma source(%dma_start3A_168 : memref<128x8xf32, #tpu.memory_space<vmem_shared>>) target(%arg17 : memref<128x8xf32, #tpu.memory_space<vmem>>) target_semaphore(%run_scoped3A_164 : memref<!tpu.dma_semaphore, #tpu.memory_space<semaphore_mem>>)
        %dma_wait3A_169 = arith.constant 0 : i32
        %dma_wait3A_170 = tpu.memref_slice %arg25[%add3A_163, %dma_wait3A_169] : memref<10240x8xf32, #tpu.memory_space<vmem_shared>> -> memref<128x8xf32, #tpu.memory_space<vmem_shared>>
        %dma_wait3A_171 = arith.constant 0 : i32
        %dma_wait3A_172 = tpu.memref_slice %arg25[%add3A_163, %dma_wait3A_171] : memref<10240x8xf32, #tpu.memory_space<vmem_shared>> -> memref<128x8xf32, #tpu.memory_space<vmem_shared>>
        tpu.wait_dma2 semaphore(%run_scoped3A_164 : memref<!tpu.dma_semaphore, #tpu.memory_space<semaphore_mem>>) src(%dma_wait3A_172 : memref<128x8xf32, #tpu.memory_space<vmem_shared>>) dst(%arg17 : memref<128x8xf32, #tpu.memory_space<vmem>>)
        tpu.yield
      }) : () -> ()
      "tpu.region"() ({
        %run_scoped3A_164 = tpu.sem_alloc : memref<!tpu.dma_semaphore, #tpu.memory_space<semaphore_mem>>
        %dma_start3A_165 = arith.constant 0 : i32
        %dma_start3A_166 = tpu.memref_slice %arg8[%arg0, %add3A_163, %dma_start3A_165] : memref<2x10240x8xf32, #tpu.memory_space<hbm>> -> memref<1x128x8xf32, #tpu.memory_space<hbm>>
        %dma_start3A_167 = tpu.memref_squeeze %dma_start3A_166 : memref<1x128x8xf32, #tpu.memory_space<hbm>> -> memref<128x8xf32, #tpu.memory_space<hbm>>
        %dma_start3A_168 = arith.constant 0 : i32
        %dma_start3A_169 = tpu.memref_slice %arg8[%arg0, %add3A_163, %dma_start3A_168] : memref<2x10240x8xf32, #tpu.memory_space<hbm>> -> memref<1x128x8xf32, #tpu.memory_space<hbm>>
        %dma_start3A_170 = tpu.memref_squeeze %dma_start3A_169 : memref<1x128x8xf32, #tpu.memory_space<hbm>> -> memref<128x8xf32, #tpu.memory_space<hbm>>
        tpu.enqueue_dma source(%arg17 : memref<128x8xf32, #tpu.memory_space<vmem>>) target(%dma_start3A_170 : memref<128x8xf32, #tpu.memory_space<hbm>>) target_semaphore(%run_scoped3A_164 : memref<!tpu.dma_semaphore, #tpu.memory_space<semaphore_mem>>)
        %dma_wait3A_171 = arith.constant 0 : i32
        %dma_wait3A_172 = tpu.memref_slice %arg8[%arg0, %add3A_163, %dma_wait3A_171] : memref<2x10240x8xf32, #tpu.memory_space<hbm>> -> memref<1x128x8xf32, #tpu.memory_space<hbm>>
        %dma_wait3A_173 = tpu.memref_squeeze %dma_wait3A_172 : memref<1x128x8xf32, #tpu.memory_space<hbm>> -> memref<128x8xf32, #tpu.memory_space<hbm>>
        %dma_wait3A_174 = arith.constant 0 : i32
        %dma_wait3A_175 = tpu.memref_slice %arg8[%arg0, %add3A_163, %dma_wait3A_174] : memref<2x10240x8xf32, #tpu.memory_space<hbm>> -> memref<1x128x8xf32, #tpu.memory_space<hbm>>
        %dma_wait3A_176 = tpu.memref_squeeze %dma_wait3A_175 : memref<1x128x8xf32, #tpu.memory_space<hbm>> -> memref<128x8xf32, #tpu.memory_space<hbm>>
        tpu.wait_dma2 semaphore(%run_scoped3A_164 : memref<!tpu.dma_semaphore, #tpu.memory_space<semaphore_mem>>) src(%arg17 : memref<128x8xf32, #tpu.memory_space<vmem>>) dst(%dma_wait3A_176 : memref<128x8xf32, #tpu.memory_space<hbm>>)
        tpu.yield
      }) : () -> ()
    }
    %scan3A_143 = arith.constant 5 : i32
    %dma_wait3A_144 = arith.constant 0 : i32
    %dma_wait3A_145 = tpu.memref_slice %arg7[%add3A_77, %mul3A_0, %dma_wait3A_144] : memref<4x10240x64xf32, #tpu.memory_space<hbm>> -> memref<1x128x64xf32, #tpu.memory_space<hbm>>
    %dma_wait3A_146 = tpu.memref_squeeze %dma_wait3A_145 : memref<1x128x64xf32, #tpu.memory_space<hbm>> -> memref<128x64xf32, #tpu.memory_space<hbm>>
    %dma_wait3A_147 = arith.constant 0 : i32
    %dma_wait3A_148 = tpu.memref_slice %arg7[%add3A_77, %mul3A_0, %dma_wait3A_147] : memref<4x10240x64xf32, #tpu.memory_space<hbm>> -> memref<1x128x64xf32, #tpu.memory_space<hbm>>
    %dma_wait3A_149 = tpu.memref_squeeze %dma_wait3A_148 : memref<1x128x64xf32, #tpu.memory_space<hbm>> -> memref<128x64xf32, #tpu.memory_space<hbm>>
    tpu.wait_dma2 semaphore(%arg20 : memref<!tpu.dma_semaphore, #tpu.memory_space<semaphore_mem>>) src(%arg13 : memref<128x64xf32, #tpu.memory_space<vmem>>) dst(%dma_wait3A_149 : memref<128x64xf32, #tpu.memory_space<hbm>>)
    %dma_wait3A_150 = arith.constant 0 : i32
    %dma_wait3A_151 = tpu.memref_slice %arg7[%add3A_77, %mul3A_0, %dma_wait3A_150] : memref<4x10240x64xf32, #tpu.memory_space<hbm>> -> memref<1x128x64xf32, #tpu.memory_space<hbm>>
    %dma_wait3A_152 = tpu.memref_squeeze %dma_wait3A_151 : memref<1x128x64xf32, #tpu.memory_space<hbm>> -> memref<128x64xf32, #tpu.memory_space<hbm>>
    %dma_wait3A_153 = arith.constant 0 : i32
    %dma_wait3A_154 = tpu.memref_slice %arg7[%add3A_77, %mul3A_0, %dma_wait3A_153] : memref<4x10240x64xf32, #tpu.memory_space<hbm>> -> memref<1x128x64xf32, #tpu.memory_space<hbm>>
    %dma_wait3A_155 = tpu.memref_squeeze %dma_wait3A_154 : memref<1x128x64xf32, #tpu.memory_space<hbm>> -> memref<128x64xf32, #tpu.memory_space<hbm>>
    tpu.wait_dma2 semaphore(%arg21 : memref<!tpu.dma_semaphore, #tpu.memory_space<semaphore_mem>>) src(%arg14 : memref<128x64xf32, #tpu.memory_space<vmem>>) dst(%dma_wait3A_155 : memref<128x64xf32, #tpu.memory_space<hbm>>)
    return
  }
}

module attributes {stable_mosaic.version = 14 : i64} {
  func.func @_tc_self_body(%arg0: i32, %arg1: memref<400x256xf32, #tpu.memory_space<vmem>>, %arg2: memref<256x256xf32, #tpu.memory_space<vmem>>, %arg3: memref<1x256xf32, #tpu.memory_space<vmem>>, %arg4: memref<400x256xf32, #tpu.memory_space<vmem>>) attributes {dimension_semantics = [#tpu.dimension_semantics<arbitrary>], iteration_bounds = array<i64: 25>, scalar_prefetch = 0 : i64, scratch_operands = 0 : i64, tpu.core_type = #tpu.core_type<tc>, window_params = [{transform_indices = @transform_0, window_bounds = array<i64: 400, 256>}, {pipeline_mode = #tpu.pipeline_mode<synchronous>, transform_indices = @transform_1, window_bounds = array<i64: 256, 256>}, {pipeline_mode = #tpu.pipeline_mode<synchronous>, transform_indices = @transform_2, window_bounds = array<i64: 1, 256>}, {transform_indices = @transform_3, window_bounds = array<i64: 400, 256>}]} {
    %get3A = arith.constant 0 : index
    %get3A_0 = arith.constant 0 : index
    %get3A_1 = vector.load %arg1[%get3A, %get3A_0] : memref<400x256xf32, #tpu.memory_space<vmem>>, vector<400x256xf32>
    %get3A_2 = arith.constant 0 : index
    %get3A_3 = arith.constant 0 : index
    %get3A_4 = vector.load %arg2[%get3A_2, %get3A_3] : memref<256x256xf32, #tpu.memory_space<vmem>>, vector<256x256xf32>
    %dot_general3A = arith.constant dense<0.000000e+00> : vector<400x256xf32>
    %dot_general3A_5 = tpu.matmul %get3A_1, %get3A_4, %dot_general3A {dimension_numbers = #tpu.dot_dimension_numbers<[1], [0], [0], [1], [0, 0, 1, 1], [], []>, transpose_lhs_hint = false} : vector<400x256xf32>, vector<256x256xf32>, vector<400x256xf32> -> vector<400x256xf32>
    %get3A_6 = arith.constant 0 : index
    %get3A_7 = arith.constant 0 : index
    %get3A_8 = vector.load %arg3[%get3A_6, %get3A_7] : memref<1x256xf32, #tpu.memory_space<vmem>>, vector<1x256xf32>
    %add3A = vector.broadcast %get3A_8 : vector<1x256xf32> to vector<400x256xf32>
    %add3A_9 = arith.addf %dot_general3A_5, %add3A : vector<400x256xf32>
    %swap3A = arith.constant 0 : index
    %swap3A_10 = arith.constant 0 : index
    %swap3A_11 = vector.load %arg4[%swap3A, %swap3A_10] : memref<400x256xf32, #tpu.memory_space<vmem>>, vector<400x256xf32>
    tpu.vector_store %arg4[%swap3A, %swap3A_10], %add3A_9 {strides = array<i32>} : memref<400x256xf32, #tpu.memory_space<vmem>>, vector<400x256xf32>,
    return
  }
  func.func @transform_0(%arg0: i32) -> (i32, i32) {
    %c0_i32 = arith.constant 0 : i32
    %c0_i32_0 = arith.constant 0 : i32
    return %arg0, %c0_i32 : i32, i32
  }
  func.func @transform_1(%arg0: i32) -> (i32, i32) {
    %c0_i32 = arith.constant 0 : i32
    %c0_i32_0 = arith.constant 0 : i32
    %c0_i32_1 = arith.constant 0 : i32
    return %c0_i32, %c0_i32_0 : i32, i32
  }
  func.func @transform_2(%arg0: i32) -> (i32, i32) {
    %c0_i32 = arith.constant 0 : i32
    %c0_i32_0 = arith.constant 0 : i32
    %c0_i32_1 = arith.constant 0 : i32
    return %c0_i32, %c0_i32_0 : i32, i32
  }
  func.func @transform_3(%arg0: i32) -> (i32, i32) {
    %c0_i32 = arith.constant 0 : i32
    %c0_i32_0 = arith.constant 0 : i32
    return %arg0, %c0_i32 : i32, i32
  }
}

module attributes {stable_mosaic.version = 14 : i64} {
  func.func @_tc_combine_body(%arg0: i32, %arg1: memref<400x256xf32, #tpu.memory_space<vmem>>, %arg2: memref<1x400x64xf32, #tpu.memory_space<vmem>>, %arg3: memref<1x400x64xf32, #tpu.memory_space<vmem>>, %arg4: memref<1x400x64xf32, #tpu.memory_space<vmem>>, %arg5: memref<1x400x64xf32, #tpu.memory_space<vmem>>, %arg6: memref<1x400x8xf32, #tpu.memory_space<vmem>>, %arg7: memref<1x400x8xf32, #tpu.memory_space<vmem>>, %arg8: memref<256x256xf32, #tpu.memory_space<vmem>>, %arg9: memref<400x256xf32, #tpu.memory_space<vmem>>) attributes {dimension_semantics = [#tpu.dimension_semantics<arbitrary>], iteration_bounds = array<i64: 25>, scalar_prefetch = 0 : i64, scratch_operands = 0 : i64, tpu.core_type = #tpu.core_type<tc>, window_params = [{transform_indices = @transform_0, window_bounds = array<i64: 400, 256>}, {transform_indices = @transform_1, window_bounds = array<i64: 1, 400, 64>}, {transform_indices = @transform_2, window_bounds = array<i64: 1, 400, 64>}, {transform_indices = @transform_3, window_bounds = array<i64: 1, 400, 64>}, {transform_indices = @transform_4, window_bounds = array<i64: 1, 400, 64>}, {transform_indices = @transform_5, window_bounds = array<i64: 1, 400, 8>}, {transform_indices = @transform_6, window_bounds = array<i64: 1, 400, 8>}, {pipeline_mode = #tpu.pipeline_mode<synchronous>, transform_indices = @transform_7, window_bounds = array<i64: 256, 256>}, {transform_indices = @transform_8, window_bounds = array<i64: 400, 256>}]} {
    %get3A = arith.constant 0 : index
    %get3A_0 = arith.constant 0 : index
    %get3A_1 = arith.constant 0 : index
    %get3A_2 = vector.load %arg6[%get3A, %get3A_0, %get3A_1] : memref<1x400x8xf32, #tpu.memory_space<vmem>>, vector<1x400x8xf32>
    %get3A_3 = vector.shape_cast %get3A_2 : vector<1x400x8xf32> to vector<400x8xf32>
    %slice3A = vector.extract_strided_slice %get3A_3 {offsets = [0, 0], sizes = [400, 1], strides = [1, 1]} : vector<400x8xf32> to vector<400x1xf32>
    %get3A_4 = arith.constant 0 : index
    %get3A_5 = arith.constant 0 : index
    %get3A_6 = arith.constant 0 : index
    %get3A_7 = vector.load %arg7[%get3A_4, %get3A_5, %get3A_6] : memref<1x400x8xf32, #tpu.memory_space<vmem>>, vector<1x400x8xf32>
    %get3A_8 = vector.shape_cast %get3A_7 : vector<1x400x8xf32> to vector<400x8xf32>
    %slice3A_9 = vector.extract_strided_slice %get3A_8 {offsets = [0, 0], sizes = [400, 1], strides = [1, 1]} : vector<400x8xf32> to vector<400x1xf32>
    %add3A = arith.addf %slice3A, %slice3A_9 : vector<400x1xf32>
    %max3A = arith.constant 1.000000e+00 : f32
    %max3A_10 = vector.broadcast %max3A : f32 to vector<400x1xf32>
    %max3A_11 = arith.maximumf %add3A, %max3A_10 : vector<400x1xf32>
    %div3A = arith.constant 1.000000e+00 : f32
    %div3A_12 = vector.broadcast %div3A : f32 to vector<400x1xf32>
    %div3A_13 = arith.divf %div3A_12, %max3A_11 : vector<400x1xf32>
    %get3A_14 = arith.constant 0 : index
    %get3A_15 = arith.constant 0 : index
    %get3A_16 = arith.constant 0 : index
    %get3A_17 = vector.load %arg2[%get3A_14, %get3A_15, %get3A_16] : memref<1x400x64xf32, #tpu.memory_space<vmem>>, vector<1x400x64xf32>
    %get3A_18 = vector.shape_cast %get3A_17 : vector<1x400x64xf32> to vector<400x64xf32>
    %get3A_19 = arith.constant 0 : index
    %get3A_20 = arith.constant 0 : index
    %get3A_21 = vector.load %arg8[%get3A_19, %get3A_20] : memref<256x256xf32, #tpu.memory_space<vmem>>, vector<64x256xf32>
    %dot_general3A = arith.constant dense<0.000000e+00> : vector<400x256xf32>
    %dot_general3A_22 = tpu.matmul %get3A_18, %get3A_21, %dot_general3A {dimension_numbers = #tpu.dot_dimension_numbers<[1], [0], [0], [1], [0, 0, 1, 1], [], []>, transpose_lhs_hint = false} : vector<400x64xf32>, vector<64x256xf32>, vector<400x256xf32> -> vector<400x256xf32>
    %get3A_23 = arith.constant 0 : index
    %get3A_24 = arith.constant 0 : index
    %get3A_25 = arith.constant 0 : index
    %get3A_26 = vector.load %arg3[%get3A_23, %get3A_24, %get3A_25] : memref<1x400x64xf32, #tpu.memory_space<vmem>>, vector<1x400x64xf32>
    %get3A_27 = vector.shape_cast %get3A_26 : vector<1x400x64xf32> to vector<400x64xf32>
    %get3A_28 = arith.constant 64 : index
    %get3A_29 = arith.constant 0 : index
    %get3A_30 = vector.load %arg8[%get3A_28, %get3A_29] : memref<256x256xf32, #tpu.memory_space<vmem>>, vector<64x256xf32>
    %dot_general3A_31 = arith.constant dense<0.000000e+00> : vector<400x256xf32>
    %dot_general3A_32 = tpu.matmul %get3A_27, %get3A_30, %dot_general3A_31 {dimension_numbers = #tpu.dot_dimension_numbers<[1], [0], [0], [1], [0, 0, 1, 1], [], []>, transpose_lhs_hint = false} : vector<400x64xf32>, vector<64x256xf32>, vector<400x256xf32> -> vector<400x256xf32>
    %add3A_33 = arith.addf %dot_general3A_22, %dot_general3A_32 : vector<400x256xf32>
    %get3A_34 = arith.constant 0 : index
    %get3A_35 = arith.constant 0 : index
    %get3A_36 = arith.constant 0 : index
    %get3A_37 = vector.load %arg4[%get3A_34, %get3A_35, %get3A_36] : memref<1x400x64xf32, #tpu.memory_space<vmem>>, vector<1x400x64xf32>
    %get3A_38 = vector.shape_cast %get3A_37 : vector<1x400x64xf32> to vector<400x64xf32>
    %get3A_39 = arith.constant 128 : index
    %get3A_40 = arith.constant 0 : index
    %get3A_41 = vector.load %arg8[%get3A_39, %get3A_40] : memref<256x256xf32, #tpu.memory_space<vmem>>, vector<64x256xf32>
    %dot_general3A_42 = arith.constant dense<0.000000e+00> : vector<400x256xf32>
    %dot_general3A_43 = tpu.matmul %get3A_38, %get3A_41, %dot_general3A_42 {dimension_numbers = #tpu.dot_dimension_numbers<[1], [0], [0], [1], [0, 0, 1, 1], [], []>, transpose_lhs_hint = false} : vector<400x64xf32>, vector<64x256xf32>, vector<400x256xf32> -> vector<400x256xf32>
    %add3A_44 = arith.addf %add3A_33, %dot_general3A_43 : vector<400x256xf32>
    %get3A_45 = arith.constant 0 : index
    %get3A_46 = arith.constant 0 : index
    %get3A_47 = arith.constant 0 : index
    %get3A_48 = vector.load %arg5[%get3A_45, %get3A_46, %get3A_47] : memref<1x400x64xf32, #tpu.memory_space<vmem>>, vector<1x400x64xf32>
    %get3A_49 = vector.shape_cast %get3A_48 : vector<1x400x64xf32> to vector<400x64xf32>
    %get3A_50 = arith.constant 192 : index
    %get3A_51 = arith.constant 0 : index
    %get3A_52 = vector.load %arg8[%get3A_50, %get3A_51] : memref<256x256xf32, #tpu.memory_space<vmem>>, vector<64x256xf32>
    %dot_general3A_53 = arith.constant dense<0.000000e+00> : vector<400x256xf32>
    %dot_general3A_54 = tpu.matmul %get3A_49, %get3A_52, %dot_general3A_53 {dimension_numbers = #tpu.dot_dimension_numbers<[1], [0], [0], [1], [0, 0, 1, 1], [], []>, transpose_lhs_hint = false} : vector<400x64xf32>, vector<64x256xf32>, vector<400x256xf32> -> vector<400x256xf32>
    %add3A_55 = arith.addf %add3A_44, %dot_general3A_54 : vector<400x256xf32>
    %get3A_56 = arith.constant 0 : index
    %get3A_57 = arith.constant 0 : index
    %get3A_58 = vector.load %arg1[%get3A_56, %get3A_57] : memref<400x256xf32, #tpu.memory_space<vmem>>, vector<400x256xf32>
    %mul3A = vector.broadcast %div3A_13 : vector<400x1xf32> to vector<400x256xf32>
    %mul3A_59 = arith.mulf %add3A_55, %mul3A : vector<400x256xf32>
    %add3A_60 = arith.addf %get3A_58, %mul3A_59 : vector<400x256xf32>
    %swap3A = arith.constant 0 : index
    %swap3A_61 = arith.constant 0 : index
    %swap3A_62 = vector.load %arg9[%swap3A, %swap3A_61] : memref<400x256xf32, #tpu.memory_space<vmem>>, vector<400x256xf32>
    tpu.vector_store %arg9[%swap3A, %swap3A_61], %add3A_60 {strides = array<i32>} : memref<400x256xf32, #tpu.memory_space<vmem>>, vector<400x256xf32>,
    return
  }
  func.func @transform_0(%arg0: i32) -> (i32, i32) {
    %c0_i32 = arith.constant 0 : i32
    %c0_i32_0 = arith.constant 0 : i32
    return %arg0, %c0_i32 : i32, i32
  }
  func.func @transform_1(%arg0: i32) -> (i32, i32, i32) {
    %c0_i32 = arith.constant 0 : i32
    %c0_i32_0 = arith.constant 0 : i32
    %c0_i32_1 = arith.constant 0 : i32
    return %c0_i32, %arg0, %c0_i32_0 : i32, i32, i32
  }
  func.func @transform_2(%arg0: i32) -> (i32, i32, i32) {
    %c1_i32 = arith.constant 1 : i32
    %c0_i32 = arith.constant 0 : i32
    %c0_i32_0 = arith.constant 0 : i32
    return %c1_i32, %arg0, %c0_i32 : i32, i32, i32
  }
  func.func @transform_3(%arg0: i32) -> (i32, i32, i32) {
    %c2_i32 = arith.constant 2 : i32
    %c0_i32 = arith.constant 0 : i32
    %c0_i32_0 = arith.constant 0 : i32
    return %c2_i32, %arg0, %c0_i32 : i32, i32, i32
  }
  func.func @transform_4(%arg0: i32) -> (i32, i32, i32) {
    %c3_i32 = arith.constant 3 : i32
    %c0_i32 = arith.constant 0 : i32
    %c0_i32_0 = arith.constant 0 : i32
    return %c3_i32, %arg0, %c0_i32 : i32, i32, i32
  }
  func.func @transform_5(%arg0: i32) -> (i32, i32, i32) {
    %c0_i32 = arith.constant 0 : i32
    %c0_i32_0 = arith.constant 0 : i32
    %c0_i32_1 = arith.constant 0 : i32
    return %c0_i32, %arg0, %c0_i32_0 : i32, i32, i32
  }
  func.func @transform_6(%arg0: i32) -> (i32, i32, i32) {
    %c1_i32 = arith.constant 1 : i32
    %c0_i32 = arith.constant 0 : i32
    %c0_i32_0 = arith.constant 0 : i32
    return %c1_i32, %arg0, %c0_i32 : i32, i32, i32
  }
  func.func @transform_7(%arg0: i32) -> (i32, i32) {
    %c0_i32 = arith.constant 0 : i32
    %c0_i32_0 = arith.constant 0 : i32
    %c0_i32_1 = arith.constant 0 : i32
    return %c0_i32, %c0_i32_0 : i32, i32
  }
  func.func @transform_8(%arg0: i32) -> (i32, i32) {
    %c0_i32 = arith.constant 0 : i32
    %c0_i32_0 = arith.constant 0 : i32
    return %arg0, %c0_i32 : i32, i32
  }
}

</mosaic_0001>

<sc_bundles>
// kernel: kernel.5.cloned.1.call-start
scs
__scs_entry_jumppad:
0x0: {  	(pc) =	sbr.rel $0x88, $3  }
0x1: {  	(tag) =	ssettag $0x0;
	lr =	simm.s32 $0x1  }
0x2: {  	[smem:$0x3F9D] =	sst lr;
	_ =	strace $0xD0000000  }
0x3: {  	_ = 	snop  }
0x4: {  	_ = 	snop  }
0x5: {  	_ = 	snop  }
0x6: {  	_ = 	snop  }
0x7: {  	_ = 	snop  }
__scs_overlays_trampoline_lowered:
0x8: {  	[smem:$0x3FAC] =	sst s0  }
0x9: {  	[smem:$0x3FAD] =	sst s1  }
0xa: {  	[smem:$0x3FAE] =	sst s2  }
0xb: {  	[smem:$0x3FAF] =	sst s3  }
0xc: {  	[smem:$0x3FB0] =	sst s4  }
0xd: {  	[smem:$0x3FB1] =	sst s5  }
0xe: {  	[smem:$0x3FB2] =	sst s6  }
0xf: {  	[smem:$0x3FB3] =	sst s7  }
0x10: {  	[smem:$0x3FB4] =	sst s8  }
0x11: {  	[smem:$0x3FB5] =	sst s9;
	s0 =	simm.s32 @!p0 $0x0  }
0x12: {  	s1 =	sld [smem:$0x3F9B];
	s0 =	simm.s32 @p0 $0x1  }
0x13: {  	[smem:$0x3FB6] =	sst s0;
	s0 =	simm.s32 @!p1 $0x0  }
0x14: {  	s2 =	sld [smem:$0x3F9A];
	s0 =	simm.s32 @p1 $0x1  }
0x15: {  	[smem:$0x3FB7] =	sst s0;
	s0 =	simm.s32 @!p2 $0x0  }
0x16: {  	s3 =	sld [smem:$0x3FDB];
	s0 =	simm.s32 @p2 $0x1  }
0x17: {  	s4 =	simm.s32 $0x1BF5;
	[smem:$0x3FB9] =	sst s0  }
0x18: {  	s0 =	sld [smem:$0x3F9C];
	_ =	swait.ge [sflag:s4], $0x0  }
0x19: {  	s7 =	sld [smem:$0x3F9D]  }
0x1a: {  	s8 =	sadd.s32 $0xFFFFE003, lr  }
0x1b: {  	s9 =	sadd.s32 $0xFFFFFEF7, lr;
	s5 =	simm.s32 $0xFFFFFFFF;
	p2 =	slt.u32 s8, $0xFFFFF086  }
0x1c: {  	p1 =	slt.u32 s9, $0xF7A;
	s5 =	simm.s32 @!p2 $0x0  }
0x1d: {  	s5 =	simm.s32 @p1 $0x1;
	p0 =	seq.s32 s7, s2  }
0x1e: {  	s7 =	smul.u32 @!p0 $0xF7A, s2;
	p2 =	seq.s32 @!p0 s5, $0x0  }
0x1f: {  	s9 =	smul.u32 $0xF7A, s1;
	s8 =	simm.s32 @!p0 $0x1BF5;
	p2 =	por !p2, p0  }
0x20: {  	[sflag:s8] =	ssyncset.s32 @!p0 $0xFFFFF086;
	s6 =	sadd.s32 @!p0 s3, s7;
	s7 =	simm.s32 @!p0 $0x108  }
0x21: {  	s3 =	sadd.s32 s3, s9;
	s6 =	sadd.s32 @!p0 $0x88, s6;
	s7 =	simm.s32 @p2 $0x1082  }
0x22: {  	[simem:s7], [sflag:s8] =	dma.local @!p0 [hbm:s6], $0xF7A  }
0x23: {  	s9 =	sor.u32 $0xD0000000, s2;
	s6 =	simm.s32 $0x108;
	_ =	swait.ge @!p0 [sflag:s8], $0x0  }
0x24: {  	s3 =	sadd.s32 $0x88, s3;
	s6 =	simm.s32 @!p1 $0x1082;
	[sflag:s4] =	ssyncset.s32 $0xFFFFF086  }
0x25: {  	[simem:s6], [sflag:s4] =	dma.local [hbm:s3], $0xF7A  }
0x26: {  	[smem:$0x3F9D] =	sst s1;
	(tag) =	ssettag s2;
	_ =	strace s9  }
0x27: {  	s1 =	sld [smem:$0x3FAD]  }
0x28: {  	s2 =	sld [smem:$0x3FAE]  }
0x29: {  	s4 =	sld [smem:$0x3FB0]  }
0x2a: {  	p0 =	seq.s32 s5, $0x0;
	s5 =	sld [smem:$0x3FB1]  }
0x2b: {  	s6 =	sld [smem:$0x3FB2]  }
0x2c: {  	s7 =	sld [smem:$0x3FB3]  }
0x2d: {  	s3 =	simm.s32 $0x108;
	s8 =	sld [smem:$0x3FB4]  }
0x2e: {  	s3 =	simm.s32 @!p0 $0x1082;
	s9 =	sld [smem:$0x3FB5]  }
0x2f: {  	lr =	sadd.s32 s0, s3;
	s0 =	sld [smem:$0x3FAC]  }
0x30: {  	s3 =	sld [smem:$0x3FAF]  }
0x31: {  	[smem:$0x3FB8] =	sst s10  }
0x32: {  	s10 =	sld [smem:$0x3FB6];
	_ =	sdelay $0x3  }
0x33: {  	p0 =	seq.s32 s10, $0x1;
	s10 =	sld [smem:$0x3FB8];
	_ =	sdelay $0x3  }
0x34: {  	[smem:$0x3FB8] =	sst s10  }
0x35: {  	s10 =	sld [smem:$0x3FB7];
	_ =	sdelay $0x3  }
0x36: {  	p1 =	seq.s32 s10, $0x1;
	s10 =	sld [smem:$0x3FB8];
	_ =	sdelay $0x3  }
0x37: {  	[smem:$0x3FB8] =	sst s10  }
0x38: {  	s10 =	sld [smem:$0x3FB9]  }
0x39: {  	_ = 	snop;
	(pc) =	sbr.ind lr, $3  }
0x3a: {  	_ = 	snop  }
0x3b: {  	_ = 	snop  }
0x3c: {  	p2 =	seq.s32 s10, $0x1;
	s10 =	sld [smem:$0x3FB8]  }
0x3d: {  	_ =	shalt  }
0x3e: {  	_ =	shalt  }
0x3f: {  	_ =	shalt  }
0x40: {  	_ =	shalt  }
0x41: {  	_ =	shalt  }
0x42: {  	_ =	shalt  }
0x43: {  	_ =	shalt  }
0x44: {  	_ =	shalt  }
0x45: {  	_ =	shalt  }
0x46: {  	_ =	shalt  }
0x47: {  	_ =	shalt  }
0x48: {  	_ =	shalt  }
0x49: {  	_ =	shalt  }
0x4a: {  	_ =	shalt  }
0x4b: {  	_ =	shalt  }
0x4c: {  	_ =	shalt  }
0x4d: {  	_ =	shalt  }
0x4e: {  	_ =	shalt  }
0x4f: {  	_ =	shalt  }
0x50: {  	_ =	shalt  }
0x51: {  	_ =	shalt  }
0x52: {  	_ =	shalt  }
0x53: {  	_ =	shalt  }
0x54: {  	_ =	shalt  }
0x55: {  	_ =	shalt  }
0x56: {  	_ =	shalt  }
0x57: {  	_ =	shalt  }
0x58: {  	_ =	shalt  }
0x59: {  	_ =	shalt  }
0x5a: {  	_ =	shalt  }
0x5b: {  	_ =	shalt  }
0x5c: {  	_ =	shalt  }
0x5d: {  	_ =	shalt  }
0x5e: {  	_ =	shalt  }
0x5f: {  	_ =	shalt  }
0x60: {  	_ =	shalt  }
0x61: {  	_ =	shalt  }
0x62: {  	_ =	shalt  }
0x63: {  	_ =	shalt  }
0x64: {  	_ =	shalt  }
0x65: {  	_ =	shalt  }
0x66: {  	_ =	shalt  }
0x67: {  	_ =	shalt  }
0x68: {  	_ =	shalt  }
0x69: {  	_ =	shalt  }
0x6a: {  	_ =	shalt  }
0x6b: {  	_ =	shalt  }
0x6c: {  	_ =	shalt  }
0x6d: {  	_ =	shalt  }
0x6e: {  	_ =	shalt  }
0x6f: {  	_ =	shalt  }
0x70: {  	_ =	shalt  }
0x71: {  	_ =	shalt  }
0x72: {  	_ =	shalt  }
0x73: {  	_ =	shalt  }
0x74: {  	_ =	shalt  }
0x75: {  	_ =	shalt  }
0x76: {  	_ =	shalt  }
0x77: {  	_ =	shalt  }
0x78: {  	_ =	shalt  }
0x79: {  	_ =	shalt  }
0x7a: {  	_ =	shalt  }
0x7b: {  	_ =	shalt  }
0x7c: {  	_ =	shalt  }
0x7d: {  	_ =	shalt  }
0x7e: {  	_ =	shalt  }
0x7f: {  	_ =	shalt  }
0x80: {  	_ =	shalt  }
0x81: {  	_ =	shalt  }
0x82: {  	_ =	shalt  }
0x83: {  	_ =	shalt  }
0x84: {  	_ =	shalt  }
0x85: {  	_ =	shalt  }
0x86: {  	_ =	shalt  }
0x87: {  	_ =	shalt  }
.Lfunc_end0:
.L_simem_size_0:
called_computation_lowered:
.L_overlay_start_0:
0x88: {  	s2 =	sld [smem:$0x3FD9]  }
0x89: {  	s3 =	sld [smem:$0x3FFE];
	_ =	sdelay $0x1  }
0x8a: {  	s1 =	srdreg.scid  }
0x8b: {  	s0 =	sand.u32 $0x1, s1  }
0x8c: {  	s17 =	sshll.u32 s0, $0xA;
	s2 =	sadd.s32 s3, s2  }
0x8d: {  	s2 =	sadd.s32 s2, s17  }
0x8e: {  	[smem:$0x3FC4] =	sst s2  }
0x8f: {  	_ = 	snop  }
0x90: {  	s2 =	sld [smem:$0x3FD0];
	(tm) =	ssettm $0x1  }
0x91: {  	s18 =	sld [smem:$0x3FFB];
	_ =	sdelay $0x3  }
0x92: {  	_ =	strace s18  }
0x93: {  	s3 =	sld [smem:$0x3FFC];
	_ =	sdelay $0x3  }
0x94: {  	_ =	strace s3  }
0x95: {  	s3 =	sld [smem:$0x3FFD];
	_ =	sdelay $0x3  }
0x96: {  	_ =	strace s3  }
0x97: {  	_ =	strace $0x8FFFFFFF  }
0x98: {  	s19 =	sld [smem:$0x3FDB];
	_ =	sdelay $0x1  }
0x99: {  	s4 =	simm.s32 $_scs_section_size  }
0x9a: {  	s5 =	simm.s32 $_size__tile_overlayer_lowered;
	s6 =	simm.s32 $_tile_overlayer_lowered  }
0x9b: {  	s22 =	simm.s32 $0x1BFF;
	s21 =	sshll.u32 s6, $0x1;
	s3 =	sadd.s32 s4, s19  }
0x9c: {  	s7 =	simm.s32 $0x0;
	s20 =	sshll.u32 s5, $0x1;
	s5 =	sadd.s32 s21, s3  }
0x9d: {  	[timem:s7], [sflag:s22] =	dma.local [hbm:s5], s20  }
0x9e: {  	_ =	swait.ge [sflag:s22], s20  }
0x9f: {  	s4 =	ssub.s32 $0x0, s20;
	[sflag:s22] =	ssyncset.done $0x0  }
0xa0: {  	[sflag:s22] =	ssyncadd.s32 s4;
	_ =	sdelay $0x1  }
0xa1: {  	s23 =	simm.s32 $0x1B8B  }
0xa2: {  	_ =	swait.ge [sflag:s23], $0x1  }
0xa3: {  	[sflag:s23] =	ssyncset.done $0x0  }
0xa4: {  	s25 =	simm.s32 $0x1B8E;
	s24 =	sld [smem:$0x3FFE];
	[sflag:s23] =	ssyncadd.s32 $0xFFFFFFFF  }
0xa5: {  	s26 =	simm.s32 $execute0_lowered;
	[smem:$0x3FD2] =	sst s25  }
0xa6: {  	s5 =	sshll.u32 s26, $0x1;
	_ =	strace $0x80000046;
	[dreg:$0x1] =	wrdreg $0xFFFFFFFF  }
0xa7: {  	s28 =	simm.s32 $_size_execute0_lowered;
	s3 =	sadd.s32 s3, s5;
	[dreg:$0x0] =	wrdreg $0x0  }
0xa8: {  	s5 =	sshll.u32 s28, $0x1;
	[dreg:$0x2] =	wrdreg s3  }
0xa9: {  	[dreg:$0x3] =	wrdreg s5  }
0xaa: {  	[dreg:$0x4] =	wrdreg $0xC0  }
0xab: {  	_ =	task [dreg:s7], $0x5FFFF  }
0xac: {  	[dreg:$0x1] =	wrdreg $0xFFFFFFFF  }
0xad: {  	[dreg:$0x0] =	wrdreg $0x60  }
0xae: {  	[dreg:$0x2] =	wrdreg s2  }
0xaf: {  	[dreg:$0x3] =	wrdreg s24  }
0xb0: {  	[dreg:$0x4] =	wrdreg $0x118000  }
0xb1: {  	[dreg:$0x5] =	wrdreg $0x1B8000  }
0xb2: {  	[dreg:$0x6] =	wrdreg $0x78000  }
0xb3: {  	[dreg:$0x7] =	wrdreg $0x9  }
0xb4: {  	_ =	task.clear_ibuf [dreg:s7], $0x8FFFF;
	_ =	strace $0x90000046  }
0xb5: {  	s29 =	simm.s32 $0x9;
	_ =	strace $0x80000048  }
0xb6: {  	_ =	swait.ge [sflag:s29], $0x1  }
0xb7: {  	[sflag:s29] =	ssyncadd.s32 $0xFFFFFFFF  }
0xb8: {  	_ =	strace $0x90000048  }
0xb9: {  	_ =	sfence  }
0xba: {  	s30 =	sld [smem:$0x0];
	_ =	sdelay $0x2  }
0xbb: {  	s31 =	sshll.u32 s1, $0xD;
	s1 =	sshrl.u32 s1, $0x2  }
0xbc: {  	s3 =	sand.u32 $0x4000, s31;
	s1 =	sadd.s32 s1, s30  }
0xbd: {  	s0 =	sor.u32 s3, s0;
	s1 =	sshll.u32 s1, $0x11  }
0xbe: {  	s0 =	sor.u32 s1, s0  }
0xbf: {  	s0 =	sadd.s32 $0x8F2B, s0  }
0xc0: {  	[sflag:s0] =	ssyncadd.remote.s32 $0x1  }
0xc1: {  	_ =	sfence.sel $0xFFFF  }
0xc2: {  	[dreg:$0x0] =	wrdreg $0xFFFFFFFF;
	(pc) =	sbr.abs _section_cstart, $3  }
0xc3: {  	[dreg:$0x1] =	wrdreg $0xFFFFFFFF  }
0xc4: {  	_ =	task.clear_ibuf [dreg:s7], $0x2FFFF;
	_ =	strace $0x9FFFFFFF  }
0xc5: {  	(tm) =	ssettm $0x7FFFFFFF  }
tec
execute0_lowered:
.L_overlay_start_1:
0x0: {  	(tag) =	ssettag $0x1  }
0x1: {  	s22 =	stileid.u32;
	s0 =	srdreg.scid  }
0x2: {  	s6 =	sand.u32 $0x1, s0;
	s0 =	smul.u32 $0xA000, s22  }
0x3: {  	s4 =	rddreg [dreg:$0x1];
	s1 =	simm.s32 $0x0;
	s9 =	smul.u32 $0x1400, s22  }
0x4: {  	[smem:$0x7FF] =	sst s1;
	s12 =	sadd.s32 $0xBC00, s4;
	s10 =	smul.u32 $0x140000, s6  }
0x5: {  	s13 =	sadd.s32 $0x5BC00, s4;
	s2 =	sshllo.u32 s6, $0x1;
	s14 =	smul.u32 $0x14000, s6  }
0x6: {  	s19 =	ssub.s32 $0x2, s6;
	p0 =	seq.s32 s6, $0x0;
	s11 =	smul.u32 $0xA0000, s2  }
0x7: {  	s7 =	sadd.s32 $0x8000, s0;
	s8 =	sshrl.u32 s19, $0x1;
	s2 =	sadd.s32 $0x2000, s0  }
0x8: {  	s3 =	sadd.s32 s10, s7;
	s8 =	ssub.s32 s19, s8;
	s23 =	sadd.s32 s10, s0  }
0x9: {  	s24 =	sadd.s32 s10, s2;
	s17 =	sadd.s32 s14, s9;
	s5 =	sadd.s32 s7, s11  }
0xa: {  	s3 =	sshrl.u32 s3, $0x3;
	s16 =	sadd.s32 s11, s0;
	s18 =	sshrl.u32 s17, $0x3  }
0xb: {  	s17 =	rddreg [dreg:$0x0];
	s5 =	sshrl.u32 s5, $0x3;
	s20 =	sadd.s32 s12, s3  }
0xc: {  	s3 =	sshrl.u32 s23, $0x3;
	[dreg:$0x6] =	wrdreg s20;
	s21 =	sadd.s32 s12, s5  }
0xd: {  	s25 =	sshrl.u32 s16, $0x3;
	s3 =	sadd.s32 s12, s3;
	[dreg:$0x7] =	wrdreg s21  }
0xe: {  	s5 =	sshrl.u32 s24, $0x3;
	s26 =	sadd.s32 s12, s25;
	[dreg:$0x8] =	wrdreg s3  }
0xf: {  	s28 =	sadd.s32 s11, s2;
	s5 =	sadd.s32 s12, s5;
	[dreg:$0xc] =	wrdreg s26  }
0x10: {  	s3 =	sadd.s32 $0x4000, s0;
	s26 =	smul.u32 $0x500, s22;
	[dreg:$0x9] =	wrdreg s5  }
0x11: {  	s15 =	sadd.s32 s10, s3;
	s5 =	sadd.s32 $0x6000, s0;
	s30 =	sadd.s32 s11, s3  }
0x12: {  	s15 =	sshrl.u32 s15, $0x3;
	s10 =	sadd.s32 s10, s5;
	s11 =	sadd.s32 s11, s5  }
0x13: {  	s15 =	sadd.s32 s12, s15;
	s10 =	sshrl.u32 s10, $0x3;
	s11 =	sshrl.u32 s11, $0x3  }
0x14: {  	[dreg:$0xa] =	wrdreg s15;
	s10 =	sadd.s32 s12, s10;
	s15 =	sshrl.u32 s30, $0x3  }
0x15: {  	s16 =	sadd.s32 s12, s11;
	[dreg:$0xb] =	wrdreg s10;
	s10 =	sshrl.u32 s28, $0x3  }
0x16: {  	s11 =	sadd.s32 $0x800, s9;
	[dreg:$0xf] =	wrdreg s16;
	s10 =	sadd.s32 s12, s10  }
0x17: {  	s30 =	sadd.s32 $0xB600, s4;
	s20 =	sadd.s32 s14, s11;
	[dreg:$0xd] =	wrdreg s10  }
0x18: {  	s10 =	sadd.s32 s12, s15;
	s12 =	sadd.s32 s13, s18;
	s18 =	rddreg [dreg:$0x3]  }
0x19: {  	s16 =	sadd.s32 $0xC00, s9;
	s15 =	sshrl.u32 s20, $0x3;
	s20 =	rddreg [dreg:$0x4]  }
0x1a: {  	s28 =	sshll.u32 s6, $0x4;
	[dreg:$0xe] =	wrdreg s10;
	s10 =	sadd.s32 $0x400, s9  }
0x1b: {  	s23 =	sadd.s32 s14, s16;
	[dreg:$0x10] =	wrdreg s12;
	s19 =	sadd.s32 s14, s10  }
0x1c: {  	s21 =	sadd.s32 s13, s15;
	s15 =	rddreg [dreg:$0x2];
	s12 =	sshrl.u32 s19, $0x3  }
0x1d: {  	[dreg:$0x12] =	wrdreg s21;
	s19 =	sadd.s32 $0x1000, s9;
	s12 =	sadd.s32 s13, s12  }
0x1e: {  	s14 =	sadd.s32 s14, s19;
	[dreg:$0x11] =	wrdreg s12;
	s12 =	sshrl.u32 s23, $0x3  }
0x1f: {  	s21 =	smul.u32 $0x5000, s22;
	s24 =	sshrl.u32 s14, $0x3;
	s12 =	sadd.s32 s13, s12  }
0x20: {  	s6 =	sadd.s32 s26, s4;
	[dreg:$0x13] =	wrdreg s12;
	s12 =	sadd.s32 s13, s24  }
0x21: {  	s25 =	sadd.s32 s21, s17;
	s17 =	sadd.s32 $0xB800, s4;
	[dreg:$0x14] =	wrdreg s12  }
0x22: {  	s4 =	sadd.s32 $0xB680, s4;
	_ =	strace $0x80000047;
	[dreg:$0x16] =	wrdreg s30  }
0x23: {  	s29 =	simm.s32 $0x3;
	s23 =	sadd.s32 s7, s15;
	[dreg:$0x18] =	wrdreg s4  }
0x24: {  	s26 =	smax.u32 s8, $0x1;
	s24 =	sadd.s32 s9, s18;
	[dreg:$0x19] =	wrdreg s23  }
0x25: {  	s14 =	sadd.s32 s28, s25;
	s28 =	sshrl.u32 s21, $0x2;
	[dreg:$0x1a] =	wrdreg s24  }
0x26: {  	s25 =	smul.u32 $0x280, s22;
	s7 =	sadd.s32 s28, s18;
	[dreg:$0x1b] =	wrdreg s26  }
0x27: {  	s2 =	sadd.s32 s2, s15;
	s13 =	smul.u32 $0x28000, s22;
	[dreg:$0x1c] =	wrdreg s7  }
0x28: {  	s16 =	sadd.s32 s16, s18;
	s19 =	sadd.s32 s19, s18;
	[smem:$0x7EF] =	sst s2  }
0x29: {  	s22 =	sadd.s32 $0x180, s25;
	s4 =	sshrl.u32 s13, $0x2;
	[smem:$0x7F4] =	sst s16  }
0x2a: {  	s30 =	sadd.s32 $0x80, s25;
	s13 =	sadd.s32 $0x100, s25;
	[smem:$0x7F5] =	sst s19  }
0x2b: {  	s23 =	sshll.u32 s22, $0x6;
	s24 =	sshll.u32 s22, $0x3;
	[dreg:$0x15] =	wrdreg s14  }
0x2c: {  	[dreg:$0x17] =	wrdreg s17;
	s9 =	sshll.u32 s30, $0x6;
	s22 =	sadd.s32 s4, s20  }
0x2d: {  	s8 =	sshll.u32 s30, $0x3;
	s7 =	sadd.s32 s9, s15;
	[smem:$0x7F6] =	sst s22  }
0x2e: {  	s21 =	sshll.u32 s13, $0x6;
	s12 =	sadd.s32 s8, s18;
	[dreg:$0x1d] =	wrdreg s7  }
0x2f: {  	s31 =	simm.s32 $0x1000;
	s8 =	sadd.s32 s21, s15;
	[dreg:$0x1e] =	wrdreg s12  }
0x30: {  	s26 =	sadd.s32 $0x200, s25;
	s9 =	sadd.s32 s5, s15;
	[dreg:$0x1f] =	wrdreg s8  }
0x31: {  	s19 =	simm.s32 $0x5;
	s21 =	sadd.s32 s4, s15;
	[smem:$0x7F1] =	sst s9  }
0x32: {  	s28 =	sshll.u32 s26, $0x6;
	s12 =	sadd.s32 s10, s18;
	[smem:$0x7FA] =	sst s21  }
0x33: {  	s7 =	sshll.u32 s13, $0x3;
	s13 =	sadd.s32 s11, s18;
	[smem:$0x7F2] =	sst s12  }
0x34: {  	s8 =	sshll.u32 s26, $0x3;
	s26 =	sadd.s32 $0x4000, s21;
	[smem:$0x7F3] =	sst s13  }
0x35: {  	s16 =	simm.s32 $0x900;
	s7 =	sadd.s32 s7, s18;
	[smem:$0x7F8] =	sst s26  }
0x36: {  	s2 =	simm.s32 $0x0;
	s30 =	sadd.s32 s8, s18;
	[smem:$0x7EA] =	sst s7  }
0x37: {  	s22 =	sadd.s32 $0x1600, s6;
	s8 =	sadd.s32 s3, s15;
	[smem:$0x7EE] =	sst s30  }
0x38: {  	s4 =	simm.s32 $0x400;
	s7 =	sadd.s32 s23, s15;
	[smem:$0x7F0] =	sst s8  }
0x39: {  	s5 =	simm.s32 $0xC00;
	s23 =	sadd.s32 $0x2000, s21;
	[smem:$0x7EB] =	sst s7  }
0x3a: {  	s11 =	simm.s32 $0x7D;
	s30 =	sadd.s32 $0x8, s14;
	[smem:$0x7F7] =	sst s23  }
0x3b: {  	s13 =	simm.s32 $0x3000;
	s7 =	sadd.s32 s24, s18;
	[smem:$0x7FC] =	sst s30  }
0x3c: {  	s26 =	simm.s32 $0x4;
	[smem:$0x7EC] =	sst s7;
	s7 =	sadd.s32 s28, s15  }
0x3d: {  	s8 =	simm.s32 $0x7400;
	s28 =	sadd.s32 $0x6000, s21;
	[smem:$0x7ED] =	sst s7  }
0x3e: {  	s7 =	sadd.s32 s0, s15;
	[smem:$0x7F9] =	sst s28;
	s0 =	sadd.s32 $0x8000, s21  }
0x3f: {  	s14 =	simm.s32 $0x2;
	s24 =	sadd.s32 $0x6600, s6;
	[smem:$0x7FB] =	sst s0  }
0x40: {  	s6 =	simm.s32 $0x1;
	s0 =	simm.s32 $0x6;
	[smem:$0x7FD] =	sst s7  }
.LBB2_1:
0x41: {  	[smem:$0x7E9] =	sst s2  }
0x42: {  	s3 =	rddreg [dreg:$0x16];
	s7 =	simm.s32 $0x7000  }
0x43: {  	[tilespmem:s7], [sflag:$0x6] =	stream.linear.gather [hbm4b:s3+s1], $0x400, $0x38;
	[tilespmem:$0x1CC00] =	vst v63  }
0x44: {  	_ =	swait.ge [sflag:s0], $0x400  }
0x45: {  	[sflag:s0] =	ssyncset.done $0x0  }
0x46: {  	s21 =	rddreg [dreg:$0x18];
	[sflag:s0] =	ssyncadd.s32 $0xFFFFFC00  }
0x47: {  	[tilespmem:s8], [sflag:$0x6] =	stream.linear.gather [hbm4b:s21+s1], $0x400, $0x38;
	[tilespmem:$0x1CC00] =	vst v63  }
0x48: {  	_ =	swait.ge [sflag:s0], $0x400  }
0x49: {  	[sflag:s0] =	ssyncset.done $0x0  }
0x4a: {  	s7 =	simm.s32 $0x5000;
	[sflag:s0] =	ssyncadd.s32 $0xFFFFFC00  }
0x4b: {  	[tilespmem:s7], [sflag:$0x6] =	stream.linear.gather [hbm4b:s17+s1], $0x2000, $0x38;
	[tilespmem:$0x1CC00] =	vst v63  }
0x4c: {  	_ =	swait.ge [sflag:s0], $0x2000  }
0x4d: {  	s23 =	sld [smem:$0x7FA]  }
0x4e: {  	[sflag:s0] =	ssyncset.done $0x0  }
0x4f: {  	s30 =	rddreg [dreg:$0x1c];
	[sflag:s0] =	ssyncadd.s32 $0xFFFFE000  }
0x50: {  	[spmem:s23] =	stream.linear.scatter [tilespmem:s7], [sflag:$0x5], $0x2000, $0x38;
	[tilespmem:$0x1CC00] =	vst v63  }
0x51: {  	s2 =	rddreg [dreg:$0x1d]  }
0x52: {  	[spmem:s30] =	stream.linear.scatter [tilespmem:s8], [sflag:$0x5], $0x400, $0x38;
	[tilespmem:$0x1CC00] =	vst v63  }
0x53: {  	s9 =	rddreg [dreg:$0x1e]  }
0x54: {  	[spmem:s2] =	stream.linear.scatter [tilespmem:s7], [sflag:$0x5], $0x2000, $0x38;
	[tilespmem:$0x1CC00] =	vst v63  }
0x55: {  	s10 =	rddreg [dreg:$0x1f]  }
0x56: {  	[spmem:s9] =	stream.linear.scatter [tilespmem:s8], [sflag:$0x5], $0x400, $0x38;
	[tilespmem:$0x1CC00] =	vst v63  }
0x57: {  	s12 =	sld [smem:$0x7EA]  }
0x58: {  	[spmem:s10] =	stream.linear.scatter [tilespmem:s7], [sflag:$0x5], $0x2000, $0x38;
	[tilespmem:$0x1CC00] =	vst v63  }
0x59: {  	s17 =	sld [smem:$0x7EB]  }
0x5a: {  	[spmem:s12] =	stream.linear.scatter [tilespmem:s8], [sflag:$0x5], $0x400, $0x38;
	[tilespmem:$0x1CC00] =	vst v63  }
0x5b: {  	s21 =	sld [smem:$0x7EC]  }
0x5c: {  	[spmem:s17] =	stream.linear.scatter [tilespmem:s7], [sflag:$0x5], $0x2000, $0x38;
	[tilespmem:$0x1CC00] =	vst v63  }
0x5d: {  	s23 =	sld [smem:$0x7ED]  }
0x5e: {  	[spmem:s21] =	stream.linear.scatter [tilespmem:s8], [sflag:$0x5], $0x400, $0x38;
	[tilespmem:$0x1CC00] =	vst v63  }
0x5f: {  	s30 =	sld [smem:$0x7EE]  }
0x60: {  	[spmem:s23] =	stream.linear.scatter [tilespmem:s7], [sflag:$0x5], $0x2000, $0x38;
	[tilespmem:$0x1CC00] =	vst v63  }
0x61: {  	s7 =	sadd.s32 $0x0, s25  }
0x62: {  	p1 =	sgt.u32 s7, $0x2690  }
0x63: {  	[spmem:s30] =	stream.linear.scatter [tilespmem:s8], [sflag:$0x5], $0x400, $0x38;
	[tilespmem:$0x1CC00] =	vst v63  }
0x64: {  	p2 =	sgt.u32 @p1 s7, $0x270F  }
0x65: {  	p2 =	por p2, !p1  }
0x66: {  	s3 =	rddreg [dreg:$0x15];
	s7 =	simm.s32 @!p2 $0x1000  }
0x67: {  	s8 =	simm.s32 @!p2 $0x7;
	s9 =	simm.s32 @!p2 $0x40;
	s12 =	simm.s32 @!p2 $0x100  }
0x68: {  	[tilespmem:s7], [sflag:$0x7] =	stream.strided.gather @!p2 [hbm4b:s3+s9], $0x400, s12, s9, $0x38;
	[tilespmem:$0x1CC00] =	vst v63  }
0x69: {  	_ =	swait.ge @!p2 [sflag:s8], $0x400  }
0x6a: {  	s12 =	sld [smem:$0x7F6]  }
0x6b: {  	[sflag:s8] =	ssyncset.done @!p2 $0x0  }
0x6c: {  	[sflag:s8] =	ssyncadd.s32 @!p2 $0xFFFFFC00;
	s8 =	simm.s32 @!p2 $0x6  }
0x6d: {  	[spmem:s12] =	stream.linear.scatter @!p2 [tilespmem:s7], [sflag:$0x6], $0x400, $0x38;
	[tilespmem:$0x1CC00] =	vst v63  }
0x6e: {  	p1 =	por p1, p1;
	_ =	swait.ge @!p2 [sflag:s8], $0x400  }
0x6f: {  	s23 =	simm.s32 @!p1 $0x1000;
	[sflag:s8] =	ssyncset.done @!p2 $0x0  }
0x70: {  	s9 =	simm.s32 @!p1 $0x100;
	[sflag:s8] =	ssyncadd.s32 @!p2 $0xFFFFFC00;
	s8 =	simm.s32 @!p1 $0x40  }
0x71: {  	[tilespmem:s23], [sflag:$0x1] =	stream.strided.gather @!p1 [hbm4b:s3+s8], $0x2000, s9, s8, $0x38;
	[tilespmem:$0x1CC00] =	vst v63  }
0x72: {  	s7 =	simm.s32 @!p1 $0x1;
	s9 =	sadd.s32 $0x80, s25  }
0x73: {  	s28 =	simm.s32 @!p1 $0x7;
	_ =	swait.ge @!p1 [sflag:s7], $0x2000;
	p2 =	sgt.u32 s9, $0x2690  }
0x74: {  	s8 =	simm.s32 $0x100;
	[sflag:s7] =	ssyncset.done @!p1 $0x0;
	p4 =	sgt.u32 @p2 s9, $0x270F  }
0x75: {  	s9 =	smov.u32 s3;
	[sflag:s7] =	ssyncadd.s32 @!p1 $0xFFFFE000;
	s7 =	sadd.s32 $0x2000, s12  }
.LBB2_2:
0x76: {  	p4 =	por p4, !p2  }
0x77: {  	s9 =	sadd.s32 $0x1000, s9;
	s30 =	smov.u32 s8;
	s8 =	sadd.s32 $0x80, s8  }
0x78: {  	[spmem:s12] =	stream.linear.scatter @!p1 [tilespmem:s23], [sflag:$0x7], $0x2000, $0x38;
	[tilespmem:$0x1CC00] =	vst v63  }
0x79: {  	p3 =	sne.s32 s8, $0x280;
	s12 =	smov.u32 s7;
	_ =	swait.ge @!p1 [sflag:s28], $0x2000  }
0x7a: {  	s23 =	simm.s32 @!p4 $0x1000;
	s10 =	simm.s32 @!p4 $0x7;
	[sflag:s28] =	ssyncset.done @!p1 $0x0  }
0x7b: {  	s17 =	simm.s32 @!p4 $0x40;
	s21 =	simm.s32 @!p4 $0x100;
	[sflag:s28] =	ssyncadd.s32 @!p1 $0xFFFFE000  }
0x7c: {  	[tilespmem:s23], [sflag:$0x7] =	stream.strided.gather @!p4 [hbm4b:s9+s17], $0x400, s21, s17, $0x38;
	[tilespmem:$0x1CC00] =	vst v63  }
0x7d: {  	p1 =	por p2, p2;
	_ =	swait.ge @!p4 [sflag:s10], $0x400  }
0x7e: {  	[sflag:s10] =	ssyncset.done @!p4 $0x0  }
0x7f: {  	[sflag:s10] =	ssyncadd.s32 @!p4 $0xFFFFFC00;
	s10 =	simm.s32 @!p4 $0x6  }
0x80: {  	[spmem:s7] =	stream.linear.scatter @!p4 [tilespmem:s23], [sflag:$0x6], $0x400, $0x38;
	[tilespmem:$0x1CC00] =	vst v63  }
0x81: {  	s17 =	simm.s32 @!p1 $0x1;
	_ =	swait.ge @!p4 [sflag:s10], $0x400  }
0x82: {  	s21 =	simm.s32 @!p1 $0x100;
	s23 =	simm.s32 @!p1 $0x1000;
	[sflag:s10] =	ssyncset.done @!p4 $0x0  }
.Ltmp0:
0x83: {  	[sflag:s10] =	ssyncadd.s32 @!p4 $0xFFFFFC00;
	s10 =	simm.s32 @!p1 $0x40;
	(pc) =	sbr.rel @p3 .LBB2_2-.Ltmp0, $4  }
0x84: {  	[tilespmem:s23], [sflag:$0x1] =	stream.strided.gather @!p1 [hbm4b:s9+s10], $0x2000, s21, s10, $0x38;
	[tilespmem:$0x1CC00] =	vst v63  }
0x85: {  	s28 =	simm.s32 @!p1 $0x7;
	s10 =	sadd.s32 s30, s25;
	_ =	swait.ge @!p1 [sflag:s17], $0x2000  }
0x86: {  	p2 =	sgt.u32 s10, $0x2690;
	[sflag:s17] =	ssyncset.done @!p1 $0x0  }
0x87: {  	s7 =	sadd.s32 $0x2000, s7;
	p4 =	sgt.u32 @p2 s10, $0x270F;
	[sflag:s17] =	ssyncadd.s32 @!p1 $0xFFFFE000  }
0x88: {  	[spmem:s12] =	stream.linear.scatter @!p1 [tilespmem:s23], [sflag:$0x7], $0x2000, $0x38;
	[tilespmem:$0x1CC00] =	vst v63  }
0x89: {  	p3 =	por p4, !p2;
	s8 =	sadd.s32 $0x1000, s9;
	_ =	swait.ge @!p1 [sflag:s28], $0x2000  }
0x8a: {  	s9 =	simm.s32 @!p3 $0x1000;
	s10 =	simm.s32 @!p3 $0x7;
	[sflag:s28] =	ssyncset.done @!p1 $0x0  }
0x8b: {  	s12 =	simm.s32 @!p3 $0x40;
	s17 =	simm.s32 @!p3 $0x100;
	[sflag:s28] =	ssyncadd.s32 @!p1 $0xFFFFE000  }
0x8c: {  	[tilespmem:s9], [sflag:$0x7] =	stream.strided.gather @!p3 [hbm4b:s8+s12], $0x400, s17, s12, $0x38;
	[tilespmem:$0x1CC00] =	vst v63  }
0x8d: {  	_ =	swait.ge @!p3 [sflag:s10], $0x400  }
0x8e: {  	[sflag:s10] =	ssyncset.done @!p3 $0x0  }
0x8f: {  	[sflag:s10] =	ssyncadd.s32 @!p3 $0xFFFFFC00;
	s10 =	simm.s32 @!p3 $0x6  }
0x90: {  	[spmem:s7] =	stream.linear.scatter @!p3 [tilespmem:s9], [sflag:$0x6], $0x400, $0x38;
	[tilespmem:$0x1CC00] =	vst v63  }
0x91: {  	p1 =	por p2, p2;
	_ =	swait.ge @!p3 [sflag:s10], $0x400  }
0x92: {  	s12 =	simm.s32 @!p1 $0x1;
	s17 =	simm.s32 @!p1 $0x100;
	[sflag:s10] =	ssyncset.done @!p3 $0x0  }
0x93: {  	s9 =	simm.s32 @!p1 $0x1000;
	[sflag:s10] =	ssyncadd.s32 @!p3 $0xFFFFFC00;
	s10 =	simm.s32 @!p1 $0x40  }
0x94: {  	[tilespmem:s9], [sflag:$0x1] =	stream.strided.gather @!p1 [hbm4b:s8+s10], $0x2000, s17, s10, $0x38;
	[tilespmem:$0x1CC00] =	vst v63  }
0x95: {  	_ =	swait.ge @!p1 [sflag:s12], $0x2000  }
0x96: {  	[sflag:s12] =	ssyncset.done @!p1 $0x0  }
0x97: {  	s8 =	simm.s32 @!p1 $0x7;
	[sflag:s12] =	ssyncadd.s32 @!p1 $0xFFFFE000  }
0x98: {  	[spmem:s7] =	stream.linear.scatter @!p1 [tilespmem:s9], [sflag:$0x7], $0x2000, $0x38;
	[tilespmem:$0x1CC00] =	vst v63  }
0x99: {  	_ =	swait.ge @!p1 [sflag:s8], $0x2000  }
0x9a: {  	[sflag:s8] =	ssyncset.done @!p1 $0x0  }
0x9b: {  	[sflag:s8] =	ssyncadd.s32 @!p1 $0xFFFFE000  }
0x9c: {  	_ =	swait.ge [sflag:s19], $0x2000  }
0x9d: {  	[sflag:s19] =	ssyncset.done $0x0  }
0x9e: {  	[sflag:s19] =	ssyncadd.s32 $0xFFFFE000  }
0x9f: {  	_ =	swait.ge [sflag:s19], $0x400  }
0xa0: {  	[sflag:s19] =	ssyncset.done $0x0  }
0xa1: {  	[sflag:s19] =	ssyncadd.s32 $0xFFFFFC00  }
0xa2: {  	_ =	swait.ge [sflag:s19], $0x2000  }
0xa3: {  	[sflag:s19] =	ssyncset.done $0x0  }
0xa4: {  	[sflag:s19] =	ssyncadd.s32 $0xFFFFE000  }
0xa5: {  	_ =	swait.ge [sflag:s19], $0x400  }
0xa6: {  	[sflag:s19] =	ssyncset.done $0x0  }
0xa7: {  	[sflag:s19] =	ssyncadd.s32 $0xFFFFFC00  }
0xa8: {  	_ =	swait.ge [sflag:s19], $0x2000  }
0xa9: {  	[sflag:s19] =	ssyncset.done $0x0  }
0xaa: {  	[sflag:s19] =	ssyncadd.s32 $0xFFFFE000  }
0xab: {  	_ =	swait.ge [sflag:s19], $0x400  }
0xac: {  	[sflag:s19] =	ssyncset.done $0x0  }
0xad: {  	[sflag:s19] =	ssyncadd.s32 $0xFFFFFC00  }
0xae: {  	_ =	swait.ge [sflag:s19], $0x2000  }
0xaf: {  	[sflag:s19] =	ssyncset.done $0x0  }
0xb0: {  	[sflag:s19] =	ssyncadd.s32 $0xFFFFE000  }
0xb1: {  	_ =	swait.ge [sflag:s19], $0x400  }
0xb2: {  	[sflag:s19] =	ssyncset.done $0x0  }
0xb3: {  	[sflag:s19] =	ssyncadd.s32 $0xFFFFFC00  }
0xb4: {  	_ =	swait.ge [sflag:s19], $0x2000  }
0xb5: {  	[sflag:s19] =	ssyncset.done $0x0  }
0xb6: {  	[sflag:s19] =	ssyncadd.s32 $0xFFFFE000  }
0xb7: {  	_ =	swait.ge [sflag:s19], $0x400  }
0xb8: {  	[sflag:s19] =	ssyncset.done $0x0  }
0xb9: {  	[sflag:s19] =	ssyncadd.s32 $0xFFFFFC00  }
0xba: {  	s2 =	simm.s32 $0x800;
	s7 =	sadd.s32 $0x0, s24;
	[bflag:$0x0] =	sbarrier.arrive $0xFFFF  }
0xbb: {  	[tilespmem:s1], [sflag:$0x6] =	stream.linear.gather [hbm4b:s7+s1], $0x400, $0x38;
	[tilespmem:$0x1CC00] =	vst v63  }
0xbc: {  	s12 =	simm.s32 $0x1;
	s9 =	simm.s32 $0x1;
	_ =	swait.ge [sflag:s0], $0x400  }
0xbd: {  	s12 =	simm.s32 @!p0 $0x0;
	p1 =	por $0x0, $0x0;
	[sflag:s0] =	ssyncset.done $0x0  }
0xbe: {  	s8 =	sadd.s32 $0x0, s22;
	s9 =	simm.s32 @!p1 $0x0;
	[sflag:s0] =	ssyncadd.s32 $0xFFFFFC00  }
0xbf: {  	[tilespmem:s2], [sflag:$0x6] =	stream.linear.gather [hbm4b:s8+s1], $0x400, $0x38;
	[tilespmem:$0x1CC00] =	vst v63  }
0xc0: {  	p3 =	seq.s32 s12, s9;
	_ =	swait.ge [sflag:s0], $0x400  }
0xc1: {  	s9 =	simm.s32 @!p3 $0x7000;
	[sflag:s0] =	ssyncset.done $0x0  }
0xc2: {  	s10 =	simm.s32 @!p3 $0x7D;
	s17 =	simm.s32 @!p3 $0x800;
	[sflag:s0] =	ssyncadd.s32 $0xFFFFFC00  }
0xc3: {  	[spmem:s18] =	stream.indirect.scatter.add.f32 @!p3 [tilespmem:s9], [sflag:$0x5], $0x8, s17, s10, $0xb8;
	[tilespmem:$0x1CC00] =	vst v63  }
0xc4: {  	s17 =	simm.s32 @!p3 $0x880  }
0xc5: {  	[spmem:s18] =	stream.indirect.scatter.add.f32 @!p3 [tilespmem:s9], [sflag:$0x5], $0x8, s17, s10, $0xb8;
	[tilespmem:$0x1CC00] =	vst v63  }
0xc6: {  	s17 =	simm.s32 @!p3 $0x900  }
0xc7: {  	[spmem:s18] =	stream.indirect.scatter.add.f32 @!p3 [tilespmem:s9], [sflag:$0x5], $0x8, s17, s10, $0xb8;
	[tilespmem:$0x1CC00] =	vst v63  }
0xc8: {  	s17 =	simm.s32 @!p3 $0x980  }
0xc9: {  	[spmem:s18] =	stream.indirect.scatter.add.f32 @!p3 [tilespmem:s9], [sflag:$0x5], $0x8, s17, s10, $0xb8;
	[tilespmem:$0x1CC00] =	vst v63  }
0xca: {  	s17 =	simm.s32 @!p3 $0xA00  }
0xcb: {  	[spmem:s18] =	stream.indirect.scatter.add.f32 @!p3 [tilespmem:s9], [sflag:$0x5], $0x8, s17, s10, $0xb8;
	[tilespmem:$0x1CC00] =	vst v63  }
0xcc: {  	s17 =	simm.s32 @!p3 $0xA80  }
0xcd: {  	[spmem:s18] =	stream.indirect.scatter.add.f32 @!p3 [tilespmem:s9], [sflag:$0x5], $0x8, s17, s10, $0xb8;
	[tilespmem:$0x1CC00] =	vst v63  }
0xce: {  	s17 =	simm.s32 @!p3 $0xB00  }
0xcf: {  	[spmem:s18] =	stream.indirect.scatter.add.f32 @!p3 [tilespmem:s9], [sflag:$0x5], $0x8, s17, s10, $0xb8;
	[tilespmem:$0x1CC00] =	vst v63  }
0xd0: {  	p2 =	por $0x1, $0x1;
	s17 =	simm.s32 @!p3 $0xB80  }
0xd1: {  	[spmem:s18] =	stream.indirect.scatter.add.f32 @!p3 [tilespmem:s9], [sflag:$0x5], $0x8, s17, s10, $0xb8;
	[tilespmem:$0x1CC00] =	vst v63  }
0xd2: {  	s9 =	simm.s32 @p2 $0x0;
	s10 =	simm.s32 @p2 $0x7D;
	s17 =	simm.s32 @p2 $0x1000  }
0xd3: {  	[tilespmem:s17], [sflag:$0x1] =	stream.indirect.gather @p2 [spmem:s20], $0x40, s9, s10, $0xb8;
	[tilespmem:$0x1CC00] =	vst v63  }
0xd4: {  	s9 =	simm.s32 @p2 $0x1  }
0xd5: {  	_ =	swait.ge @p2 [sflag:s9], $0x1F40  }
0xd6: {  	[sflag:s9] =	ssyncset.done @p2 $0x0  }
0xd7: {  	[sflag:s9] =	ssyncadd.s32 @p2 $0xFFFFE0C0;
	s9 =	simm.s32 @p2 $0x800  }
0xd8: {  	[spmem:s15] =	stream.indirect.scatter.add.f32 @p2 [tilespmem:s17], [sflag:$0x3], $0x40, s9, s10, $0xb8;
	[tilespmem:$0x1CC00] =	vst v63  }
0xd9: {  	s9 =	simm.s32 @!p2 $0x3  }
0xda: {  	_ =	swait.ge @!p2 [sflag:s9], $0x1F40  }
0xdb: {  	s10 =	simm.s32 @!p2 $0x1000;
	[sflag:s9] =	ssyncset.done @!p2 $0x0  }
0xdc: {  	s17 =	simm.s32 @!p2 $0x7D;
	[sflag:s9] =	ssyncadd.s32 @!p2 $0xFFFFE0C0;
	s9 =	simm.s32 @!p2 $0x0  }
0xdd: {  	[tilespmem:s10], [sflag:$0x1] =	stream.indirect.gather @!p2 [spmem:s20], $0x40, s9, s17, $0xb8;
	[tilespmem:$0x1CC00] =	vst v63  }
0xde: {  	s9 =	simm.s32 @!p2 $0x1  }
0xdf: {  	_ =	swait.ge @!p2 [sflag:s9], $0x1F40  }
0xe0: {  	[sflag:s9] =	ssyncset.done @!p2 $0x0  }
0xe1: {  	[sflag:s9] =	ssyncadd.s32 @!p2 $0xFFFFE0C0;
	s9 =	simm.s32 @!p2 $0x800  }
0xe2: {  	[spmem:s15] =	stream.indirect.scatter.add.f32 @!p2 [tilespmem:s10], [sflag:$0x3], $0x40, s9, s17, $0xb8;
	[tilespmem:$0x1CC00] =	vst v63  }
0xe3: {  	s9 =	simm.s32 @!p2 $0x4  }
0xe4: {  	_ =	swait.ge @!p2 [sflag:s9], $0x1F40  }
0xe5: {  	[sflag:s9] =	ssyncset.done @!p2 $0x0  }
0xe6: {  	s3 =	simm.s32 $0x80;
	[sflag:s9] =	ssyncadd.s32 @!p2 $0xFFFFE0C0  }
0xe7: {  	[tilespmem:s13], [sflag:$0x2] =	stream.indirect.gather [spmem:s20], $0x40, s3, s11, $0xb8;
	[tilespmem:$0x1CC00] =	vst v63  }
0xe8: {  	_ =	swait.ge [sflag:s14], $0x1F40  }
0xe9: {  	[sflag:s14] =	ssyncset.done $0x0  }
0xea: {  	s19 =	simm.s32 $0x880;
	[sflag:s14] =	ssyncadd.s32 $0xFFFFE0C0  }
0xeb: {  	[spmem:s15] =	stream.indirect.scatter.add.f32 [tilespmem:s13], [sflag:$0x4], $0x40, s19, s11, $0xb8;
	[tilespmem:$0x1CC00] =	vst v63  }
0xec: {  	_ =	swait.ge [sflag:s29], $0x1F40  }
0xed: {  	[sflag:s29] =	ssyncset.done $0x0  }
0xee: {  	s21 =	simm.s32 $0x100;
	[sflag:s29] =	ssyncadd.s32 $0xFFFFE0C0  }
0xef: {  	[tilespmem:s31], [sflag:$0x1] =	stream.indirect.gather [spmem:s20], $0x40, s21, s11, $0xb8;
	[tilespmem:$0x1CC00] =	vst v63  }
0xf0: {  	_ =	swait.ge [sflag:s6], $0x1F40  }
0xf1: {  	[sflag:s6] =	ssyncset.done $0x0  }
0xf2: {  	[sflag:s6] =	ssyncadd.s32 $0xFFFFE0C0  }
0xf3: {  	[spmem:s15] =	stream.indirect.scatter.add.f32 [tilespmem:s31], [sflag:$0x3], $0x40, s16, s11, $0xb8;
	[tilespmem:$0x1CC00] =	vst v63  }
0xf4: {  	_ =	swait.ge [sflag:s26], $0x1F40  }
0xf5: {  	[sflag:s26] =	ssyncset.done $0x0  }
0xf6: {  	s23 =	simm.s32 $0x180;
	[sflag:s26] =	ssyncadd.s32 $0xFFFFE0C0  }
0xf7: {  	[tilespmem:s13], [sflag:$0x2] =	stream.indirect.gather [spmem:s20], $0x40, s23, s11, $0xb8;
	[tilespmem:$0x1CC00] =	vst v63  }
0xf8: {  	_ =	swait.ge [sflag:s14], $0x1F40  }
0xf9: {  	[sflag:s14] =	ssyncset.done $0x0  }
0xfa: {  	s9 =	simm.s32 $0x980;
	[sflag:s14] =	ssyncadd.s32 $0xFFFFE0C0  }
0xfb: {  	[spmem:s15] =	stream.indirect.scatter.add.f32 [tilespmem:s13], [sflag:$0x4], $0x40, s9, s11, $0xb8;
	[tilespmem:$0x1CC00] =	vst v63  }
0xfc: {  	_ =	swait.ge [sflag:s29], $0x1F40  }
0xfd: {  	[sflag:s29] =	ssyncset.done $0x0  }
0xfe: {  	s10 =	simm.s32 $0x200;
	[sflag:s29] =	ssyncadd.s32 $0xFFFFE0C0  }
0xff: {  	[tilespmem:s31], [sflag:$0x1] =	stream.indirect.gather [spmem:s20], $0x40, s10, s11, $0xb8;
	[tilespmem:$0x1CC00] =	vst v63  }
0x100: {  	_ =	swait.ge [sflag:s6], $0x1F40  }
0x101: {  	[sflag:s6] =	ssyncset.done $0x0  }
0x102: {  	s16 =	simm.s32 $0xA00;
	[sflag:s6] =	ssyncadd.s32 $0xFFFFE0C0  }
0x103: {  	[spmem:s15] =	stream.indirect.scatter.add.f32 [tilespmem:s31], [sflag:$0x3], $0x40, s16, s11, $0xb8;
	[tilespmem:$0x1CC00] =	vst v63  }
0x104: {  	_ =	swait.ge [sflag:s26], $0x1F40  }
0x105: {  	[sflag:s26] =	ssyncset.done $0x0  }
0x106: {  	s17 =	simm.s32 $0x280;
	[sflag:s26] =	ssyncadd.s32 $0xFFFFE0C0  }
0x107: {  	[tilespmem:s13], [sflag:$0x2] =	stream.indirect.gather [spmem:s20], $0x40, s17, s11, $0xb8;
	[tilespmem:$0x1CC00] =	vst v63  }
0x108: {  	_ =	swait.ge [sflag:s14], $0x1F40  }
0x109: {  	[sflag:s14] =	ssyncset.done $0x0  }
0x10a: {  	s19 =	simm.s32 $0xA80;
	[sflag:s14] =	ssyncadd.s32 $0xFFFFE0C0  }
0x10b: {  	[spmem:s15] =	stream.indirect.scatter.add.f32 [tilespmem:s13], [sflag:$0x4], $0x40, s19, s11, $0xb8;
	[tilespmem:$0x1CC00] =	vst v63  }
0x10c: {  	_ =	swait.ge [sflag:s29], $0x1F40  }
0x10d: {  	[sflag:s29] =	ssyncset.done $0x0  }
0x10e: {  	s21 =	simm.s32 $0x300;
	[sflag:s29] =	ssyncadd.s32 $0xFFFFE0C0  }
0x10f: {  	[tilespmem:s31], [sflag:$0x1] =	stream.indirect.gather [spmem:s20], $0x40, s21, s11, $0xb8;
	[tilespmem:$0x1CC00] =	vst v63  }
0x110: {  	_ =	swait.ge [sflag:s6], $0x1F40  }
0x111: {  	[sflag:s6] =	ssyncset.done $0x0  }
0x112: {  	s23 =	simm.s32 $0xB00;
	[sflag:s6] =	ssyncadd.s32 $0xFFFFE0C0  }
0x113: {  	[spmem:s15] =	stream.indirect.scatter.add.f32 [tilespmem:s31], [sflag:$0x3], $0x40, s23, s11, $0xb8;
	[tilespmem:$0x1CC00] =	vst v63  }
0x114: {  	_ =	swait.ge [sflag:s26], $0x1F40  }
0x115: {  	[sflag:s26] =	ssyncset.done $0x0  }
0x116: {  	s9 =	simm.s32 $0x380;
	[sflag:s26] =	ssyncadd.s32 $0xFFFFE0C0  }
0x117: {  	[tilespmem:s13], [sflag:$0x2] =	stream.indirect.gather [spmem:s20], $0x40, s9, s11, $0xb8;
	[tilespmem:$0x1CC00] =	vst v63  }
0x118: {  	p2 =	por !p1, !p1;
	_ =	swait.ge [sflag:s14], $0x1F40  }
0x119: {  	p2 =	por @!p0 p1, p1;
	[sflag:s14] =	ssyncset.done $0x0  }
0x11a: {  	s10 =	simm.s32 $0xB80;
	s9 =	simm.s32 @p2 $0x5;
	[sflag:s14] =	ssyncadd.s32 $0xFFFFE0C0  }
0x11b: {  	[spmem:s15] =	stream.indirect.scatter.add.f32 [tilespmem:s13], [sflag:$0x4], $0x40, s10, s11, $0xb8;
	[tilespmem:$0x1CC00] =	vst v63  }
0x11c: {  	_ =	swait.ge @p2 [sflag:s9], $0x3E8  }
0x11d: {  	[sflag:s9] =	ssyncset.done @p2 $0x0  }
0x11e: {  	[sflag:s9] =	ssyncadd.s32 @p2 $0xFFFFFC18  }
0x11f: {  	_ =	swait.ge @p2 [sflag:s9], $0x3E8  }
0x120: {  	[sflag:s9] =	ssyncset.done @p2 $0x0  }
0x121: {  	[sflag:s9] =	ssyncadd.s32 @p2 $0xFFFFFC18  }
0x122: {  	_ =	swait.ge @p2 [sflag:s9], $0x3E8  }
0x123: {  	[sflag:s9] =	ssyncset.done @p2 $0x0  }
0x124: {  	[sflag:s9] =	ssyncadd.s32 @p2 $0xFFFFFC18  }
0x125: {  	_ =	swait.ge @p2 [sflag:s9], $0x3E8  }
0x126: {  	[sflag:s9] =	ssyncset.done @p2 $0x0  }
0x127: {  	[sflag:s9] =	ssyncadd.s32 @p2 $0xFFFFFC18  }
0x128: {  	_ =	swait.ge @p2 [sflag:s9], $0x3E8  }
0x129: {  	[sflag:s9] =	ssyncset.done @p2 $0x0  }
0x12a: {  	[sflag:s9] =	ssyncadd.s32 @p2 $0xFFFFFC18  }
0x12b: {  	_ =	swait.ge @p2 [sflag:s9], $0x3E8  }
0x12c: {  	[sflag:s9] =	ssyncset.done @p2 $0x0  }
0x12d: {  	[sflag:s9] =	ssyncadd.s32 @p2 $0xFFFFFC18  }
0x12e: {  	_ =	swait.ge @p2 [sflag:s9], $0x3E8  }
0x12f: {  	[sflag:s9] =	ssyncset.done @p2 $0x0  }
0x130: {  	[sflag:s9] =	ssyncadd.s32 @p2 $0xFFFFFC18  }
0x131: {  	_ =	swait.ge @p2 [sflag:s9], $0x3E8  }
0x132: {  	[sflag:s9] =	ssyncset.done @p2 $0x0  }
0x133: {  	s7 =	sadd.s32 $0x80, s7;
	[sflag:s9] =	ssyncadd.s32 @p2 $0xFFFFFC18  }
0x134: {  	[tilespmem:s4], [sflag:$0x6] =	stream.linear.gather [hbm4b:s7+s1], $0x400, $0x38;
	[tilespmem:$0x1CC00] =	vst v63  }
0x135: {  	_ =	swait.ge [sflag:s0], $0x400  }
0x136: {  	p1 =	por $0x0, $0x0;
	s7 =	simm.s32 $0x1;
	[sflag:s0] =	ssyncset.done $0x0  }
0x137: {  	s8 =	sadd.s32 $0x80, s8;
	s7 =	simm.s32 @!p1 $0x0;
	[sflag:s0] =	ssyncadd.s32 $0xFFFFFC00  }
0x138: {  	[tilespmem:s5], [sflag:$0x6] =	stream.linear.gather [hbm4b:s8+s1], $0x400, $0x38;
	[tilespmem:$0x1CC00] =	vst v63  }
0x139: {  	p2 =	seq.s32 s12, s7;
	_ =	swait.ge [sflag:s0], $0x400  }
0x13a: {  	s7 =	simm.s32 @!p2 $0x7000;
	[sflag:s0] =	ssyncset.done $0x0  }
0x13b: {  	s9 =	simm.s32 @!p2 $0xC00;
	s8 =	simm.s32 @!p2 $0x7D;
	[sflag:s0] =	ssyncadd.s32 $0xFFFFFC00  }
0x13c: {  	[spmem:s18] =	stream.indirect.scatter.add.f32 @!p2 [tilespmem:s7], [sflag:$0x5], $0x8, s9, s8, $0xb8;
	[tilespmem:$0x1CC00] =	vst v63  }
0x13d: {  	s9 =	simm.s32 @!p2 $0xC80  }
0x13e: {  	[spmem:s18] =	stream.indirect.scatter.add.f32 @!p2 [tilespmem:s7], [sflag:$0x5], $0x8, s9, s8, $0xb8;
	[tilespmem:$0x1CC00] =	vst v63  }
0x13f: {  	s9 =	simm.s32 @!p2 $0xD00  }
0x140: {  	[spmem:s18] =	stream.indirect.scatter.add.f32 @!p2 [tilespmem:s7], [sflag:$0x5], $0x8, s9, s8, $0xb8;
	[tilespmem:$0x1CC00] =	vst v63  }
0x141: {  	s9 =	simm.s32 @!p2 $0xD80  }
0x142: {  	[spmem:s18] =	stream.indirect.scatter.add.f32 @!p2 [tilespmem:s7], [sflag:$0x5], $0x8, s9, s8, $0xb8;
	[tilespmem:$0x1CC00] =	vst v63  }
0x143: {  	s9 =	simm.s32 @!p2 $0xE00  }
0x144: {  	[spmem:s18] =	stream.indirect.scatter.add.f32 @!p2 [tilespmem:s7], [sflag:$0x5], $0x8, s9, s8, $0xb8;
	[tilespmem:$0x1CC00] =	vst v63  }
0x145: {  	s9 =	simm.s32 @!p2 $0xE80  }
0x146: {  	[spmem:s18] =	stream.indirect.scatter.add.f32 @!p2 [tilespmem:s7], [sflag:$0x5], $0x8, s9, s8, $0xb8;
	[tilespmem:$0x1CC00] =	vst v63  }
0x147: {  	s9 =	simm.s32 @!p2 $0xF00  }
0x148: {  	[spmem:s18] =	stream.indirect.scatter.add.f32 @!p2 [tilespmem:s7], [sflag:$0x5], $0x8, s9, s8, $0xb8;
	[tilespmem:$0x1CC00] =	vst v63  }
0x149: {  	s9 =	simm.s32 @!p2 $0xF80  }
0x14a: {  	[spmem:s18] =	stream.indirect.scatter.add.f32 @!p2 [tilespmem:s7], [sflag:$0x5], $0x8, s9, s8, $0xb8;
	[tilespmem:$0x1CC00] =	vst v63  }
0x14b: {  	_ =	swait.ge [sflag:s29], $0x1F40  }
0x14c: {  	[sflag:s29] =	ssyncset.done $0x0  }
0x14d: {  	[sflag:s29] =	ssyncadd.s32 $0xFFFFE0C0  }
0x14e: {  	[tilespmem:s31], [sflag:$0x1] =	stream.indirect.gather [spmem:s20], $0x40, s4, s11, $0xb8;
	[tilespmem:$0x1CC00] =	vst v63  }
0x14f: {  	_ =	swait.ge [sflag:s6], $0x1F40  }
0x150: {  	[sflag:s6] =	ssyncset.done $0x0  }
0x151: {  	[sflag:s6] =	ssyncadd.s32 $0xFFFFE0C0  }
0x152: {  	[spmem:s15] =	stream.indirect.scatter.add.f32 [tilespmem:s31], [sflag:$0x3], $0x40, s5, s11, $0xb8;
	[tilespmem:$0x1CC00] =	vst v63  }
0x153: {  	_ =	swait.ge [sflag:s26], $0x1F40  }
0x154: {  	[sflag:s26] =	ssyncset.done $0x0  }
0x155: {  	s16 =	simm.s32 $0x480;
	[sflag:s26] =	ssyncadd.s32 $0xFFFFE0C0  }
0x156: {  	[tilespmem:s13], [sflag:$0x2] =	stream.indirect.gather [spmem:s20], $0x40, s16, s11, $0xb8;
	[tilespmem:$0x1CC00] =	vst v63  }
0x157: {  	_ =	swait.ge [sflag:s14], $0x1F40  }
0x158: {  	[sflag:s14] =	ssyncset.done $0x0  }
0x159: {  	s17 =	simm.s32 $0xC80;
	[sflag:s14] =	ssyncadd.s32 $0xFFFFE0C0  }
0x15a: {  	[spmem:s15] =	stream.indirect.scatter.add.f32 [tilespmem:s13], [sflag:$0x4], $0x40, s17, s11, $0xb8;
	[tilespmem:$0x1CC00] =	vst v63  }
0x15b: {  	_ =	swait.ge [sflag:s29], $0x1F40  }
0x15c: {  	[sflag:s29] =	ssyncset.done $0x0  }
0x15d: {  	s19 =	simm.s32 $0x500;
	[sflag:s29] =	ssyncadd.s32 $0xFFFFE0C0  }
0x15e: {  	[tilespmem:s31], [sflag:$0x1] =	stream.indirect.gather [spmem:s20], $0x40, s19, s11, $0xb8;
	[tilespmem:$0x1CC00] =	vst v63  }
0x15f: {  	_ =	swait.ge [sflag:s6], $0x1F40  }
0x160: {  	[sflag:s6] =	ssyncset.done $0x0  }
0x161: {  	s21 =	simm.s32 $0xD00;
	[sflag:s6] =	ssyncadd.s32 $0xFFFFE0C0  }
0x162: {  	[spmem:s15] =	stream.indirect.scatter.add.f32 [tilespmem:s31], [sflag:$0x3], $0x40, s21, s11, $0xb8;
	[tilespmem:$0x1CC00] =	vst v63  }
0x163: {  	_ =	swait.ge [sflag:s26], $0x1F40  }
0x164: {  	[sflag:s26] =	ssyncset.done $0x0  }
0x165: {  	s23 =	simm.s32 $0x580;
	[sflag:s26] =	ssyncadd.s32 $0xFFFFE0C0  }
0x166: {  	[tilespmem:s13], [sflag:$0x2] =	stream.indirect.gather [spmem:s20], $0x40, s23, s11, $0xb8;
	[tilespmem:$0x1CC00] =	vst v63  }
0x167: {  	_ =	swait.ge [sflag:s14], $0x1F40  }
0x168: {  	[sflag:s14] =	ssyncset.done $0x0  }
0x169: {  	s7 =	simm.s32 $0xD80;
	[sflag:s14] =	ssyncadd.s32 $0xFFFFE0C0  }
0x16a: {  	[spmem:s15] =	stream.indirect.scatter.add.f32 [tilespmem:s13], [sflag:$0x4], $0x40, s7, s11, $0xb8;
	[tilespmem:$0x1CC00] =	vst v63  }
0x16b: {  	_ =	swait.ge [sflag:s29], $0x1F40  }
0x16c: {  	[sflag:s29] =	ssyncset.done $0x0  }
0x16d: {  	s8 =	simm.s32 $0x600;
	[sflag:s29] =	ssyncadd.s32 $0xFFFFE0C0  }
0x16e: {  	[tilespmem:s31], [sflag:$0x1] =	stream.indirect.gather [spmem:s20], $0x40, s8, s11, $0xb8;
	[tilespmem:$0x1CC00] =	vst v63  }
0x16f: {  	_ =	swait.ge [sflag:s6], $0x1F40  }
0x170: {  	[sflag:s6] =	ssyncset.done $0x0  }
0x171: {  	s9 =	simm.s32 $0xE00;
	[sflag:s6] =	ssyncadd.s32 $0xFFFFE0C0  }
0x172: {  	[spmem:s15] =	stream.indirect.scatter.add.f32 [tilespmem:s31], [sflag:$0x3], $0x40, s9, s11, $0xb8;
	[tilespmem:$0x1CC00] =	vst v63  }
0x173: {  	_ =	swait.ge [sflag:s26], $0x1F40  }
0x174: {  	[sflag:s26] =	ssyncset.done $0x0  }
0x175: {  	s10 =	simm.s32 $0x680;
	[sflag:s26] =	ssyncadd.s32 $0xFFFFE0C0  }
0x176: {  	[tilespmem:s13], [sflag:$0x2] =	stream.indirect.gather [spmem:s20], $0x40, s10, s11, $0xb8;
	[tilespmem:$0x1CC00] =	vst v63  }
0x177: {  	_ =	swait.ge [sflag:s14], $0x1F40  }
0x178: {  	[sflag:s14] =	ssyncset.done $0x0  }
0x179: {  	s16 =	simm.s32 $0xE80;
	[sflag:s14] =	ssyncadd.s32 $0xFFFFE0C0  }
0x17a: {  	[spmem:s15] =	stream.indirect.scatter.add.f32 [tilespmem:s13], [sflag:$0x4], $0x40, s16, s11, $0xb8;
	[tilespmem:$0x1CC00] =	vst v63  }
0x17b: {  	_ =	swait.ge [sflag:s29], $0x1F40  }
0x17c: {  	[sflag:s29] =	ssyncset.done $0x0  }
0x17d: {  	s17 =	simm.s32 $0x700;
	[sflag:s29] =	ssyncadd.s32 $0xFFFFE0C0  }
0x17e: {  	[tilespmem:s31], [sflag:$0x1] =	stream.indirect.gather [spmem:s20], $0x40, s17, s11, $0xb8;
	[tilespmem:$0x1CC00] =	vst v63  }
0x17f: {  	_ =	swait.ge [sflag:s6], $0x1F40  }
0x180: {  	[sflag:s6] =	ssyncset.done $0x0  }
0x181: {  	s19 =	simm.s32 $0xF00;
	[sflag:s6] =	ssyncadd.s32 $0xFFFFE0C0  }
0x182: {  	[spmem:s15] =	stream.indirect.scatter.add.f32 [tilespmem:s31], [sflag:$0x3], $0x40, s19, s11, $0xb8;
	[tilespmem:$0x1CC00] =	vst v63  }
0x183: {  	_ =	swait.ge [sflag:s26], $0x1F40  }
0x184: {  	[sflag:s26] =	ssyncset.done $0x0  }
0x185: {  	s21 =	simm.s32 $0x780;
	[sflag:s26] =	ssyncadd.s32 $0xFFFFE0C0  }
0x186: {  	[tilespmem:s13], [sflag:$0x2] =	stream.indirect.gather [spmem:s20], $0x40, s21, s11, $0xb8;
	[tilespmem:$0x1CC00] =	vst v63  }
0x187: {  	p2 =	por !p1, !p1;
	_ =	swait.ge [sflag:s14], $0x1F40  }
0x188: {  	p2 =	por @!p0 p1, p1;
	[sflag:s14] =	ssyncset.done $0x0  }
0x189: {  	s23 =	simm.s32 $0xF80;
	s9 =	simm.s32 @p2 $0x5;
	[sflag:s14] =	ssyncadd.s32 $0xFFFFE0C0  }
0x18a: {  	[spmem:s15] =	stream.indirect.scatter.add.f32 [tilespmem:s13], [sflag:$0x4], $0x40, s23, s11, $0xb8;
	[tilespmem:$0x1CC00] =	vst v63  }
0x18b: {  	_ =	swait.ge @p2 [sflag:s9], $0x3E8  }
0x18c: {  	[sflag:s9] =	ssyncset.done @p2 $0x0  }
0x18d: {  	[sflag:s9] =	ssyncadd.s32 @p2 $0xFFFFFC18  }
0x18e: {  	_ =	swait.ge @p2 [sflag:s9], $0x3E8  }
0x18f: {  	[sflag:s9] =	ssyncset.done @p2 $0x0  }
0x190: {  	[sflag:s9] =	ssyncadd.s32 @p2 $0xFFFFFC18  }
0x191: {  	_ =	swait.ge @p2 [sflag:s9], $0x3E8  }
0x192: {  	[sflag:s9] =	ssyncset.done @p2 $0x0  }
0x193: {  	[sflag:s9] =	ssyncadd.s32 @p2 $0xFFFFFC18  }
0x194: {  	_ =	swait.ge @p2 [sflag:s9], $0x3E8  }
0x195: {  	[sflag:s9] =	ssyncset.done @p2 $0x0  }
0x196: {  	[sflag:s9] =	ssyncadd.s32 @p2 $0xFFFFFC18  }
0x197: {  	_ =	swait.ge @p2 [sflag:s9], $0x3E8  }
0x198: {  	[sflag:s9] =	ssyncset.done @p2 $0x0  }
0x199: {  	[sflag:s9] =	ssyncadd.s32 @p2 $0xFFFFFC18  }
0x19a: {  	s30 =	simm.s32 $0x100;
	s28 =	simm.s32 $0x18;
	_ =	swait.ge @p2 [sflag:s9], $0x3E8  }
0x19b: {  	s7 =	simm.s32 $0x200;
	s23 =	simm.s32 $0x1;
	[sflag:s9] =	ssyncset.done @p2 $0x0  }
.LBB2_4:
0x19c: {  	s8 =	sadd.s32 s30, s24  }
0x19d: {  	[sflag:s9] =	ssyncadd.s32 @p2 $0xFFFFFC18;
	s10 =	smov.u32 s7;
	s7 =	sadd.s32 $0x100, s7  }
0x19e: {  	p1 =	sne.s32 s7, $0x500;
	_ =	swait.ge @p2 [sflag:s9], $0x3E8  }
0x19f: {  	[sflag:s9] =	ssyncset.done @p2 $0x0  }
0x1a0: {  	p3 =	sgt.u32 s23, $0x2;
	s17 =	simm.s32 $0x1;
	[sflag:s9] =	ssyncadd.s32 @p2 $0xFFFFFC18  }
0x1a1: {  	s17 =	simm.s32 @!p3 $0x0;
	_ =	swait.ge @p2 [sflag:s9], $0x3E8  }
0x1a2: {  	[sflag:s9] =	ssyncset.done @p2 $0x0  }
0x1a3: {  	[sflag:s9] =	ssyncadd.s32 @p2 $0xFFFFFC18  }
0x1a4: {  	[tilespmem:s1], [sflag:$0x6] =	stream.linear.gather [hbm4b:s8+s1], $0x400, $0x38;
	[tilespmem:$0x1CC00] =	vst v63  }
0x1a5: {  	_ =	swait.ge [sflag:s0], $0x400  }
0x1a6: {  	p4 =	seq.s32 s12, s17;
	[sflag:s0] =	ssyncset.done $0x0  }
0x1a7: {  	s9 =	sadd.s32 s30, s22;
	[sflag:s0] =	ssyncadd.s32 $0xFFFFFC00  }
0x1a8: {  	[tilespmem:s2], [sflag:$0x6] =	stream.linear.gather [hbm4b:s9+s1], $0x400, $0x38;
	[tilespmem:$0x1CC00] =	vst v63  }
0x1a9: {  	s17 =	simm.s32 @!p4 $0x7000;
	_ =	swait.ge [sflag:s0], $0x400  }
0x1aa: {  	[sflag:s0] =	ssyncset.done $0x0  }
0x1ab: {  	s21 =	simm.s32 @!p4 $0x7D;
	s16 =	simm.s32 @!p4 $0x800;
	[sflag:s0] =	ssyncadd.s32 $0xFFFFFC00  }
0x1ac: {  	[spmem:s18] =	stream.indirect.scatter.add.f32 @!p4 [tilespmem:s17], [sflag:$0x5], $0x8, s16, s21, $0xb8;
	[tilespmem:$0x1CC00] =	vst v63  }
0x1ad: {  	s16 =	simm.s32 @!p4 $0x880  }
0x1ae: {  	[spmem:s18] =	stream.indirect.scatter.add.f32 @!p4 [tilespmem:s17], [sflag:$0x5], $0x8, s16, s21, $0xb8;
	[tilespmem:$0x1CC00] =	vst v63  }
0x1af: {  	s16 =	simm.s32 @!p4 $0x900  }
0x1b0: {  	[spmem:s18] =	stream.indirect.scatter.add.f32 @!p4 [tilespmem:s17], [sflag:$0x5], $0x8, s16, s21, $0xb8;
	[tilespmem:$0x1CC00] =	vst v63  }
0x1b1: {  	s16 =	simm.s32 @!p4 $0x980  }
0x1b2: {  	[spmem:s18] =	stream.indirect.scatter.add.f32 @!p4 [tilespmem:s17], [sflag:$0x5], $0x8, s16, s21, $0xb8;
	[tilespmem:$0x1CC00] =	vst v63  }
0x1b3: {  	s16 =	simm.s32 @!p4 $0xA00  }
0x1b4: {  	[spmem:s18] =	stream.indirect.scatter.add.f32 @!p4 [tilespmem:s17], [sflag:$0x5], $0x8, s16, s21, $0xb8;
	[tilespmem:$0x1CC00] =	vst v63  }
0x1b5: {  	p2 =	seq.s32 s30, $0x0;
	s30 =	smov.u32 s10;
	s16 =	simm.s32 @!p4 $0xA80  }
0x1b6: {  	[spmem:s18] =	stream.indirect.scatter.add.f32 @!p4 [tilespmem:s17], [sflag:$0x5], $0x8, s16, s21, $0xb8;
	[tilespmem:$0x1CC00] =	vst v63  }
0x1b7: {  	s10 =	simm.s32 @!p4 $0xB00;
	s3 =	simm.s32 @p2 $0x0;
	s16 =	simm.s32 @!p4 $0xB80  }
0x1b8: {  	[spmem:s18] =	stream.indirect.scatter.add.f32 @!p4 [tilespmem:s17], [sflag:$0x5], $0x8, s10, s21, $0xb8;
	[tilespmem:$0x1CC00] =	vst v63  }
0x1b9: {  	s19 =	simm.s32 @p2 $0x1000;
	s10 =	simm.s32 @p2 $0x7D  }
0x1ba: {  	[spmem:s18] =	stream.indirect.scatter.add.f32 @!p4 [tilespmem:s17], [sflag:$0x5], $0x8, s16, s21, $0xb8;
	[tilespmem:$0x1CC00] =	vst v63  }
0x1bb: {  	s21 =	simm.s32 $0x980  }
0x1bc: {  	s16 =	simm.s32 @p2 $0x1  }
0x1bd: {  	[tilespmem:s19], [sflag:$0x1] =	stream.indirect.gather @p2 [spmem:s20], $0x40, s3, s10, $0xb8;
	[tilespmem:$0x1CC00] =	vst v63  }
0x1be: {  	_ =	swait.ge @p2 [sflag:s16], $0x1F40  }
0x1bf: {  	s3 =	simm.s32 @p2 $0x800;
	[sflag:s16] =	ssyncset.done @p2 $0x0  }
0x1c0: {  	[sflag:s16] =	ssyncadd.s32 @p2 $0xFFFFE0C0;
	s16 =	simm.s32 @!p2 $0x3  }
0x1c1: {  	[spmem:s15] =	stream.indirect.scatter.add.f32 @p2 [tilespmem:s19], [sflag:$0x3], $0x40, s3, s10, $0xb8;
	[tilespmem:$0x1CC00] =	vst v63  }
0x1c2: {  	s19 =	simm.s32 $0x180  }
0x1c3: {  	s3 =	simm.s32 @!p2 $0x1000;
	_ =	swait.ge @!p2 [sflag:s16], $0x1F40  }
0x1c4: {  	s17 =	simm.s32 @!p2 $0x0;
	s10 =	simm.s32 @!p2 $0x7D;
	[sflag:s16] =	ssyncset.done @!p2 $0x0  }
0x1c5: {  	[sflag:s16] =	ssyncadd.s32 @!p2 $0xFFFFE0C0;
	s16 =	simm.s32 @!p2 $0x1  }
0x1c6: {  	[tilespmem:s3], [sflag:$0x1] =	stream.indirect.gather @!p2 [spmem:s20], $0x40, s17, s10, $0xb8;
	[tilespmem:$0x1CC00] =	vst v63  }
0x1c7: {  	_ =	swait.ge @!p2 [sflag:s16], $0x1F40  }
0x1c8: {  	s17 =	simm.s32 @!p2 $0x800;
	[sflag:s16] =	ssyncset.done @!p2 $0x0  }
0x1c9: {  	[sflag:s16] =	ssyncadd.s32 @!p2 $0xFFFFE0C0;
	s16 =	simm.s32 @!p2 $0x4  }
0x1ca: {  	[spmem:s15] =	stream.indirect.scatter.add.f32 @!p2 [tilespmem:s3], [sflag:$0x3], $0x40, s17, s10, $0xb8;
	[tilespmem:$0x1CC00] =	vst v63  }
0x1cb: {  	s17 =	simm.s32 $0x80  }
0x1cc: {  	_ =	swait.ge @!p2 [sflag:s16], $0x1F40  }
0x1cd: {  	[sflag:s16] =	ssyncset.done @!p2 $0x0  }
0x1ce: {  	[sflag:s16] =	ssyncadd.s32 @!p2 $0xFFFFE0C0;
	s16 =	simm.s32 $0x900  }
0x1cf: {  	[tilespmem:s13], [sflag:$0x2] =	stream.indirect.gather [spmem:s20], $0x40, s17, s11, $0xb8;
	[tilespmem:$0x1CC00] =	vst v63  }
0x1d0: {  	_ =	swait.ge [sflag:s14], $0x1F40  }
0x1d1: {  	[sflag:s14] =	ssyncset.done $0x0  }
0x1d2: {  	s3 =	simm.s32 $0x880;
	[sflag:s14] =	ssyncadd.s32 $0xFFFFE0C0  }
0x1d3: {  	[spmem:s15] =	stream.indirect.scatter.add.f32 [tilespmem:s13], [sflag:$0x4], $0x40, s3, s11, $0xb8;
	[tilespmem:$0x1CC00] =	vst v63  }
0x1d4: {  	_ =	swait.ge [sflag:s29], $0x1F40  }
0x1d5: {  	[sflag:s29] =	ssyncset.done $0x0  }
0x1d6: {  	s3 =	simm.s32 $0x100;
	[sflag:s29] =	ssyncadd.s32 $0xFFFFE0C0  }
0x1d7: {  	[tilespmem:s31], [sflag:$0x1] =	stream.indirect.gather [spmem:s20], $0x40, s3, s11, $0xb8;
	[tilespmem:$0x1CC00] =	vst v63  }
0x1d8: {  	_ =	swait.ge [sflag:s6], $0x1F40  }
0x1d9: {  	[sflag:s6] =	ssyncset.done $0x0  }
0x1da: {  	[sflag:s6] =	ssyncadd.s32 $0xFFFFE0C0  }
0x1db: {  	[spmem:s15] =	stream.indirect.scatter.add.f32 [tilespmem:s31], [sflag:$0x3], $0x40, s16, s11, $0xb8;
	[tilespmem:$0x1CC00] =	vst v63  }
0x1dc: {  	_ =	swait.ge [sflag:s26], $0x1F40  }
0x1dd: {  	[sflag:s26] =	ssyncset.done $0x0  }
0x1de: {  	[sflag:s26] =	ssyncadd.s32 $0xFFFFE0C0  }
0x1df: {  	[tilespmem:s13], [sflag:$0x2] =	stream.indirect.gather [spmem:s20], $0x40, s19, s11, $0xb8;
	[tilespmem:$0x1CC00] =	vst v63  }
0x1e0: {  	_ =	swait.ge [sflag:s14], $0x1F40  }
0x1e1: {  	[sflag:s14] =	ssyncset.done $0x0  }
0x1e2: {  	[sflag:s14] =	ssyncadd.s32 $0xFFFFE0C0  }
0x1e3: {  	[spmem:s15] =	stream.indirect.scatter.add.f32 [tilespmem:s13], [sflag:$0x4], $0x40, s21, s11, $0xb8;
	[tilespmem:$0x1CC00] =	vst v63  }
0x1e4: {  	_ =	swait.ge [sflag:s29], $0x1F40  }
0x1e5: {  	[sflag:s29] =	ssyncset.done $0x0  }
0x1e6: {  	s3 =	simm.s32 $0x200;
	[sflag:s29] =	ssyncadd.s32 $0xFFFFE0C0  }
0x1e7: {  	[tilespmem:s31], [sflag:$0x1] =	stream.indirect.gather [spmem:s20], $0x40, s3, s11, $0xb8;
	[tilespmem:$0x1CC00] =	vst v63  }
0x1e8: {  	_ =	swait.ge [sflag:s6], $0x1F40  }
0x1e9: {  	[sflag:s6] =	ssyncset.done $0x0  }
0x1ea: {  	s3 =	simm.s32 $0xA00;
	[sflag:s6] =	ssyncadd.s32 $0xFFFFE0C0  }
0x1eb: {  	[spmem:s15] =	stream.indirect.scatter.add.f32 [tilespmem:s31], [sflag:$0x3], $0x40, s3, s11, $0xb8;
	[tilespmem:$0x1CC00] =	vst v63  }
0x1ec: {  	_ =	swait.ge [sflag:s26], $0x1F40  }
0x1ed: {  	[sflag:s26] =	ssyncset.done $0x0  }
0x1ee: {  	s3 =	simm.s32 $0x280;
	[sflag:s26] =	ssyncadd.s32 $0xFFFFE0C0  }
0x1ef: {  	[tilespmem:s13], [sflag:$0x2] =	stream.indirect.gather [spmem:s20], $0x40, s3, s11, $0xb8;
	[tilespmem:$0x1CC00] =	vst v63  }
0x1f0: {  	_ =	swait.ge [sflag:s14], $0x1F40  }
0x1f1: {  	[sflag:s14] =	ssyncset.done $0x0  }
0x1f2: {  	s3 =	simm.s32 $0xA80;
	[sflag:s14] =	ssyncadd.s32 $0xFFFFE0C0  }
0x1f3: {  	[spmem:s15] =	stream.indirect.scatter.add.f32 [tilespmem:s13], [sflag:$0x4], $0x40, s3, s11, $0xb8;
	[tilespmem:$0x1CC00] =	vst v63  }
0x1f4: {  	_ =	swait.ge [sflag:s29], $0x1F40  }
0x1f5: {  	[sflag:s29] =	ssyncset.done $0x0  }
0x1f6: {  	s3 =	simm.s32 $0x300;
	[sflag:s29] =	ssyncadd.s32 $0xFFFFE0C0  }
0x1f7: {  	[tilespmem:s31], [sflag:$0x1] =	stream.indirect.gather [spmem:s20], $0x40, s3, s11, $0xb8;
	[tilespmem:$0x1CC00] =	vst v63  }
0x1f8: {  	_ =	swait.ge [sflag:s6], $0x1F40  }
0x1f9: {  	p2 =	por !p3, !p3;
	[sflag:s6] =	ssyncset.done $0x0  }
0x1fa: {  	s3 =	simm.s32 $0xB00;
	[sflag:s6] =	ssyncadd.s32 $0xFFFFE0C0  }
0x1fb: {  	[spmem:s15] =	stream.indirect.scatter.add.f32 [tilespmem:s31], [sflag:$0x3], $0x40, s3, s11, $0xb8;
	[tilespmem:$0x1CC00] =	vst v63  }
0x1fc: {  	_ =	swait.ge [sflag:s26], $0x1F40  }
0x1fd: {  	[sflag:s26] =	ssyncset.done $0x0  }
0x1fe: {  	p2 =	por @!p0 p3, p3;
	s3 =	simm.s32 $0x380;
	[sflag:s26] =	ssyncadd.s32 $0xFFFFE0C0  }
0x1ff: {  	[tilespmem:s13], [sflag:$0x2] =	stream.indirect.gather [spmem:s20], $0x40, s3, s11, $0xb8;
	[tilespmem:$0x1CC00] =	vst v63  }
0x200: {  	s3 =	simm.s32 @p2 $0x5;
	_ =	swait.ge [sflag:s14], $0x1F40  }
0x201: {  	[sflag:s14] =	ssyncset.done $0x0  }
0x202: {  	s10 =	simm.s32 $0xB80;
	[sflag:s14] =	ssyncadd.s32 $0xFFFFE0C0  }
0x203: {  	[spmem:s15] =	stream.indirect.scatter.add.f32 [tilespmem:s13], [sflag:$0x4], $0x40, s10, s11, $0xb8;
	[tilespmem:$0x1CC00] =	vst v63  }
0x204: {  	_ =	swait.ge @p2 [sflag:s3], $0x3E8  }
0x205: {  	[sflag:s3] =	ssyncset.done @p2 $0x0  }
0x206: {  	[sflag:s3] =	ssyncadd.s32 @p2 $0xFFFFFC18  }
0x207: {  	_ =	swait.ge @p2 [sflag:s3], $0x3E8  }
0x208: {  	[sflag:s3] =	ssyncset.done @p2 $0x0  }
0x209: {  	[sflag:s3] =	ssyncadd.s32 @p2 $0xFFFFFC18  }
0x20a: {  	_ =	swait.ge @p2 [sflag:s3], $0x3E8  }
0x20b: {  	[sflag:s3] =	ssyncset.done @p2 $0x0  }
0x20c: {  	[sflag:s3] =	ssyncadd.s32 @p2 $0xFFFFFC18  }
0x20d: {  	_ =	swait.ge @p2 [sflag:s3], $0x3E8  }
0x20e: {  	[sflag:s3] =	ssyncset.done @p2 $0x0  }
0x20f: {  	[sflag:s3] =	ssyncadd.s32 @p2 $0xFFFFFC18  }
0x210: {  	_ =	swait.ge @p2 [sflag:s3], $0x3E8  }
0x211: {  	[sflag:s3] =	ssyncset.done @p2 $0x0  }
0x212: {  	[sflag:s3] =	ssyncadd.s32 @p2 $0xFFFFFC18  }
0x213: {  	_ =	swait.ge @p2 [sflag:s3], $0x3E8  }
0x214: {  	[sflag:s3] =	ssyncset.done @p2 $0x0  }
0x215: {  	s8 =	sadd.s32 $0x80, s8;
	[sflag:s3] =	ssyncadd.s32 @p2 $0xFFFFFC18  }
0x216: {  	_ =	swait.ge @p2 [sflag:s3], $0x3E8  }
0x217: {  	[sflag:s3] =	ssyncset.done @p2 $0x0  }
0x218: {  	[sflag:s3] =	ssyncadd.s32 @p2 $0xFFFFFC18  }
0x219: {  	_ =	swait.ge @p2 [sflag:s3], $0x3E8  }
0x21a: {  	[sflag:s3] =	ssyncset.done @p2 $0x0  }
0x21b: {  	p3 =	sgt.u32 s28, $0x27;
	[sflag:s3] =	ssyncadd.s32 @p2 $0xFFFFFC18;
	s3 =	simm.s32 $0x1  }
0x21c: {  	[tilespmem:s4], [sflag:$0x6] =	stream.linear.gather [hbm4b:s8+s1], $0x400, $0x38;
	[tilespmem:$0x1CC00] =	vst v63  }
0x21d: {  	p2 =	por !p3, !p3;
	s3 =	simm.s32 @!p3 $0x0;
	_ =	swait.ge [sflag:s0], $0x400  }
0x21e: {  	p4 =	seq.s32 s12, s3;
	[sflag:s0] =	ssyncset.done $0x0  }
0x21f: {  	s3 =	sadd.s32 $0x80, s9;
	[sflag:s0] =	ssyncadd.s32 $0xFFFFFC00  }
0x220: {  	[tilespmem:s5], [sflag:$0x6] =	stream.linear.gather [hbm4b:s3+s1], $0x400, $0x38;
	[tilespmem:$0x1CC00] =	vst v63  }
0x221: {  	s8 =	simm.s32 @!p4 $0xC80;
	s3 =	simm.s32 @!p4 $0x7000;
	_ =	swait.ge [sflag:s0], $0x400  }
0x222: {  	[sflag:s0] =	ssyncset.done $0x0  }
0x223: {  	s9 =	simm.s32 @!p4 $0x7D;
	s10 =	simm.s32 @!p4 $0xC00;
	[sflag:s0] =	ssyncadd.s32 $0xFFFFFC00  }
0x224: {  	[spmem:s18] =	stream.indirect.scatter.add.f32 @!p4 [tilespmem:s3], [sflag:$0x5], $0x8, s10, s9, $0xb8;
	[tilespmem:$0x1CC00] =	vst v63  }
0x225: {  	_ = 	snop  }
0x226: {  	[spmem:s18] =	stream.indirect.scatter.add.f32 @!p4 [tilespmem:s3], [sflag:$0x5], $0x8, s8, s9, $0xb8;
	[tilespmem:$0x1CC00] =	vst v63  }
0x227: {  	s8 =	simm.s32 @!p4 $0xD00  }
0x228: {  	[spmem:s18] =	stream.indirect.scatter.add.f32 @!p4 [tilespmem:s3], [sflag:$0x5], $0x8, s8, s9, $0xb8;
	[tilespmem:$0x1CC00] =	vst v63  }
0x229: {  	s8 =	simm.s32 @!p4 $0xD80  }
0x22a: {  	[spmem:s18] =	stream.indirect.scatter.add.f32 @!p4 [tilespmem:s3], [sflag:$0x5], $0x8, s8, s9, $0xb8;
	[tilespmem:$0x1CC00] =	vst v63  }
0x22b: {  	s8 =	simm.s32 @!p4 $0xE00  }
0x22c: {  	[spmem:s18] =	stream.indirect.scatter.add.f32 @!p4 [tilespmem:s3], [sflag:$0x5], $0x8, s8, s9, $0xb8;
	[tilespmem:$0x1CC00] =	vst v63  }
0x22d: {  	s8 =	simm.s32 @!p4 $0xE80  }
0x22e: {  	[spmem:s18] =	stream.indirect.scatter.add.f32 @!p4 [tilespmem:s3], [sflag:$0x5], $0x8, s8, s9, $0xb8;
	[tilespmem:$0x1CC00] =	vst v63  }
0x22f: {  	s8 =	simm.s32 @!p4 $0xF00  }
0x230: {  	[spmem:s18] =	stream.indirect.scatter.add.f32 @!p4 [tilespmem:s3], [sflag:$0x5], $0x8, s8, s9, $0xb8;
	[tilespmem:$0x1CC00] =	vst v63  }
0x231: {  	s8 =	simm.s32 @!p4 $0xF80  }
0x232: {  	[spmem:s18] =	stream.indirect.scatter.add.f32 @!p4 [tilespmem:s3], [sflag:$0x5], $0x8, s8, s9, $0xb8;
	[tilespmem:$0x1CC00] =	vst v63  }
0x233: {  	_ =	swait.ge [sflag:s29], $0x1F40  }
0x234: {  	[sflag:s29] =	ssyncset.done $0x0  }
0x235: {  	[sflag:s29] =	ssyncadd.s32 $0xFFFFE0C0  }
0x236: {  	[tilespmem:s31], [sflag:$0x1] =	stream.indirect.gather [spmem:s20], $0x40, s4, s11, $0xb8;
	[tilespmem:$0x1CC00] =	vst v63  }
0x237: {  	_ =	swait.ge [sflag:s6], $0x1F40  }
0x238: {  	[sflag:s6] =	ssyncset.done $0x0  }
0x239: {  	[sflag:s6] =	ssyncadd.s32 $0xFFFFE0C0  }
0x23a: {  	[spmem:s15] =	stream.indirect.scatter.add.f32 [tilespmem:s31], [sflag:$0x3], $0x40, s5, s11, $0xb8;
	[tilespmem:$0x1CC00] =	vst v63  }
0x23b: {  	_ =	swait.ge [sflag:s26], $0x1F40  }
0x23c: {  	[sflag:s26] =	ssyncset.done $0x0  }
0x23d: {  	s3 =	simm.s32 $0x480;
	[sflag:s26] =	ssyncadd.s32 $0xFFFFE0C0  }
0x23e: {  	[tilespmem:s13], [sflag:$0x2] =	stream.indirect.gather [spmem:s20], $0x40, s3, s11, $0xb8;
	[tilespmem:$0x1CC00] =	vst v63  }
0x23f: {  	_ =	swait.ge [sflag:s14], $0x1F40  }
0x240: {  	[sflag:s14] =	ssyncset.done $0x0  }
0x241: {  	s3 =	simm.s32 $0xC80;
	[sflag:s14] =	ssyncadd.s32 $0xFFFFE0C0  }
0x242: {  	[spmem:s15] =	stream.indirect.scatter.add.f32 [tilespmem:s13], [sflag:$0x4], $0x40, s3, s11, $0xb8;
	[tilespmem:$0x1CC00] =	vst v63  }
0x243: {  	_ =	swait.ge [sflag:s29], $0x1F40  }
0x244: {  	[sflag:s29] =	ssyncset.done $0x0  }
0x245: {  	s3 =	simm.s32 $0x500;
	[sflag:s29] =	ssyncadd.s32 $0xFFFFE0C0  }
0x246: {  	[tilespmem:s31], [sflag:$0x1] =	stream.indirect.gather [spmem:s20], $0x40, s3, s11, $0xb8;
	[tilespmem:$0x1CC00] =	vst v63  }
0x247: {  	_ =	swait.ge [sflag:s6], $0x1F40  }
0x248: {  	[sflag:s6] =	ssyncset.done $0x0  }
0x249: {  	s3 =	simm.s32 $0xD00;
	[sflag:s6] =	ssyncadd.s32 $0xFFFFE0C0  }
0x24a: {  	[spmem:s15] =	stream.indirect.scatter.add.f32 [tilespmem:s31], [sflag:$0x3], $0x40, s3, s11, $0xb8;
	[tilespmem:$0x1CC00] =	vst v63  }
0x24b: {  	_ =	swait.ge [sflag:s26], $0x1F40  }
0x24c: {  	[sflag:s26] =	ssyncset.done $0x0  }
0x24d: {  	s3 =	simm.s32 $0x580;
	[sflag:s26] =	ssyncadd.s32 $0xFFFFE0C0  }
0x24e: {  	[tilespmem:s13], [sflag:$0x2] =	stream.indirect.gather [spmem:s20], $0x40, s3, s11, $0xb8;
	[tilespmem:$0x1CC00] =	vst v63  }
0x24f: {  	_ =	swait.ge [sflag:s14], $0x1F40  }
0x250: {  	[sflag:s14] =	ssyncset.done $0x0  }
0x251: {  	s3 =	simm.s32 $0xD80;
	[sflag:s14] =	ssyncadd.s32 $0xFFFFE0C0  }
0x252: {  	[spmem:s15] =	stream.indirect.scatter.add.f32 [tilespmem:s13], [sflag:$0x4], $0x40, s3, s11, $0xb8;
	[tilespmem:$0x1CC00] =	vst v63  }
0x253: {  	_ =	swait.ge [sflag:s29], $0x1F40  }
0x254: {  	[sflag:s29] =	ssyncset.done $0x0  }
0x255: {  	s3 =	simm.s32 $0x600;
	[sflag:s29] =	ssyncadd.s32 $0xFFFFE0C0  }
0x256: {  	[tilespmem:s31], [sflag:$0x1] =	stream.indirect.gather [spmem:s20], $0x40, s3, s11, $0xb8;
	[tilespmem:$0x1CC00] =	vst v63  }
0x257: {  	_ =	swait.ge [sflag:s6], $0x1F40  }
0x258: {  	[sflag:s6] =	ssyncset.done $0x0  }
0x259: {  	s3 =	simm.s32 $0xE00;
	[sflag:s6] =	ssyncadd.s32 $0xFFFFE0C0  }
0x25a: {  	[spmem:s15] =	stream.indirect.scatter.add.f32 [tilespmem:s31], [sflag:$0x3], $0x40, s3, s11, $0xb8;
	[tilespmem:$0x1CC00] =	vst v63  }
0x25b: {  	_ =	swait.ge [sflag:s26], $0x1F40  }
0x25c: {  	[sflag:s26] =	ssyncset.done $0x0  }
0x25d: {  	s3 =	simm.s32 $0x680;
	[sflag:s26] =	ssyncadd.s32 $0xFFFFE0C0  }
0x25e: {  	[tilespmem:s13], [sflag:$0x2] =	stream.indirect.gather [spmem:s20], $0x40, s3, s11, $0xb8;
	[tilespmem:$0x1CC00] =	vst v63  }
0x25f: {  	_ =	swait.ge [sflag:s14], $0x1F40  }
0x260: {  	[sflag:s14] =	ssyncset.done $0x0  }
0x261: {  	s3 =	simm.s32 $0xE80;
	[sflag:s14] =	ssyncadd.s32 $0xFFFFE0C0  }
0x262: {  	[spmem:s15] =	stream.indirect.scatter.add.f32 [tilespmem:s13], [sflag:$0x4], $0x40, s3, s11, $0xb8;
	[tilespmem:$0x1CC00] =	vst v63  }
0x263: {  	_ =	swait.ge [sflag:s29], $0x1F40  }
0x264: {  	[sflag:s29] =	ssyncset.done $0x0  }
0x265: {  	s3 =	simm.s32 $0x700;
	[sflag:s29] =	ssyncadd.s32 $0xFFFFE0C0  }
0x266: {  	[tilespmem:s31], [sflag:$0x1] =	stream.indirect.gather [spmem:s20], $0x40, s3, s11, $0xb8;
	[tilespmem:$0x1CC00] =	vst v63  }
0x267: {  	_ =	swait.ge [sflag:s6], $0x1F40  }
0x268: {  	[sflag:s6] =	ssyncset.done $0x0  }
0x269: {  	s3 =	simm.s32 $0xF00;
	[sflag:s6] =	ssyncadd.s32 $0xFFFFE0C0  }
0x26a: {  	[spmem:s15] =	stream.indirect.scatter.add.f32 [tilespmem:s31], [sflag:$0x3], $0x40, s3, s11, $0xb8;
	[tilespmem:$0x1CC00] =	vst v63  }
0x26b: {  	_ =	swait.ge [sflag:s26], $0x1F40  }
0x26c: {  	[sflag:s26] =	ssyncset.done $0x0  }
0x26d: {  	p2 =	por @!p0 p3, p3;
	s3 =	simm.s32 $0x780;
	[sflag:s26] =	ssyncadd.s32 $0xFFFFE0C0  }
0x26e: {  	[tilespmem:s13], [sflag:$0x2] =	stream.indirect.gather [spmem:s20], $0x40, s3, s11, $0xb8;
	[tilespmem:$0x1CC00] =	vst v63  }
0x26f: {  	s9 =	simm.s32 @p2 $0x5;
	_ =	swait.ge [sflag:s14], $0x1F40  }
0x270: {  	[sflag:s14] =	ssyncset.done $0x0  }
0x271: {  	s3 =	simm.s32 $0xF80;
	[sflag:s14] =	ssyncadd.s32 $0xFFFFE0C0  }
0x272: {  	[spmem:s15] =	stream.indirect.scatter.add.f32 [tilespmem:s13], [sflag:$0x4], $0x40, s3, s11, $0xb8;
	[tilespmem:$0x1CC00] =	vst v63  }
0x273: {  	_ =	swait.ge @p2 [sflag:s9], $0x3E8  }
0x274: {  	[sflag:s9] =	ssyncset.done @p2 $0x0  }
0x275: {  	[sflag:s9] =	ssyncadd.s32 @p2 $0xFFFFFC18  }
0x276: {  	_ =	swait.ge @p2 [sflag:s9], $0x3E8  }
0x277: {  	[sflag:s9] =	ssyncset.done @p2 $0x0  }
0x278: {  	[sflag:s9] =	ssyncadd.s32 @p2 $0xFFFFFC18  }
0x279: {  	_ =	swait.ge @p2 [sflag:s9], $0x3E8  }
0x27a: {  	[sflag:s9] =	ssyncset.done @p2 $0x0  }
0x27b: {  	[sflag:s9] =	ssyncadd.s32 @p2 $0xFFFFFC18  }
0x27c: {  	_ =	swait.ge @p2 [sflag:s9], $0x3E8  }
0x27d: {  	[sflag:s9] =	ssyncset.done @p2 $0x0  }
0x27e: {  	[sflag:s9] =	ssyncadd.s32 @p2 $0xFFFFFC18  }
.Ltmp1:
0x27f: {  	_ =	swait.ge @p2 [sflag:s9], $0x3E8;
	(pc) =	sbr.rel @p1 .LBB2_4-.Ltmp1, $4  }
0x280: {  	[sflag:s9] =	ssyncset.done @p2 $0x0  }
0x281: {  	[sflag:s9] =	ssyncadd.s32 @p2 $0xFFFFFC18  }
0x282: {  	_ =	swait.ge @p2 [sflag:s9], $0x3E8  }
0x283: {  	s23 =	sadd.s32 $0x1, s23;
	s28 =	sadd.s32 $0x10, s28;
	[sflag:s9] =	ssyncset.done @p2 $0x0  }
0x284: {  	[sflag:s9] =	ssyncadd.s32 @p2 $0xFFFFFC18  }
0x285: {  	_ =	swait.ge @p2 [sflag:s9], $0x3E8  }
0x286: {  	[sflag:s9] =	ssyncset.done @p2 $0x0  }
0x287: {  	[sflag:s9] =	ssyncadd.s32 @p2 $0xFFFFFC18  }
0x288: {  	_ =	swait.ge @p2 [sflag:s9], $0x3E8  }
0x289: {  	[sflag:s9] =	ssyncset.done @p2 $0x0  }
0x28a: {  	s7 =	sadd.s32 s30, s24;
	[sflag:s9] =	ssyncadd.s32 @p2 $0xFFFFFC18  }
0x28b: {  	[tilespmem:s1], [sflag:$0x6] =	stream.linear.gather [hbm4b:s7+s1], $0x400, $0x38;
	[tilespmem:$0x1CC00] =	vst v63  }
0x28c: {  	_ =	swait.ge [sflag:s0], $0x400  }
0x28d: {  	p1 =	sgt.u32 s23, $0x2;
	s3 =	simm.s32 $0x1;
	[sflag:s0] =	ssyncset.done $0x0  }
0x28e: {  	s8 =	sadd.s32 s30, s22;
	s3 =	simm.s32 @!p1 $0x0;
	[sflag:s0] =	ssyncadd.s32 $0xFFFFFC00  }
0x28f: {  	[tilespmem:s2], [sflag:$0x6] =	stream.linear.gather [hbm4b:s8+s1], $0x400, $0x38;
	[tilespmem:$0x1CC00] =	vst v63  }
0x290: {  	p3 =	seq.s32 s12, s3;
	_ =	swait.ge [sflag:s0], $0x400  }
0x291: {  	s3 =	simm.s32 @!p3 $0x7000;
	[sflag:s0] =	ssyncset.done $0x0  }
0x292: {  	s10 =	simm.s32 @!p3 $0x800;
	s9 =	simm.s32 @!p3 $0x7D;
	[sflag:s0] =	ssyncadd.s32 $0xFFFFFC00  }
0x293: {  	[spmem:s18] =	stream.indirect.scatter.add.f32 @!p3 [tilespmem:s3], [sflag:$0x5], $0x8, s10, s9, $0xb8;
	[tilespmem:$0x1CC00] =	vst v63  }
0x294: {  	s10 =	simm.s32 @!p3 $0x880  }
0x295: {  	[spmem:s18] =	stream.indirect.scatter.add.f32 @!p3 [tilespmem:s3], [sflag:$0x5], $0x8, s10, s9, $0xb8;
	[tilespmem:$0x1CC00] =	vst v63  }
0x296: {  	s10 =	simm.s32 @!p3 $0x900  }
0x297: {  	[spmem:s18] =	stream.indirect.scatter.add.f32 @!p3 [tilespmem:s3], [sflag:$0x5], $0x8, s10, s9, $0xb8;
	[tilespmem:$0x1CC00] =	vst v63  }
0x298: {  	s10 =	simm.s32 @!p3 $0x980  }
0x299: {  	[spmem:s18] =	stream.indirect.scatter.add.f32 @!p3 [tilespmem:s3], [sflag:$0x5], $0x8, s10, s9, $0xb8;
	[tilespmem:$0x1CC00] =	vst v63  }
0x29a: {  	s10 =	simm.s32 @!p3 $0xA00  }
0x29b: {  	[spmem:s18] =	stream.indirect.scatter.add.f32 @!p3 [tilespmem:s3], [sflag:$0x5], $0x8, s10, s9, $0xb8;
	[tilespmem:$0x1CC00] =	vst v63  }
0x29c: {  	s10 =	simm.s32 @!p3 $0xA80  }
0x29d: {  	[spmem:s18] =	stream.indirect.scatter.add.f32 @!p3 [tilespmem:s3], [sflag:$0x5], $0x8, s10, s9, $0xb8;
	[tilespmem:$0x1CC00] =	vst v63  }
0x29e: {  	s10 =	simm.s32 @!p3 $0xB00  }
0x29f: {  	[spmem:s18] =	stream.indirect.scatter.add.f32 @!p3 [tilespmem:s3], [sflag:$0x5], $0x8, s10, s9, $0xb8;
	[tilespmem:$0x1CC00] =	vst v63  }
0x2a0: {  	p2 =	seq.s32 s30, $0x0;
	s10 =	simm.s32 @!p3 $0xB80  }
0x2a1: {  	[spmem:s18] =	stream.indirect.scatter.add.f32 @!p3 [tilespmem:s3], [sflag:$0x5], $0x8, s10, s9, $0xb8;
	[tilespmem:$0x1CC00] =	vst v63  }
0x2a2: {  	s3 =	simm.s32 @p2 $0x0;
	s9 =	simm.s32 @p2 $0x7D;
	s10 =	simm.s32 @p2 $0x1000  }
0x2a3: {  	[tilespmem:s10], [sflag:$0x1] =	stream.indirect.gather @p2 [spmem:s20], $0x40, s3, s9, $0xb8;
	[tilespmem:$0x1CC00] =	vst v63  }
0x2a4: {  	s3 =	simm.s32 @p2 $0x1  }
0x2a5: {  	_ =	swait.ge @p2 [sflag:s3], $0x1F40  }
0x2a6: {  	[sflag:s3] =	ssyncset.done @p2 $0x0  }
0x2a7: {  	[sflag:s3] =	ssyncadd.s32 @p2 $0xFFFFE0C0;
	s3 =	simm.s32 @p2 $0x800  }
0x2a8: {  	[spmem:s15] =	stream.indirect.scatter.add.f32 @p2 [tilespmem:s10], [sflag:$0x3], $0x40, s3, s9, $0xb8;
	[tilespmem:$0x1CC00] =	vst v63  }
0x2a9: {  	s3 =	simm.s32 @!p2 $0x3  }
0x2aa: {  	_ =	swait.ge @!p2 [sflag:s3], $0x1F40  }
0x2ab: {  	s9 =	simm.s32 @!p2 $0x1000;
	[sflag:s3] =	ssyncset.done @!p2 $0x0  }
0x2ac: {  	s10 =	simm.s32 @!p2 $0x7D;
	[sflag:s3] =	ssyncadd.s32 @!p2 $0xFFFFE0C0;
	s3 =	simm.s32 @!p2 $0x0  }
0x2ad: {  	[tilespmem:s9], [sflag:$0x1] =	stream.indirect.gather @!p2 [spmem:s20], $0x40, s3, s10, $0xb8;
	[tilespmem:$0x1CC00] =	vst v63  }
0x2ae: {  	s3 =	simm.s32 @!p2 $0x1  }
0x2af: {  	_ =	swait.ge @!p2 [sflag:s3], $0x1F40  }
0x2b0: {  	[sflag:s3] =	ssyncset.done @!p2 $0x0  }
0x2b1: {  	[sflag:s3] =	ssyncadd.s32 @!p2 $0xFFFFE0C0;
	s3 =	simm.s32 @!p2 $0x800  }
0x2b2: {  	[spmem:s15] =	stream.indirect.scatter.add.f32 @!p2 [tilespmem:s9], [sflag:$0x3], $0x40, s3, s10, $0xb8;
	[tilespmem:$0x1CC00] =	vst v63  }
0x2b3: {  	s3 =	simm.s32 @!p2 $0x4  }
0x2b4: {  	_ =	swait.ge @!p2 [sflag:s3], $0x1F40  }
0x2b5: {  	[sflag:s3] =	ssyncset.done @!p2 $0x0  }
0x2b6: {  	[sflag:s3] =	ssyncadd.s32 @!p2 $0xFFFFE0C0  }
0x2b7: {  	[tilespmem:s13], [sflag:$0x2] =	stream.indirect.gather [spmem:s20], $0x40, s17, s11, $0xb8;
	[tilespmem:$0x1CC00] =	vst v63  }
0x2b8: {  	_ =	swait.ge [sflag:s14], $0x1F40  }
0x2b9: {  	[sflag:s14] =	ssyncset.done $0x0  }
0x2ba: {  	s30 =	simm.s32 $0x880;
	[sflag:s14] =	ssyncadd.s32 $0xFFFFE0C0  }
0x2bb: {  	[spmem:s15] =	stream.indirect.scatter.add.f32 [tilespmem:s13], [sflag:$0x4], $0x40, s30, s11, $0xb8;
	[tilespmem:$0x1CC00] =	vst v63  }
0x2bc: {  	_ =	swait.ge [sflag:s29], $0x1F40  }
0x2bd: {  	[sflag:s29] =	ssyncset.done $0x0  }
0x2be: {  	s3 =	simm.s32 $0x100;
	[sflag:s29] =	ssyncadd.s32 $0xFFFFE0C0  }
0x2bf: {  	[tilespmem:s31], [sflag:$0x1] =	stream.indirect.gather [spmem:s20], $0x40, s3, s11, $0xb8;
	[tilespmem:$0x1CC00] =	vst v63  }
0x2c0: {  	_ =	swait.ge [sflag:s6], $0x1F40  }
0x2c1: {  	[sflag:s6] =	ssyncset.done $0x0  }
0x2c2: {  	[sflag:s6] =	ssyncadd.s32 $0xFFFFE0C0  }
0x2c3: {  	[spmem:s15] =	stream.indirect.scatter.add.f32 [tilespmem:s31], [sflag:$0x3], $0x40, s16, s11, $0xb8;
	[tilespmem:$0x1CC00] =	vst v63  }
0x2c4: {  	_ =	swait.ge [sflag:s26], $0x1F40  }
0x2c5: {  	[sflag:s26] =	ssyncset.done $0x0  }
0x2c6: {  	[sflag:s26] =	ssyncadd.s32 $0xFFFFE0C0  }
0x2c7: {  	[tilespmem:s13], [sflag:$0x2] =	stream.indirect.gather [spmem:s20], $0x40, s19, s11, $0xb8;
	[tilespmem:$0x1CC00] =	vst v63  }
0x2c8: {  	_ =	swait.ge [sflag:s14], $0x1F40  }
0x2c9: {  	[sflag:s14] =	ssyncset.done $0x0  }
0x2ca: {  	[sflag:s14] =	ssyncadd.s32 $0xFFFFE0C0  }
0x2cb: {  	[spmem:s15] =	stream.indirect.scatter.add.f32 [tilespmem:s13], [sflag:$0x4], $0x40, s21, s11, $0xb8;
	[tilespmem:$0x1CC00] =	vst v63  }
0x2cc: {  	_ =	swait.ge [sflag:s29], $0x1F40  }
0x2cd: {  	[sflag:s29] =	ssyncset.done $0x0  }
0x2ce: {  	s9 =	simm.s32 $0x200;
	[sflag:s29] =	ssyncadd.s32 $0xFFFFE0C0  }
0x2cf: {  	[tilespmem:s31], [sflag:$0x1] =	stream.indirect.gather [spmem:s20], $0x40, s9, s11, $0xb8;
	[tilespmem:$0x1CC00] =	vst v63  }
0x2d0: {  	_ =	swait.ge [sflag:s6], $0x1F40  }
0x2d1: {  	[sflag:s6] =	ssyncset.done $0x0  }
0x2d2: {  	s10 =	simm.s32 $0xA00;
	[sflag:s6] =	ssyncadd.s32 $0xFFFFE0C0  }
0x2d3: {  	[spmem:s15] =	stream.indirect.scatter.add.f32 [tilespmem:s31], [sflag:$0x3], $0x40, s10, s11, $0xb8;
	[tilespmem:$0x1CC00] =	vst v63  }
0x2d4: {  	_ =	swait.ge [sflag:s26], $0x1F40  }
0x2d5: {  	[sflag:s26] =	ssyncset.done $0x0  }
0x2d6: {  	s16 =	simm.s32 $0x280;
	[sflag:s26] =	ssyncadd.s32 $0xFFFFE0C0  }
0x2d7: {  	[tilespmem:s13], [sflag:$0x2] =	stream.indirect.gather [spmem:s20], $0x40, s16, s11, $0xb8;
	[tilespmem:$0x1CC00] =	vst v63  }
0x2d8: {  	_ =	swait.ge [sflag:s14], $0x1F40  }
0x2d9: {  	[sflag:s14] =	ssyncset.done $0x0  }
0x2da: {  	s17 =	simm.s32 $0xA80;
	[sflag:s14] =	ssyncadd.s32 $0xFFFFE0C0  }
0x2db: {  	[spmem:s15] =	stream.indirect.scatter.add.f32 [tilespmem:s13], [sflag:$0x4], $0x40, s17, s11, $0xb8;
	[tilespmem:$0x1CC00] =	vst v63  }
0x2dc: {  	_ =	swait.ge [sflag:s29], $0x1F40  }
0x2dd: {  	[sflag:s29] =	ssyncset.done $0x0  }
0x2de: {  	s19 =	simm.s32 $0x300;
	[sflag:s29] =	ssyncadd.s32 $0xFFFFE0C0  }
0x2df: {  	[tilespmem:s31], [sflag:$0x1] =	stream.indirect.gather [spmem:s20], $0x40, s19, s11, $0xb8;
	[tilespmem:$0x1CC00] =	vst v63  }
0x2e0: {  	_ =	swait.ge [sflag:s6], $0x1F40  }
0x2e1: {  	[sflag:s6] =	ssyncset.done $0x0  }
0x2e2: {  	s21 =	simm.s32 $0xB00;
	[sflag:s6] =	ssyncadd.s32 $0xFFFFE0C0  }
0x2e3: {  	[spmem:s15] =	stream.indirect.scatter.add.f32 [tilespmem:s31], [sflag:$0x3], $0x40, s21, s11, $0xb8;
	[tilespmem:$0x1CC00] =	vst v63  }
0x2e4: {  	_ =	swait.ge [sflag:s26], $0x1F40  }
0x2e5: {  	[sflag:s26] =	ssyncset.done $0x0  }
0x2e6: {  	s23 =	simm.s32 $0x380;
	[sflag:s26] =	ssyncadd.s32 $0xFFFFE0C0  }
0x2e7: {  	[tilespmem:s13], [sflag:$0x2] =	stream.indirect.gather [spmem:s20], $0x40, s23, s11, $0xb8;
	[tilespmem:$0x1CC00] =	vst v63  }
0x2e8: {  	p2 =	por !p1, !p1;
	_ =	swait.ge [sflag:s14], $0x1F40  }
0x2e9: {  	p2 =	por @!p0 p1, p1;
	[sflag:s14] =	ssyncset.done $0x0  }
0x2ea: {  	s30 =	simm.s32 $0xB80;
	s3 =	simm.s32 @p2 $0x5;
	[sflag:s14] =	ssyncadd.s32 $0xFFFFE0C0  }
0x2eb: {  	[spmem:s15] =	stream.indirect.scatter.add.f32 [tilespmem:s13], [sflag:$0x4], $0x40, s30, s11, $0xb8;
	[tilespmem:$0x1CC00] =	vst v63  }
0x2ec: {  	_ =	swait.ge @p2 [sflag:s3], $0x3E8  }
0x2ed: {  	[sflag:s3] =	ssyncset.done @p2 $0x0  }
0x2ee: {  	[sflag:s3] =	ssyncadd.s32 @p2 $0xFFFFFC18  }
0x2ef: {  	_ =	swait.ge @p2 [sflag:s3], $0x3E8  }
0x2f0: {  	[sflag:s3] =	ssyncset.done @p2 $0x0  }
0x2f1: {  	[sflag:s3] =	ssyncadd.s32 @p2 $0xFFFFFC18  }
0x2f2: {  	_ =	swait.ge @p2 [sflag:s3], $0x3E8  }
0x2f3: {  	[sflag:s3] =	ssyncset.done @p2 $0x0  }
0x2f4: {  	[sflag:s3] =	ssyncadd.s32 @p2 $0xFFFFFC18  }
0x2f5: {  	_ =	swait.ge @p2 [sflag:s3], $0x3E8  }
0x2f6: {  	[sflag:s3] =	ssyncset.done @p2 $0x0  }
0x2f7: {  	[sflag:s3] =	ssyncadd.s32 @p2 $0xFFFFFC18  }
0x2f8: {  	_ =	swait.ge @p2 [sflag:s3], $0x3E8  }
0x2f9: {  	[sflag:s3] =	ssyncset.done @p2 $0x0  }
0x2fa: {  	[sflag:s3] =	ssyncadd.s32 @p2 $0xFFFFFC18  }
0x2fb: {  	_ =	swait.ge @p2 [sflag:s3], $0x3E8  }
0x2fc: {  	[sflag:s3] =	ssyncset.done @p2 $0x0  }
0x2fd: {  	[sflag:s3] =	ssyncadd.s32 @p2 $0xFFFFFC18  }
0x2fe: {  	_ =	swait.ge @p2 [sflag:s3], $0x3E8  }
0x2ff: {  	[sflag:s3] =	ssyncset.done @p2 $0x0  }
0x300: {  	[sflag:s3] =	ssyncadd.s32 @p2 $0xFFFFFC18  }
0x301: {  	_ =	swait.ge @p2 [sflag:s3], $0x3E8  }
0x302: {  	[sflag:s3] =	ssyncset.done @p2 $0x0  }
0x303: {  	s7 =	sadd.s32 $0x80, s7;
	[sflag:s3] =	ssyncadd.s32 @p2 $0xFFFFFC18  }
0x304: {  	[tilespmem:s4], [sflag:$0x6] =	stream.linear.gather [hbm4b:s7+s1], $0x400, $0x38;
	[tilespmem:$0x1CC00] =	vst v63  }
0x305: {  	_ =	swait.ge [sflag:s0], $0x400  }
0x306: {  	p1 =	sgt.u32 s28, $0x27;
	s3 =	simm.s32 $0x1;
	[sflag:s0] =	ssyncset.done $0x0  }
0x307: {  	s9 =	sadd.s32 $0x80, s8;
	s3 =	simm.s32 @!p1 $0x0;
	[sflag:s0] =	ssyncadd.s32 $0xFFFFFC00  }
0x308: {  	[tilespmem:s5], [sflag:$0x6] =	stream.linear.gather [hbm4b:s9+s1], $0x400, $0x38;
	[tilespmem:$0x1CC00] =	vst v63  }
0x309: {  	p2 =	seq.s32 s12, s3;
	_ =	swait.ge [sflag:s0], $0x400  }
0x30a: {  	s3 =	simm.s32 @!p2 $0x7000;
	[sflag:s0] =	ssyncset.done $0x0  }
0x30b: {  	s7 =	simm.s32 @!p2 $0x7D;
	s8 =	simm.s32 @!p2 $0xC00;
	[sflag:s0] =	ssyncadd.s32 $0xFFFFFC00  }
0x30c: {  	[spmem:s18] =	stream.indirect.scatter.add.f32 @!p2 [tilespmem:s3], [sflag:$0x5], $0x8, s8, s7, $0xb8;
	[tilespmem:$0x1CC00] =	vst v63  }
0x30d: {  	s8 =	simm.s32 @!p2 $0xC80  }
0x30e: {  	[spmem:s18] =	stream.indirect.scatter.add.f32 @!p2 [tilespmem:s3], [sflag:$0x5], $0x8, s8, s7, $0xb8;
	[tilespmem:$0x1CC00] =	vst v63  }
0x30f: {  	s8 =	simm.s32 @!p2 $0xD00  }
0x310: {  	[spmem:s18] =	stream.indirect.scatter.add.f32 @!p2 [tilespmem:s3], [sflag:$0x5], $0x8, s8, s7, $0xb8;
	[tilespmem:$0x1CC00] =	vst v63  }
0x311: {  	s8 =	simm.s32 @!p2 $0xD80  }
0x312: {  	[spmem:s18] =	stream.indirect.scatter.add.f32 @!p2 [tilespmem:s3], [sflag:$0x5], $0x8, s8, s7, $0xb8;
	[tilespmem:$0x1CC00] =	vst v63  }
0x313: {  	s8 =	simm.s32 @!p2 $0xE00  }
0x314: {  	[spmem:s18] =	stream.indirect.scatter.add.f32 @!p2 [tilespmem:s3], [sflag:$0x5], $0x8, s8, s7, $0xb8;
	[tilespmem:$0x1CC00] =	vst v63  }
0x315: {  	s8 =	simm.s32 @!p2 $0xE80  }
0x316: {  	[spmem:s18] =	stream.indirect.scatter.add.f32 @!p2 [tilespmem:s3], [sflag:$0x5], $0x8, s8, s7, $0xb8;
	[tilespmem:$0x1CC00] =	vst v63  }
0x317: {  	s8 =	simm.s32 @!p2 $0xF00  }
0x318: {  	[spmem:s18] =	stream.indirect.scatter.add.f32 @!p2 [tilespmem:s3], [sflag:$0x5], $0x8, s8, s7, $0xb8;
	[tilespmem:$0x1CC00] =	vst v63  }
0x319: {  	s8 =	simm.s32 @!p2 $0xF80  }
0x31a: {  	[spmem:s18] =	stream.indirect.scatter.add.f32 @!p2 [tilespmem:s3], [sflag:$0x5], $0x8, s8, s7, $0xb8;
	[tilespmem:$0x1CC00] =	vst v63  }
0x31b: {  	_ =	swait.ge [sflag:s29], $0x1F40  }
0x31c: {  	[sflag:s29] =	ssyncset.done $0x0  }
0x31d: {  	[sflag:s29] =	ssyncadd.s32 $0xFFFFE0C0  }
0x31e: {  	[tilespmem:s31], [sflag:$0x1] =	stream.indirect.gather [spmem:s20], $0x40, s4, s11, $0xb8;
	[tilespmem:$0x1CC00] =	vst v63  }
0x31f: {  	_ =	swait.ge [sflag:s6], $0x1F40  }
0x320: {  	[sflag:s6] =	ssyncset.done $0x0  }
0x321: {  	[sflag:s6] =	ssyncadd.s32 $0xFFFFE0C0  }
0x322: {  	[spmem:s15] =	stream.indirect.scatter.add.f32 [tilespmem:s31], [sflag:$0x3], $0x40, s5, s11, $0xb8;
	[tilespmem:$0x1CC00] =	vst v63  }
0x323: {  	_ =	swait.ge [sflag:s26], $0x1F40  }
0x324: {  	[sflag:s26] =	ssyncset.done $0x0  }
0x325: {  	s10 =	simm.s32 $0x480;
	[sflag:s26] =	ssyncadd.s32 $0xFFFFE0C0  }
0x326: {  	[tilespmem:s13], [sflag:$0x2] =	stream.indirect.gather [spmem:s20], $0x40, s10, s11, $0xb8;
	[tilespmem:$0x1CC00] =	vst v63  }
0x327: {  	_ =	swait.ge [sflag:s14], $0x1F40  }
0x328: {  	[sflag:s14] =	ssyncset.done $0x0  }
0x329: {  	s12 =	simm.s32 $0xC80;
	[sflag:s14] =	ssyncadd.s32 $0xFFFFE0C0  }
0x32a: {  	[spmem:s15] =	stream.indirect.scatter.add.f32 [tilespmem:s13], [sflag:$0x4], $0x40, s12, s11, $0xb8;
	[tilespmem:$0x1CC00] =	vst v63  }
0x32b: {  	_ =	swait.ge [sflag:s29], $0x1F40  }
0x32c: {  	[sflag:s29] =	ssyncset.done $0x0  }
0x32d: {  	s16 =	simm.s32 $0x500;
	[sflag:s29] =	ssyncadd.s32 $0xFFFFE0C0  }
0x32e: {  	[tilespmem:s31], [sflag:$0x1] =	stream.indirect.gather [spmem:s20], $0x40, s16, s11, $0xb8;
	[tilespmem:$0x1CC00] =	vst v63  }
0x32f: {  	_ =	swait.ge [sflag:s6], $0x1F40  }
0x330: {  	[sflag:s6] =	ssyncset.done $0x0  }
0x331: {  	s17 =	simm.s32 $0xD00;
	[sflag:s6] =	ssyncadd.s32 $0xFFFFE0C0  }
0x332: {  	[spmem:s15] =	stream.indirect.scatter.add.f32 [tilespmem:s31], [sflag:$0x3], $0x40, s17, s11, $0xb8;
	[tilespmem:$0x1CC00] =	vst v63  }
0x333: {  	_ =	swait.ge [sflag:s26], $0x1F40  }
0x334: {  	[sflag:s26] =	ssyncset.done $0x0  }
0x335: {  	s19 =	simm.s32 $0x580;
	[sflag:s26] =	ssyncadd.s32 $0xFFFFE0C0  }
0x336: {  	[tilespmem:s13], [sflag:$0x2] =	stream.indirect.gather [spmem:s20], $0x40, s19, s11, $0xb8;
	[tilespmem:$0x1CC00] =	vst v63  }
0x337: {  	_ =	swait.ge [sflag:s14], $0x1F40  }
0x338: {  	[sflag:s14] =	ssyncset.done $0x0  }
0x339: {  	s21 =	simm.s32 $0xD80;
	[sflag:s14] =	ssyncadd.s32 $0xFFFFE0C0  }
0x33a: {  	[spmem:s15] =	stream.indirect.scatter.add.f32 [tilespmem:s13], [sflag:$0x4], $0x40, s21, s11, $0xb8;
	[tilespmem:$0x1CC00] =	vst v63  }
0x33b: {  	_ =	swait.ge [sflag:s29], $0x1F40  }
0x33c: {  	[sflag:s29] =	ssyncset.done $0x0  }
0x33d: {  	s23 =	simm.s32 $0x600;
	[sflag:s29] =	ssyncadd.s32 $0xFFFFE0C0  }
0x33e: {  	[tilespmem:s31], [sflag:$0x1] =	stream.indirect.gather [spmem:s20], $0x40, s23, s11, $0xb8;
	[tilespmem:$0x1CC00] =	vst v63  }
0x33f: {  	_ =	swait.ge [sflag:s6], $0x1F40  }
0x340: {  	[sflag:s6] =	ssyncset.done $0x0  }
0x341: {  	s30 =	simm.s32 $0xE00;
	[sflag:s6] =	ssyncadd.s32 $0xFFFFE0C0  }
0x342: {  	[spmem:s15] =	stream.indirect.scatter.add.f32 [tilespmem:s31], [sflag:$0x3], $0x40, s30, s11, $0xb8;
	[tilespmem:$0x1CC00] =	vst v63  }
0x343: {  	_ =	swait.ge [sflag:s26], $0x1F40  }
0x344: {  	[sflag:s26] =	ssyncset.done $0x0  }
0x345: {  	s3 =	simm.s32 $0x680;
	[sflag:s26] =	ssyncadd.s32 $0xFFFFE0C0  }
0x346: {  	[tilespmem:s13], [sflag:$0x2] =	stream.indirect.gather [spmem:s20], $0x40, s3, s11, $0xb8;
	[tilespmem:$0x1CC00] =	vst v63  }
0x347: {  	_ =	swait.ge [sflag:s14], $0x1F40  }
0x348: {  	[sflag:s14] =	ssyncset.done $0x0  }
0x349: {  	s7 =	simm.s32 $0xE80;
	[sflag:s14] =	ssyncadd.s32 $0xFFFFE0C0  }
0x34a: {  	[spmem:s15] =	stream.indirect.scatter.add.f32 [tilespmem:s13], [sflag:$0x4], $0x40, s7, s11, $0xb8;
	[tilespmem:$0x1CC00] =	vst v63  }
0x34b: {  	_ =	swait.ge [sflag:s29], $0x1F40  }
0x34c: {  	[sflag:s29] =	ssyncset.done $0x0  }
0x34d: {  	s8 =	simm.s32 $0x700;
	[sflag:s29] =	ssyncadd.s32 $0xFFFFE0C0  }
0x34e: {  	[tilespmem:s31], [sflag:$0x1] =	stream.indirect.gather [spmem:s20], $0x40, s8, s11, $0xb8;
	[tilespmem:$0x1CC00] =	vst v63  }
0x34f: {  	_ =	swait.ge [sflag:s6], $0x1F40  }
0x350: {  	[sflag:s6] =	ssyncset.done $0x0  }
0x351: {  	s9 =	simm.s32 $0xF00;
	[sflag:s6] =	ssyncadd.s32 $0xFFFFE0C0  }
0x352: {  	[spmem:s15] =	stream.indirect.scatter.add.f32 [tilespmem:s31], [sflag:$0x3], $0x40, s9, s11, $0xb8;
	[tilespmem:$0x1CC00] =	vst v63  }
0x353: {  	_ =	swait.ge [sflag:s26], $0x1F40  }
0x354: {  	[sflag:s26] =	ssyncset.done $0x0  }
0x355: {  	s10 =	simm.s32 $0x780;
	[sflag:s26] =	ssyncadd.s32 $0xFFFFE0C0  }
0x356: {  	[tilespmem:s13], [sflag:$0x2] =	stream.indirect.gather [spmem:s20], $0x40, s10, s11, $0xb8;
	[tilespmem:$0x1CC00] =	vst v63  }
0x357: {  	p2 =	por !p1, !p1;
	_ =	swait.ge [sflag:s14], $0x1F40  }
0x358: {  	p2 =	por @!p0 p1, p1;
	[sflag:s14] =	ssyncset.done $0x0  }
0x359: {  	s12 =	simm.s32 $0xF80;
	s3 =	simm.s32 @p2 $0x5;
	[sflag:s14] =	ssyncadd.s32 $0xFFFFE0C0  }
0x35a: {  	[spmem:s15] =	stream.indirect.scatter.add.f32 [tilespmem:s13], [sflag:$0x4], $0x40, s12, s11, $0xb8;
	[tilespmem:$0x1CC00] =	vst v63  }
0x35b: {  	_ =	swait.ge @p2 [sflag:s3], $0x3E8  }
0x35c: {  	[sflag:s3] =	ssyncset.done @p2 $0x0  }
0x35d: {  	[sflag:s3] =	ssyncadd.s32 @p2 $0xFFFFFC18  }
0x35e: {  	_ =	swait.ge @p2 [sflag:s3], $0x3E8  }
0x35f: {  	[sflag:s3] =	ssyncset.done @p2 $0x0  }
0x360: {  	[sflag:s3] =	ssyncadd.s32 @p2 $0xFFFFFC18  }
0x361: {  	_ =	swait.ge @p2 [sflag:s3], $0x3E8  }
0x362: {  	[sflag:s3] =	ssyncset.done @p2 $0x0  }
0x363: {  	[sflag:s3] =	ssyncadd.s32 @p2 $0xFFFFFC18  }
0x364: {  	_ =	swait.ge @p2 [sflag:s3], $0x3E8  }
0x365: {  	[sflag:s3] =	ssyncset.done @p2 $0x0  }
0x366: {  	[sflag:s3] =	ssyncadd.s32 @p2 $0xFFFFFC18  }
0x367: {  	_ =	swait.ge @p2 [sflag:s3], $0x3E8  }
0x368: {  	[sflag:s3] =	ssyncset.done @p2 $0x0  }
0x369: {  	[sflag:s3] =	ssyncadd.s32 @p2 $0xFFFFFC18  }
0x36a: {  	_ =	swait.ge @p2 [sflag:s3], $0x3E8  }
0x36b: {  	[sflag:s3] =	ssyncset.done @p2 $0x0  }
0x36c: {  	[sflag:s3] =	ssyncadd.s32 @p2 $0xFFFFFC18  }
0x36d: {  	_ =	swait.ge @p2 [sflag:s3], $0x3E8  }
0x36e: {  	[sflag:s3] =	ssyncset.done @p2 $0x0  }
0x36f: {  	[sflag:s3] =	ssyncadd.s32 @p2 $0xFFFFFC18  }
0x370: {  	_ =	swait.ge @p2 [sflag:s3], $0x3E8  }
0x371: {  	[sflag:s3] =	ssyncset.done @p2 $0x0  }
0x372: {  	[sflag:s3] =	ssyncadd.s32 @p2 $0xFFFFFC18  }
0x373: {  	_ =	swait.ge [sflag:s29], $0x1F40  }
0x374: {  	[sflag:s29] =	ssyncset.done $0x0  }
0x375: {  	[sflag:s29] =	ssyncadd.s32 $0xFFFFE0C0  }
0x376: {  	_ =	swait.ge [sflag:s26], $0x1F40  }
0x377: {  	[sflag:s26] =	ssyncset.done $0x0  }
0x378: {  	[sflag:s26] =	ssyncadd.s32 $0xFFFFE0C0  }
0x379: {  	[bflag:$0x0] =	sbarrier.arrive $0xFFFF  }
0x37a: {  	s16 =	sld [smem:$0x7FD];
	_ =	sdelay $0x2  }
0x37b: {  	[tilespmem:s31], [sflag:$0x6] =	stream.linear.gather [spmem:s16], $0x2000, $0x38;
	[tilespmem:$0x1CC00] =	vst v63  }
0x37c: {  	_ =	swait.ge [sflag:s0], $0x2000  }
0x37d: {  	[sflag:s0] =	ssyncset.done $0x0;
	s17 =	rddreg [dreg:$0x8]  }
0x37e: {  	s3 =	simm.s32 $0x0;
	s19 =	sld [smem:$0x7EF];
	[sflag:s0] =	ssyncadd.s32 $0xFFFFE000  }
0x37f: {  	[hbm4b:s17+s3] =	stream.linear.scatter [tilespmem:s31], [sflag:$0x3], $0x2000, $0x38;
	[tilespmem:$0x1CC00] =	vst v63  }
0x380: {  	_ = 	snop  }
0x381: {  	[tilespmem:s13], [sflag:$0x6] =	stream.linear.gather [spmem:s19], $0x2000, $0x38;
	[tilespmem:$0x1CC00] =	vst v63  }
0x382: {  	_ =	swait.ge [sflag:s0], $0x2000  }
0x383: {  	[sflag:s0] =	ssyncset.done $0x0  }
0x384: {  	s21 =	rddreg [dreg:$0x9];
	[sflag:s0] =	ssyncadd.s32 $0xFFFFE000  }
0x385: {  	[hbm4b:s21+s3] =	stream.linear.scatter [tilespmem:s13], [sflag:$0x4], $0x2000, $0x38;
	[tilespmem:$0x1CC00] =	vst v63  }
0x386: {  	_ =	swait.ge [sflag:s29], $0x2000  }
0x387: {  	s23 =	sld [smem:$0x7F0]  }
0x388: {  	[sflag:s29] =	ssyncset.done $0x0  }
0x389: {  	[sflag:s29] =	ssyncadd.s32 $0xFFFFE000  }
0x38a: {  	[tilespmem:s31], [sflag:$0x6] =	stream.linear.gather [spmem:s23], $0x2000, $0x38;
	[tilespmem:$0x1CC00] =	vst v63  }
0x38b: {  	_ =	swait.ge [sflag:s0], $0x2000  }
0x38c: {  	[sflag:s0] =	ssyncset.done $0x0  }
0x38d: {  	s30 =	rddreg [dreg:$0xa];
	[sflag:s0] =	ssyncadd.s32 $0xFFFFE000  }
0x38e: {  	[hbm4b:s30+s3] =	stream.linear.scatter [tilespmem:s31], [sflag:$0x3], $0x2000, $0x38;
	[tilespmem:$0x1CC00] =	vst v63  }
0x38f: {  	_ =	swait.ge [sflag:s26], $0x2000  }
0x390: {  	s2 =	sld [smem:$0x7F1]  }
0x391: {  	[sflag:s26] =	ssyncset.done $0x0  }
0x392: {  	[sflag:s26] =	ssyncadd.s32 $0xFFFFE000  }
0x393: {  	[tilespmem:s13], [sflag:$0x6] =	stream.linear.gather [spmem:s2], $0x2000, $0x38;
	[tilespmem:$0x1CC00] =	vst v63  }
0x394: {  	_ =	swait.ge [sflag:s0], $0x2000  }
0x395: {  	[sflag:s0] =	ssyncset.done $0x0  }
0x396: {  	s8 =	rddreg [dreg:$0xb];
	[sflag:s0] =	ssyncadd.s32 $0xFFFFE000  }
0x397: {  	[hbm4b:s8+s3] =	stream.linear.scatter [tilespmem:s13], [sflag:$0x4], $0x2000, $0x38;
	[tilespmem:$0x1CC00] =	vst v63  }
0x398: {  	_ =	swait.ge [sflag:s29], $0x2000  }
0x399: {  	[sflag:s29] =	ssyncset.done $0x0  }
0x39a: {  	s9 =	rddreg [dreg:$0x19];
	[sflag:s29] =	ssyncadd.s32 $0xFFFFE000  }
0x39b: {  	[tilespmem:s31], [sflag:$0x6] =	stream.linear.gather [spmem:s9], $0x2000, $0x38;
	[tilespmem:$0x1CC00] =	vst v63  }
0x39c: {  	_ =	swait.ge [sflag:s0], $0x2000  }
0x39d: {  	[sflag:s0] =	ssyncset.done $0x0  }
0x39e: {  	s10 =	rddreg [dreg:$0x6];
	[sflag:s0] =	ssyncadd.s32 $0xFFFFE000  }
0x39f: {  	[hbm4b:s10+s3] =	stream.linear.scatter [tilespmem:s31], [sflag:$0x3], $0x2000, $0x38;
	[tilespmem:$0x1CC00] =	vst v63  }
0x3a0: {  	_ =	swait.ge [sflag:s29], $0x2000  }
0x3a1: {  	[sflag:s29] =	ssyncset.done $0x0  }
0x3a2: {  	[sflag:s29] =	ssyncadd.s32 $0xFFFFE000  }
0x3a3: {  	_ =	swait.ge [sflag:s26], $0x2000  }
0x3a4: {  	[sflag:s26] =	ssyncset.done $0x0  }
0x3a5: {  	s16 =	simm.s32 $0x5000;
	s12 =	rddreg [dreg:$0x17];
	[sflag:s26] =	ssyncadd.s32 $0xFFFFE000  }
0x3a6: {  	[tilespmem:s16], [sflag:$0x6] =	stream.linear.gather [hbm4b:s12+s3], $0x2000, $0x38;
	[tilespmem:$0x1CC00] =	vst v63  }
0x3a7: {  	_ =	swait.ge [sflag:s0], $0x2000  }
0x3a8: {  	s17 =	sld [smem:$0x7FA]  }
0x3a9: {  	[sflag:s0] =	ssyncset.done $0x0  }
0x3aa: {  	s3 =	sadd.s32 $0x0, s25;
	s19 =	sld [smem:$0x7F7];
	[sflag:s0] =	ssyncadd.s32 $0xFFFFE000  }
0x3ab: {  	[spmem:s17] =	stream.linear.scatter [tilespmem:s16], [sflag:$0x5], $0x2000, $0x38;
	[tilespmem:$0x1CC00] =	vst v63  }
0x3ac: {  	p1 =	sgt.u32 s3, $0x2690;
	s21 =	sld [smem:$0x7F8]  }
0x3ad: {  	[spmem:s19] =	stream.linear.scatter [tilespmem:s16], [sflag:$0x5], $0x2000, $0x38;
	[tilespmem:$0x1CC00] =	vst v63  }
0x3ae: {  	s23 =	sld [smem:$0x7F9];
	p2 =	sgt.u32 @p1 s3, $0x270F  }
0x3af: {  	[spmem:s21] =	stream.linear.scatter [tilespmem:s16], [sflag:$0x5], $0x2000, $0x38;
	[tilespmem:$0x1CC00] =	vst v63  }
0x3b0: {  	s30 =	sld [smem:$0x7FB];
	p2 =	por p2, !p1  }
0x3b1: {  	[spmem:s23] =	stream.linear.scatter [tilespmem:s16], [sflag:$0x5], $0x2000, $0x38;
	[tilespmem:$0x1CC00] =	vst v63  }
0x3b2: {  	s10 =	sld [smem:$0x7FC];
	s3 =	simm.s32 @!p2 $0x1000  }
0x3b3: {  	[spmem:s30] =	stream.linear.scatter [tilespmem:s16], [sflag:$0x5], $0x2000, $0x38;
	[tilespmem:$0x1CC00] =	vst v63  }
0x3b4: {  	s7 =	simm.s32 @!p2 $0x7;
	s8 =	simm.s32 @!p2 $0x40;
	s9 =	simm.s32 @!p2 $0x100  }
0x3b5: {  	[tilespmem:s3], [sflag:$0x7] =	stream.strided.gather @!p2 [hbm4b:s10+s8], $0x400, s9, s8, $0x38;
	[tilespmem:$0x1CC00] =	vst v63  }
0x3b6: {  	_ =	swait.ge @!p2 [sflag:s7], $0x400  }
0x3b7: {  	s12 =	sld [smem:$0x7F6]  }
0x3b8: {  	[sflag:s7] =	ssyncset.done @!p2 $0x0  }
0x3b9: {  	p1 =	por p1, p1;
	[sflag:s7] =	ssyncadd.s32 @!p2 $0xFFFFFC00;
	s7 =	simm.s32 @!p2 $0x6  }
0x3ba: {  	[spmem:s12] =	stream.linear.scatter @!p2 [tilespmem:s3], [sflag:$0x6], $0x400, $0x38;
	[tilespmem:$0x1CC00] =	vst v63  }
0x3bb: {  	s28 =	simm.s32 @!p1 $0x7;
	_ =	swait.ge @!p2 [sflag:s7], $0x400  }
0x3bc: {  	s23 =	simm.s32 @!p1 $0x1000;
	s8 =	simm.s32 @!p1 $0x100;
	[sflag:s7] =	ssyncset.done @!p2 $0x0  }
0x3bd: {  	s3 =	simm.s32 @!p1 $0x1;
	[sflag:s7] =	ssyncadd.s32 @!p2 $0xFFFFFC00;
	s7 =	simm.s32 @!p1 $0x40  }
0x3be: {  	[tilespmem:s23], [sflag:$0x1] =	stream.strided.gather @!p1 [hbm4b:s10+s7], $0x2000, s8, s7, $0x38;
	[tilespmem:$0x1CC00] =	vst v63  }
0x3bf: {  	s9 =	smov.u32 s10;
	s7 =	sadd.s32 $0x80, s25;
	_ =	swait.ge @!p1 [sflag:s3], $0x2000  }
0x3c0: {  	s8 =	simm.s32 $0x100;
	p2 =	sgt.u32 s7, $0x2690;
	[sflag:s3] =	ssyncset.done @!p1 $0x0  }
0x3c1: {  	p4 =	sgt.u32 @p2 s7, $0x270F;
	s7 =	sadd.s32 $0x2000, s12;
	[sflag:s3] =	ssyncadd.s32 @!p1 $0xFFFFE000  }
.LBB2_6:
0x3c2: {  	p4 =	por p4, !p2  }
0x3c3: {  	s9 =	sadd.s32 $0x1000, s9;
	s3 =	smov.u32 s8;
	s8 =	sadd.s32 $0x80, s8  }
0x3c4: {  	[spmem:s12] =	stream.linear.scatter @!p1 [tilespmem:s23], [sflag:$0x7], $0x2000, $0x38;
	[tilespmem:$0x1CC00] =	vst v63  }
0x3c5: {  	p3 =	sne.s32 s8, $0x280;
	s12 =	smov.u32 s7;
	_ =	swait.ge @!p1 [sflag:s28], $0x2000  }
0x3c6: {  	s10 =	simm.s32 @!p4 $0x1000;
	s16 =	simm.s32 @!p4 $0x7;
	[sflag:s28] =	ssyncset.done @!p1 $0x0  }
0x3c7: {  	s17 =	simm.s32 @!p4 $0x40;
	s19 =	simm.s32 @!p4 $0x100;
	[sflag:s28] =	ssyncadd.s32 @!p1 $0xFFFFE000  }
0x3c8: {  	[tilespmem:s10], [sflag:$0x7] =	stream.strided.gather @!p4 [hbm4b:s9+s17], $0x400, s19, s17, $0x38;
	[tilespmem:$0x1CC00] =	vst v63  }
0x3c9: {  	p1 =	por p2, p2;
	_ =	swait.ge @!p4 [sflag:s16], $0x400  }
0x3ca: {  	[sflag:s16] =	ssyncset.done @!p4 $0x0  }
0x3cb: {  	[sflag:s16] =	ssyncadd.s32 @!p4 $0xFFFFFC00;
	s16 =	simm.s32 @!p4 $0x6  }
0x3cc: {  	[spmem:s7] =	stream.linear.scatter @!p4 [tilespmem:s10], [sflag:$0x6], $0x400, $0x38;
	[tilespmem:$0x1CC00] =	vst v63  }
0x3cd: {  	s23 =	simm.s32 @!p1 $0x1000;
	_ =	swait.ge @!p4 [sflag:s16], $0x400  }
0x3ce: {  	s17 =	simm.s32 @!p1 $0x100;
	s10 =	simm.s32 @!p1 $0x1;
	[sflag:s16] =	ssyncset.done @!p4 $0x0  }
.Ltmp2:
0x3cf: {  	[sflag:s16] =	ssyncadd.s32 @!p4 $0xFFFFFC00;
	s16 =	simm.s32 @!p1 $0x40;
	(pc) =	sbr.rel @p3 .LBB2_6-.Ltmp2, $4  }
0x3d0: {  	[tilespmem:s23], [sflag:$0x1] =	stream.strided.gather @!p1 [hbm4b:s9+s16], $0x2000, s17, s16, $0x38;
	[tilespmem:$0x1CC00] =	vst v63  }
0x3d1: {  	s3 =	sadd.s32 s3, s25;
	s28 =	simm.s32 @!p1 $0x7;
	_ =	swait.ge @!p1 [sflag:s10], $0x2000  }
0x3d2: {  	p2 =	sgt.u32 s3, $0x2690;
	[sflag:s10] =	ssyncset.done @!p1 $0x0  }
0x3d3: {  	s7 =	sadd.s32 $0x2000, s7;
	p4 =	sgt.u32 @p2 s3, $0x270F;
	[sflag:s10] =	ssyncadd.s32 @!p1 $0xFFFFE000  }
0x3d4: {  	[spmem:s12] =	stream.linear.scatter @!p1 [tilespmem:s23], [sflag:$0x7], $0x2000, $0x38;
	[tilespmem:$0x1CC00] =	vst v63  }
0x3d5: {  	p3 =	por p4, !p2;
	_ =	swait.ge @!p1 [sflag:s28], $0x2000  }
0x3d6: {  	s3 =	sadd.s32 $0x1000, s9;
	s8 =	simm.s32 @!p3 $0x1000;
	[sflag:s28] =	ssyncset.done @!p1 $0x0  }
0x3d7: {  	s9 =	simm.s32 @!p3 $0x40;
	s10 =	simm.s32 @!p3 $0x100;
	[sflag:s28] =	ssyncadd.s32 @!p1 $0xFFFFE000  }
0x3d8: {  	[tilespmem:s8], [sflag:$0x7] =	stream.strided.gather @!p3 [hbm4b:s3+s9], $0x400, s10, s9, $0x38;
	[tilespmem:$0x1CC00] =	vst v63  }
0x3d9: {  	s9 =	simm.s32 @!p3 $0x7  }
0x3da: {  	_ =	swait.ge @!p3 [sflag:s9], $0x400  }
0x3db: {  	[sflag:s9] =	ssyncset.done @!p3 $0x0  }
0x3dc: {  	[sflag:s9] =	ssyncadd.s32 @!p3 $0xFFFFFC00;
	s9 =	simm.s32 @!p3 $0x6  }
0x3dd: {  	[spmem:s7] =	stream.linear.scatter @!p3 [tilespmem:s8], [sflag:$0x6], $0x400, $0x38;
	[tilespmem:$0x1CC00] =	vst v63  }
0x3de: {  	p1 =	por p2, p2;
	_ =	swait.ge @!p3 [sflag:s9], $0x400  }
0x3df: {  	s10 =	simm.s32 @!p1 $0x100;
	[sflag:s9] =	ssyncset.done @!p3 $0x0  }
0x3e0: {  	s8 =	simm.s32 @!p1 $0x1000;
	[sflag:s9] =	ssyncadd.s32 @!p3 $0xFFFFFC00;
	s9 =	simm.s32 @!p1 $0x40  }
0x3e1: {  	[tilespmem:s8], [sflag:$0x1] =	stream.strided.gather @!p1 [hbm4b:s3+s9], $0x2000, s10, s9, $0x38;
	[tilespmem:$0x1CC00] =	vst v63  }
0x3e2: {  	s3 =	simm.s32 @!p1 $0x1  }
0x3e3: {  	_ =	swait.ge @!p1 [sflag:s3], $0x2000  }
0x3e4: {  	[sflag:s3] =	ssyncset.done @!p1 $0x0  }
0x3e5: {  	s9 =	simm.s32 @!p1 $0x7;
	[sflag:s3] =	ssyncadd.s32 @!p1 $0xFFFFE000  }
0x3e6: {  	[spmem:s7] =	stream.linear.scatter @!p1 [tilespmem:s8], [sflag:$0x7], $0x2000, $0x38;
	[tilespmem:$0x1CC00] =	vst v63  }
0x3e7: {  	_ =	swait.ge @!p1 [sflag:s9], $0x2000  }
0x3e8: {  	[sflag:s9] =	ssyncset.done @!p1 $0x0  }
0x3e9: {  	s2 =	simm.s32 $0x5;
	[sflag:s9] =	ssyncadd.s32 @!p1 $0xFFFFE000  }
0x3ea: {  	_ =	swait.ge [sflag:s2], $0x2000  }
0x3eb: {  	[sflag:s2] =	ssyncset.done $0x0  }
0x3ec: {  	[sflag:s2] =	ssyncadd.s32 $0xFFFFE000  }
0x3ed: {  	_ =	swait.ge [sflag:s2], $0x2000  }
0x3ee: {  	[sflag:s2] =	ssyncset.done $0x0  }
0x3ef: {  	[sflag:s2] =	ssyncadd.s32 $0xFFFFE000  }
0x3f0: {  	_ =	swait.ge [sflag:s2], $0x2000  }
0x3f1: {  	[sflag:s2] =	ssyncset.done $0x0  }
0x3f2: {  	[sflag:s2] =	ssyncadd.s32 $0xFFFFE000  }
0x3f3: {  	_ =	swait.ge [sflag:s2], $0x2000  }
0x3f4: {  	[sflag:s2] =	ssyncset.done $0x0  }
0x3f5: {  	[sflag:s2] =	ssyncadd.s32 $0xFFFFE000  }
0x3f6: {  	_ =	swait.ge [sflag:s2], $0x2000  }
0x3f7: {  	[sflag:s2] =	ssyncset.done $0x0  }
0x3f8: {  	[sflag:s2] =	ssyncadd.s32 $0xFFFFE000  }
0x3f9: {  	s7 =	sadd.s32 $0x0, s24;
	[bflag:$0x0] =	sbarrier.arrive $0xFFFF  }
0x3fa: {  	[tilespmem:s1], [sflag:$0x6] =	stream.linear.gather [hbm4b:s7+s1], $0x400, $0x38;
	[tilespmem:$0x1CC00] =	vst v63  }
0x3fb: {  	_ =	swait.ge [sflag:s0], $0x400  }
0x3fc: {  	[sflag:s0] =	ssyncset.done $0x0  }
0x3fd: {  	s8 =	sadd.s32 $0x0, s22;
	s2 =	simm.s32 $0x800;
	[sflag:s0] =	ssyncadd.s32 $0xFFFFFC00  }
0x3fe: {  	[tilespmem:s2], [sflag:$0x6] =	stream.linear.gather [hbm4b:s8+s1], $0x400, $0x38;
	[tilespmem:$0x1CC00] =	vst v63  }
0x3ff: {  	p1 =	por $0x1, $0x1;
	_ =	swait.ge [sflag:s0], $0x400  }
0x400: {  	s3 =	simm.s32 @p1 $0x7D;
	[sflag:s0] =	ssyncset.done $0x0  }
0x401: {  	s9 =	simm.s32 @p1 $0x0;
	s10 =	simm.s32 @p1 $0x1000;
	[sflag:s0] =	ssyncadd.s32 $0xFFFFFC00  }
0x402: {  	[tilespmem:s10], [sflag:$0x1] =	stream.indirect.gather @p1 [spmem:s20], $0x40, s9, s3, $0xb8;
	[tilespmem:$0x1CC00] =	vst v63  }
0x403: {  	s9 =	simm.s32 @p1 $0x1  }
0x404: {  	_ =	swait.ge @p1 [sflag:s9], $0x1F40  }
0x405: {  	[sflag:s9] =	ssyncset.done @p1 $0x0  }
0x406: {  	[sflag:s9] =	ssyncadd.s32 @p1 $0xFFFFE0C0;
	s9 =	simm.s32 @p1 $0x800  }
0x407: {  	[spmem:s15] =	stream.indirect.scatter.add.f32 @p1 [tilespmem:s10], [sflag:$0x3], $0x40, s9, s3, $0xb8;
	[tilespmem:$0x1CC00] =	vst v63  }
0x408: {  	s3 =	simm.s32 @!p1 $0x3  }
0x409: {  	_ =	swait.ge @!p1 [sflag:s3], $0x1F40  }
0x40a: {  	s9 =	simm.s32 @!p1 $0x1000;
	[sflag:s3] =	ssyncset.done @!p1 $0x0  }
0x40b: {  	s10 =	simm.s32 @!p1 $0x7D;
	[sflag:s3] =	ssyncadd.s32 @!p1 $0xFFFFE0C0;
	s3 =	simm.s32 @!p1 $0x0  }
0x40c: {  	[tilespmem:s9], [sflag:$0x1] =	stream.indirect.gather @!p1 [spmem:s20], $0x40, s3, s10, $0xb8;
	[tilespmem:$0x1CC00] =	vst v63  }
0x40d: {  	s3 =	simm.s32 @!p1 $0x1  }
0x40e: {  	_ =	swait.ge @!p1 [sflag:s3], $0x1F40  }
0x40f: {  	[sflag:s3] =	ssyncset.done @!p1 $0x0  }
0x410: {  	[sflag:s3] =	ssyncadd.s32 @!p1 $0xFFFFE0C0;
	s3 =	simm.s32 @!p1 $0x800  }
0x411: {  	[spmem:s15] =	stream.indirect.scatter.add.f32 @!p1 [tilespmem:s9], [sflag:$0x3], $0x40, s3, s10, $0xb8;
	[tilespmem:$0x1CC00] =	vst v63  }
0x412: {  	s3 =	simm.s32 @!p1 $0x4  }
0x413: {  	_ =	swait.ge @!p1 [sflag:s3], $0x1F40  }
0x414: {  	[sflag:s3] =	ssyncset.done @!p1 $0x0  }
0x415: {  	s17 =	simm.s32 $0x80;
	[sflag:s3] =	ssyncadd.s32 @!p1 $0xFFFFE0C0  }
0x416: {  	[tilespmem:s13], [sflag:$0x2] =	stream.indirect.gather [spmem:s20], $0x40, s17, s11, $0xb8;
	[tilespmem:$0x1CC00] =	vst v63  }
0x417: {  	_ =	swait.ge [sflag:s14], $0x1F40  }
0x418: {  	[sflag:s14] =	ssyncset.done $0x0  }
0x419: {  	s23 =	simm.s32 $0x880;
	[sflag:s14] =	ssyncadd.s32 $0xFFFFE0C0  }
0x41a: {  	[spmem:s15] =	stream.indirect.scatter.add.f32 [tilespmem:s13], [sflag:$0x4], $0x40, s23, s11, $0xb8;
	[tilespmem:$0x1CC00] =	vst v63  }
0x41b: {  	_ =	swait.ge [sflag:s29], $0x1F40  }
0x41c: {  	[sflag:s29] =	ssyncset.done $0x0  }
0x41d: {  	s28 =	simm.s32 $0x100;
	[sflag:s29] =	ssyncadd.s32 $0xFFFFE0C0  }
0x41e: {  	[tilespmem:s31], [sflag:$0x1] =	stream.indirect.gather [spmem:s20], $0x40, s28, s11, $0xb8;
	[tilespmem:$0x1CC00] =	vst v63  }
0x41f: {  	_ =	swait.ge [sflag:s6], $0x1F40  }
0x420: {  	[sflag:s6] =	ssyncset.done $0x0  }
0x421: {  	s9 =	simm.s32 $0x900;
	[sflag:s6] =	ssyncadd.s32 $0xFFFFE0C0  }
0x422: {  	[spmem:s15] =	stream.indirect.scatter.add.f32 [tilespmem:s31], [sflag:$0x3], $0x40, s9, s11, $0xb8;
	[tilespmem:$0x1CC00] =	vst v63  }
0x423: {  	_ =	swait.ge [sflag:s26], $0x1F40  }
0x424: {  	[sflag:s26] =	ssyncset.done $0x0  }
0x425: {  	s21 =	simm.s32 $0x180;
	[sflag:s26] =	ssyncadd.s32 $0xFFFFE0C0  }
0x426: {  	[tilespmem:s13], [sflag:$0x2] =	stream.indirect.gather [spmem:s20], $0x40, s21, s11, $0xb8;
	[tilespmem:$0x1CC00] =	vst v63  }
0x427: {  	_ =	swait.ge [sflag:s14], $0x1F40  }
0x428: {  	[sflag:s14] =	ssyncset.done $0x0  }
0x429: {  	s30 =	simm.s32 $0x980;
	[sflag:s14] =	ssyncadd.s32 $0xFFFFE0C0  }
0x42a: {  	[spmem:s15] =	stream.indirect.scatter.add.f32 [tilespmem:s13], [sflag:$0x4], $0x40, s30, s11, $0xb8;
	[tilespmem:$0x1CC00] =	vst v63  }
0x42b: {  	_ =	swait.ge [sflag:s29], $0x1F40  }
0x42c: {  	[sflag:s29] =	ssyncset.done $0x0  }
0x42d: {  	s10 =	simm.s32 $0x200;
	[sflag:s29] =	ssyncadd.s32 $0xFFFFE0C0  }
0x42e: {  	[tilespmem:s31], [sflag:$0x1] =	stream.indirect.gather [spmem:s20], $0x40, s10, s11, $0xb8;
	[tilespmem:$0x1CC00] =	vst v63  }
0x42f: {  	_ =	swait.ge [sflag:s6], $0x1F40  }
0x430: {  	[sflag:s6] =	ssyncset.done $0x0  }
0x431: {  	s12 =	simm.s32 $0xA00;
	[sflag:s6] =	ssyncadd.s32 $0xFFFFE0C0  }
0x432: {  	[spmem:s15] =	stream.indirect.scatter.add.f32 [tilespmem:s31], [sflag:$0x3], $0x40, s12, s11, $0xb8;
	[tilespmem:$0x1CC00] =	vst v63  }
0x433: {  	_ =	swait.ge [sflag:s26], $0x1F40  }
0x434: {  	[sflag:s26] =	ssyncset.done $0x0  }
0x435: {  	s16 =	simm.s32 $0x280;
	[sflag:s26] =	ssyncadd.s32 $0xFFFFE0C0  }
0x436: {  	[tilespmem:s13], [sflag:$0x2] =	stream.indirect.gather [spmem:s20], $0x40, s16, s11, $0xb8;
	[tilespmem:$0x1CC00] =	vst v63  }
0x437: {  	_ =	swait.ge [sflag:s14], $0x1F40  }
0x438: {  	[sflag:s14] =	ssyncset.done $0x0  }
0x439: {  	s19 =	simm.s32 $0xA80;
	[sflag:s14] =	ssyncadd.s32 $0xFFFFE0C0  }
0x43a: {  	[spmem:s15] =	stream.indirect.scatter.add.f32 [tilespmem:s13], [sflag:$0x4], $0x40, s19, s11, $0xb8;
	[tilespmem:$0x1CC00] =	vst v63  }
0x43b: {  	_ =	swait.ge [sflag:s29], $0x1F40  }
0x43c: {  	[sflag:s29] =	ssyncset.done $0x0  }
0x43d: {  	s9 =	simm.s32 $0x300;
	[sflag:s29] =	ssyncadd.s32 $0xFFFFE0C0  }
0x43e: {  	[tilespmem:s31], [sflag:$0x1] =	stream.indirect.gather [spmem:s20], $0x40, s9, s11, $0xb8;
	[tilespmem:$0x1CC00] =	vst v63  }
0x43f: {  	_ =	swait.ge [sflag:s6], $0x1F40  }
0x440: {  	[sflag:s6] =	ssyncset.done $0x0  }
0x441: {  	s10 =	simm.s32 $0xB00;
	[sflag:s6] =	ssyncadd.s32 $0xFFFFE0C0  }
0x442: {  	[spmem:s15] =	stream.indirect.scatter.add.f32 [tilespmem:s31], [sflag:$0x3], $0x40, s10, s11, $0xb8;
	[tilespmem:$0x1CC00] =	vst v63  }
0x443: {  	_ =	swait.ge [sflag:s26], $0x1F40  }
0x444: {  	[sflag:s26] =	ssyncset.done $0x0  }
0x445: {  	s12 =	simm.s32 $0x380;
	[sflag:s26] =	ssyncadd.s32 $0xFFFFE0C0  }
0x446: {  	[tilespmem:s13], [sflag:$0x2] =	stream.indirect.gather [spmem:s20], $0x40, s12, s11, $0xb8;
	[tilespmem:$0x1CC00] =	vst v63  }
0x447: {  	_ =	swait.ge [sflag:s14], $0x1F40  }
0x448: {  	[sflag:s14] =	ssyncset.done $0x0  }
0x449: {  	s16 =	simm.s32 $0xB80;
	[sflag:s14] =	ssyncadd.s32 $0xFFFFE0C0  }
0x44a: {  	[spmem:s15] =	stream.indirect.scatter.add.f32 [tilespmem:s13], [sflag:$0x4], $0x40, s16, s11, $0xb8;
	[tilespmem:$0x1CC00] =	vst v63  }
0x44b: {  	s19 =	sadd.s32 $0x80, s7  }
0x44c: {  	[tilespmem:s4], [sflag:$0x6] =	stream.linear.gather [hbm4b:s19+s1], $0x400, $0x38;
	[tilespmem:$0x1CC00] =	vst v63  }
0x44d: {  	_ =	swait.ge [sflag:s0], $0x400  }
0x44e: {  	[sflag:s0] =	ssyncset.done $0x0  }
0x44f: {  	s7 =	sadd.s32 $0x80, s8;
	[sflag:s0] =	ssyncadd.s32 $0xFFFFFC00  }
0x450: {  	[tilespmem:s5], [sflag:$0x6] =	stream.linear.gather [hbm4b:s7+s1], $0x400, $0x38;
	[tilespmem:$0x1CC00] =	vst v63  }
0x451: {  	_ =	swait.ge [sflag:s0], $0x400  }
0x452: {  	[sflag:s0] =	ssyncset.done $0x0  }
0x453: {  	[sflag:s0] =	ssyncadd.s32 $0xFFFFFC00  }
0x454: {  	_ =	swait.ge [sflag:s29], $0x1F40  }
0x455: {  	[sflag:s29] =	ssyncset.done $0x0  }
0x456: {  	[sflag:s29] =	ssyncadd.s32 $0xFFFFE0C0  }
0x457: {  	[tilespmem:s31], [sflag:$0x1] =	stream.indirect.gather [spmem:s20], $0x40, s4, s11, $0xb8;
	[tilespmem:$0x1CC00] =	vst v63  }
0x458: {  	_ =	swait.ge [sflag:s6], $0x1F40  }
0x459: {  	[sflag:s6] =	ssyncset.done $0x0  }
0x45a: {  	[sflag:s6] =	ssyncadd.s32 $0xFFFFE0C0  }
0x45b: {  	[spmem:s15] =	stream.indirect.scatter.add.f32 [tilespmem:s31], [sflag:$0x3], $0x40, s5, s11, $0xb8;
	[tilespmem:$0x1CC00] =	vst v63  }
0x45c: {  	_ =	swait.ge [sflag:s26], $0x1F40  }
0x45d: {  	[sflag:s26] =	ssyncset.done $0x0  }
0x45e: {  	s8 =	simm.s32 $0x480;
	[sflag:s26] =	ssyncadd.s32 $0xFFFFE0C0  }
0x45f: {  	[tilespmem:s13], [sflag:$0x2] =	stream.indirect.gather [spmem:s20], $0x40, s8, s11, $0xb8;
	[tilespmem:$0x1CC00] =	vst v63  }
0x460: {  	_ =	swait.ge [sflag:s14], $0x1F40  }
0x461: {  	[sflag:s14] =	ssyncset.done $0x0  }
0x462: {  	s9 =	simm.s32 $0xC80;
	[sflag:s14] =	ssyncadd.s32 $0xFFFFE0C0  }
0x463: {  	[spmem:s15] =	stream.indirect.scatter.add.f32 [tilespmem:s13], [sflag:$0x4], $0x40, s9, s11, $0xb8;
	[tilespmem:$0x1CC00] =	vst v63  }
0x464: {  	_ =	swait.ge [sflag:s29], $0x1F40  }
0x465: {  	[sflag:s29] =	ssyncset.done $0x0  }
0x466: {  	s10 =	simm.s32 $0x500;
	[sflag:s29] =	ssyncadd.s32 $0xFFFFE0C0  }
0x467: {  	[tilespmem:s31], [sflag:$0x1] =	stream.indirect.gather [spmem:s20], $0x40, s10, s11, $0xb8;
	[tilespmem:$0x1CC00] =	vst v63  }
0x468: {  	_ =	swait.ge [sflag:s6], $0x1F40  }
0x469: {  	[sflag:s6] =	ssyncset.done $0x0  }
0x46a: {  	s12 =	simm.s32 $0xD00;
	[sflag:s6] =	ssyncadd.s32 $0xFFFFE0C0  }
0x46b: {  	[spmem:s15] =	stream.indirect.scatter.add.f32 [tilespmem:s31], [sflag:$0x3], $0x40, s12, s11, $0xb8;
	[tilespmem:$0x1CC00] =	vst v63  }
0x46c: {  	_ =	swait.ge [sflag:s26], $0x1F40  }
0x46d: {  	[sflag:s26] =	ssyncset.done $0x0  }
0x46e: {  	s16 =	simm.s32 $0x580;
	[sflag:s26] =	ssyncadd.s32 $0xFFFFE0C0  }
0x46f: {  	[tilespmem:s13], [sflag:$0x2] =	stream.indirect.gather [spmem:s20], $0x40, s16, s11, $0xb8;
	[tilespmem:$0x1CC00] =	vst v63  }
0x470: {  	_ =	swait.ge [sflag:s14], $0x1F40  }
0x471: {  	[sflag:s14] =	ssyncset.done $0x0  }
0x472: {  	s19 =	simm.s32 $0xD80;
	[sflag:s14] =	ssyncadd.s32 $0xFFFFE0C0  }
0x473: {  	[spmem:s15] =	stream.indirect.scatter.add.f32 [tilespmem:s13], [sflag:$0x4], $0x40, s19, s11, $0xb8;
	[tilespmem:$0x1CC00] =	vst v63  }
0x474: {  	_ =	swait.ge [sflag:s29], $0x1F40  }
0x475: {  	[sflag:s29] =	ssyncset.done $0x0  }
0x476: {  	s7 =	simm.s32 $0x600;
	[sflag:s29] =	ssyncadd.s32 $0xFFFFE0C0  }
0x477: {  	[tilespmem:s31], [sflag:$0x1] =	stream.indirect.gather [spmem:s20], $0x40, s7, s11, $0xb8;
	[tilespmem:$0x1CC00] =	vst v63  }
0x478: {  	_ =	swait.ge [sflag:s6], $0x1F40  }
0x479: {  	[sflag:s6] =	ssyncset.done $0x0  }
0x47a: {  	s8 =	simm.s32 $0xE00;
	[sflag:s6] =	ssyncadd.s32 $0xFFFFE0C0  }
0x47b: {  	[spmem:s15] =	stream.indirect.scatter.add.f32 [tilespmem:s31], [sflag:$0x3], $0x40, s8, s11, $0xb8;
	[tilespmem:$0x1CC00] =	vst v63  }
0x47c: {  	_ =	swait.ge [sflag:s26], $0x1F40  }
0x47d: {  	[sflag:s26] =	ssyncset.done $0x0  }
0x47e: {  	s9 =	simm.s32 $0x680;
	[sflag:s26] =	ssyncadd.s32 $0xFFFFE0C0  }
0x47f: {  	[tilespmem:s13], [sflag:$0x2] =	stream.indirect.gather [spmem:s20], $0x40, s9, s11, $0xb8;
	[tilespmem:$0x1CC00] =	vst v63  }
0x480: {  	_ =	swait.ge [sflag:s14], $0x1F40  }
0x481: {  	[sflag:s14] =	ssyncset.done $0x0  }
0x482: {  	s10 =	simm.s32 $0xE80;
	[sflag:s14] =	ssyncadd.s32 $0xFFFFE0C0  }
0x483: {  	[spmem:s15] =	stream.indirect.scatter.add.f32 [tilespmem:s13], [sflag:$0x4], $0x40, s10, s11, $0xb8;
	[tilespmem:$0x1CC00] =	vst v63  }
0x484: {  	_ =	swait.ge [sflag:s29], $0x1F40  }
0x485: {  	[sflag:s29] =	ssyncset.done $0x0  }
0x486: {  	s12 =	simm.s32 $0x700;
	[sflag:s29] =	ssyncadd.s32 $0xFFFFE0C0  }
0x487: {  	[tilespmem:s31], [sflag:$0x1] =	stream.indirect.gather [spmem:s20], $0x40, s12, s11, $0xb8;
	[tilespmem:$0x1CC00] =	vst v63  }
0x488: {  	_ =	swait.ge [sflag:s6], $0x1F40  }
0x489: {  	[sflag:s6] =	ssyncset.done $0x0  }
0x48a: {  	s16 =	simm.s32 $0xF00;
	[sflag:s6] =	ssyncadd.s32 $0xFFFFE0C0  }
0x48b: {  	[spmem:s15] =	stream.indirect.scatter.add.f32 [tilespmem:s31], [sflag:$0x3], $0x40, s16, s11, $0xb8;
	[tilespmem:$0x1CC00] =	vst v63  }
0x48c: {  	_ =	swait.ge [sflag:s26], $0x1F40  }
0x48d: {  	[sflag:s26] =	ssyncset.done $0x0  }
0x48e: {  	s19 =	simm.s32 $0x780;
	[sflag:s26] =	ssyncadd.s32 $0xFFFFE0C0  }
0x48f: {  	[tilespmem:s13], [sflag:$0x2] =	stream.indirect.gather [spmem:s20], $0x40, s19, s11, $0xb8;
	[tilespmem:$0x1CC00] =	vst v63  }
0x490: {  	_ =	swait.ge [sflag:s14], $0x1F40  }
0x491: {  	s7 =	simm.s32 $0x100;
	s19 =	simm.s32 $0xF80;
	[sflag:s14] =	ssyncset.done $0x0  }
.LBB2_8:
0x492: {  	[sflag:s14] =	ssyncadd.s32 $0xFFFFE0C0;
	s3 =	smov.u32 s7;
	s7 =	sadd.s32 $0x100, s7  }
0x493: {  	[spmem:s15] =	stream.indirect.scatter.add.f32 [tilespmem:s13], [sflag:$0x4], $0x40, s19, s11, $0xb8;
	[tilespmem:$0x1CC00] =	vst v63  }
0x494: {  	s9 =	sadd.s32 s3, s24;
	p1 =	sne.s32 s7, $0x500  }
0x495: {  	[tilespmem:s1], [sflag:$0x6] =	stream.linear.gather [hbm4b:s9+s1], $0x400, $0x38;
	[tilespmem:$0x1CC00] =	vst v63  }
0x496: {  	_ =	swait.ge [sflag:s0], $0x400  }
0x497: {  	s8 =	sadd.s32 s3, s22;
	[sflag:s0] =	ssyncset.done $0x0  }
0x498: {  	[sflag:s0] =	ssyncadd.s32 $0xFFFFFC00  }
0x499: {  	[tilespmem:s2], [sflag:$0x6] =	stream.linear.gather [hbm4b:s8+s1], $0x400, $0x38;
	[tilespmem:$0x1CC00] =	vst v63  }
0x49a: {  	p2 =	seq.s32 s3, $0x0;
	_ =	swait.ge [sflag:s0], $0x400  }
0x49b: {  	s3 =	simm.s32 @p2 $0x7D;
	s10 =	simm.s32 @p2 $0x0;
	[sflag:s0] =	ssyncset.done $0x0  }
0x49c: {  	s12 =	simm.s32 @p2 $0x1000;
	s16 =	simm.s32 @p2 $0x1;
	[sflag:s0] =	ssyncadd.s32 $0xFFFFFC00  }
0x49d: {  	[tilespmem:s12], [sflag:$0x1] =	stream.indirect.gather @p2 [spmem:s20], $0x40, s10, s3, $0xb8;
	[tilespmem:$0x1CC00] =	vst v63  }
0x49e: {  	_ =	swait.ge @p2 [sflag:s16], $0x1F40  }
0x49f: {  	s10 =	simm.s32 @p2 $0x800;
	[sflag:s16] =	ssyncset.done @p2 $0x0  }
0x4a0: {  	[sflag:s16] =	ssyncadd.s32 @p2 $0xFFFFE0C0;
	s16 =	simm.s32 @!p2 $0x3  }
0x4a1: {  	[spmem:s15] =	stream.indirect.scatter.add.f32 @p2 [tilespmem:s12], [sflag:$0x3], $0x40, s10, s3, $0xb8;
	[tilespmem:$0x1CC00] =	vst v63  }
0x4a2: {  	s3 =	simm.s32 @!p2 $0x1000;
	_ =	swait.ge @!p2 [sflag:s16], $0x1F40  }
0x4a3: {  	s10 =	simm.s32 @!p2 $0x7D;
	s12 =	simm.s32 @!p2 $0x0;
	[sflag:s16] =	ssyncset.done @!p2 $0x0  }
0x4a4: {  	[sflag:s16] =	ssyncadd.s32 @!p2 $0xFFFFE0C0;
	s16 =	simm.s32 @!p2 $0x1  }
0x4a5: {  	[tilespmem:s3], [sflag:$0x1] =	stream.indirect.gather @!p2 [spmem:s20], $0x40, s12, s10, $0xb8;
	[tilespmem:$0x1CC00] =	vst v63  }
0x4a6: {  	_ =	swait.ge @!p2 [sflag:s16], $0x1F40  }
0x4a7: {  	s12 =	simm.s32 @!p2 $0x800;
	[sflag:s16] =	ssyncset.done @!p2 $0x0  }
0x4a8: {  	[sflag:s16] =	ssyncadd.s32 @!p2 $0xFFFFE0C0;
	s16 =	simm.s32 @!p2 $0x4  }
0x4a9: {  	[spmem:s15] =	stream.indirect.scatter.add.f32 @!p2 [tilespmem:s3], [sflag:$0x3], $0x40, s12, s10, $0xb8;
	[tilespmem:$0x1CC00] =	vst v63  }
0x4aa: {  	s10 =	simm.s32 $0xA00;
	s3 =	simm.s32 $0x200  }
0x4ab: {  	_ =	swait.ge @!p2 [sflag:s16], $0x1F40  }
0x4ac: {  	[sflag:s16] =	ssyncset.done @!p2 $0x0  }
0x4ad: {  	[sflag:s16] =	ssyncadd.s32 @!p2 $0xFFFFE0C0;
	s16 =	simm.s32 $0x900  }
0x4ae: {  	[tilespmem:s13], [sflag:$0x2] =	stream.indirect.gather [spmem:s20], $0x40, s17, s11, $0xb8;
	[tilespmem:$0x1CC00] =	vst v63  }
0x4af: {  	_ =	swait.ge [sflag:s14], $0x1F40  }
0x4b0: {  	[sflag:s14] =	ssyncset.done $0x0  }
0x4b1: {  	[sflag:s14] =	ssyncadd.s32 $0xFFFFE0C0  }
0x4b2: {  	[spmem:s15] =	stream.indirect.scatter.add.f32 [tilespmem:s13], [sflag:$0x4], $0x40, s23, s11, $0xb8;
	[tilespmem:$0x1CC00] =	vst v63  }
0x4b3: {  	_ =	swait.ge [sflag:s29], $0x1F40  }
0x4b4: {  	[sflag:s29] =	ssyncset.done $0x0  }
0x4b5: {  	[sflag:s29] =	ssyncadd.s32 $0xFFFFE0C0  }
0x4b6: {  	[tilespmem:s31], [sflag:$0x1] =	stream.indirect.gather [spmem:s20], $0x40, s28, s11, $0xb8;
	[tilespmem:$0x1CC00] =	vst v63  }
0x4b7: {  	_ =	swait.ge [sflag:s6], $0x1F40  }
0x4b8: {  	[sflag:s6] =	ssyncset.done $0x0  }
0x4b9: {  	[sflag:s6] =	ssyncadd.s32 $0xFFFFE0C0  }
0x4ba: {  	[spmem:s15] =	stream.indirect.scatter.add.f32 [tilespmem:s31], [sflag:$0x3], $0x40, s16, s11, $0xb8;
	[tilespmem:$0x1CC00] =	vst v63  }
0x4bb: {  	_ =	swait.ge [sflag:s26], $0x1F40  }
0x4bc: {  	[sflag:s26] =	ssyncset.done $0x0  }
0x4bd: {  	[sflag:s26] =	ssyncadd.s32 $0xFFFFE0C0  }
0x4be: {  	[tilespmem:s13], [sflag:$0x2] =	stream.indirect.gather [spmem:s20], $0x40, s21, s11, $0xb8;
	[tilespmem:$0x1CC00] =	vst v63  }
0x4bf: {  	_ =	swait.ge [sflag:s14], $0x1F40  }
0x4c0: {  	[sflag:s14] =	ssyncset.done $0x0  }
0x4c1: {  	[sflag:s14] =	ssyncadd.s32 $0xFFFFE0C0  }
0x4c2: {  	[spmem:s15] =	stream.indirect.scatter.add.f32 [tilespmem:s13], [sflag:$0x4], $0x40, s30, s11, $0xb8;
	[tilespmem:$0x1CC00] =	vst v63  }
0x4c3: {  	_ =	swait.ge [sflag:s29], $0x1F40  }
0x4c4: {  	[sflag:s29] =	ssyncset.done $0x0  }
0x4c5: {  	[sflag:s29] =	ssyncadd.s32 $0xFFFFE0C0  }
0x4c6: {  	[tilespmem:s31], [sflag:$0x1] =	stream.indirect.gather [spmem:s20], $0x40, s3, s11, $0xb8;
	[tilespmem:$0x1CC00] =	vst v63  }
0x4c7: {  	_ =	swait.ge [sflag:s6], $0x1F40  }
0x4c8: {  	[sflag:s6] =	ssyncset.done $0x0  }
0x4c9: {  	[sflag:s6] =	ssyncadd.s32 $0xFFFFE0C0  }
0x4ca: {  	[spmem:s15] =	stream.indirect.scatter.add.f32 [tilespmem:s31], [sflag:$0x3], $0x40, s10, s11, $0xb8;
	[tilespmem:$0x1CC00] =	vst v63  }
0x4cb: {  	s3 =	simm.s32 $0x280;
	s10 =	simm.s32 $0xA80  }
0x4cc: {  	_ =	swait.ge [sflag:s26], $0x1F40  }
0x4cd: {  	[sflag:s26] =	ssyncset.done $0x0  }
0x4ce: {  	[sflag:s26] =	ssyncadd.s32 $0xFFFFE0C0  }
0x4cf: {  	[tilespmem:s13], [sflag:$0x2] =	stream.indirect.gather [spmem:s20], $0x40, s3, s11, $0xb8;
	[tilespmem:$0x1CC00] =	vst v63  }
0x4d0: {  	_ =	swait.ge [sflag:s14], $0x1F40  }
0x4d1: {  	[sflag:s14] =	ssyncset.done $0x0  }
0x4d2: {  	[sflag:s14] =	ssyncadd.s32 $0xFFFFE0C0  }
0x4d3: {  	[spmem:s15] =	stream.indirect.scatter.add.f32 [tilespmem:s13], [sflag:$0x4], $0x40, s10, s11, $0xb8;
	[tilespmem:$0x1CC00] =	vst v63  }
0x4d4: {  	s3 =	simm.s32 $0x300;
	s10 =	simm.s32 $0xB00  }
0x4d5: {  	_ =	swait.ge [sflag:s29], $0x1F40  }
0x4d6: {  	[sflag:s29] =	ssyncset.done $0x0  }
0x4d7: {  	[sflag:s29] =	ssyncadd.s32 $0xFFFFE0C0  }
0x4d8: {  	[tilespmem:s31], [sflag:$0x1] =	stream.indirect.gather [spmem:s20], $0x40, s3, s11, $0xb8;
	[tilespmem:$0x1CC00] =	vst v63  }
0x4d9: {  	_ =	swait.ge [sflag:s6], $0x1F40  }
0x4da: {  	[sflag:s6] =	ssyncset.done $0x0  }
0x4db: {  	s3 =	simm.s32 $0x380;
	[sflag:s6] =	ssyncadd.s32 $0xFFFFE0C0  }
0x4dc: {  	[spmem:s15] =	stream.indirect.scatter.add.f32 [tilespmem:s31], [sflag:$0x3], $0x40, s10, s11, $0xb8;
	[tilespmem:$0x1CC00] =	vst v63  }
0x4dd: {  	_ =	swait.ge [sflag:s26], $0x1F40  }
0x4de: {  	[sflag:s26] =	ssyncset.done $0x0  }
0x4df: {  	[sflag:s26] =	ssyncadd.s32 $0xFFFFE0C0  }
0x4e0: {  	[tilespmem:s13], [sflag:$0x2] =	stream.indirect.gather [spmem:s20], $0x40, s3, s11, $0xb8;
	[tilespmem:$0x1CC00] =	vst v63  }
0x4e1: {  	_ =	swait.ge [sflag:s14], $0x1F40  }
0x4e2: {  	[sflag:s14] =	ssyncset.done $0x0  }
0x4e3: {  	s3 =	sadd.s32 $0x80, s9;
	s9 =	simm.s32 $0xB80;
	[sflag:s14] =	ssyncadd.s32 $0xFFFFE0C0  }
0x4e4: {  	[spmem:s15] =	stream.indirect.scatter.add.f32 [tilespmem:s13], [sflag:$0x4], $0x40, s9, s11, $0xb8;
	[tilespmem:$0x1CC00] =	vst v63  }
0x4e5: {  	s9 =	simm.s32 $0x480;
	_ =	sdelay $0x1  }
0x4e6: {  	[tilespmem:s4], [sflag:$0x6] =	stream.linear.gather [hbm4b:s3+s1], $0x400, $0x38;
	[tilespmem:$0x1CC00] =	vst v63  }
0x4e7: {  	_ =	swait.ge [sflag:s0], $0x400  }
0x4e8: {  	s3 =	sadd.s32 $0x80, s8;
	[sflag:s0] =	ssyncset.done $0x0  }
0x4e9: {  	[sflag:s0] =	ssyncadd.s32 $0xFFFFFC00  }
0x4ea: {  	[tilespmem:s5], [sflag:$0x6] =	stream.linear.gather [hbm4b:s3+s1], $0x400, $0x38;
	[tilespmem:$0x1CC00] =	vst v63  }
0x4eb: {  	_ =	swait.ge [sflag:s0], $0x400  }
0x4ec: {  	[sflag:s0] =	ssyncset.done $0x0  }
0x4ed: {  	[sflag:s0] =	ssyncadd.s32 $0xFFFFFC00  }
0x4ee: {  	_ =	swait.ge [sflag:s29], $0x1F40  }
0x4ef: {  	[sflag:s29] =	ssyncset.done $0x0  }
0x4f0: {  	[sflag:s29] =	ssyncadd.s32 $0xFFFFE0C0  }
0x4f1: {  	[tilespmem:s31], [sflag:$0x1] =	stream.indirect.gather [spmem:s20], $0x40, s4, s11, $0xb8;
	[tilespmem:$0x1CC00] =	vst v63  }
0x4f2: {  	_ =	swait.ge [sflag:s6], $0x1F40  }
0x4f3: {  	[sflag:s6] =	ssyncset.done $0x0  }
0x4f4: {  	[sflag:s6] =	ssyncadd.s32 $0xFFFFE0C0  }
0x4f5: {  	[spmem:s15] =	stream.indirect.scatter.add.f32 [tilespmem:s31], [sflag:$0x3], $0x40, s5, s11, $0xb8;
	[tilespmem:$0x1CC00] =	vst v63  }
0x4f6: {  	_ =	swait.ge [sflag:s26], $0x1F40  }
0x4f7: {  	[sflag:s26] =	ssyncset.done $0x0  }
0x4f8: {  	[sflag:s26] =	ssyncadd.s32 $0xFFFFE0C0  }
0x4f9: {  	[tilespmem:s13], [sflag:$0x2] =	stream.indirect.gather [spmem:s20], $0x40, s9, s11, $0xb8;
	[tilespmem:$0x1CC00] =	vst v63  }
0x4fa: {  	s8 =	simm.s32 $0x500;
	s3 =	simm.s32 $0xC80;
	s9 =	simm.s32 $0xD00  }
0x4fb: {  	_ =	swait.ge [sflag:s14], $0x1F40  }
0x4fc: {  	[sflag:s14] =	ssyncset.done $0x0  }
0x4fd: {  	[sflag:s14] =	ssyncadd.s32 $0xFFFFE0C0  }
0x4fe: {  	[spmem:s15] =	stream.indirect.scatter.add.f32 [tilespmem:s13], [sflag:$0x4], $0x40, s3, s11, $0xb8;
	[tilespmem:$0x1CC00] =	vst v63  }
0x4ff: {  	_ =	swait.ge [sflag:s29], $0x1F40  }
0x500: {  	[sflag:s29] =	ssyncset.done $0x0  }
0x501: {  	[sflag:s29] =	ssyncadd.s32 $0xFFFFE0C0  }
0x502: {  	[tilespmem:s31], [sflag:$0x1] =	stream.indirect.gather [spmem:s20], $0x40, s8, s11, $0xb8;
	[tilespmem:$0x1CC00] =	vst v63  }
0x503: {  	_ =	swait.ge [sflag:s6], $0x1F40  }
0x504: {  	[sflag:s6] =	ssyncset.done $0x0  }
0x505: {  	[sflag:s6] =	ssyncadd.s32 $0xFFFFE0C0  }
0x506: {  	[spmem:s15] =	stream.indirect.scatter.add.f32 [tilespmem:s31], [sflag:$0x3], $0x40, s9, s11, $0xb8;
	[tilespmem:$0x1CC00] =	vst v63  }
0x507: {  	s3 =	simm.s32 $0x580;
	s8 =	simm.s32 $0xD80;
	s9 =	simm.s32 $0x600  }
0x508: {  	_ =	swait.ge [sflag:s26], $0x1F40  }
0x509: {  	[sflag:s26] =	ssyncset.done $0x0  }
0x50a: {  	[sflag:s26] =	ssyncadd.s32 $0xFFFFE0C0  }
0x50b: {  	[tilespmem:s13], [sflag:$0x2] =	stream.indirect.gather [spmem:s20], $0x40, s3, s11, $0xb8;
	[tilespmem:$0x1CC00] =	vst v63  }
0x50c: {  	_ =	swait.ge [sflag:s14], $0x1F40  }
0x50d: {  	[sflag:s14] =	ssyncset.done $0x0  }
0x50e: {  	[sflag:s14] =	ssyncadd.s32 $0xFFFFE0C0  }
0x50f: {  	[spmem:s15] =	stream.indirect.scatter.add.f32 [tilespmem:s13], [sflag:$0x4], $0x40, s8, s11, $0xb8;
	[tilespmem:$0x1CC00] =	vst v63  }
0x510: {  	_ =	swait.ge [sflag:s29], $0x1F40  }
0x511: {  	[sflag:s29] =	ssyncset.done $0x0  }
0x512: {  	[sflag:s29] =	ssyncadd.s32 $0xFFFFE0C0  }
0x513: {  	[tilespmem:s31], [sflag:$0x1] =	stream.indirect.gather [spmem:s20], $0x40, s9, s11, $0xb8;
	[tilespmem:$0x1CC00] =	vst v63  }
0x514: {  	s3 =	simm.s32 $0xE00;
	s8 =	simm.s32 $0x680;
	s9 =	simm.s32 $0xE80  }
0x515: {  	_ =	swait.ge [sflag:s6], $0x1F40  }
0x516: {  	[sflag:s6] =	ssyncset.done $0x0  }
0x517: {  	[sflag:s6] =	ssyncadd.s32 $0xFFFFE0C0  }
0x518: {  	[spmem:s15] =	stream.indirect.scatter.add.f32 [tilespmem:s31], [sflag:$0x3], $0x40, s3, s11, $0xb8;
	[tilespmem:$0x1CC00] =	vst v63  }
0x519: {  	_ =	swait.ge [sflag:s26], $0x1F40  }
0x51a: {  	[sflag:s26] =	ssyncset.done $0x0  }
0x51b: {  	[sflag:s26] =	ssyncadd.s32 $0xFFFFE0C0  }
0x51c: {  	[tilespmem:s13], [sflag:$0x2] =	stream.indirect.gather [spmem:s20], $0x40, s8, s11, $0xb8;
	[tilespmem:$0x1CC00] =	vst v63  }
0x51d: {  	_ =	swait.ge [sflag:s14], $0x1F40  }
0x51e: {  	[sflag:s14] =	ssyncset.done $0x0  }
0x51f: {  	[sflag:s14] =	ssyncadd.s32 $0xFFFFE0C0  }
0x520: {  	[spmem:s15] =	stream.indirect.scatter.add.f32 [tilespmem:s13], [sflag:$0x4], $0x40, s9, s11, $0xb8;
	[tilespmem:$0x1CC00] =	vst v63  }
0x521: {  	s3 =	simm.s32 $0x700;
	s8 =	simm.s32 $0xF00;
	s9 =	simm.s32 $0x780  }
0x522: {  	_ =	swait.ge [sflag:s29], $0x1F40  }
0x523: {  	[sflag:s29] =	ssyncset.done $0x0  }
0x524: {  	[sflag:s29] =	ssyncadd.s32 $0xFFFFE0C0  }
0x525: {  	[tilespmem:s31], [sflag:$0x1] =	stream.indirect.gather [spmem:s20], $0x40, s3, s11, $0xb8;
	[tilespmem:$0x1CC00] =	vst v63  }
0x526: {  	_ =	swait.ge [sflag:s6], $0x1F40  }
0x527: {  	[sflag:s6] =	ssyncset.done $0x0  }
0x528: {  	[sflag:s6] =	ssyncadd.s32 $0xFFFFE0C0  }
0x529: {  	[spmem:s15] =	stream.indirect.scatter.add.f32 [tilespmem:s31], [sflag:$0x3], $0x40, s8, s11, $0xb8;
	[tilespmem:$0x1CC00] =	vst v63  }
0x52a: {  	_ =	swait.ge [sflag:s26], $0x1F40  }
.Ltmp3:
0x52b: {  	[sflag:s26] =	ssyncset.done $0x0;
	(pc) =	sbr.rel @p1 .LBB2_8-.Ltmp3, $4  }
0x52c: {  	[sflag:s26] =	ssyncadd.s32 $0xFFFFE0C0  }
0x52d: {  	[tilespmem:s13], [sflag:$0x2] =	stream.indirect.gather [spmem:s20], $0x40, s9, s11, $0xb8;
	[tilespmem:$0x1CC00] =	vst v63  }
0x52e: {  	_ =	swait.ge [sflag:s14], $0x1F40  }
0x52f: {  	[sflag:s14] =	ssyncset.done $0x0  }
0x530: {  	[sflag:s14] =	ssyncadd.s32 $0xFFFFE0C0  }
0x531: {  	[spmem:s15] =	stream.indirect.scatter.add.f32 [tilespmem:s13], [sflag:$0x4], $0x40, s19, s11, $0xb8;
	[tilespmem:$0x1CC00] =	vst v63  }
0x532: {  	_ =	swait.ge [sflag:s29], $0x1F40  }
0x533: {  	[sflag:s29] =	ssyncset.done $0x0  }
0x534: {  	[sflag:s29] =	ssyncadd.s32 $0xFFFFE0C0  }
0x535: {  	_ =	swait.ge [sflag:s26], $0x1F40  }
0x536: {  	[sflag:s26] =	ssyncset.done $0x0  }
0x537: {  	[sflag:s26] =	ssyncadd.s32 $0xFFFFE0C0  }
0x538: {  	[bflag:$0x0] =	sbarrier.arrive $0xFFFF  }
0x539: {  	s7 =	sld [smem:$0x7FD];
	_ =	sdelay $0x2  }
0x53a: {  	[tilespmem:s31], [sflag:$0x6] =	stream.linear.gather [spmem:s7], $0x2000, $0x38;
	[tilespmem:$0x1CC00] =	vst v63  }
0x53b: {  	_ =	swait.ge [sflag:s0], $0x2000  }
0x53c: {  	[sflag:s0] =	ssyncset.done $0x0;
	s3 =	rddreg [dreg:$0xc]  }
0x53d: {  	s10 =	sld [smem:$0x7EF];
	[sflag:s0] =	ssyncadd.s32 $0xFFFFE000  }
0x53e: {  	[hbm4b:s3+s1] =	stream.linear.scatter [tilespmem:s31], [sflag:$0x3], $0x2000, $0x38;
	[tilespmem:$0x1CC00] =	vst v63  }
0x53f: {  	_ = 	snop  }
0x540: {  	[tilespmem:s13], [sflag:$0x6] =	stream.linear.gather [spmem:s10], $0x2000, $0x38;
	[tilespmem:$0x1CC00] =	vst v63  }
0x541: {  	_ =	swait.ge [sflag:s0], $0x2000  }
0x542: {  	[sflag:s0] =	ssyncset.done $0x0  }
0x543: {  	s12 =	rddreg [dreg:$0xd];
	[sflag:s0] =	ssyncadd.s32 $0xFFFFE000  }
0x544: {  	[hbm4b:s12+s1] =	stream.linear.scatter [tilespmem:s13], [sflag:$0x4], $0x2000, $0x38;
	[tilespmem:$0x1CC00] =	vst v63  }
0x545: {  	_ =	swait.ge [sflag:s29], $0x2000  }
0x546: {  	s17 =	sld [smem:$0x7F0]  }
0x547: {  	[sflag:s29] =	ssyncset.done $0x0  }
0x548: {  	[sflag:s29] =	ssyncadd.s32 $0xFFFFE000  }
0x549: {  	[tilespmem:s31], [sflag:$0x6] =	stream.linear.gather [spmem:s17], $0x2000, $0x38;
	[tilespmem:$0x1CC00] =	vst v63  }
0x54a: {  	_ =	swait.ge [sflag:s0], $0x2000  }
0x54b: {  	[sflag:s0] =	ssyncset.done $0x0  }
0x54c: {  	s19 =	rddreg [dreg:$0xe];
	[sflag:s0] =	ssyncadd.s32 $0xFFFFE000  }
0x54d: {  	[hbm4b:s19+s1] =	stream.linear.scatter [tilespmem:s31], [sflag:$0x3], $0x2000, $0x38;
	[tilespmem:$0x1CC00] =	vst v63  }
0x54e: {  	_ =	swait.ge [sflag:s26], $0x2000  }
0x54f: {  	s21 =	sld [smem:$0x7F1]  }
0x550: {  	[sflag:s26] =	ssyncset.done $0x0  }
0x551: {  	[sflag:s26] =	ssyncadd.s32 $0xFFFFE000  }
0x552: {  	[tilespmem:s13], [sflag:$0x6] =	stream.linear.gather [spmem:s21], $0x2000, $0x38;
	[tilespmem:$0x1CC00] =	vst v63  }
0x553: {  	_ =	swait.ge [sflag:s0], $0x2000  }
0x554: {  	[sflag:s0] =	ssyncset.done $0x0  }
0x555: {  	s23 =	rddreg [dreg:$0xf];
	[sflag:s0] =	ssyncadd.s32 $0xFFFFE000  }
0x556: {  	[hbm4b:s23+s1] =	stream.linear.scatter [tilespmem:s13], [sflag:$0x4], $0x2000, $0x38;
	[tilespmem:$0x1CC00] =	vst v63  }
0x557: {  	_ =	swait.ge [sflag:s29], $0x2000  }
0x558: {  	[sflag:s29] =	ssyncset.done $0x0  }
0x559: {  	s28 =	rddreg [dreg:$0x19];
	[sflag:s29] =	ssyncadd.s32 $0xFFFFE000  }
0x55a: {  	[tilespmem:s31], [sflag:$0x6] =	stream.linear.gather [spmem:s28], $0x2000, $0x38;
	[tilespmem:$0x1CC00] =	vst v63  }
0x55b: {  	_ =	swait.ge [sflag:s0], $0x2000  }
0x55c: {  	[sflag:s0] =	ssyncset.done $0x0  }
0x55d: {  	s30 =	rddreg [dreg:$0x7];
	[sflag:s0] =	ssyncadd.s32 $0xFFFFE000  }
0x55e: {  	[hbm4b:s30+s1] =	stream.linear.scatter [tilespmem:s31], [sflag:$0x3], $0x2000, $0x38;
	[tilespmem:$0x1CC00] =	vst v63  }
0x55f: {  	s8 =	simm.s32 $0x7400;
	s2 =	rddreg [dreg:$0x1a]  }
0x560: {  	[tilespmem:s8], [sflag:$0x6] =	stream.linear.gather [spmem:s2], $0x400, $0x38;
	[tilespmem:$0x1CC00] =	vst v63  }
0x561: {  	_ =	swait.ge [sflag:s0], $0x400  }
0x562: {  	[sflag:s0] =	ssyncset.done $0x0  }
0x563: {  	s7 =	rddreg [dreg:$0x10];
	[sflag:s0] =	ssyncadd.s32 $0xFFFFFC00  }
0x564: {  	[hbm4b:s7+s1] =	stream.linear.scatter [tilespmem:s8], [sflag:$0x6], $0x400, $0x38;
	[tilespmem:$0x1CC00] =	vst v63  }
0x565: {  	_ =	swait.ge [sflag:s0], $0x400  }
0x566: {  	s9 =	sld [smem:$0x7F2]  }
0x567: {  	[sflag:s0] =	ssyncset.done $0x0  }
0x568: {  	[sflag:s0] =	ssyncadd.s32 $0xFFFFFC00  }
0x569: {  	[tilespmem:s8], [sflag:$0x6] =	stream.linear.gather [spmem:s9], $0x400, $0x38;
	[tilespmem:$0x1CC00] =	vst v63  }
0x56a: {  	_ =	swait.ge [sflag:s0], $0x400  }
0x56b: {  	[sflag:s0] =	ssyncset.done $0x0  }
0x56c: {  	s10 =	rddreg [dreg:$0x11];
	[sflag:s0] =	ssyncadd.s32 $0xFFFFFC00  }
0x56d: {  	[hbm4b:s10+s1] =	stream.linear.scatter [tilespmem:s8], [sflag:$0x6], $0x400, $0x38;
	[tilespmem:$0x1CC00] =	vst v63  }
0x56e: {  	_ =	swait.ge [sflag:s0], $0x400  }
0x56f: {  	s12 =	sld [smem:$0x7F3]  }
0x570: {  	[sflag:s0] =	ssyncset.done $0x0  }
0x571: {  	[sflag:s0] =	ssyncadd.s32 $0xFFFFFC00  }
0x572: {  	[tilespmem:s8], [sflag:$0x6] =	stream.linear.gather [spmem:s12], $0x400, $0x38;
	[tilespmem:$0x1CC00] =	vst v63  }
0x573: {  	_ =	swait.ge [sflag:s0], $0x400  }
0x574: {  	[sflag:s0] =	ssyncset.done $0x0  }
0x575: {  	s17 =	rddreg [dreg:$0x12];
	[sflag:s0] =	ssyncadd.s32 $0xFFFFFC00  }
0x576: {  	[hbm4b:s17+s1] =	stream.linear.scatter [tilespmem:s8], [sflag:$0x6], $0x400, $0x38;
	[tilespmem:$0x1CC00] =	vst v63  }
0x577: {  	_ =	swait.ge [sflag:s0], $0x400  }
0x578: {  	s19 =	sld [smem:$0x7F4]  }
0x579: {  	[sflag:s0] =	ssyncset.done $0x0  }
0x57a: {  	[sflag:s0] =	ssyncadd.s32 $0xFFFFFC00  }
0x57b: {  	[tilespmem:s8], [sflag:$0x6] =	stream.linear.gather [spmem:s19], $0x400, $0x38;
	[tilespmem:$0x1CC00] =	vst v63  }
0x57c: {  	_ =	swait.ge [sflag:s0], $0x400  }
0x57d: {  	[sflag:s0] =	ssyncset.done $0x0  }
0x57e: {  	s21 =	rddreg [dreg:$0x13];
	[sflag:s0] =	ssyncadd.s32 $0xFFFFFC00  }
0x57f: {  	[hbm4b:s21+s1] =	stream.linear.scatter [tilespmem:s8], [sflag:$0x6], $0x400, $0x38;
	[tilespmem:$0x1CC00] =	vst v63  }
0x580: {  	_ =	swait.ge [sflag:s0], $0x400  }
0x581: {  	s23 =	sld [smem:$0x7F5]  }
0x582: {  	[sflag:s0] =	ssyncset.done $0x0  }
0x583: {  	[sflag:s0] =	ssyncadd.s32 $0xFFFFFC00  }
0x584: {  	[tilespmem:s8], [sflag:$0x6] =	stream.linear.gather [spmem:s23], $0x400, $0x38;
	[tilespmem:$0x1CC00] =	vst v63  }
0x585: {  	_ =	swait.ge [sflag:s0], $0x400  }
0x586: {  	[sflag:s0] =	ssyncset.done $0x0  }
0x587: {  	s28 =	rddreg [dreg:$0x14];
	[sflag:s0] =	ssyncadd.s32 $0xFFFFFC00  }
0x588: {  	[hbm4b:s28+s1] =	stream.linear.scatter [tilespmem:s8], [sflag:$0x6], $0x400, $0x38;
	[tilespmem:$0x1CC00] =	vst v63  }
0x589: {  	_ =	swait.ge [sflag:s0], $0x400  }
0x58a: {  	[sflag:s0] =	ssyncset.done $0x0  }
0x58b: {  	[sflag:s0] =	ssyncadd.s32 $0xFFFFFC00  }
0x58c: {  	_ =	swait.ge [sflag:s29], $0x2000  }
0x58d: {  	[sflag:s29] =	ssyncset.done $0x0  }
0x58e: {  	[sflag:s29] =	ssyncadd.s32 $0xFFFFE000  }
0x58f: {  	_ =	swait.ge [sflag:s26], $0x2000  }
0x590: {  	s2 =	sld [smem:$0x7E9];
	_ =	sdelay $0x2  }
0x591: {  	s30 =	rddreg [dreg:$0x1b];
	s2 =	sadd.s32 $0x1, s2  }
0x592: {  	p1 =	sne.s32 s2, s30  }
.Ltmp4:
0x593: {  	_ = 	snop;
	(pc) =	sbr.rel @p1 .LBB2_1-.Ltmp4, $3  }
0x594: {  	_ =	sdelay $0x1  }
0x595: {  	[sflag:s26] =	ssyncset.done $0x0  }
0x596: {  	s19 =	simm.s32 $0x5;
	s17 =	rddreg [dreg:$0x17];
	[sflag:s26] =	ssyncadd.s32 $0xFFFFE000  }
0x597: {  	_ =	sfence.sel $0x180000  }
0x598: {  	[bflag:$0x0] =	sbarrier.arrive $0xFFFF  }
0x599: {  	_ =	strace $0x90000047  }
0x59a: {  	s0 =	stileid.u32;
	[bflag:$0x2] =	sbarrier.arrive $0xFFFF  }
0x59b: {  	p0 =	sne.s32 s0, $0x0;
	s0 =	rddreg [dreg:$0x5]  }
0x59c: {  	s0 =	sadd.s32 @!p0 $0x100000, s0  }
0x59d: {  	[sflag:s0] =	ssyncadd.tile.s32 @!p0 $0x1;
	_ =	shalt  }
.Lfunc_end2:
_tile_overlayer_lowered:
.L_overlay_start_2:
0x59e: {  	(tag) =	ssettag $0x2  }
0x59f: {  	s0 =	rddreg [dreg:$0x0];
	s2 =	stileid.u32  }
0x5a0: {  	s1 =	rddreg [dreg:$0x1];
	p0 =	sne.s32 s2, $0x0  }
0x5a1: {  	s3 =	rddreg [dreg:$0x2];
	[bflag:$0x3] =	sbarrier.arrive $0xFFFF;
	s2 =	simm.s32 @!p0 $0x1C06  }
0x5a2: {  	[timem:s3], [sflag:s2] =	dma.local @!p0 [hbm:s0], s1  }
0x5a3: {  	s0 =	simm.s32 @!p0 $0x6  }
0x5a4: {  	_ =	swait.ge @!p0 [sflag:s0], s1  }
0x5a5: {  	s1 =	ssub.s32 @!p0 $0x0, s1;
	[sflag:s0] =	ssyncset.done @!p0 $0x0  }
0x5a6: {  	[sflag:s0] =	ssyncadd.s32 @!p0 s1  }
0x5a7: {  	[bflag:$0x3] =	sbarrier.arrive $0xFFFF  }
0x5a8: {  	_ =	shalt  }

</sc_bundles>
